<compile_context>
chip_gen: v7x
topology: tpu7x:2x2x1
jax: 0.10.2.dev20260603
libtpu: 0.0.44.dev20260713+nightly
codegen_flags: <defaults>
</compile_context>

<pallas_src>
import dataclasses

import jax
import jax.numpy as jnp
from jax import lax
from jax.experimental import pallas as pl
from jax.experimental.pallas import tpu as pltpu
from jax.experimental.pallas import tpu_sc as plsc

N = 10000
E = 160000
HID = 256
HALF = 128
G = 64
NPAD = 10240
ROWS = NPAD // 16
EPT = NPAD
EPAD = 16 * EPT
DTRASH = 10200
EBS = 128
NBS = EPT // EBS
EBP = 256
NBP = EPT // EBP
GPAD = 72
CHB = 8


def _sc_agg1_body(ea_hbm, srcp_hbm, dstp_hbm, agg1_out,
                  ea_v, acc_v, src_v, dst_v, out_v, stripe_v, red):
    c = lax.axis_index("c")
    s = lax.axis_index("s")
    pltpu.sync_copy(ea_hbm, ea_v)

    @pl.loop(0, NPAD // 16)
    def _(j):
        acc_v[pl.ds(j * 16, 16)] = jnp.zeros((16,), jnp.float32)

    pltpu.sync_copy(srcp_hbm.at[pl.ds(s * EPT, EPT)], src_v)
    pltpu.sync_copy(dstp_hbm.at[pl.ds(s * EPT, EPT)], dst_v)

    @pl.loop(0, EPT // 16)
    def _(j):
        s16 = src_v[pl.ds(j * 16, 16)]
        d16 = dst_v[pl.ds(j * 16, 16)]
        vals = plsc.load_gather(ea_v, [s16])
        plsc.addupdate_scatter(acc_v, [d16], vals)

    pltpu.sync_copy(acc_v, red.at[s])
    plsc.subcore_barrier()
    for r in range(16):
        pltpu.sync_copy(red.at[r, pl.ds(s * ROWS, ROWS)], stripe_v.at[r])

    @pl.loop(0, ROWS // 16)
    def _(j):
        tot = stripe_v[0, pl.ds(j * 16, 16)]
        for r in range(1, 16):
            tot = tot + stripe_v[r, pl.ds(j * 16, 16)]
        out_v[pl.ds(j * 16, 16)] = tot

    pltpu.sync_copy(out_v, agg1_out.at[pl.ds(c * NPAD + s * ROWS, ROWS)])


def _sc_seg_body(x_hbm, srcp_hbm, dstp_hbm, zeros_hbm, agg_out,
                 acc, isrc0, idst0, isrc1, idst1, rows0, rows1,
                 sem0, sem1, ssem0, ssem1):
    c = lax.axis_index("c")
    s = lax.axis_index("s")
    rowoff = c * NPAD
    pltpu.sync_copy(zeros_hbm, acc.at[pl.ds(s * ROWS, ROWS)])
    plsc.subcore_barrier()

    def load_idx(isrc, idst, i):
        base = s * EPT + i * EBS
        pltpu.sync_copy(srcp_hbm.at[pl.ds(base, EBS)], isrc)
        pltpu.sync_copy(dstp_hbm.at[pl.ds(base, EBS)], idst)

        @pl.loop(0, EBS // 16)
        def _(j):
            isrc[pl.ds(j * 16, 16)] = isrc[pl.ds(j * 16, 16)] + rowoff

    load_idx(isrc0, idst0, 0)
    pltpu.async_copy(x_hbm.at[isrc0], rows0, sem0)
    load_idx(isrc1, idst1, 1)
    pltpu.async_copy(x_hbm.at[isrc1], rows1, sem1)

    @pl.loop(0, NBS // 2)
    def _(k):
        pltpu.make_async_copy(x_hbm.at[isrc0], rows0, sem0).wait()
        pltpu.async_copy(rows0, acc.at[idst0], ssem0, add=True)
        pltpu.make_async_copy(x_hbm.at[isrc1], rows1, sem1).wait()
        pltpu.async_copy(rows1, acc.at[idst1], ssem1, add=True)

        @pl.when(k < NBS // 2 - 1)
        def _():
            pltpu.make_async_copy(rows0, acc.at[idst0], ssem0).wait()
            load_idx(isrc0, idst0, 2 * k + 2)
            pltpu.async_copy(x_hbm.at[isrc0], rows0, sem0)
            pltpu.make_async_copy(rows1, acc.at[idst1], ssem1).wait()
            load_idx(isrc1, idst1, 2 * k + 3)
            pltpu.async_copy(x_hbm.at[isrc1], rows1, sem1)

    pltpu.make_async_copy(rows0, acc.at[idst0], ssem0).wait()
    pltpu.make_async_copy(rows1, acc.at[idst1], ssem1).wait()
    plsc.subcore_barrier()
    pltpu.sync_copy(acc.at[pl.ds(s * ROWS, ROWS)],
                    agg_out.at[pl.ds(rowoff + s * ROWS, ROWS)])


def _sc_pool_body(x_hbm, srcp_hbm, dstp_hbm, batchpad_hbm, ones_hbm, zeros_hbm,
                  pool_out,
                  accP, accX, accC, bpad_v, isrc0, idst0, isrc1, idst1, bg0, bg1,
                  bgn0, bgn1, bgn2, bgn3, bgn4,
                  rows0, rows1, sem0, sem1, ssem0, ssem1):
    c = lax.axis_index("c")
    s = lax.axis_index("s")
    rowoff = c * NPAD

    @pl.when(s == 0)
    def _():
        pltpu.sync_copy(zeros_hbm, accP)

    @pl.when(s == 1)
    def _():
        pltpu.sync_copy(zeros_hbm, accX)

    @pl.when(s == 2)
    def _():
        pltpu.sync_copy(zeros_hbm, accC)

    pltpu.sync_copy(batchpad_hbm, bpad_v)
    plsc.subcore_barrier()

    def prep(isrc, idst, bg, i):
        base = s * EPT + i * EBP
        pltpu.sync_copy(srcp_hbm.at[pl.ds(base, EBP)], isrc)
        pltpu.sync_copy(dstp_hbm.at[pl.ds(base, EBP)], idst)

        @pl.loop(0, EBP // 16)
        def _(j):
            d16 = idst[pl.ds(j * 16, 16)]
            bg[pl.ds(j * 16, 16)] = plsc.load_gather(bpad_v, [d16])
            isrc[pl.ds(j * 16, 16)] = isrc[pl.ds(j * 16, 16)] + rowoff

    prep(isrc0, idst0, bg0, 0)
    pltpu.async_copy(x_hbm.at[isrc0], rows0, sem0)
    prep(isrc1, idst1, bg1, 1)
    pltpu.async_copy(x_hbm.at[isrc1], rows1, sem1)

    @pl.loop(0, NBP // 2)
    def _(k):
        pltpu.make_async_copy(x_hbm.at[isrc0], rows0, sem0).wait()
        pltpu.async_copy(rows0, accP.at[bg0], ssem0, add=True)
        pltpu.make_async_copy(x_hbm.at[isrc1], rows1, sem1).wait()
        pltpu.async_copy(rows1, accP.at[bg1], ssem1, add=True)

        @pl.when(k < NBP // 2 - 1)
        def _():
            pltpu.make_async_copy(rows0, accP.at[bg0], ssem0).wait()
            prep(isrc0, idst0, bg0, 2 * k + 2)
            pltpu.async_copy(x_hbm.at[isrc0], rows0, sem0)
            pltpu.make_async_copy(rows1, accP.at[bg1], ssem1).wait()
            prep(isrc1, idst1, bg1, 2 * k + 3)
            pltpu.async_copy(x_hbm.at[isrc1], rows1, sem1)

    pltpu.make_async_copy(rows0, accP.at[bg0], ssem0).wait()
    pltpu.make_async_copy(rows1, accP.at[bg1], ssem1).wait()

    bgns = [bgn0, bgn1, bgn2, bgn3, bgn4]
    for t in range(5):
        @pl.loop(0, 8)
        def _(j, t=t):
            bgns[t][pl.ds(j * 16, 16)] = bpad_v[pl.ds(s * ROWS + t * 128 + j * 16, 16)]

    for t in range(5):
        pltpu.sync_copy(x_hbm.at[pl.ds(rowoff + s * ROWS + t * 128, 128)],
                        rows0.at[pl.ds(0, 128)])
        pltpu.sync_copy(rows0.at[pl.ds(0, 128)], accX.at[bgns[t]], add=True)

    @pl.when(c == 0)
    def _():
        pltpu.sync_copy(ones_hbm, rows0.at[pl.ds(0, 128)])
        for t in range(5):
            pltpu.sync_copy(rows0.at[pl.ds(0, 128)], accC.at[bgns[t]], add=True)

    plsc.subcore_barrier()

    @pl.when(s == 0)
    def _():
        pltpu.sync_copy(accP.at[pl.ds(0, G)], pool_out.at[pl.ds(c * 192, G)])

    @pl.when(s == 1)
    def _():
        pltpu.sync_copy(accX.at[pl.ds(0, G)], pool_out.at[pl.ds(c * 192 + G, G)])

    @pl.when(s == 2)
    def _():
        pltpu.sync_copy(accC.at[pl.ds(0, G)], pool_out.at[pl.ds(c * 192 + 2 * G, G)])


def _tc1_body(agg1_ref, ea_ref, wrel_ref, wroot_ref, b_ref, out_ref):
    a = agg1_ref[...]
    e = ea_ref[...]
    out_ref[...] = jnp.maximum(a * wrel_ref[...] + e * wroot_ref[...] + b_ref[...], 0.0)


def _tc_layer_body(agglo, agghi, xlo, xhi, wrel, wroot, b, out_ref):
    agg = jnp.concatenate([agglo[...], agghi[...]], axis=1)
    x = jnp.concatenate([xlo[...], xhi[...]], axis=1)
    res = (jnp.dot(agg, wrel[...], preferred_element_type=jnp.float32,
                   precision=lax.Precision.HIGHEST)
           + jnp.dot(x, wroot[...], preferred_element_type=jnp.float32,
                     precision=lax.Precision.HIGHEST)
           + b[...])
    out_ref[...] = jnp.maximum(res, 0.0)


def _tc_head_body(pool_ref, wrel4, wroot4, brel4,
                  w5, b5, w6, b6, w7, b7, w8, b8, wout, bout, out_ref):
    pool = pool_ref[...]
    P = jnp.concatenate([pool[0:G], pool[192:192 + G]], axis=1)
    X = jnp.concatenate([pool[G:2 * G], pool[192 + G:192 + 2 * G]], axis=1)
    cnt = pool[2 * G:3 * G, :1]

    def dot(a, b):
        return jnp.dot(a, b, preferred_element_type=jnp.float32,
                       precision=lax.Precision.HIGHEST)

    sums = dot(P, wrel4[...]) + cnt * brel4[...] + dot(X, wroot4[...])
    g = sums / jnp.maximum(cnt, 1.0)
    g = dot(g, w5[...]) + b5[...]
    g = dot(g, w6[...]) + b6[...]
    g = dot(g, w7[...]) + b7[...]
    g = dot(g, w8[...]) + b8[...]
    out_ref[...] = jax.nn.sigmoid(dot(g, wout[...]) + bout[...])


def _full(shape):
    return pl.BlockSpec(shape, lambda *_: tuple(0 for _ in shape))


def kernel(edge_attr, edge_index, batch,
           W_rel1, b_rel1, W_root1,
           W_rel2, b_rel2, W_root2,
           W_rel3, b_rel3, W_root3,
           W_rel4, b_rel4, W_root4,
           W5, b5, W6, b6, W7, b7, W8, b8,
           W_out, b_out):
    srcp = jnp.concatenate([edge_index[0], jnp.zeros((EPAD - E,), jnp.int32)])
    dstp = jnp.concatenate([edge_index[1], jnp.full((EPAD - E,), DTRASH, jnp.int32)])
    batchpad = jnp.concatenate([batch, jnp.full((NPAD - N,), G, jnp.int32)])
    eaflat = jnp.pad(edge_attr[:, 0], (0, NPAD - N))
    eap = jnp.pad(edge_attr, ((0, NPAD - N), (0, 0)))
    ones_rows = jnp.ones((128, HALF), jnp.float32)
    zeros_rows = jnp.zeros((ROWS, HALF), jnp.float32)
    zeros_g = jnp.zeros((GPAD, HALF), jnp.float32)

    mesh = plsc.VectorSubcoreMesh(core_axis_name="c", subcore_axis_name="s")
    sc_params = pltpu.CompilerParams()
    if "needs_layout_passes" in pltpu.CompilerParams.__dataclass_fields__:
        sc_params = dataclasses.replace(sc_params, needs_layout_passes=False)

    sc_agg1 = pl.kernel(
        _sc_agg1_body,
        out_type=jax.ShapeDtypeStruct((2 * NPAD,), jnp.float32),
        mesh=mesh,
        scratch_types=[pltpu.VMEM((NPAD,), jnp.float32),
                       pltpu.VMEM((NPAD,), jnp.float32),
                       pltpu.VMEM((EPT,), jnp.int32),
                       pltpu.VMEM((EPT,), jnp.int32),
                       pltpu.VMEM((ROWS,), jnp.float32),
                       pltpu.VMEM((16, ROWS), jnp.float32),
                       pltpu.VMEM_SHARED((16, NPAD), jnp.float32)],
        compiler_params=sc_params,
    )
    agg1 = sc_agg1(eaflat, srcp, dstp)[:NPAD].reshape(NPAD, 1)

    tc1 = pl.pallas_call(
        _tc1_body,
        grid=(10, 2),
        in_specs=[pl.BlockSpec((1024, 1), lambda i, h: (i, 0)),
                  pl.BlockSpec((1024, 1), lambda i, h: (i, 0)),
                  pl.BlockSpec((1, HALF), lambda i, h: (0, h)),
                  pl.BlockSpec((1, HALF), lambda i, h: (0, h)),
                  pl.BlockSpec((1, HALF), lambda i, h: (0, h))],
        out_specs=pl.BlockSpec((1024, HALF), lambda i, h: (h * 10 + i, 0)),
        out_shape=jax.ShapeDtypeStruct((2 * NPAD, HALF), jnp.float32),
    )
    x1_st = tc1(agg1, eap, W_rel1, W_root1, b_rel1.reshape(1, HID))

    sc_seg = pl.kernel(
        _sc_seg_body,
        out_type=jax.ShapeDtypeStruct((2 * NPAD, HALF), jnp.float32),
        mesh=mesh,
        scratch_types=[pltpu.VMEM_SHARED((NPAD, HALF), jnp.float32),
                       pltpu.VMEM((EBS,), jnp.int32),
                       pltpu.VMEM((EBS,), jnp.int32),
                       pltpu.VMEM((EBS,), jnp.int32),
                       pltpu.VMEM((EBS,), jnp.int32),
                       pltpu.VMEM((EBS, HALF), jnp.float32),
                       pltpu.VMEM((EBS, HALF), jnp.float32),
                       pltpu.SemaphoreType.DMA,
                       pltpu.SemaphoreType.DMA,
                       pltpu.SemaphoreType.DMA,
                       pltpu.SemaphoreType.DMA],
        compiler_params=sc_params,
    )

    tc_layer = pl.pallas_call(
        _tc_layer_body,
        grid=(10, 2),
        in_specs=[pl.BlockSpec((1024, HALF), lambda i, h: (i, 0)),
                  pl.BlockSpec((1024, HALF), lambda i, h: (10 + i, 0)),
                  pl.BlockSpec((1024, HALF), lambda i, h: (i, 0)),
                  pl.BlockSpec((1024, HALF), lambda i, h: (10 + i, 0)),
                  pl.BlockSpec((HID, HALF), lambda i, h: (0, h)),
                  pl.BlockSpec((HID, HALF), lambda i, h: (0, h)),
                  pl.BlockSpec((1, HALF), lambda i, h: (0, h))],
        out_specs=pl.BlockSpec((1024, HALF), lambda i, h: (h * 10 + i, 0)),
        out_shape=jax.ShapeDtypeStruct((2 * NPAD, HALF), jnp.float32),
    )

    agg2_st = sc_seg(x1_st, srcp, dstp, zeros_rows)
    x2_st = tc_layer(agg2_st, agg2_st, x1_st, x1_st,
                     W_rel2, W_root2, b_rel2.reshape(1, HID))
    agg3_st = sc_seg(x2_st, srcp, dstp, zeros_rows)
    x3_st = tc_layer(agg3_st, agg3_st, x2_st, x2_st,
                     W_rel3, W_root3, b_rel3.reshape(1, HID))

    sc_pool = pl.kernel(
        _sc_pool_body,
        out_type=jax.ShapeDtypeStruct((384, HALF), jnp.float32),
        mesh=mesh,
        scratch_types=[pltpu.VMEM_SHARED((GPAD, HALF), jnp.float32),
                       pltpu.VMEM_SHARED((GPAD, HALF), jnp.float32),
                       pltpu.VMEM_SHARED((GPAD, HALF), jnp.float32),
                       pltpu.VMEM((NPAD,), jnp.int32),
                       pltpu.VMEM((EBP,), jnp.int32),
                       pltpu.VMEM((EBP,), jnp.int32),
                       pltpu.VMEM((EBP,), jnp.int32),
                       pltpu.VMEM((EBP,), jnp.int32),
                       pltpu.VMEM((EBP,), jnp.int32),
                       pltpu.VMEM((EBP,), jnp.int32),
                       pltpu.VMEM((128,), jnp.int32),
                       pltpu.VMEM((128,), jnp.int32),
                       pltpu.VMEM((128,), jnp.int32),
                       pltpu.VMEM((128,), jnp.int32),
                       pltpu.VMEM((128,), jnp.int32),
                       pltpu.VMEM((EBP, HALF), jnp.float32),
                       pltpu.VMEM((EBP, HALF), jnp.float32),
                       pltpu.SemaphoreType.DMA,
                       pltpu.SemaphoreType.DMA,
                       pltpu.SemaphoreType.DMA,
                       pltpu.SemaphoreType.DMA],
        compiler_params=sc_params,
    )
    pool = sc_pool(x3_st, srcp, dstp, batchpad, ones_rows, zeros_g)

    tc_head = pl.pallas_call(
        _tc_head_body,
        in_specs=[_full((384, HALF)),
                  _full((HID, HID)), _full((HID, HID)), _full((1, HID)),
                  _full((HID, HID)), _full((1, HID)),
                  _full((HID, HID)), _full((1, HID)),
                  _full((HID, HID)), _full((1, HID)),
                  _full((HID, HID)), _full((1, HID)),
                  _full((HID, 2)), _full((1, 2))],
        out_specs=pl.BlockSpec((G, 2), lambda: (0, 0)),
        out_shape=jax.ShapeDtypeStruct((G, 2), jnp.float32),
    )
    out = tc_head(pool, W_rel4, W_root4, b_rel4.reshape(1, HID),
                  W5, b5.reshape(1, HID), W6, b6.reshape(1, HID),
                  W7, b7.reshape(1, HID), W8, b8.reshape(1, HID),
                  W_out, b_out.reshape(1, 2))
    return out

# --- scband reference (transcript-rebuilt; emitter-appended) ---
"""Pipeline reference for scband-gnn-29446295781862 (READ-ONLY COPY).

The authoritative reference and input builder live on the scoring server;
editing this copy changes nothing except your own understanding.
"""

import jax, jax.numpy as jnp
import numpy as np

N_NODES = 10000
N_EDGES = 160000
HID = 256
OUT = 2
NUM_GRAPHS = 64


def _lin_init(k, fin, fout):
    s = 1.0 / np.sqrt(fin)
    return jax.random.uniform(k, (fin, fout), dtype=jnp.float32, minval=-s, maxval=s)


def setup_inputs(seed: int = 0) -> dict:
    key = jax.random.key(seed)
    ks = jax.random.split(key, 40)
    inp = {}
    inp["edge_attr"] = jax.random.normal(ks[0], (N_NODES, 1), dtype=jnp.float32)
    inp["edge_index"] = jax.random.randint(ks[1], (2, N_EDGES), 0, N_NODES, dtype=jnp.int32)
    inp["batch"] = jnp.sort(jax.random.randint(ks[2], (N_NODES,), 0, NUM_GRAPHS, dtype=jnp.int32))
    # GraphConv params: out = segment_sum(x[src]) @ W_rel + b_rel + x @ W_root
    dims = [(1, HID), (HID, HID), (HID, HID), (HID, HID)]
    for i, (fin, fout) in enumerate(dims, start=1):
        inp[f"W_rel{i}"] = _lin_init(ks[3 * i], fin, fout)
        inp[f"b_rel{i}"] = jnp.zeros((fout,), dtype=jnp.float32)
        inp[f"W_root{i}"] = _lin_init(ks[3 * i + 1], fin, fout)
    for j, li in enumerate([5, 6, 7, 8]):
        inp[f"W{li}"] = _lin_init(ks[20 + j], HID, HID)
        inp[f"b{li}"] = jnp.zeros((HID,), dtype=jnp.float32)
    inp["W_out"] = _lin_init(ks[30], HID, OUT)
    inp["b_out"] = jnp.zeros((OUT,), dtype=jnp.float32)
    return inp


def reference(edge_attr, edge_index, batch,
              W_rel1, b_rel1, W_root1,
              W_rel2, b_rel2, W_root2,
              W_rel3, b_rel3, W_root3,
              W_rel4, b_rel4, W_root4,
              W5, b5, W6, b6, W7, b7, W8, b8,
              W_out, b_out):
    src = edge_index[0]
    dst = edge_index[1]

    def gconv(x, Wrel, brel, Wroot):
        msg = x[src]
        agg = jax.ops.segment_sum(msg, dst, num_segments=N_NODES)
        return agg @ Wrel + brel + x @ Wroot

    x = jax.nn.relu(gconv(edge_attr, W_rel1, b_rel1, W_root1))
    x = jax.nn.relu(gconv(x, W_rel2, b_rel2, W_root2))
    x = jax.nn.relu(gconv(x, W_rel3, b_rel3, W_root3))
    x = gconv(x, W_rel4, b_rel4, W_root4)
    # global_mean_pool
    sums = jax.ops.segment_sum(x, batch, num_segments=NUM_GRAPHS)
    cnt = jax.ops.segment_sum(jnp.ones((N_NODES, 1), dtype=jnp.float32), batch, num_segments=NUM_GRAPHS)
    g = sums / jnp.maximum(cnt, 1.0)
    # dropout is identity in eval mode
    g = g @ W5 + b5
    g = g @ W6 + b6
    g = g @ W7 + b7
    g = g @ W8 + b8
    g = g @ W_out + b_out
    return jax.nn.sigmoid(g)

if __name__ == "__main__":
    import jax
    _d = setup_inputs()
    print(jax.jit(kernel)(*tuple(_d.values())))

</pallas_src>

<mosaic_0001>
#map = affine_map<(d0, d1) -> (0)>
module attributes {stable_mosaic.version = 14 : i64} {
  func.func @_sc_agg1_body(%arg0: i32, %arg1: i32, %arg2: memref<10240xf32, #tpu.memory_space<hbm>>, %arg3: memref<163840xi32, #tpu.memory_space<hbm>>, %arg4: memref<163840xi32, #tpu.memory_space<hbm>>, %arg5: memref<20480xf32, #tpu.memory_space<hbm>>, %arg6: memref<10240xf32, #tpu.memory_space<vmem>>, %arg7: memref<10240xf32, #tpu.memory_space<vmem>>, %arg8: memref<10240xi32, #tpu.memory_space<vmem>>, %arg9: memref<10240xi32, #tpu.memory_space<vmem>>, %arg10: memref<640xf32, #tpu.memory_space<vmem>>, %arg11: memref<16x640xf32, #tpu.memory_space<vmem>>, %arg12: memref<16x10240xf32, #tpu.memory_space<vmem_shared>>) attributes {dimension_semantics = [#tpu.dimension_semantics<core_parallel>, #tpu.dimension_semantics<subcore_parallel>], iteration_bounds = array<i64: 2, 16>, scalar_prefetch = 0 : i64, scratch_operands = 7 : i64, tpu.core_type = #tpu.core_type<sc_vector_subcore>, window_params = [{transform_indices = #map}, {transform_indices = #map}, {transform_indices = #map}, {transform_indices = #map}]} {
    "tpu.region"() ({
      %run_scoped3A_84 = tpu.sem_alloc : memref<!tpu.dma_semaphore, #tpu.memory_space<semaphore_mem>>
      tpu.enqueue_dma source(%arg2 : memref<10240xf32, #tpu.memory_space<hbm>>) target(%arg6 : memref<10240xf32, #tpu.memory_space<vmem>>) target_semaphore(%run_scoped3A_84 : memref<!tpu.dma_semaphore, #tpu.memory_space<semaphore_mem>>)
      tpu.wait_dma2 semaphore(%run_scoped3A_84 : memref<!tpu.dma_semaphore, #tpu.memory_space<semaphore_mem>>) src(%arg2 : memref<10240xf32, #tpu.memory_space<hbm>>) dst(%arg6 : memref<10240xf32, #tpu.memory_space<vmem>>)
      tpu.yield
    }) : () -> ()
    %scan3A = arith.constant 0 : i32
    %scan3A_0 = arith.constant 640 : i32
    %scan3A_1 = arith.addi %scan3A, %scan3A_0 : i32
    %scan3A_2 = arith.constant 1 : i32
    scf.for %scan3A_84 = %scan3A to %scan3A_1 step %scan3A_2  : i32 {
      %mul3A_85 = arith.constant 1 : i32
      %mul3A_86 = arith.muli %scan3A_84, %mul3A_85 : i32
      %add3A_87 = arith.constant 0 : i32
      %add3A_88 = arith.addi %add3A_87, %mul3A_86 : i32
      %broadcast_in_dim3A = arith.constant 0.000000e+00 : f32
      %broadcast_in_dim3A_89 = vector.broadcast %broadcast_in_dim3A : f32 to vector<16xf32>
      %mul3A_90 = arith.constant 16 : i32
      %mul3A_91 = arith.muli %add3A_88, %mul3A_90 : i32
      %swap3A = arith.index_cast %mul3A_91 : i32 to index
      %swap3A_92 = tpu.vector_load %arg7[%swap3A] {strides = array<i32>} : memref<10240xf32, #tpu.memory_space<vmem>>, vector<16xf32>,
      tpu.vector_store %arg7[%swap3A], %broadcast_in_dim3A_89 {strides = array<i32>} : memref<10240xf32, #tpu.memory_space<vmem>>, vector<16xf32>,
    }
    %scan3A_3 = arith.constant 640 : i32
    %mul3A = arith.constant 10240 : i32
    %mul3A_4 = arith.muli %arg1, %mul3A : i32
    "tpu.region"() ({
      %run_scoped3A_84 = tpu.sem_alloc : memref<!tpu.dma_semaphore, #tpu.memory_space<semaphore_mem>>
      %dma_start3A = tpu.memref_slice %arg3[%mul3A_4] : memref<163840xi32, #tpu.memory_space<hbm>> -> memref<10240xi32, #tpu.memory_space<hbm>>
      %dma_start3A_85 = tpu.memref_slice %arg3[%mul3A_4] : memref<163840xi32, #tpu.memory_space<hbm>> -> memref<10240xi32, #tpu.memory_space<hbm>>
      tpu.enqueue_dma source(%dma_start3A_85 : memref<10240xi32, #tpu.memory_space<hbm>>) target(%arg8 : memref<10240xi32, #tpu.memory_space<vmem>>) target_semaphore(%run_scoped3A_84 : memref<!tpu.dma_semaphore, #tpu.memory_space<semaphore_mem>>)
      %dma_wait3A = tpu.memref_slice %arg3[%mul3A_4] : memref<163840xi32, #tpu.memory_space<hbm>> -> memref<10240xi32, #tpu.memory_space<hbm>>
      %dma_wait3A_86 = tpu.memref_slice %arg3[%mul3A_4] : memref<163840xi32, #tpu.memory_space<hbm>> -> memref<10240xi32, #tpu.memory_space<hbm>>
      tpu.wait_dma2 semaphore(%run_scoped3A_84 : memref<!tpu.dma_semaphore, #tpu.memory_space<semaphore_mem>>) src(%dma_wait3A_86 : memref<10240xi32, #tpu.memory_space<hbm>>) dst(%arg8 : memref<10240xi32, #tpu.memory_space<vmem>>)
      tpu.yield
    }) : () -> ()
    %mul3A_5 = arith.constant 10240 : i32
    %mul3A_6 = arith.muli %arg1, %mul3A_5 : i32
    "tpu.region"() ({
      %run_scoped3A_84 = tpu.sem_alloc : memref<!tpu.dma_semaphore, #tpu.memory_space<semaphore_mem>>
      %dma_start3A = tpu.memref_slice %arg4[%mul3A_6] : memref<163840xi32, #tpu.memory_space<hbm>> -> memref<10240xi32, #tpu.memory_space<hbm>>
      %dma_start3A_85 = tpu.memref_slice %arg4[%mul3A_6] : memref<163840xi32, #tpu.memory_space<hbm>> -> memref<10240xi32, #tpu.memory_space<hbm>>
      tpu.enqueue_dma source(%dma_start3A_85 : memref<10240xi32, #tpu.memory_space<hbm>>) target(%arg9 : memref<10240xi32, #tpu.memory_space<vmem>>) target_semaphore(%run_scoped3A_84 : memref<!tpu.dma_semaphore, #tpu.memory_space<semaphore_mem>>)
      %dma_wait3A = tpu.memref_slice %arg4[%mul3A_6] : memref<163840xi32, #tpu.memory_space<hbm>> -> memref<10240xi32, #tpu.memory_space<hbm>>
      %dma_wait3A_86 = tpu.memref_slice %arg4[%mul3A_6] : memref<163840xi32, #tpu.memory_space<hbm>> -> memref<10240xi32, #tpu.memory_space<hbm>>
      tpu.wait_dma2 semaphore(%run_scoped3A_84 : memref<!tpu.dma_semaphore, #tpu.memory_space<semaphore_mem>>) src(%dma_wait3A_86 : memref<10240xi32, #tpu.memory_space<hbm>>) dst(%arg9 : memref<10240xi32, #tpu.memory_space<vmem>>)
      tpu.yield
    }) : () -> ()
    %scan3A_7 = arith.constant 0 : i32
    %scan3A_8 = arith.constant 640 : i32
    %scan3A_9 = arith.addi %scan3A_7, %scan3A_8 : i32
    %scan3A_10 = arith.constant 1 : i32
    scf.for %scan3A_84 = %scan3A_7 to %scan3A_9 step %scan3A_10  : i32 {
      %mul3A_85 = arith.constant 1 : i32
      %mul3A_86 = arith.muli %scan3A_84, %mul3A_85 : i32
      %add3A_87 = arith.constant 0 : i32
      %add3A_88 = arith.addi %add3A_87, %mul3A_86 : i32
      %mul3A_89 = arith.constant 16 : i32
      %mul3A_90 = arith.muli %add3A_88, %mul3A_89 : i32
      %get3A = arith.index_cast %mul3A_90 : i32 to index
      %get3A_91 = tpu.vector_load %arg8[%get3A] {strides = array<i32>} : memref<10240xi32, #tpu.memory_space<vmem>>, vector<16xi32>,
      %mul3A_92 = arith.constant 16 : i32
      %mul3A_93 = arith.muli %add3A_88, %mul3A_92 : i32
      %get3A_94 = arith.index_cast %mul3A_93 : i32 to index
      %get3A_95 = tpu.vector_load %arg9[%get3A_94] {strides = array<i32>} : memref<10240xi32, #tpu.memory_space<vmem>>, vector<16xi32>,
      %gather3A = tpu.vector_load_idx %arg6[%get3A_91] : memref<10240xf32, #tpu.memory_space<vmem>>[vector<16xi32>], vector<16xf32>,
      tpu.vector_store_idx %arg7[%get3A_95], %gather3A {add = true} : memref<10240xf32, #tpu.memory_space<vmem>>[vector<16xi32>], vector<16xf32>,
    }
    %scan3A_11 = arith.constant 640 : i32
    "tpu.region"() ({
      %run_scoped3A_84 = tpu.sem_alloc : memref<!tpu.dma_semaphore, #tpu.memory_space<semaphore_mem>>
      %dma_start3A = arith.constant 0 : i32
      %dma_start3A_85 = tpu.memref_slice %arg12[%arg1, %dma_start3A] : memref<16x10240xf32, #tpu.memory_space<vmem_shared>> -> memref<1x10240xf32, #tpu.memory_space<vmem_shared>>
      %dma_start3A_86 = tpu.memref_squeeze %dma_start3A_85 : memref<1x10240xf32, #tpu.memory_space<vmem_shared>> -> memref<10240xf32, #tpu.memory_space<vmem_shared>>
      %dma_start3A_87 = arith.constant 0 : i32
      %dma_start3A_88 = tpu.memref_slice %arg12[%arg1, %dma_start3A_87] : memref<16x10240xf32, #tpu.memory_space<vmem_shared>> -> memref<1x10240xf32, #tpu.memory_space<vmem_shared>>
      %dma_start3A_89 = tpu.memref_squeeze %dma_start3A_88 : memref<1x10240xf32, #tpu.memory_space<vmem_shared>> -> memref<10240xf32, #tpu.memory_space<vmem_shared>>
      tpu.enqueue_dma source(%arg7 : memref<10240xf32, #tpu.memory_space<vmem>>) target(%dma_start3A_89 : memref<10240xf32, #tpu.memory_space<vmem_shared>>) target_semaphore(%run_scoped3A_84 : memref<!tpu.dma_semaphore, #tpu.memory_space<semaphore_mem>>)
      %dma_wait3A = arith.constant 0 : i32
      %dma_wait3A_90 = tpu.memref_slice %arg12[%arg1, %dma_wait3A] : memref<16x10240xf32, #tpu.memory_space<vmem_shared>> -> memref<1x10240xf32, #tpu.memory_space<vmem_shared>>
      %dma_wait3A_91 = tpu.memref_squeeze %dma_wait3A_90 : memref<1x10240xf32, #tpu.memory_space<vmem_shared>> -> memref<10240xf32, #tpu.memory_space<vmem_shared>>
      %dma_wait3A_92 = arith.constant 0 : i32
      %dma_wait3A_93 = tpu.memref_slice %arg12[%arg1, %dma_wait3A_92] : memref<16x10240xf32, #tpu.memory_space<vmem_shared>> -> memref<1x10240xf32, #tpu.memory_space<vmem_shared>>
      %dma_wait3A_94 = tpu.memref_squeeze %dma_wait3A_93 : memref<1x10240xf32, #tpu.memory_space<vmem_shared>> -> memref<10240xf32, #tpu.memory_space<vmem_shared>>
      tpu.wait_dma2 semaphore(%run_scoped3A_84 : memref<!tpu.dma_semaphore, #tpu.memory_space<semaphore_mem>>) src(%arg7 : memref<10240xf32, #tpu.memory_space<vmem>>) dst(%dma_wait3A_94 : memref<10240xf32, #tpu.memory_space<vmem_shared>>)
      tpu.yield
    }) : () -> ()
    %barrier3A = arith.constant 0 : index
    tpu.barrier barrier_id(%barrier3A)
    %mul3A_12 = arith.constant 640 : i32
    %mul3A_13 = arith.muli %arg1, %mul3A_12 : i32
    %run_scoped3A = arith.constant 0 : i32
    %run_scoped3A_14 = arith.constant 0 : i32
    "tpu.region"() ({
      %run_scoped3A_84 = tpu.sem_alloc : memref<!tpu.dma_semaphore, #tpu.memory_space<semaphore_mem>>
      %dma_start3A = arith.constant 0 : i32
      %dma_start3A_85 = tpu.memref_slice %arg11[%run_scoped3A_14, %dma_start3A] : memref<16x640xf32, #tpu.memory_space<vmem>> -> memref<1x640xf32, #tpu.memory_space<vmem>>
      %dma_start3A_86 = tpu.memref_squeeze %dma_start3A_85 : memref<1x640xf32, #tpu.memory_space<vmem>> -> memref<640xf32, #tpu.memory_space<vmem>>
      %dma_start3A_87 = tpu.memref_slice %arg12[%run_scoped3A, %mul3A_13] : memref<16x10240xf32, #tpu.memory_space<vmem_shared>> -> memref<1x640xf32, #tpu.memory_space<vmem_shared>>
      %dma_start3A_88 = tpu.memref_squeeze %dma_start3A_87 : memref<1x640xf32, #tpu.memory_space<vmem_shared>> -> memref<640xf32, #tpu.memory_space<vmem_shared>>
      %dma_start3A_89 = arith.constant 0 : i32
      %dma_start3A_90 = tpu.memref_slice %arg11[%run_scoped3A_14, %dma_start3A_89] : memref<16x640xf32, #tpu.memory_space<vmem>> -> memref<1x640xf32, #tpu.memory_space<vmem>>
      %dma_start3A_91 = tpu.memref_squeeze %dma_start3A_90 : memref<1x640xf32, #tpu.memory_space<vmem>> -> memref<640xf32, #tpu.memory_space<vmem>>
      %dma_start3A_92 = tpu.memref_slice %arg12[%run_scoped3A, %mul3A_13] : memref<16x10240xf32, #tpu.memory_space<vmem_shared>> -> memref<1x640xf32, #tpu.memory_space<vmem_shared>>
      %dma_start3A_93 = tpu.memref_squeeze %dma_start3A_92 : memref<1x640xf32, #tpu.memory_space<vmem_shared>> -> memref<640xf32, #tpu.memory_space<vmem_shared>>
      tpu.enqueue_dma source(%dma_start3A_93 : memref<640xf32, #tpu.memory_space<vmem_shared>>) target(%dma_start3A_91 : memref<640xf32, #tpu.memory_space<vmem>>) target_semaphore(%run_scoped3A_84 : memref<!tpu.dma_semaphore, #tpu.memory_space<semaphore_mem>>)
      %dma_wait3A = arith.constant 0 : i32
      %dma_wait3A_94 = tpu.memref_slice %arg11[%run_scoped3A_14, %dma_wait3A] : memref<16x640xf32, #tpu.memory_space<vmem>> -> memref<1x640xf32, #tpu.memory_space<vmem>>
      %dma_wait3A_95 = tpu.memref_squeeze %dma_wait3A_94 : memref<1x640xf32, #tpu.memory_space<vmem>> -> memref<640xf32, #tpu.memory_space<vmem>>
      %dma_wait3A_96 = tpu.memref_slice %arg12[%run_scoped3A, %mul3A_13] : memref<16x10240xf32, #tpu.memory_space<vmem_shared>> -> memref<1x640xf32, #tpu.memory_space<vmem_shared>>
      %dma_wait3A_97 = tpu.memref_squeeze %dma_wait3A_96 : memref<1x640xf32, #tpu.memory_space<vmem_shared>> -> memref<640xf32, #tpu.memory_space<vmem_shared>>
      %dma_wait3A_98 = arith.constant 0 : i32
      %dma_wait3A_99 = tpu.memref_slice %arg11[%run_scoped3A_14, %dma_wait3A_98] : memref<16x640xf32, #tpu.memory_space<vmem>> -> memref<1x640xf32, #tpu.memory_space<vmem>>
      %dma_wait3A_100 = tpu.memref_squeeze %dma_wait3A_99 : memref<1x640xf32, #tpu.memory_space<vmem>> -> memref<640xf32, #tpu.memory_space<vmem>>
      %dma_wait3A_101 = tpu.memref_slice %arg12[%run_scoped3A, %mul3A_13] : memref<16x10240xf32, #tpu.memory_space<vmem_shared>> -> memref<1x640xf32, #tpu.memory_space<vmem_shared>>
      %dma_wait3A_102 = tpu.memref_squeeze %dma_wait3A_101 : memref<1x640xf32, #tpu.memory_space<vmem_shared>> -> memref<640xf32, #tpu.memory_space<vmem_shared>>
      tpu.wait_dma2 semaphore(%run_scoped3A_84 : memref<!tpu.dma_semaphore, #tpu.memory_space<semaphore_mem>>) src(%dma_wait3A_102 : memref<640xf32, #tpu.memory_space<vmem_shared>>) dst(%dma_wait3A_100 : memref<640xf32, #tpu.memory_space<vmem>>)
      tpu.yield
    }) : () -> ()
    %mul3A_15 = arith.constant 640 : i32
    %mul3A_16 = arith.muli %arg1, %mul3A_15 : i32
    %run_scoped3A_17 = arith.constant 1 : i32
    %run_scoped3A_18 = arith.constant 1 : i32
    "tpu.region"() ({
      %run_scoped3A_84 = tpu.sem_alloc : memref<!tpu.dma_semaphore, #tpu.memory_space<semaphore_mem>>
      %dma_start3A = arith.constant 0 : i32
      %dma_start3A_85 = tpu.memref_slice %arg11[%run_scoped3A_18, %dma_start3A] : memref<16x640xf32, #tpu.memory_space<vmem>> -> memref<1x640xf32, #tpu.memory_space<vmem>>
      %dma_start3A_86 = tpu.memref_squeeze %dma_start3A_85 : memref<1x640xf32, #tpu.memory_space<vmem>> -> memref<640xf32, #tpu.memory_space<vmem>>
      %dma_start3A_87 = tpu.memref_slice %arg12[%run_scoped3A_17, %mul3A_16] : memref<16x10240xf32, #tpu.memory_space<vmem_shared>> -> memref<1x640xf32, #tpu.memory_space<vmem_shared>>
      %dma_start3A_88 = tpu.memref_squeeze %dma_start3A_87 : memref<1x640xf32, #tpu.memory_space<vmem_shared>> -> memref<640xf32, #tpu.memory_space<vmem_shared>>
      %dma_start3A_89 = arith.constant 0 : i32
      %dma_start3A_90 = tpu.memref_slice %arg11[%run_scoped3A_18, %dma_start3A_89] : memref<16x640xf32, #tpu.memory_space<vmem>> -> memref<1x640xf32, #tpu.memory_space<vmem>>
      %dma_start3A_91 = tpu.memref_squeeze %dma_start3A_90 : memref<1x640xf32, #tpu.memory_space<vmem>> -> memref<640xf32, #tpu.memory_space<vmem>>
      %dma_start3A_92 = tpu.memref_slice %arg12[%run_scoped3A_17, %mul3A_16] : memref<16x10240xf32, #tpu.memory_space<vmem_shared>> -> memref<1x640xf32, #tpu.memory_space<vmem_shared>>
      %dma_start3A_93 = tpu.memref_squeeze %dma_start3A_92 : memref<1x640xf32, #tpu.memory_space<vmem_shared>> -> memref<640xf32, #tpu.memory_space<vmem_shared>>
      tpu.enqueue_dma source(%dma_start3A_93 : memref<640xf32, #tpu.memory_space<vmem_shared>>) target(%dma_start3A_91 : memref<640xf32, #tpu.memory_space<vmem>>) target_semaphore(%run_scoped3A_84 : memref<!tpu.dma_semaphore, #tpu.memory_space<semaphore_mem>>)
      %dma_wait3A = arith.constant 0 : i32
      %dma_wait3A_94 = tpu.memref_slice %arg11[%run_scoped3A_18, %dma_wait3A] : memref<16x640xf32, #tpu.memory_space<vmem>> -> memref<1x640xf32, #tpu.memory_space<vmem>>
      %dma_wait3A_95 = tpu.memref_squeeze %dma_wait3A_94 : memref<1x640xf32, #tpu.memory_space<vmem>> -> memref<640xf32, #tpu.memory_space<vmem>>
      %dma_wait3A_96 = tpu.memref_slice %arg12[%run_scoped3A_17, %mul3A_16] : memref<16x10240xf32, #tpu.memory_space<vmem_shared>> -> memref<1x640xf32, #tpu.memory_space<vmem_shared>>
      %dma_wait3A_97 = tpu.memref_squeeze %dma_wait3A_96 : memref<1x640xf32, #tpu.memory_space<vmem_shared>> -> memref<640xf32, #tpu.memory_space<vmem_shared>>
      %dma_wait3A_98 = arith.constant 0 : i32
      %dma_wait3A_99 = tpu.memref_slice %arg11[%run_scoped3A_18, %dma_wait3A_98] : memref<16x640xf32, #tpu.memory_space<vmem>> -> memref<1x640xf32, #tpu.memory_space<vmem>>
      %dma_wait3A_100 = tpu.memref_squeeze %dma_wait3A_99 : memref<1x640xf32, #tpu.memory_space<vmem>> -> memref<640xf32, #tpu.memory_space<vmem>>
      %dma_wait3A_101 = tpu.memref_slice %arg12[%run_scoped3A_17, %mul3A_16] : memref<16x10240xf32, #tpu.memory_space<vmem_shared>> -> memref<1x640xf32, #tpu.memory_space<vmem_shared>>
      %dma_wait3A_102 = tpu.memref_squeeze %dma_wait3A_101 : memref<1x640xf32, #tpu.memory_space<vmem_shared>> -> memref<640xf32, #tpu.memory_space<vmem_shared>>
      tpu.wait_dma2 semaphore(%run_scoped3A_84 : memref<!tpu.dma_semaphore, #tpu.memory_space<semaphore_mem>>) src(%dma_wait3A_102 : memref<640xf32, #tpu.memory_space<vmem_shared>>) dst(%dma_wait3A_100 : memref<640xf32, #tpu.memory_space<vmem>>)
      tpu.yield
    }) : () -> ()
    %mul3A_19 = arith.constant 640 : i32
    %mul3A_20 = arith.muli %arg1, %mul3A_19 : i32
    %run_scoped3A_21 = arith.constant 2 : i32
    %run_scoped3A_22 = arith.constant 2 : i32
    "tpu.region"() ({
      %run_scoped3A_84 = tpu.sem_alloc : memref<!tpu.dma_semaphore, #tpu.memory_space<semaphore_mem>>
      %dma_start3A = arith.constant 0 : i32
      %dma_start3A_85 = tpu.memref_slice %arg11[%run_scoped3A_22, %dma_start3A] : memref<16x640xf32, #tpu.memory_space<vmem>> -> memref<1x640xf32, #tpu.memory_space<vmem>>
      %dma_start3A_86 = tpu.memref_squeeze %dma_start3A_85 : memref<1x640xf32, #tpu.memory_space<vmem>> -> memref<640xf32, #tpu.memory_space<vmem>>
      %dma_start3A_87 = tpu.memref_slice %arg12[%run_scoped3A_21, %mul3A_20] : memref<16x10240xf32, #tpu.memory_space<vmem_shared>> -> memref<1x640xf32, #tpu.memory_space<vmem_shared>>
      %dma_start3A_88 = tpu.memref_squeeze %dma_start3A_87 : memref<1x640xf32, #tpu.memory_space<vmem_shared>> -> memref<640xf32, #tpu.memory_space<vmem_shared>>
      %dma_start3A_89 = arith.constant 0 : i32
      %dma_start3A_90 = tpu.memref_slice %arg11[%run_scoped3A_22, %dma_start3A_89] : memref<16x640xf32, #tpu.memory_space<vmem>> -> memref<1x640xf32, #tpu.memory_space<vmem>>
      %dma_start3A_91 = tpu.memref_squeeze %dma_start3A_90 : memref<1x640xf32, #tpu.memory_space<vmem>> -> memref<640xf32, #tpu.memory_space<vmem>>
      %dma_start3A_92 = tpu.memref_slice %arg12[%run_scoped3A_21, %mul3A_20] : memref<16x10240xf32, #tpu.memory_space<vmem_shared>> -> memref<1x640xf32, #tpu.memory_space<vmem_shared>>
      %dma_start3A_93 = tpu.memref_squeeze %dma_start3A_92 : memref<1x640xf32, #tpu.memory_space<vmem_shared>> -> memref<640xf32, #tpu.memory_space<vmem_shared>>
      tpu.enqueue_dma source(%dma_start3A_93 : memref<640xf32, #tpu.memory_space<vmem_shared>>) target(%dma_start3A_91 : memref<640xf32, #tpu.memory_space<vmem>>) target_semaphore(%run_scoped3A_84 : memref<!tpu.dma_semaphore, #tpu.memory_space<semaphore_mem>>)
      %dma_wait3A = arith.constant 0 : i32
      %dma_wait3A_94 = tpu.memref_slice %arg11[%run_scoped3A_22, %dma_wait3A] : memref<16x640xf32, #tpu.memory_space<vmem>> -> memref<1x640xf32, #tpu.memory_space<vmem>>
      %dma_wait3A_95 = tpu.memref_squeeze %dma_wait3A_94 : memref<1x640xf32, #tpu.memory_space<vmem>> -> memref<640xf32, #tpu.memory_space<vmem>>
      %dma_wait3A_96 = tpu.memref_slice %arg12[%run_scoped3A_21, %mul3A_20] : memref<16x10240xf32, #tpu.memory_space<vmem_shared>> -> memref<1x640xf32, #tpu.memory_space<vmem_shared>>
      %dma_wait3A_97 = tpu.memref_squeeze %dma_wait3A_96 : memref<1x640xf32, #tpu.memory_space<vmem_shared>> -> memref<640xf32, #tpu.memory_space<vmem_shared>>
      %dma_wait3A_98 = arith.constant 0 : i32
      %dma_wait3A_99 = tpu.memref_slice %arg11[%run_scoped3A_22, %dma_wait3A_98] : memref<16x640xf32, #tpu.memory_space<vmem>> -> memref<1x640xf32, #tpu.memory_space<vmem>>
      %dma_wait3A_100 = tpu.memref_squeeze %dma_wait3A_99 : memref<1x640xf32, #tpu.memory_space<vmem>> -> memref<640xf32, #tpu.memory_space<vmem>>
      %dma_wait3A_101 = tpu.memref_slice %arg12[%run_scoped3A_21, %mul3A_20] : memref<16x10240xf32, #tpu.memory_space<vmem_shared>> -> memref<1x640xf32, #tpu.memory_space<vmem_shared>>
      %dma_wait3A_102 = tpu.memref_squeeze %dma_wait3A_101 : memref<1x640xf32, #tpu.memory_space<vmem_shared>> -> memref<640xf32, #tpu.memory_space<vmem_shared>>
      tpu.wait_dma2 semaphore(%run_scoped3A_84 : memref<!tpu.dma_semaphore, #tpu.memory_space<semaphore_mem>>) src(%dma_wait3A_102 : memref<640xf32, #tpu.memory_space<vmem_shared>>) dst(%dma_wait3A_100 : memref<640xf32, #tpu.memory_space<vmem>>)
      tpu.yield
    }) : () -> ()
    %mul3A_23 = arith.constant 640 : i32
    %mul3A_24 = arith.muli %arg1, %mul3A_23 : i32
    %run_scoped3A_25 = arith.constant 3 : i32
    %run_scoped3A_26 = arith.constant 3 : i32
    "tpu.region"() ({
      %run_scoped3A_84 = tpu.sem_alloc : memref<!tpu.dma_semaphore, #tpu.memory_space<semaphore_mem>>
      %dma_start3A = arith.constant 0 : i32
      %dma_start3A_85 = tpu.memref_slice %arg11[%run_scoped3A_26, %dma_start3A] : memref<16x640xf32, #tpu.memory_space<vmem>> -> memref<1x640xf32, #tpu.memory_space<vmem>>
      %dma_start3A_86 = tpu.memref_squeeze %dma_start3A_85 : memref<1x640xf32, #tpu.memory_space<vmem>> -> memref<640xf32, #tpu.memory_space<vmem>>
      %dma_start3A_87 = tpu.memref_slice %arg12[%run_scoped3A_25, %mul3A_24] : memref<16x10240xf32, #tpu.memory_space<vmem_shared>> -> memref<1x640xf32, #tpu.memory_space<vmem_shared>>
      %dma_start3A_88 = tpu.memref_squeeze %dma_start3A_87 : memref<1x640xf32, #tpu.memory_space<vmem_shared>> -> memref<640xf32, #tpu.memory_space<vmem_shared>>
      %dma_start3A_89 = arith.constant 0 : i32
      %dma_start3A_90 = tpu.memref_slice %arg11[%run_scoped3A_26, %dma_start3A_89] : memref<16x640xf32, #tpu.memory_space<vmem>> -> memref<1x640xf32, #tpu.memory_space<vmem>>
      %dma_start3A_91 = tpu.memref_squeeze %dma_start3A_90 : memref<1x640xf32, #tpu.memory_space<vmem>> -> memref<640xf32, #tpu.memory_space<vmem>>
      %dma_start3A_92 = tpu.memref_slice %arg12[%run_scoped3A_25, %mul3A_24] : memref<16x10240xf32, #tpu.memory_space<vmem_shared>> -> memref<1x640xf32, #tpu.memory_space<vmem_shared>>
      %dma_start3A_93 = tpu.memref_squeeze %dma_start3A_92 : memref<1x640xf32, #tpu.memory_space<vmem_shared>> -> memref<640xf32, #tpu.memory_space<vmem_shared>>
      tpu.enqueue_dma source(%dma_start3A_93 : memref<640xf32, #tpu.memory_space<vmem_shared>>) target(%dma_start3A_91 : memref<640xf32, #tpu.memory_space<vmem>>) target_semaphore(%run_scoped3A_84 : memref<!tpu.dma_semaphore, #tpu.memory_space<semaphore_mem>>)
      %dma_wait3A = arith.constant 0 : i32
      %dma_wait3A_94 = tpu.memref_slice %arg11[%run_scoped3A_26, %dma_wait3A] : memref<16x640xf32, #tpu.memory_space<vmem>> -> memref<1x640xf32, #tpu.memory_space<vmem>>
      %dma_wait3A_95 = tpu.memref_squeeze %dma_wait3A_94 : memref<1x640xf32, #tpu.memory_space<vmem>> -> memref<640xf32, #tpu.memory_space<vmem>>
      %dma_wait3A_96 = tpu.memref_slice %arg12[%run_scoped3A_25, %mul3A_24] : memref<16x10240xf32, #tpu.memory_space<vmem_shared>> -> memref<1x640xf32, #tpu.memory_space<vmem_shared>>
      %dma_wait3A_97 = tpu.memref_squeeze %dma_wait3A_96 : memref<1x640xf32, #tpu.memory_space<vmem_shared>> -> memref<640xf32, #tpu.memory_space<vmem_shared>>
      %dma_wait3A_98 = arith.constant 0 : i32
      %dma_wait3A_99 = tpu.memref_slice %arg11[%run_scoped3A_26, %dma_wait3A_98] : memref<16x640xf32, #tpu.memory_space<vmem>> -> memref<1x640xf32, #tpu.memory_space<vmem>>
      %dma_wait3A_100 = tpu.memref_squeeze %dma_wait3A_99 : memref<1x640xf32, #tpu.memory_space<vmem>> -> memref<640xf32, #tpu.memory_space<vmem>>
      %dma_wait3A_101 = tpu.memref_slice %arg12[%run_scoped3A_25, %mul3A_24] : memref<16x10240xf32, #tpu.memory_space<vmem_shared>> -> memref<1x640xf32, #tpu.memory_space<vmem_shared>>
      %dma_wait3A_102 = tpu.memref_squeeze %dma_wait3A_101 : memref<1x640xf32, #tpu.memory_space<vmem_shared>> -> memref<640xf32, #tpu.memory_space<vmem_shared>>
      tpu.wait_dma2 semaphore(%run_scoped3A_84 : memref<!tpu.dma_semaphore, #tpu.memory_space<semaphore_mem>>) src(%dma_wait3A_102 : memref<640xf32, #tpu.memory_space<vmem_shared>>) dst(%dma_wait3A_100 : memref<640xf32, #tpu.memory_space<vmem>>)
      tpu.yield
    }) : () -> ()
    %mul3A_27 = arith.constant 640 : i32
    %mul3A_28 = arith.muli %arg1, %mul3A_27 : i32
    %run_scoped3A_29 = arith.constant 4 : i32
    %run_scoped3A_30 = arith.constant 4 : i32
    "tpu.region"() ({
      %run_scoped3A_84 = tpu.sem_alloc : memref<!tpu.dma_semaphore, #tpu.memory_space<semaphore_mem>>
      %dma_start3A = arith.constant 0 : i32
      %dma_start3A_85 = tpu.memref_slice %arg11[%run_scoped3A_30, %dma_start3A] : memref<16x640xf32, #tpu.memory_space<vmem>> -> memref<1x640xf32, #tpu.memory_space<vmem>>
      %dma_start3A_86 = tpu.memref_squeeze %dma_start3A_85 : memref<1x640xf32, #tpu.memory_space<vmem>> -> memref<640xf32, #tpu.memory_space<vmem>>
      %dma_start3A_87 = tpu.memref_slice %arg12[%run_scoped3A_29, %mul3A_28] : memref<16x10240xf32, #tpu.memory_space<vmem_shared>> -> memref<1x640xf32, #tpu.memory_space<vmem_shared>>
      %dma_start3A_88 = tpu.memref_squeeze %dma_start3A_87 : memref<1x640xf32, #tpu.memory_space<vmem_shared>> -> memref<640xf32, #tpu.memory_space<vmem_shared>>
      %dma_start3A_89 = arith.constant 0 : i32
      %dma_start3A_90 = tpu.memref_slice %arg11[%run_scoped3A_30, %dma_start3A_89] : memref<16x640xf32, #tpu.memory_space<vmem>> -> memref<1x640xf32, #tpu.memory_space<vmem>>
      %dma_start3A_91 = tpu.memref_squeeze %dma_start3A_90 : memref<1x640xf32, #tpu.memory_space<vmem>> -> memref<640xf32, #tpu.memory_space<vmem>>
      %dma_start3A_92 = tpu.memref_slice %arg12[%run_scoped3A_29, %mul3A_28] : memref<16x10240xf32, #tpu.memory_space<vmem_shared>> -> memref<1x640xf32, #tpu.memory_space<vmem_shared>>
      %dma_start3A_93 = tpu.memref_squeeze %dma_start3A_92 : memref<1x640xf32, #tpu.memory_space<vmem_shared>> -> memref<640xf32, #tpu.memory_space<vmem_shared>>
      tpu.enqueue_dma source(%dma_start3A_93 : memref<640xf32, #tpu.memory_space<vmem_shared>>) target(%dma_start3A_91 : memref<640xf32, #tpu.memory_space<vmem>>) target_semaphore(%run_scoped3A_84 : memref<!tpu.dma_semaphore, #tpu.memory_space<semaphore_mem>>)
      %dma_wait3A = arith.constant 0 : i32
      %dma_wait3A_94 = tpu.memref_slice %arg11[%run_scoped3A_30, %dma_wait3A] : memref<16x640xf32, #tpu.memory_space<vmem>> -> memref<1x640xf32, #tpu.memory_space<vmem>>
      %dma_wait3A_95 = tpu.memref_squeeze %dma_wait3A_94 : memref<1x640xf32, #tpu.memory_space<vmem>> -> memref<640xf32, #tpu.memory_space<vmem>>
      %dma_wait3A_96 = tpu.memref_slice %arg12[%run_scoped3A_29, %mul3A_28] : memref<16x10240xf32, #tpu.memory_space<vmem_shared>> -> memref<1x640xf32, #tpu.memory_space<vmem_shared>>
      %dma_wait3A_97 = tpu.memref_squeeze %dma_wait3A_96 : memref<1x640xf32, #tpu.memory_space<vmem_shared>> -> memref<640xf32, #tpu.memory_space<vmem_shared>>
      %dma_wait3A_98 = arith.constant 0 : i32
      %dma_wait3A_99 = tpu.memref_slice %arg11[%run_scoped3A_30, %dma_wait3A_98] : memref<16x640xf32, #tpu.memory_space<vmem>> -> memref<1x640xf32, #tpu.memory_space<vmem>>
      %dma_wait3A_100 = tpu.memref_squeeze %dma_wait3A_99 : memref<1x640xf32, #tpu.memory_space<vmem>> -> memref<640xf32, #tpu.memory_space<vmem>>
      %dma_wait3A_101 = tpu.memref_slice %arg12[%run_scoped3A_29, %mul3A_28] : memref<16x10240xf32, #tpu.memory_space<vmem_shared>> -> memref<1x640xf32, #tpu.memory_space<vmem_shared>>
      %dma_wait3A_102 = tpu.memref_squeeze %dma_wait3A_101 : memref<1x640xf32, #tpu.memory_space<vmem_shared>> -> memref<640xf32, #tpu.memory_space<vmem_shared>>
      tpu.wait_dma2 semaphore(%run_scoped3A_84 : memref<!tpu.dma_semaphore, #tpu.memory_space<semaphore_mem>>) src(%dma_wait3A_102 : memref<640xf32, #tpu.memory_space<vmem_shared>>) dst(%dma_wait3A_100 : memref<640xf32, #tpu.memory_space<vmem>>)
      tpu.yield
    }) : () -> ()
    %mul3A_31 = arith.constant 640 : i32
    %mul3A_32 = arith.muli %arg1, %mul3A_31 : i32
    %run_scoped3A_33 = arith.constant 5 : i32
    %run_scoped3A_34 = arith.constant 5 : i32
    "tpu.region"() ({
      %run_scoped3A_84 = tpu.sem_alloc : memref<!tpu.dma_semaphore, #tpu.memory_space<semaphore_mem>>
      %dma_start3A = arith.constant 0 : i32
      %dma_start3A_85 = tpu.memref_slice %arg11[%run_scoped3A_34, %dma_start3A] : memref<16x640xf32, #tpu.memory_space<vmem>> -> memref<1x640xf32, #tpu.memory_space<vmem>>
      %dma_start3A_86 = tpu.memref_squeeze %dma_start3A_85 : memref<1x640xf32, #tpu.memory_space<vmem>> -> memref<640xf32, #tpu.memory_space<vmem>>
      %dma_start3A_87 = tpu.memref_slice %arg12[%run_scoped3A_33, %mul3A_32] : memref<16x10240xf32, #tpu.memory_space<vmem_shared>> -> memref<1x640xf32, #tpu.memory_space<vmem_shared>>
      %dma_start3A_88 = tpu.memref_squeeze %dma_start3A_87 : memref<1x640xf32, #tpu.memory_space<vmem_shared>> -> memref<640xf32, #tpu.memory_space<vmem_shared>>
      %dma_start3A_89 = arith.constant 0 : i32
      %dma_start3A_90 = tpu.memref_slice %arg11[%run_scoped3A_34, %dma_start3A_89] : memref<16x640xf32, #tpu.memory_space<vmem>> -> memref<1x640xf32, #tpu.memory_space<vmem>>
      %dma_start3A_91 = tpu.memref_squeeze %dma_start3A_90 : memref<1x640xf32, #tpu.memory_space<vmem>> -> memref<640xf32, #tpu.memory_space<vmem>>
      %dma_start3A_92 = tpu.memref_slice %arg12[%run_scoped3A_33, %mul3A_32] : memref<16x10240xf32, #tpu.memory_space<vmem_shared>> -> memref<1x640xf32, #tpu.memory_space<vmem_shared>>
      %dma_start3A_93 = tpu.memref_squeeze %dma_start3A_92 : memref<1x640xf32, #tpu.memory_space<vmem_shared>> -> memref<640xf32, #tpu.memory_space<vmem_shared>>
      tpu.enqueue_dma source(%dma_start3A_93 : memref<640xf32, #tpu.memory_space<vmem_shared>>) target(%dma_start3A_91 : memref<640xf32, #tpu.memory_space<vmem>>) target_semaphore(%run_scoped3A_84 : memref<!tpu.dma_semaphore, #tpu.memory_space<semaphore_mem>>)
      %dma_wait3A = arith.constant 0 : i32
      %dma_wait3A_94 = tpu.memref_slice %arg11[%run_scoped3A_34, %dma_wait3A] : memref<16x640xf32, #tpu.memory_space<vmem>> -> memref<1x640xf32, #tpu.memory_space<vmem>>
      %dma_wait3A_95 = tpu.memref_squeeze %dma_wait3A_94 : memref<1x640xf32, #tpu.memory_space<vmem>> -> memref<640xf32, #tpu.memory_space<vmem>>
      %dma_wait3A_96 = tpu.memref_slice %arg12[%run_scoped3A_33, %mul3A_32] : memref<16x10240xf32, #tpu.memory_space<vmem_shared>> -> memref<1x640xf32, #tpu.memory_space<vmem_shared>>
      %dma_wait3A_97 = tpu.memref_squeeze %dma_wait3A_96 : memref<1x640xf32, #tpu.memory_space<vmem_shared>> -> memref<640xf32, #tpu.memory_space<vmem_shared>>
      %dma_wait3A_98 = arith.constant 0 : i32
      %dma_wait3A_99 = tpu.memref_slice %arg11[%run_scoped3A_34, %dma_wait3A_98] : memref<16x640xf32, #tpu.memory_space<vmem>> -> memref<1x640xf32, #tpu.memory_space<vmem>>
      %dma_wait3A_100 = tpu.memref_squeeze %dma_wait3A_99 : memref<1x640xf32, #tpu.memory_space<vmem>> -> memref<640xf32, #tpu.memory_space<vmem>>
      %dma_wait3A_101 = tpu.memref_slice %arg12[%run_scoped3A_33, %mul3A_32] : memref<16x10240xf32, #tpu.memory_space<vmem_shared>> -> memref<1x640xf32, #tpu.memory_space<vmem_shared>>
      %dma_wait3A_102 = tpu.memref_squeeze %dma_wait3A_101 : memref<1x640xf32, #tpu.memory_space<vmem_shared>> -> memref<640xf32, #tpu.memory_space<vmem_shared>>
      tpu.wait_dma2 semaphore(%run_scoped3A_84 : memref<!tpu.dma_semaphore, #tpu.memory_space<semaphore_mem>>) src(%dma_wait3A_102 : memref<640xf32, #tpu.memory_space<vmem_shared>>) dst(%dma_wait3A_100 : memref<640xf32, #tpu.memory_space<vmem>>)
      tpu.yield
    }) : () -> ()
    %mul3A_35 = arith.constant 640 : i32
    %mul3A_36 = arith.muli %arg1, %mul3A_35 : i32
    %run_scoped3A_37 = arith.constant 6 : i32
    %run_scoped3A_38 = arith.constant 6 : i32
    "tpu.region"() ({
      %run_scoped3A_84 = tpu.sem_alloc : memref<!tpu.dma_semaphore, #tpu.memory_space<semaphore_mem>>
      %dma_start3A = arith.constant 0 : i32
      %dma_start3A_85 = tpu.memref_slice %arg11[%run_scoped3A_38, %dma_start3A] : memref<16x640xf32, #tpu.memory_space<vmem>> -> memref<1x640xf32, #tpu.memory_space<vmem>>
      %dma_start3A_86 = tpu.memref_squeeze %dma_start3A_85 : memref<1x640xf32, #tpu.memory_space<vmem>> -> memref<640xf32, #tpu.memory_space<vmem>>
      %dma_start3A_87 = tpu.memref_slice %arg12[%run_scoped3A_37, %mul3A_36] : memref<16x10240xf32, #tpu.memory_space<vmem_shared>> -> memref<1x640xf32, #tpu.memory_space<vmem_shared>>
      %dma_start3A_88 = tpu.memref_squeeze %dma_start3A_87 : memref<1x640xf32, #tpu.memory_space<vmem_shared>> -> memref<640xf32, #tpu.memory_space<vmem_shared>>
      %dma_start3A_89 = arith.constant 0 : i32
      %dma_start3A_90 = tpu.memref_slice %arg11[%run_scoped3A_38, %dma_start3A_89] : memref<16x640xf32, #tpu.memory_space<vmem>> -> memref<1x640xf32, #tpu.memory_space<vmem>>
      %dma_start3A_91 = tpu.memref_squeeze %dma_start3A_90 : memref<1x640xf32, #tpu.memory_space<vmem>> -> memref<640xf32, #tpu.memory_space<vmem>>
      %dma_start3A_92 = tpu.memref_slice %arg12[%run_scoped3A_37, %mul3A_36] : memref<16x10240xf32, #tpu.memory_space<vmem_shared>> -> memref<1x640xf32, #tpu.memory_space<vmem_shared>>
      %dma_start3A_93 = tpu.memref_squeeze %dma_start3A_92 : memref<1x640xf32, #tpu.memory_space<vmem_shared>> -> memref<640xf32, #tpu.memory_space<vmem_shared>>
      tpu.enqueue_dma source(%dma_start3A_93 : memref<640xf32, #tpu.memory_space<vmem_shared>>) target(%dma_start3A_91 : memref<640xf32, #tpu.memory_space<vmem>>) target_semaphore(%run_scoped3A_84 : memref<!tpu.dma_semaphore, #tpu.memory_space<semaphore_mem>>)
      %dma_wait3A = arith.constant 0 : i32
      %dma_wait3A_94 = tpu.memref_slice %arg11[%run_scoped3A_38, %dma_wait3A] : memref<16x640xf32, #tpu.memory_space<vmem>> -> memref<1x640xf32, #tpu.memory_space<vmem>>
      %dma_wait3A_95 = tpu.memref_squeeze %dma_wait3A_94 : memref<1x640xf32, #tpu.memory_space<vmem>> -> memref<640xf32, #tpu.memory_space<vmem>>
      %dma_wait3A_96 = tpu.memref_slice %arg12[%run_scoped3A_37, %mul3A_36] : memref<16x10240xf32, #tpu.memory_space<vmem_shared>> -> memref<1x640xf32, #tpu.memory_space<vmem_shared>>
      %dma_wait3A_97 = tpu.memref_squeeze %dma_wait3A_96 : memref<1x640xf32, #tpu.memory_space<vmem_shared>> -> memref<640xf32, #tpu.memory_space<vmem_shared>>
      %dma_wait3A_98 = arith.constant 0 : i32
      %dma_wait3A_99 = tpu.memref_slice %arg11[%run_scoped3A_38, %dma_wait3A_98] : memref<16x640xf32, #tpu.memory_space<vmem>> -> memref<1x640xf32, #tpu.memory_space<vmem>>
      %dma_wait3A_100 = tpu.memref_squeeze %dma_wait3A_99 : memref<1x640xf32, #tpu.memory_space<vmem>> -> memref<640xf32, #tpu.memory_space<vmem>>
      %dma_wait3A_101 = tpu.memref_slice %arg12[%run_scoped3A_37, %mul3A_36] : memref<16x10240xf32, #tpu.memory_space<vmem_shared>> -> memref<1x640xf32, #tpu.memory_space<vmem_shared>>
      %dma_wait3A_102 = tpu.memref_squeeze %dma_wait3A_101 : memref<1x640xf32, #tpu.memory_space<vmem_shared>> -> memref<640xf32, #tpu.memory_space<vmem_shared>>
      tpu.wait_dma2 semaphore(%run_scoped3A_84 : memref<!tpu.dma_semaphore, #tpu.memory_space<semaphore_mem>>) src(%dma_wait3A_102 : memref<640xf32, #tpu.memory_space<vmem_shared>>) dst(%dma_wait3A_100 : memref<640xf32, #tpu.memory_space<vmem>>)
      tpu.yield
    }) : () -> ()
    %mul3A_39 = arith.constant 640 : i32
    %mul3A_40 = arith.muli %arg1, %mul3A_39 : i32
    %run_scoped3A_41 = arith.constant 7 : i32
    %run_scoped3A_42 = arith.constant 7 : i32
    "tpu.region"() ({
      %run_scoped3A_84 = tpu.sem_alloc : memref<!tpu.dma_semaphore, #tpu.memory_space<semaphore_mem>>
      %dma_start3A = arith.constant 0 : i32
      %dma_start3A_85 = tpu.memref_slice %arg11[%run_scoped3A_42, %dma_start3A] : memref<16x640xf32, #tpu.memory_space<vmem>> -> memref<1x640xf32, #tpu.memory_space<vmem>>
      %dma_start3A_86 = tpu.memref_squeeze %dma_start3A_85 : memref<1x640xf32, #tpu.memory_space<vmem>> -> memref<640xf32, #tpu.memory_space<vmem>>
      %dma_start3A_87 = tpu.memref_slice %arg12[%run_scoped3A_41, %mul3A_40] : memref<16x10240xf32, #tpu.memory_space<vmem_shared>> -> memref<1x640xf32, #tpu.memory_space<vmem_shared>>
      %dma_start3A_88 = tpu.memref_squeeze %dma_start3A_87 : memref<1x640xf32, #tpu.memory_space<vmem_shared>> -> memref<640xf32, #tpu.memory_space<vmem_shared>>
      %dma_start3A_89 = arith.constant 0 : i32
      %dma_start3A_90 = tpu.memref_slice %arg11[%run_scoped3A_42, %dma_start3A_89] : memref<16x640xf32, #tpu.memory_space<vmem>> -> memref<1x640xf32, #tpu.memory_space<vmem>>
      %dma_start3A_91 = tpu.memref_squeeze %dma_start3A_90 : memref<1x640xf32, #tpu.memory_space<vmem>> -> memref<640xf32, #tpu.memory_space<vmem>>
      %dma_start3A_92 = tpu.memref_slice %arg12[%run_scoped3A_41, %mul3A_40] : memref<16x10240xf32, #tpu.memory_space<vmem_shared>> -> memref<1x640xf32, #tpu.memory_space<vmem_shared>>
      %dma_start3A_93 = tpu.memref_squeeze %dma_start3A_92 : memref<1x640xf32, #tpu.memory_space<vmem_shared>> -> memref<640xf32, #tpu.memory_space<vmem_shared>>
      tpu.enqueue_dma source(%dma_start3A_93 : memref<640xf32, #tpu.memory_space<vmem_shared>>) target(%dma_start3A_91 : memref<640xf32, #tpu.memory_space<vmem>>) target_semaphore(%run_scoped3A_84 : memref<!tpu.dma_semaphore, #tpu.memory_space<semaphore_mem>>)
      %dma_wait3A = arith.constant 0 : i32
      %dma_wait3A_94 = tpu.memref_slice %arg11[%run_scoped3A_42, %dma_wait3A] : memref<16x640xf32, #tpu.memory_space<vmem>> -> memref<1x640xf32, #tpu.memory_space<vmem>>
      %dma_wait3A_95 = tpu.memref_squeeze %dma_wait3A_94 : memref<1x640xf32, #tpu.memory_space<vmem>> -> memref<640xf32, #tpu.memory_space<vmem>>
      %dma_wait3A_96 = tpu.memref_slice %arg12[%run_scoped3A_41, %mul3A_40] : memref<16x10240xf32, #tpu.memory_space<vmem_shared>> -> memref<1x640xf32, #tpu.memory_space<vmem_shared>>
      %dma_wait3A_97 = tpu.memref_squeeze %dma_wait3A_96 : memref<1x640xf32, #tpu.memory_space<vmem_shared>> -> memref<640xf32, #tpu.memory_space<vmem_shared>>
      %dma_wait3A_98 = arith.constant 0 : i32
      %dma_wait3A_99 = tpu.memref_slice %arg11[%run_scoped3A_42, %dma_wait3A_98] : memref<16x640xf32, #tpu.memory_space<vmem>> -> memref<1x640xf32, #tpu.memory_space<vmem>>
      %dma_wait3A_100 = tpu.memref_squeeze %dma_wait3A_99 : memref<1x640xf32, #tpu.memory_space<vmem>> -> memref<640xf32, #tpu.memory_space<vmem>>
      %dma_wait3A_101 = tpu.memref_slice %arg12[%run_scoped3A_41, %mul3A_40] : memref<16x10240xf32, #tpu.memory_space<vmem_shared>> -> memref<1x640xf32, #tpu.memory_space<vmem_shared>>
      %dma_wait3A_102 = tpu.memref_squeeze %dma_wait3A_101 : memref<1x640xf32, #tpu.memory_space<vmem_shared>> -> memref<640xf32, #tpu.memory_space<vmem_shared>>
      tpu.wait_dma2 semaphore(%run_scoped3A_84 : memref<!tpu.dma_semaphore, #tpu.memory_space<semaphore_mem>>) src(%dma_wait3A_102 : memref<640xf32, #tpu.memory_space<vmem_shared>>) dst(%dma_wait3A_100 : memref<640xf32, #tpu.memory_space<vmem>>)
      tpu.yield
    }) : () -> ()
    %mul3A_43 = arith.constant 640 : i32
    %mul3A_44 = arith.muli %arg1, %mul3A_43 : i32
    %run_scoped3A_45 = arith.constant 8 : i32
    %run_scoped3A_46 = arith.constant 8 : i32
    "tpu.region"() ({
      %run_scoped3A_84 = tpu.sem_alloc : memref<!tpu.dma_semaphore, #tpu.memory_space<semaphore_mem>>
      %dma_start3A = arith.constant 0 : i32
      %dma_start3A_85 = tpu.memref_slice %arg11[%run_scoped3A_46, %dma_start3A] : memref<16x640xf32, #tpu.memory_space<vmem>> -> memref<1x640xf32, #tpu.memory_space<vmem>>
      %dma_start3A_86 = tpu.memref_squeeze %dma_start3A_85 : memref<1x640xf32, #tpu.memory_space<vmem>> -> memref<640xf32, #tpu.memory_space<vmem>>
      %dma_start3A_87 = tpu.memref_slice %arg12[%run_scoped3A_45, %mul3A_44] : memref<16x10240xf32, #tpu.memory_space<vmem_shared>> -> memref<1x640xf32, #tpu.memory_space<vmem_shared>>
      %dma_start3A_88 = tpu.memref_squeeze %dma_start3A_87 : memref<1x640xf32, #tpu.memory_space<vmem_shared>> -> memref<640xf32, #tpu.memory_space<vmem_shared>>
      %dma_start3A_89 = arith.constant 0 : i32
      %dma_start3A_90 = tpu.memref_slice %arg11[%run_scoped3A_46, %dma_start3A_89] : memref<16x640xf32, #tpu.memory_space<vmem>> -> memref<1x640xf32, #tpu.memory_space<vmem>>
      %dma_start3A_91 = tpu.memref_squeeze %dma_start3A_90 : memref<1x640xf32, #tpu.memory_space<vmem>> -> memref<640xf32, #tpu.memory_space<vmem>>
      %dma_start3A_92 = tpu.memref_slice %arg12[%run_scoped3A_45, %mul3A_44] : memref<16x10240xf32, #tpu.memory_space<vmem_shared>> -> memref<1x640xf32, #tpu.memory_space<vmem_shared>>
      %dma_start3A_93 = tpu.memref_squeeze %dma_start3A_92 : memref<1x640xf32, #tpu.memory_space<vmem_shared>> -> memref<640xf32, #tpu.memory_space<vmem_shared>>
      tpu.enqueue_dma source(%dma_start3A_93 : memref<640xf32, #tpu.memory_space<vmem_shared>>) target(%dma_start3A_91 : memref<640xf32, #tpu.memory_space<vmem>>) target_semaphore(%run_scoped3A_84 : memref<!tpu.dma_semaphore, #tpu.memory_space<semaphore_mem>>)
      %dma_wait3A = arith.constant 0 : i32
      %dma_wait3A_94 = tpu.memref_slice %arg11[%run_scoped3A_46, %dma_wait3A] : memref<16x640xf32, #tpu.memory_space<vmem>> -> memref<1x640xf32, #tpu.memory_space<vmem>>
      %dma_wait3A_95 = tpu.memref_squeeze %dma_wait3A_94 : memref<1x640xf32, #tpu.memory_space<vmem>> -> memref<640xf32, #tpu.memory_space<vmem>>
      %dma_wait3A_96 = tpu.memref_slice %arg12[%run_scoped3A_45, %mul3A_44] : memref<16x10240xf32, #tpu.memory_space<vmem_shared>> -> memref<1x640xf32, #tpu.memory_space<vmem_shared>>
      %dma_wait3A_97 = tpu.memref_squeeze %dma_wait3A_96 : memref<1x640xf32, #tpu.memory_space<vmem_shared>> -> memref<640xf32, #tpu.memory_space<vmem_shared>>
      %dma_wait3A_98 = arith.constant 0 : i32
      %dma_wait3A_99 = tpu.memref_slice %arg11[%run_scoped3A_46, %dma_wait3A_98] : memref<16x640xf32, #tpu.memory_space<vmem>> -> memref<1x640xf32, #tpu.memory_space<vmem>>
      %dma_wait3A_100 = tpu.memref_squeeze %dma_wait3A_99 : memref<1x640xf32, #tpu.memory_space<vmem>> -> memref<640xf32, #tpu.memory_space<vmem>>
      %dma_wait3A_101 = tpu.memref_slice %arg12[%run_scoped3A_45, %mul3A_44] : memref<16x10240xf32, #tpu.memory_space<vmem_shared>> -> memref<1x640xf32, #tpu.memory_space<vmem_shared>>
      %dma_wait3A_102 = tpu.memref_squeeze %dma_wait3A_101 : memref<1x640xf32, #tpu.memory_space<vmem_shared>> -> memref<640xf32, #tpu.memory_space<vmem_shared>>
      tpu.wait_dma2 semaphore(%run_scoped3A_84 : memref<!tpu.dma_semaphore, #tpu.memory_space<semaphore_mem>>) src(%dma_wait3A_102 : memref<640xf32, #tpu.memory_space<vmem_shared>>) dst(%dma_wait3A_100 : memref<640xf32, #tpu.memory_space<vmem>>)
      tpu.yield
    }) : () -> ()
    %mul3A_47 = arith.constant 640 : i32
    %mul3A_48 = arith.muli %arg1, %mul3A_47 : i32
    %run_scoped3A_49 = arith.constant 9 : i32
    %run_scoped3A_50 = arith.constant 9 : i32
    "tpu.region"() ({
      %run_scoped3A_84 = tpu.sem_alloc : memref<!tpu.dma_semaphore, #tpu.memory_space<semaphore_mem>>
      %dma_start3A = arith.constant 0 : i32
      %dma_start3A_85 = tpu.memref_slice %arg11[%run_scoped3A_50, %dma_start3A] : memref<16x640xf32, #tpu.memory_space<vmem>> -> memref<1x640xf32, #tpu.memory_space<vmem>>
      %dma_start3A_86 = tpu.memref_squeeze %dma_start3A_85 : memref<1x640xf32, #tpu.memory_space<vmem>> -> memref<640xf32, #tpu.memory_space<vmem>>
      %dma_start3A_87 = tpu.memref_slice %arg12[%run_scoped3A_49, %mul3A_48] : memref<16x10240xf32, #tpu.memory_space<vmem_shared>> -> memref<1x640xf32, #tpu.memory_space<vmem_shared>>
      %dma_start3A_88 = tpu.memref_squeeze %dma_start3A_87 : memref<1x640xf32, #tpu.memory_space<vmem_shared>> -> memref<640xf32, #tpu.memory_space<vmem_shared>>
      %dma_start3A_89 = arith.constant 0 : i32
      %dma_start3A_90 = tpu.memref_slice %arg11[%run_scoped3A_50, %dma_start3A_89] : memref<16x640xf32, #tpu.memory_space<vmem>> -> memref<1x640xf32, #tpu.memory_space<vmem>>
      %dma_start3A_91 = tpu.memref_squeeze %dma_start3A_90 : memref<1x640xf32, #tpu.memory_space<vmem>> -> memref<640xf32, #tpu.memory_space<vmem>>
      %dma_start3A_92 = tpu.memref_slice %arg12[%run_scoped3A_49, %mul3A_48] : memref<16x10240xf32, #tpu.memory_space<vmem_shared>> -> memref<1x640xf32, #tpu.memory_space<vmem_shared>>
      %dma_start3A_93 = tpu.memref_squeeze %dma_start3A_92 : memref<1x640xf32, #tpu.memory_space<vmem_shared>> -> memref<640xf32, #tpu.memory_space<vmem_shared>>
      tpu.enqueue_dma source(%dma_start3A_93 : memref<640xf32, #tpu.memory_space<vmem_shared>>) target(%dma_start3A_91 : memref<640xf32, #tpu.memory_space<vmem>>) target_semaphore(%run_scoped3A_84 : memref<!tpu.dma_semaphore, #tpu.memory_space<semaphore_mem>>)
      %dma_wait3A = arith.constant 0 : i32
      %dma_wait3A_94 = tpu.memref_slice %arg11[%run_scoped3A_50, %dma_wait3A] : memref<16x640xf32, #tpu.memory_space<vmem>> -> memref<1x640xf32, #tpu.memory_space<vmem>>
      %dma_wait3A_95 = tpu.memref_squeeze %dma_wait3A_94 : memref<1x640xf32, #tpu.memory_space<vmem>> -> memref<640xf32, #tpu.memory_space<vmem>>
      %dma_wait3A_96 = tpu.memref_slice %arg12[%run_scoped3A_49, %mul3A_48] : memref<16x10240xf32, #tpu.memory_space<vmem_shared>> -> memref<1x640xf32, #tpu.memory_space<vmem_shared>>
      %dma_wait3A_97 = tpu.memref_squeeze %dma_wait3A_96 : memref<1x640xf32, #tpu.memory_space<vmem_shared>> -> memref<640xf32, #tpu.memory_space<vmem_shared>>
      %dma_wait3A_98 = arith.constant 0 : i32
      %dma_wait3A_99 = tpu.memref_slice %arg11[%run_scoped3A_50, %dma_wait3A_98] : memref<16x640xf32, #tpu.memory_space<vmem>> -> memref<1x640xf32, #tpu.memory_space<vmem>>
      %dma_wait3A_100 = tpu.memref_squeeze %dma_wait3A_99 : memref<1x640xf32, #tpu.memory_space<vmem>> -> memref<640xf32, #tpu.memory_space<vmem>>
      %dma_wait3A_101 = tpu.memref_slice %arg12[%run_scoped3A_49, %mul3A_48] : memref<16x10240xf32, #tpu.memory_space<vmem_shared>> -> memref<1x640xf32, #tpu.memory_space<vmem_shared>>
      %dma_wait3A_102 = tpu.memref_squeeze %dma_wait3A_101 : memref<1x640xf32, #tpu.memory_space<vmem_shared>> -> memref<640xf32, #tpu.memory_space<vmem_shared>>
      tpu.wait_dma2 semaphore(%run_scoped3A_84 : memref<!tpu.dma_semaphore, #tpu.memory_space<semaphore_mem>>) src(%dma_wait3A_102 : memref<640xf32, #tpu.memory_space<vmem_shared>>) dst(%dma_wait3A_100 : memref<640xf32, #tpu.memory_space<vmem>>)
      tpu.yield
    }) : () -> ()
    %mul3A_51 = arith.constant 640 : i32
    %mul3A_52 = arith.muli %arg1, %mul3A_51 : i32
    %run_scoped3A_53 = arith.constant 10 : i32
    %run_scoped3A_54 = arith.constant 10 : i32
    "tpu.region"() ({
      %run_scoped3A_84 = tpu.sem_alloc : memref<!tpu.dma_semaphore, #tpu.memory_space<semaphore_mem>>
      %dma_start3A = arith.constant 0 : i32
      %dma_start3A_85 = tpu.memref_slice %arg11[%run_scoped3A_54, %dma_start3A] : memref<16x640xf32, #tpu.memory_space<vmem>> -> memref<1x640xf32, #tpu.memory_space<vmem>>
      %dma_start3A_86 = tpu.memref_squeeze %dma_start3A_85 : memref<1x640xf32, #tpu.memory_space<vmem>> -> memref<640xf32, #tpu.memory_space<vmem>>
      %dma_start3A_87 = tpu.memref_slice %arg12[%run_scoped3A_53, %mul3A_52] : memref<16x10240xf32, #tpu.memory_space<vmem_shared>> -> memref<1x640xf32, #tpu.memory_space<vmem_shared>>
      %dma_start3A_88 = tpu.memref_squeeze %dma_start3A_87 : memref<1x640xf32, #tpu.memory_space<vmem_shared>> -> memref<640xf32, #tpu.memory_space<vmem_shared>>
      %dma_start3A_89 = arith.constant 0 : i32
      %dma_start3A_90 = tpu.memref_slice %arg11[%run_scoped3A_54, %dma_start3A_89] : memref<16x640xf32, #tpu.memory_space<vmem>> -> memref<1x640xf32, #tpu.memory_space<vmem>>
      %dma_start3A_91 = tpu.memref_squeeze %dma_start3A_90 : memref<1x640xf32, #tpu.memory_space<vmem>> -> memref<640xf32, #tpu.memory_space<vmem>>
      %dma_start3A_92 = tpu.memref_slice %arg12[%run_scoped3A_53, %mul3A_52] : memref<16x10240xf32, #tpu.memory_space<vmem_shared>> -> memref<1x640xf32, #tpu.memory_space<vmem_shared>>
      %dma_start3A_93 = tpu.memref_squeeze %dma_start3A_92 : memref<1x640xf32, #tpu.memory_space<vmem_shared>> -> memref<640xf32, #tpu.memory_space<vmem_shared>>
      tpu.enqueue_dma source(%dma_start3A_93 : memref<640xf32, #tpu.memory_space<vmem_shared>>) target(%dma_start3A_91 : memref<640xf32, #tpu.memory_space<vmem>>) target_semaphore(%run_scoped3A_84 : memref<!tpu.dma_semaphore, #tpu.memory_space<semaphore_mem>>)
      %dma_wait3A = arith.constant 0 : i32
      %dma_wait3A_94 = tpu.memref_slice %arg11[%run_scoped3A_54, %dma_wait3A] : memref<16x640xf32, #tpu.memory_space<vmem>> -> memref<1x640xf32, #tpu.memory_space<vmem>>
      %dma_wait3A_95 = tpu.memref_squeeze %dma_wait3A_94 : memref<1x640xf32, #tpu.memory_space<vmem>> -> memref<640xf32, #tpu.memory_space<vmem>>
      %dma_wait3A_96 = tpu.memref_slice %arg12[%run_scoped3A_53, %mul3A_52] : memref<16x10240xf32, #tpu.memory_space<vmem_shared>> -> memref<1x640xf32, #tpu.memory_space<vmem_shared>>
      %dma_wait3A_97 = tpu.memref_squeeze %dma_wait3A_96 : memref<1x640xf32, #tpu.memory_space<vmem_shared>> -> memref<640xf32, #tpu.memory_space<vmem_shared>>
      %dma_wait3A_98 = arith.constant 0 : i32
      %dma_wait3A_99 = tpu.memref_slice %arg11[%run_scoped3A_54, %dma_wait3A_98] : memref<16x640xf32, #tpu.memory_space<vmem>> -> memref<1x640xf32, #tpu.memory_space<vmem>>
      %dma_wait3A_100 = tpu.memref_squeeze %dma_wait3A_99 : memref<1x640xf32, #tpu.memory_space<vmem>> -> memref<640xf32, #tpu.memory_space<vmem>>
      %dma_wait3A_101 = tpu.memref_slice %arg12[%run_scoped3A_53, %mul3A_52] : memref<16x10240xf32, #tpu.memory_space<vmem_shared>> -> memref<1x640xf32, #tpu.memory_space<vmem_shared>>
      %dma_wait3A_102 = tpu.memref_squeeze %dma_wait3A_101 : memref<1x640xf32, #tpu.memory_space<vmem_shared>> -> memref<640xf32, #tpu.memory_space<vmem_shared>>
      tpu.wait_dma2 semaphore(%run_scoped3A_84 : memref<!tpu.dma_semaphore, #tpu.memory_space<semaphore_mem>>) src(%dma_wait3A_102 : memref<640xf32, #tpu.memory_space<vmem_shared>>) dst(%dma_wait3A_100 : memref<640xf32, #tpu.memory_space<vmem>>)
      tpu.yield
    }) : () -> ()
    %mul3A_55 = arith.constant 640 : i32
    %mul3A_56 = arith.muli %arg1, %mul3A_55 : i32
    %run_scoped3A_57 = arith.constant 11 : i32
    %run_scoped3A_58 = arith.constant 11 : i32
    "tpu.region"() ({
      %run_scoped3A_84 = tpu.sem_alloc : memref<!tpu.dma_semaphore, #tpu.memory_space<semaphore_mem>>
      %dma_start3A = arith.constant 0 : i32
      %dma_start3A_85 = tpu.memref_slice %arg11[%run_scoped3A_58, %dma_start3A] : memref<16x640xf32, #tpu.memory_space<vmem>> -> memref<1x640xf32, #tpu.memory_space<vmem>>
      %dma_start3A_86 = tpu.memref_squeeze %dma_start3A_85 : memref<1x640xf32, #tpu.memory_space<vmem>> -> memref<640xf32, #tpu.memory_space<vmem>>
      %dma_start3A_87 = tpu.memref_slice %arg12[%run_scoped3A_57, %mul3A_56] : memref<16x10240xf32, #tpu.memory_space<vmem_shared>> -> memref<1x640xf32, #tpu.memory_space<vmem_shared>>
      %dma_start3A_88 = tpu.memref_squeeze %dma_start3A_87 : memref<1x640xf32, #tpu.memory_space<vmem_shared>> -> memref<640xf32, #tpu.memory_space<vmem_shared>>
      %dma_start3A_89 = arith.constant 0 : i32
      %dma_start3A_90 = tpu.memref_slice %arg11[%run_scoped3A_58, %dma_start3A_89] : memref<16x640xf32, #tpu.memory_space<vmem>> -> memref<1x640xf32, #tpu.memory_space<vmem>>
      %dma_start3A_91 = tpu.memref_squeeze %dma_start3A_90 : memref<1x640xf32, #tpu.memory_space<vmem>> -> memref<640xf32, #tpu.memory_space<vmem>>
      %dma_start3A_92 = tpu.memref_slice %arg12[%run_scoped3A_57, %mul3A_56] : memref<16x10240xf32, #tpu.memory_space<vmem_shared>> -> memref<1x640xf32, #tpu.memory_space<vmem_shared>>
      %dma_start3A_93 = tpu.memref_squeeze %dma_start3A_92 : memref<1x640xf32, #tpu.memory_space<vmem_shared>> -> memref<640xf32, #tpu.memory_space<vmem_shared>>
      tpu.enqueue_dma source(%dma_start3A_93 : memref<640xf32, #tpu.memory_space<vmem_shared>>) target(%dma_start3A_91 : memref<640xf32, #tpu.memory_space<vmem>>) target_semaphore(%run_scoped3A_84 : memref<!tpu.dma_semaphore, #tpu.memory_space<semaphore_mem>>)
      %dma_wait3A = arith.constant 0 : i32
      %dma_wait3A_94 = tpu.memref_slice %arg11[%run_scoped3A_58, %dma_wait3A] : memref<16x640xf32, #tpu.memory_space<vmem>> -> memref<1x640xf32, #tpu.memory_space<vmem>>
      %dma_wait3A_95 = tpu.memref_squeeze %dma_wait3A_94 : memref<1x640xf32, #tpu.memory_space<vmem>> -> memref<640xf32, #tpu.memory_space<vmem>>
      %dma_wait3A_96 = tpu.memref_slice %arg12[%run_scoped3A_57, %mul3A_56] : memref<16x10240xf32, #tpu.memory_space<vmem_shared>> -> memref<1x640xf32, #tpu.memory_space<vmem_shared>>
      %dma_wait3A_97 = tpu.memref_squeeze %dma_wait3A_96 : memref<1x640xf32, #tpu.memory_space<vmem_shared>> -> memref<640xf32, #tpu.memory_space<vmem_shared>>
      %dma_wait3A_98 = arith.constant 0 : i32
      %dma_wait3A_99 = tpu.memref_slice %arg11[%run_scoped3A_58, %dma_wait3A_98] : memref<16x640xf32, #tpu.memory_space<vmem>> -> memref<1x640xf32, #tpu.memory_space<vmem>>
      %dma_wait3A_100 = tpu.memref_squeeze %dma_wait3A_99 : memref<1x640xf32, #tpu.memory_space<vmem>> -> memref<640xf32, #tpu.memory_space<vmem>>
      %dma_wait3A_101 = tpu.memref_slice %arg12[%run_scoped3A_57, %mul3A_56] : memref<16x10240xf32, #tpu.memory_space<vmem_shared>> -> memref<1x640xf32, #tpu.memory_space<vmem_shared>>
      %dma_wait3A_102 = tpu.memref_squeeze %dma_wait3A_101 : memref<1x640xf32, #tpu.memory_space<vmem_shared>> -> memref<640xf32, #tpu.memory_space<vmem_shared>>
      tpu.wait_dma2 semaphore(%run_scoped3A_84 : memref<!tpu.dma_semaphore, #tpu.memory_space<semaphore_mem>>) src(%dma_wait3A_102 : memref<640xf32, #tpu.memory_space<vmem_shared>>) dst(%dma_wait3A_100 : memref<640xf32, #tpu.memory_space<vmem>>)
      tpu.yield
    }) : () -> ()
    %mul3A_59 = arith.constant 640 : i32
    %mul3A_60 = arith.muli %arg1, %mul3A_59 : i32
    %run_scoped3A_61 = arith.constant 12 : i32
    %run_scoped3A_62 = arith.constant 12 : i32
    "tpu.region"() ({
      %run_scoped3A_84 = tpu.sem_alloc : memref<!tpu.dma_semaphore, #tpu.memory_space<semaphore_mem>>
      %dma_start3A = arith.constant 0 : i32
      %dma_start3A_85 = tpu.memref_slice %arg11[%run_scoped3A_62, %dma_start3A] : memref<16x640xf32, #tpu.memory_space<vmem>> -> memref<1x640xf32, #tpu.memory_space<vmem>>
      %dma_start3A_86 = tpu.memref_squeeze %dma_start3A_85 : memref<1x640xf32, #tpu.memory_space<vmem>> -> memref<640xf32, #tpu.memory_space<vmem>>
      %dma_start3A_87 = tpu.memref_slice %arg12[%run_scoped3A_61, %mul3A_60] : memref<16x10240xf32, #tpu.memory_space<vmem_shared>> -> memref<1x640xf32, #tpu.memory_space<vmem_shared>>
      %dma_start3A_88 = tpu.memref_squeeze %dma_start3A_87 : memref<1x640xf32, #tpu.memory_space<vmem_shared>> -> memref<640xf32, #tpu.memory_space<vmem_shared>>
      %dma_start3A_89 = arith.constant 0 : i32
      %dma_start3A_90 = tpu.memref_slice %arg11[%run_scoped3A_62, %dma_start3A_89] : memref<16x640xf32, #tpu.memory_space<vmem>> -> memref<1x640xf32, #tpu.memory_space<vmem>>
      %dma_start3A_91 = tpu.memref_squeeze %dma_start3A_90 : memref<1x640xf32, #tpu.memory_space<vmem>> -> memref<640xf32, #tpu.memory_space<vmem>>
      %dma_start3A_92 = tpu.memref_slice %arg12[%run_scoped3A_61, %mul3A_60] : memref<16x10240xf32, #tpu.memory_space<vmem_shared>> -> memref<1x640xf32, #tpu.memory_space<vmem_shared>>
      %dma_start3A_93 = tpu.memref_squeeze %dma_start3A_92 : memref<1x640xf32, #tpu.memory_space<vmem_shared>> -> memref<640xf32, #tpu.memory_space<vmem_shared>>
      tpu.enqueue_dma source(%dma_start3A_93 : memref<640xf32, #tpu.memory_space<vmem_shared>>) target(%dma_start3A_91 : memref<640xf32, #tpu.memory_space<vmem>>) target_semaphore(%run_scoped3A_84 : memref<!tpu.dma_semaphore, #tpu.memory_space<semaphore_mem>>)
      %dma_wait3A = arith.constant 0 : i32
      %dma_wait3A_94 = tpu.memref_slice %arg11[%run_scoped3A_62, %dma_wait3A] : memref<16x640xf32, #tpu.memory_space<vmem>> -> memref<1x640xf32, #tpu.memory_space<vmem>>
      %dma_wait3A_95 = tpu.memref_squeeze %dma_wait3A_94 : memref<1x640xf32, #tpu.memory_space<vmem>> -> memref<640xf32, #tpu.memory_space<vmem>>
      %dma_wait3A_96 = tpu.memref_slice %arg12[%run_scoped3A_61, %mul3A_60] : memref<16x10240xf32, #tpu.memory_space<vmem_shared>> -> memref<1x640xf32, #tpu.memory_space<vmem_shared>>
      %dma_wait3A_97 = tpu.memref_squeeze %dma_wait3A_96 : memref<1x640xf32, #tpu.memory_space<vmem_shared>> -> memref<640xf32, #tpu.memory_space<vmem_shared>>
      %dma_wait3A_98 = arith.constant 0 : i32
      %dma_wait3A_99 = tpu.memref_slice %arg11[%run_scoped3A_62, %dma_wait3A_98] : memref<16x640xf32, #tpu.memory_space<vmem>> -> memref<1x640xf32, #tpu.memory_space<vmem>>
      %dma_wait3A_100 = tpu.memref_squeeze %dma_wait3A_99 : memref<1x640xf32, #tpu.memory_space<vmem>> -> memref<640xf32, #tpu.memory_space<vmem>>
      %dma_wait3A_101 = tpu.memref_slice %arg12[%run_scoped3A_61, %mul3A_60] : memref<16x10240xf32, #tpu.memory_space<vmem_shared>> -> memref<1x640xf32, #tpu.memory_space<vmem_shared>>
      %dma_wait3A_102 = tpu.memref_squeeze %dma_wait3A_101 : memref<1x640xf32, #tpu.memory_space<vmem_shared>> -> memref<640xf32, #tpu.memory_space<vmem_shared>>
      tpu.wait_dma2 semaphore(%run_scoped3A_84 : memref<!tpu.dma_semaphore, #tpu.memory_space<semaphore_mem>>) src(%dma_wait3A_102 : memref<640xf32, #tpu.memory_space<vmem_shared>>) dst(%dma_wait3A_100 : memref<640xf32, #tpu.memory_space<vmem>>)
      tpu.yield
    }) : () -> ()
    %mul3A_63 = arith.constant 640 : i32
    %mul3A_64 = arith.muli %arg1, %mul3A_63 : i32
    %run_scoped3A_65 = arith.constant 13 : i32
    %run_scoped3A_66 = arith.constant 13 : i32
    "tpu.region"() ({
      %run_scoped3A_84 = tpu.sem_alloc : memref<!tpu.dma_semaphore, #tpu.memory_space<semaphore_mem>>
      %dma_start3A = arith.constant 0 : i32
      %dma_start3A_85 = tpu.memref_slice %arg11[%run_scoped3A_66, %dma_start3A] : memref<16x640xf32, #tpu.memory_space<vmem>> -> memref<1x640xf32, #tpu.memory_space<vmem>>
      %dma_start3A_86 = tpu.memref_squeeze %dma_start3A_85 : memref<1x640xf32, #tpu.memory_space<vmem>> -> memref<640xf32, #tpu.memory_space<vmem>>
      %dma_start3A_87 = tpu.memref_slice %arg12[%run_scoped3A_65, %mul3A_64] : memref<16x10240xf32, #tpu.memory_space<vmem_shared>> -> memref<1x640xf32, #tpu.memory_space<vmem_shared>>
      %dma_start3A_88 = tpu.memref_squeeze %dma_start3A_87 : memref<1x640xf32, #tpu.memory_space<vmem_shared>> -> memref<640xf32, #tpu.memory_space<vmem_shared>>
      %dma_start3A_89 = arith.constant 0 : i32
      %dma_start3A_90 = tpu.memref_slice %arg11[%run_scoped3A_66, %dma_start3A_89] : memref<16x640xf32, #tpu.memory_space<vmem>> -> memref<1x640xf32, #tpu.memory_space<vmem>>
      %dma_start3A_91 = tpu.memref_squeeze %dma_start3A_90 : memref<1x640xf32, #tpu.memory_space<vmem>> -> memref<640xf32, #tpu.memory_space<vmem>>
      %dma_start3A_92 = tpu.memref_slice %arg12[%run_scoped3A_65, %mul3A_64] : memref<16x10240xf32, #tpu.memory_space<vmem_shared>> -> memref<1x640xf32, #tpu.memory_space<vmem_shared>>
      %dma_start3A_93 = tpu.memref_squeeze %dma_start3A_92 : memref<1x640xf32, #tpu.memory_space<vmem_shared>> -> memref<640xf32, #tpu.memory_space<vmem_shared>>
      tpu.enqueue_dma source(%dma_start3A_93 : memref<640xf32, #tpu.memory_space<vmem_shared>>) target(%dma_start3A_91 : memref<640xf32, #tpu.memory_space<vmem>>) target_semaphore(%run_scoped3A_84 : memref<!tpu.dma_semaphore, #tpu.memory_space<semaphore_mem>>)
      %dma_wait3A = arith.constant 0 : i32
      %dma_wait3A_94 = tpu.memref_slice %arg11[%run_scoped3A_66, %dma_wait3A] : memref<16x640xf32, #tpu.memory_space<vmem>> -> memref<1x640xf32, #tpu.memory_space<vmem>>
      %dma_wait3A_95 = tpu.memref_squeeze %dma_wait3A_94 : memref<1x640xf32, #tpu.memory_space<vmem>> -> memref<640xf32, #tpu.memory_space<vmem>>
      %dma_wait3A_96 = tpu.memref_slice %arg12[%run_scoped3A_65, %mul3A_64] : memref<16x10240xf32, #tpu.memory_space<vmem_shared>> -> memref<1x640xf32, #tpu.memory_space<vmem_shared>>
      %dma_wait3A_97 = tpu.memref_squeeze %dma_wait3A_96 : memref<1x640xf32, #tpu.memory_space<vmem_shared>> -> memref<640xf32, #tpu.memory_space<vmem_shared>>
      %dma_wait3A_98 = arith.constant 0 : i32
      %dma_wait3A_99 = tpu.memref_slice %arg11[%run_scoped3A_66, %dma_wait3A_98] : memref<16x640xf32, #tpu.memory_space<vmem>> -> memref<1x640xf32, #tpu.memory_space<vmem>>
      %dma_wait3A_100 = tpu.memref_squeeze %dma_wait3A_99 : memref<1x640xf32, #tpu.memory_space<vmem>> -> memref<640xf32, #tpu.memory_space<vmem>>
      %dma_wait3A_101 = tpu.memref_slice %arg12[%run_scoped3A_65, %mul3A_64] : memref<16x10240xf32, #tpu.memory_space<vmem_shared>> -> memref<1x640xf32, #tpu.memory_space<vmem_shared>>
      %dma_wait3A_102 = tpu.memref_squeeze %dma_wait3A_101 : memref<1x640xf32, #tpu.memory_space<vmem_shared>> -> memref<640xf32, #tpu.memory_space<vmem_shared>>
      tpu.wait_dma2 semaphore(%run_scoped3A_84 : memref<!tpu.dma_semaphore, #tpu.memory_space<semaphore_mem>>) src(%dma_wait3A_102 : memref<640xf32, #tpu.memory_space<vmem_shared>>) dst(%dma_wait3A_100 : memref<640xf32, #tpu.memory_space<vmem>>)
      tpu.yield
    }) : () -> ()
    %mul3A_67 = arith.constant 640 : i32
    %mul3A_68 = arith.muli %arg1, %mul3A_67 : i32
    %run_scoped3A_69 = arith.constant 14 : i32
    %run_scoped3A_70 = arith.constant 14 : i32
    "tpu.region"() ({
      %run_scoped3A_84 = tpu.sem_alloc : memref<!tpu.dma_semaphore, #tpu.memory_space<semaphore_mem>>
      %dma_start3A = arith.constant 0 : i32
      %dma_start3A_85 = tpu.memref_slice %arg11[%run_scoped3A_70, %dma_start3A] : memref<16x640xf32, #tpu.memory_space<vmem>> -> memref<1x640xf32, #tpu.memory_space<vmem>>
      %dma_start3A_86 = tpu.memref_squeeze %dma_start3A_85 : memref<1x640xf32, #tpu.memory_space<vmem>> -> memref<640xf32, #tpu.memory_space<vmem>>
      %dma_start3A_87 = tpu.memref_slice %arg12[%run_scoped3A_69, %mul3A_68] : memref<16x10240xf32, #tpu.memory_space<vmem_shared>> -> memref<1x640xf32, #tpu.memory_space<vmem_shared>>
      %dma_start3A_88 = tpu.memref_squeeze %dma_start3A_87 : memref<1x640xf32, #tpu.memory_space<vmem_shared>> -> memref<640xf32, #tpu.memory_space<vmem_shared>>
      %dma_start3A_89 = arith.constant 0 : i32
      %dma_start3A_90 = tpu.memref_slice %arg11[%run_scoped3A_70, %dma_start3A_89] : memref<16x640xf32, #tpu.memory_space<vmem>> -> memref<1x640xf32, #tpu.memory_space<vmem>>
      %dma_start3A_91 = tpu.memref_squeeze %dma_start3A_90 : memref<1x640xf32, #tpu.memory_space<vmem>> -> memref<640xf32, #tpu.memory_space<vmem>>
      %dma_start3A_92 = tpu.memref_slice %arg12[%run_scoped3A_69, %mul3A_68] : memref<16x10240xf32, #tpu.memory_space<vmem_shared>> -> memref<1x640xf32, #tpu.memory_space<vmem_shared>>
      %dma_start3A_93 = tpu.memref_squeeze %dma_start3A_92 : memref<1x640xf32, #tpu.memory_space<vmem_shared>> -> memref<640xf32, #tpu.memory_space<vmem_shared>>
      tpu.enqueue_dma source(%dma_start3A_93 : memref<640xf32, #tpu.memory_space<vmem_shared>>) target(%dma_start3A_91 : memref<640xf32, #tpu.memory_space<vmem>>) target_semaphore(%run_scoped3A_84 : memref<!tpu.dma_semaphore, #tpu.memory_space<semaphore_mem>>)
      %dma_wait3A = arith.constant 0 : i32
      %dma_wait3A_94 = tpu.memref_slice %arg11[%run_scoped3A_70, %dma_wait3A] : memref<16x640xf32, #tpu.memory_space<vmem>> -> memref<1x640xf32, #tpu.memory_space<vmem>>
      %dma_wait3A_95 = tpu.memref_squeeze %dma_wait3A_94 : memref<1x640xf32, #tpu.memory_space<vmem>> -> memref<640xf32, #tpu.memory_space<vmem>>
      %dma_wait3A_96 = tpu.memref_slice %arg12[%run_scoped3A_69, %mul3A_68] : memref<16x10240xf32, #tpu.memory_space<vmem_shared>> -> memref<1x640xf32, #tpu.memory_space<vmem_shared>>
      %dma_wait3A_97 = tpu.memref_squeeze %dma_wait3A_96 : memref<1x640xf32, #tpu.memory_space<vmem_shared>> -> memref<640xf32, #tpu.memory_space<vmem_shared>>
      %dma_wait3A_98 = arith.constant 0 : i32
      %dma_wait3A_99 = tpu.memref_slice %arg11[%run_scoped3A_70, %dma_wait3A_98] : memref<16x640xf32, #tpu.memory_space<vmem>> -> memref<1x640xf32, #tpu.memory_space<vmem>>
      %dma_wait3A_100 = tpu.memref_squeeze %dma_wait3A_99 : memref<1x640xf32, #tpu.memory_space<vmem>> -> memref<640xf32, #tpu.memory_space<vmem>>
      %dma_wait3A_101 = tpu.memref_slice %arg12[%run_scoped3A_69, %mul3A_68] : memref<16x10240xf32, #tpu.memory_space<vmem_shared>> -> memref<1x640xf32, #tpu.memory_space<vmem_shared>>
      %dma_wait3A_102 = tpu.memref_squeeze %dma_wait3A_101 : memref<1x640xf32, #tpu.memory_space<vmem_shared>> -> memref<640xf32, #tpu.memory_space<vmem_shared>>
      tpu.wait_dma2 semaphore(%run_scoped3A_84 : memref<!tpu.dma_semaphore, #tpu.memory_space<semaphore_mem>>) src(%dma_wait3A_102 : memref<640xf32, #tpu.memory_space<vmem_shared>>) dst(%dma_wait3A_100 : memref<640xf32, #tpu.memory_space<vmem>>)
      tpu.yield
    }) : () -> ()
    %mul3A_71 = arith.constant 640 : i32
    %mul3A_72 = arith.muli %arg1, %mul3A_71 : i32
    %run_scoped3A_73 = arith.constant 15 : i32
    %run_scoped3A_74 = arith.constant 15 : i32
    "tpu.region"() ({
      %run_scoped3A_84 = tpu.sem_alloc : memref<!tpu.dma_semaphore, #tpu.memory_space<semaphore_mem>>
      %dma_start3A = arith.constant 0 : i32
      %dma_start3A_85 = tpu.memref_slice %arg11[%run_scoped3A_74, %dma_start3A] : memref<16x640xf32, #tpu.memory_space<vmem>> -> memref<1x640xf32, #tpu.memory_space<vmem>>
      %dma_start3A_86 = tpu.memref_squeeze %dma_start3A_85 : memref<1x640xf32, #tpu.memory_space<vmem>> -> memref<640xf32, #tpu.memory_space<vmem>>
      %dma_start3A_87 = tpu.memref_slice %arg12[%run_scoped3A_73, %mul3A_72] : memref<16x10240xf32, #tpu.memory_space<vmem_shared>> -> memref<1x640xf32, #tpu.memory_space<vmem_shared>>
      %dma_start3A_88 = tpu.memref_squeeze %dma_start3A_87 : memref<1x640xf32, #tpu.memory_space<vmem_shared>> -> memref<640xf32, #tpu.memory_space<vmem_shared>>
      %dma_start3A_89 = arith.constant 0 : i32
      %dma_start3A_90 = tpu.memref_slice %arg11[%run_scoped3A_74, %dma_start3A_89] : memref<16x640xf32, #tpu.memory_space<vmem>> -> memref<1x640xf32, #tpu.memory_space<vmem>>
      %dma_start3A_91 = tpu.memref_squeeze %dma_start3A_90 : memref<1x640xf32, #tpu.memory_space<vmem>> -> memref<640xf32, #tpu.memory_space<vmem>>
      %dma_start3A_92 = tpu.memref_slice %arg12[%run_scoped3A_73, %mul3A_72] : memref<16x10240xf32, #tpu.memory_space<vmem_shared>> -> memref<1x640xf32, #tpu.memory_space<vmem_shared>>
      %dma_start3A_93 = tpu.memref_squeeze %dma_start3A_92 : memref<1x640xf32, #tpu.memory_space<vmem_shared>> -> memref<640xf32, #tpu.memory_space<vmem_shared>>
      tpu.enqueue_dma source(%dma_start3A_93 : memref<640xf32, #tpu.memory_space<vmem_shared>>) target(%dma_start3A_91 : memref<640xf32, #tpu.memory_space<vmem>>) target_semaphore(%run_scoped3A_84 : memref<!tpu.dma_semaphore, #tpu.memory_space<semaphore_mem>>)
      %dma_wait3A = arith.constant 0 : i32
      %dma_wait3A_94 = tpu.memref_slice %arg11[%run_scoped3A_74, %dma_wait3A] : memref<16x640xf32, #tpu.memory_space<vmem>> -> memref<1x640xf32, #tpu.memory_space<vmem>>
      %dma_wait3A_95 = tpu.memref_squeeze %dma_wait3A_94 : memref<1x640xf32, #tpu.memory_space<vmem>> -> memref<640xf32, #tpu.memory_space<vmem>>
      %dma_wait3A_96 = tpu.memref_slice %arg12[%run_scoped3A_73, %mul3A_72] : memref<16x10240xf32, #tpu.memory_space<vmem_shared>> -> memref<1x640xf32, #tpu.memory_space<vmem_shared>>
      %dma_wait3A_97 = tpu.memref_squeeze %dma_wait3A_96 : memref<1x640xf32, #tpu.memory_space<vmem_shared>> -> memref<640xf32, #tpu.memory_space<vmem_shared>>
      %dma_wait3A_98 = arith.constant 0 : i32
      %dma_wait3A_99 = tpu.memref_slice %arg11[%run_scoped3A_74, %dma_wait3A_98] : memref<16x640xf32, #tpu.memory_space<vmem>> -> memref<1x640xf32, #tpu.memory_space<vmem>>
      %dma_wait3A_100 = tpu.memref_squeeze %dma_wait3A_99 : memref<1x640xf32, #tpu.memory_space<vmem>> -> memref<640xf32, #tpu.memory_space<vmem>>
      %dma_wait3A_101 = tpu.memref_slice %arg12[%run_scoped3A_73, %mul3A_72] : memref<16x10240xf32, #tpu.memory_space<vmem_shared>> -> memref<1x640xf32, #tpu.memory_space<vmem_shared>>
      %dma_wait3A_102 = tpu.memref_squeeze %dma_wait3A_101 : memref<1x640xf32, #tpu.memory_space<vmem_shared>> -> memref<640xf32, #tpu.memory_space<vmem_shared>>
      tpu.wait_dma2 semaphore(%run_scoped3A_84 : memref<!tpu.dma_semaphore, #tpu.memory_space<semaphore_mem>>) src(%dma_wait3A_102 : memref<640xf32, #tpu.memory_space<vmem_shared>>) dst(%dma_wait3A_100 : memref<640xf32, #tpu.memory_space<vmem>>)
      tpu.yield
    }) : () -> ()
    %scan3A_75 = arith.constant 0 : i32
    %scan3A_76 = arith.constant 40 : i32
    %scan3A_77 = arith.addi %scan3A_75, %scan3A_76 : i32
    %scan3A_78 = arith.constant 1 : i32
    scf.for %scan3A_84 = %scan3A_75 to %scan3A_77 step %scan3A_78  : i32 {
      %mul3A_85 = arith.constant 1 : i32
      %mul3A_86 = arith.muli %scan3A_84, %mul3A_85 : i32
      %add3A_87 = arith.constant 0 : i32
      %add3A_88 = arith.addi %add3A_87, %mul3A_86 : i32
      %mul3A_89 = arith.constant 16 : i32
      %mul3A_90 = arith.muli %add3A_88, %mul3A_89 : i32
      %get3A = arith.constant 0 : i32
      %get3A_91 = arith.index_cast %get3A : i32 to index
      %get3A_92 = arith.index_cast %mul3A_90 : i32 to index
      %get3A_93 = tpu.vector_load %arg11[%get3A_91, %get3A_92] {strides = array<i32>} : memref<16x640xf32, #tpu.memory_space<vmem>>, vector<16xf32>,
      %mul3A_94 = arith.constant 16 : i32
      %mul3A_95 = arith.muli %add3A_88, %mul3A_94 : i32
      %get3A_96 = arith.constant 1 : i32
      %get3A_97 = arith.index_cast %get3A_96 : i32 to index
      %get3A_98 = arith.index_cast %mul3A_95 : i32 to index
      %get3A_99 = tpu.vector_load %arg11[%get3A_97, %get3A_98] {strides = array<i32>} : memref<16x640xf32, #tpu.memory_space<vmem>>, vector<16xf32>,
      %add3A_100 = arith.addf %get3A_93, %get3A_99 : vector<16xf32>
      %mul3A_101 = arith.constant 16 : i32
      %mul3A_102 = arith.muli %add3A_88, %mul3A_101 : i32
      %get3A_103 = arith.constant 2 : i32
      %get3A_104 = arith.index_cast %get3A_103 : i32 to index
      %get3A_105 = arith.index_cast %mul3A_102 : i32 to index
      %get3A_106 = tpu.vector_load %arg11[%get3A_104, %get3A_105] {strides = array<i32>} : memref<16x640xf32, #tpu.memory_space<vmem>>, vector<16xf32>,
      %add3A_107 = arith.addf %add3A_100, %get3A_106 : vector<16xf32>
      %mul3A_108 = arith.constant 16 : i32
      %mul3A_109 = arith.muli %add3A_88, %mul3A_108 : i32
      %get3A_110 = arith.constant 3 : i32
      %get3A_111 = arith.index_cast %get3A_110 : i32 to index
      %get3A_112 = arith.index_cast %mul3A_109 : i32 to index
      %get3A_113 = tpu.vector_load %arg11[%get3A_111, %get3A_112] {strides = array<i32>} : memref<16x640xf32, #tpu.memory_space<vmem>>, vector<16xf32>,
      %add3A_114 = arith.addf %add3A_107, %get3A_113 : vector<16xf32>
      %mul3A_115 = arith.constant 16 : i32
      %mul3A_116 = arith.muli %add3A_88, %mul3A_115 : i32
      %get3A_117 = arith.constant 4 : i32
      %get3A_118 = arith.index_cast %get3A_117 : i32 to index
      %get3A_119 = arith.index_cast %mul3A_116 : i32 to index
      %get3A_120 = tpu.vector_load %arg11[%get3A_118, %get3A_119] {strides = array<i32>} : memref<16x640xf32, #tpu.memory_space<vmem>>, vector<16xf32>,
      %add3A_121 = arith.addf %add3A_114, %get3A_120 : vector<16xf32>
      %mul3A_122 = arith.constant 16 : i32
      %mul3A_123 = arith.muli %add3A_88, %mul3A_122 : i32
      %get3A_124 = arith.constant 5 : i32
      %get3A_125 = arith.index_cast %get3A_124 : i32 to index
      %get3A_126 = arith.index_cast %mul3A_123 : i32 to index
      %get3A_127 = tpu.vector_load %arg11[%get3A_125, %get3A_126] {strides = array<i32>} : memref<16x640xf32, #tpu.memory_space<vmem>>, vector<16xf32>,
      %add3A_128 = arith.addf %add3A_121, %get3A_127 : vector<16xf32>
      %mul3A_129 = arith.constant 16 : i32
      %mul3A_130 = arith.muli %add3A_88, %mul3A_129 : i32
      %get3A_131 = arith.constant 6 : i32
      %get3A_132 = arith.index_cast %get3A_131 : i32 to index
      %get3A_133 = arith.index_cast %mul3A_130 : i32 to index
      %get3A_134 = tpu.vector_load %arg11[%get3A_132, %get3A_133] {strides = array<i32>} : memref<16x640xf32, #tpu.memory_space<vmem>>, vector<16xf32>,
      %add3A_135 = arith.addf %add3A_128, %get3A_134 : vector<16xf32>
      %mul3A_136 = arith.constant 16 : i32
      %mul3A_137 = arith.muli %add3A_88, %mul3A_136 : i32
      %get3A_138 = arith.constant 7 : i32
      %get3A_139 = arith.index_cast %get3A_138 : i32 to index
      %get3A_140 = arith.index_cast %mul3A_137 : i32 to index
      %get3A_141 = tpu.vector_load %arg11[%get3A_139, %get3A_140] {strides = array<i32>} : memref<16x640xf32, #tpu.memory_space<vmem>>, vector<16xf32>,
      %add3A_142 = arith.addf %add3A_135, %get3A_141 : vector<16xf32>
      %mul3A_143 = arith.constant 16 : i32
      %mul3A_144 = arith.muli %add3A_88, %mul3A_143 : i32
      %get3A_145 = arith.constant 8 : i32
      %get3A_146 = arith.index_cast %get3A_145 : i32 to index
      %get3A_147 = arith.index_cast %mul3A_144 : i32 to index
      %get3A_148 = tpu.vector_load %arg11[%get3A_146, %get3A_147] {strides = array<i32>} : memref<16x640xf32, #tpu.memory_space<vmem>>, vector<16xf32>,
      %add3A_149 = arith.addf %add3A_142, %get3A_148 : vector<16xf32>
      %mul3A_150 = arith.constant 16 : i32
      %mul3A_151 = arith.muli %add3A_88, %mul3A_150 : i32
      %get3A_152 = arith.constant 9 : i32
      %get3A_153 = arith.index_cast %get3A_152 : i32 to index
      %get3A_154 = arith.index_cast %mul3A_151 : i32 to index
      %get3A_155 = tpu.vector_load %arg11[%get3A_153, %get3A_154] {strides = array<i32>} : memref<16x640xf32, #tpu.memory_space<vmem>>, vector<16xf32>,
      %add3A_156 = arith.addf %add3A_149, %get3A_155 : vector<16xf32>
      %mul3A_157 = arith.constant 16 : i32
      %mul3A_158 = arith.muli %add3A_88, %mul3A_157 : i32
      %get3A_159 = arith.constant 10 : i32
      %get3A_160 = arith.index_cast %get3A_159 : i32 to index
      %get3A_161 = arith.index_cast %mul3A_158 : i32 to index
      %get3A_162 = tpu.vector_load %arg11[%get3A_160, %get3A_161] {strides = array<i32>} : memref<16x640xf32, #tpu.memory_space<vmem>>, vector<16xf32>,
      %add3A_163 = arith.addf %add3A_156, %get3A_162 : vector<16xf32>
      %mul3A_164 = arith.constant 16 : i32
      %mul3A_165 = arith.muli %add3A_88, %mul3A_164 : i32
      %get3A_166 = arith.constant 11 : i32
      %get3A_167 = arith.index_cast %get3A_166 : i32 to index
      %get3A_168 = arith.index_cast %mul3A_165 : i32 to index
      %get3A_169 = tpu.vector_load %arg11[%get3A_167, %get3A_168] {strides = array<i32>} : memref<16x640xf32, #tpu.memory_space<vmem>>, vector<16xf32>,
      %add3A_170 = arith.addf %add3A_163, %get3A_169 : vector<16xf32>
      %mul3A_171 = arith.constant 16 : i32
      %mul3A_172 = arith.muli %add3A_88, %mul3A_171 : i32
      %get3A_173 = arith.constant 12 : i32
      %get3A_174 = arith.index_cast %get3A_173 : i32 to index
      %get3A_175 = arith.index_cast %mul3A_172 : i32 to index
      %get3A_176 = tpu.vector_load %arg11[%get3A_174, %get3A_175] {strides = array<i32>} : memref<16x640xf32, #tpu.memory_space<vmem>>, vector<16xf32>,
      %add3A_177 = arith.addf %add3A_170, %get3A_176 : vector<16xf32>
      %mul3A_178 = arith.constant 16 : i32
      %mul3A_179 = arith.muli %add3A_88, %mul3A_178 : i32
      %get3A_180 = arith.constant 13 : i32
      %get3A_181 = arith.index_cast %get3A_180 : i32 to index
      %get3A_182 = arith.index_cast %mul3A_179 : i32 to index
      %get3A_183 = tpu.vector_load %arg11[%get3A_181, %get3A_182] {strides = array<i32>} : memref<16x640xf32, #tpu.memory_space<vmem>>, vector<16xf32>,
      %add3A_184 = arith.addf %add3A_177, %get3A_183 : vector<16xf32>
      %mul3A_185 = arith.constant 16 : i32
      %mul3A_186 = arith.muli %add3A_88, %mul3A_185 : i32
      %get3A_187 = arith.constant 14 : i32
      %get3A_188 = arith.index_cast %get3A_187 : i32 to index
      %get3A_189 = arith.index_cast %mul3A_186 : i32 to index
      %get3A_190 = tpu.vector_load %arg11[%get3A_188, %get3A_189] {strides = array<i32>} : memref<16x640xf32, #tpu.memory_space<vmem>>, vector<16xf32>,
      %add3A_191 = arith.addf %add3A_184, %get3A_190 : vector<16xf32>
      %mul3A_192 = arith.constant 16 : i32
      %mul3A_193 = arith.muli %add3A_88, %mul3A_192 : i32
      %get3A_194 = arith.constant 15 : i32
      %get3A_195 = arith.index_cast %get3A_194 : i32 to index
      %get3A_196 = arith.index_cast %mul3A_193 : i32 to index
      %get3A_197 = tpu.vector_load %arg11[%get3A_195, %get3A_196] {strides = array<i32>} : memref<16x640xf32, #tpu.memory_space<vmem>>, vector<16xf32>,
      %add3A_198 = arith.addf %add3A_191, %get3A_197 : vector<16xf32>
      %mul3A_199 = arith.constant 16 : i32
      %mul3A_200 = arith.muli %add3A_88, %mul3A_199 : i32
      %swap3A = arith.index_cast %mul3A_200 : i32 to index
      %swap3A_201 = tpu.vector_load %arg10[%swap3A] {strides = array<i32>} : memref<640xf32, #tpu.memory_space<vmem>>, vector<16xf32>,
      tpu.vector_store %arg10[%swap3A], %add3A_198 {strides = array<i32>} : memref<640xf32, #tpu.memory_space<vmem>>, vector<16xf32>,
    }
    %scan3A_79 = arith.constant 40 : i32
    %mul3A_80 = arith.constant 10240 : i32
    %mul3A_81 = arith.muli %arg0, %mul3A_80 : i32
    %mul3A_82 = arith.constant 640 : i32
    %mul3A_83 = arith.muli %arg1, %mul3A_82 : i32
    %add3A = arith.addi %mul3A_81, %mul3A_83 : i32
    "tpu.region"() ({
      %run_scoped3A_84 = tpu.sem_alloc : memref<!tpu.dma_semaphore, #tpu.memory_space<semaphore_mem>>
      %dma_start3A = tpu.memref_slice %arg5[%add3A] : memref<20480xf32, #tpu.memory_space<hbm>> -> memref<640xf32, #tpu.memory_space<hbm>>
      %dma_start3A_85 = tpu.memref_slice %arg5[%add3A] : memref<20480xf32, #tpu.memory_space<hbm>> -> memref<640xf32, #tpu.memory_space<hbm>>
      tpu.enqueue_dma source(%arg10 : memref<640xf32, #tpu.memory_space<vmem>>) target(%dma_start3A_85 : memref<640xf32, #tpu.memory_space<hbm>>) target_semaphore(%run_scoped3A_84 : memref<!tpu.dma_semaphore, #tpu.memory_space<semaphore_mem>>)
      %dma_wait3A = tpu.memref_slice %arg5[%add3A] : memref<20480xf32, #tpu.memory_space<hbm>> -> memref<640xf32, #tpu.memory_space<hbm>>
      %dma_wait3A_86 = tpu.memref_slice %arg5[%add3A] : memref<20480xf32, #tpu.memory_space<hbm>> -> memref<640xf32, #tpu.memory_space<hbm>>
      tpu.wait_dma2 semaphore(%run_scoped3A_84 : memref<!tpu.dma_semaphore, #tpu.memory_space<semaphore_mem>>) src(%arg10 : memref<640xf32, #tpu.memory_space<vmem>>) dst(%dma_wait3A_86 : memref<640xf32, #tpu.memory_space<hbm>>)
      tpu.yield
    }) : () -> ()
    return
  }
}

#map = affine_map<(d0, d1) -> (0, 0)>
#map1 = affine_map<(d0, d1) -> (0)>
module attributes {stable_mosaic.version = 14 : i64} {
  func.func @_sc_pool_body(%arg0: i32, %arg1: i32, %arg2: memref<20480x128xf32, #tpu.memory_space<hbm>>, %arg3: memref<163840xi32, #tpu.memory_space<hbm>>, %arg4: memref<163840xi32, #tpu.memory_space<hbm>>, %arg5: memref<10240xi32, #tpu.memory_space<hbm>>, %arg6: memref<128x128xf32, #tpu.memory_space<hbm>>, %arg7: memref<72x128xf32, #tpu.memory_space<hbm>>, %arg8: memref<384x128xf32, #tpu.memory_space<hbm>>, %arg9: memref<72x128xf32, #tpu.memory_space<vmem_shared>>, %arg10: memref<72x128xf32, #tpu.memory_space<vmem_shared>>, %arg11: memref<72x128xf32, #tpu.memory_space<vmem_shared>>, %arg12: memref<10240xi32, #tpu.memory_space<vmem>>, %arg13: memref<256xi32, #tpu.memory_space<vmem>>, %arg14: memref<256xi32, #tpu.memory_space<vmem>>, %arg15: memref<256xi32, #tpu.memory_space<vmem>>, %arg16: memref<256xi32, #tpu.memory_space<vmem>>, %arg17: memref<256xi32, #tpu.memory_space<vmem>>, %arg18: memref<256xi32, #tpu.memory_space<vmem>>, %arg19: memref<128xi32, #tpu.memory_space<vmem>>, %arg20: memref<128xi32, #tpu.memory_space<vmem>>, %arg21: memref<128xi32, #tpu.memory_space<vmem>>, %arg22: memref<128xi32, #tpu.memory_space<vmem>>, %arg23: memref<128xi32, #tpu.memory_space<vmem>>, %arg24: memref<256x128xf32, #tpu.memory_space<vmem>>, %arg25: memref<256x128xf32, #tpu.memory_space<vmem>>, %arg26: memref<!tpu.dma_semaphore, #tpu.memory_space<semaphore_mem>>, %arg27: memref<!tpu.dma_semaphore, #tpu.memory_space<semaphore_mem>>, %arg28: memref<!tpu.dma_semaphore, #tpu.memory_space<semaphore_mem>>, %arg29: memref<!tpu.dma_semaphore, #tpu.memory_space<semaphore_mem>>) attributes {dimension_semantics = [#tpu.dimension_semantics<core_parallel>, #tpu.dimension_semantics<subcore_parallel>], iteration_bounds = array<i64: 2, 16>, scalar_prefetch = 0 : i64, scratch_operands = 21 : i64, tpu.core_type = #tpu.core_type<sc_vector_subcore>, window_params = [{transform_indices = #map}, {transform_indices = #map1}, {transform_indices = #map1}, {transform_indices = #map1}, {transform_indices = #map}, {transform_indices = #map}, {transform_indices = #map}]} {
    %mul3A = arith.constant 10240 : i32
    %mul3A_0 = arith.muli %arg0, %mul3A : i32
    %eq3A = arith.constant 0 : i32
    %eq3A_1 = arith.cmpi eq, %arg1, %eq3A : i32
    %convert_element_type3A = arith.extui %eq3A_1 : i1 to i32
    %cond3A = arith.constant 0 : i32
    %cond3A_2 = arith.cmpi ne, %convert_element_type3A, %cond3A : i32
    scf.if %cond3A_2 {
      "tpu.region"() ({
        %run_scoped3A = tpu.sem_alloc : memref<!tpu.dma_semaphore, #tpu.memory_space<semaphore_mem>>
        tpu.enqueue_dma source(%arg7 : memref<72x128xf32, #tpu.memory_space<hbm>>) target(%arg9 : memref<72x128xf32, #tpu.memory_space<vmem_shared>>) target_semaphore(%run_scoped3A : memref<!tpu.dma_semaphore, #tpu.memory_space<semaphore_mem>>)
        tpu.wait_dma2 semaphore(%run_scoped3A : memref<!tpu.dma_semaphore, #tpu.memory_space<semaphore_mem>>) src(%arg7 : memref<72x128xf32, #tpu.memory_space<hbm>>) dst(%arg9 : memref<72x128xf32, #tpu.memory_space<vmem_shared>>)
        tpu.yield
      }) : () -> ()
    } else {
    }
    %eq3A_3 = arith.constant 1 : i32
    %eq3A_4 = arith.cmpi eq, %arg1, %eq3A_3 : i32
    %convert_element_type3A_5 = arith.extui %eq3A_4 : i1 to i32
    %cond3A_6 = arith.constant 0 : i32
    %cond3A_7 = arith.cmpi ne, %convert_element_type3A_5, %cond3A_6 : i32
    scf.if %cond3A_7 {
      "tpu.region"() ({
        %run_scoped3A = tpu.sem_alloc : memref<!tpu.dma_semaphore, #tpu.memory_space<semaphore_mem>>
        tpu.enqueue_dma source(%arg7 : memref<72x128xf32, #tpu.memory_space<hbm>>) target(%arg10 : memref<72x128xf32, #tpu.memory_space<vmem_shared>>) target_semaphore(%run_scoped3A : memref<!tpu.dma_semaphore, #tpu.memory_space<semaphore_mem>>)
        tpu.wait_dma2 semaphore(%run_scoped3A : memref<!tpu.dma_semaphore, #tpu.memory_space<semaphore_mem>>) src(%arg7 : memref<72x128xf32, #tpu.memory_space<hbm>>) dst(%arg10 : memref<72x128xf32, #tpu.memory_space<vmem_shared>>)
        tpu.yield
      }) : () -> ()
    } else {
    }
    %eq3A_8 = arith.constant 2 : i32
    %eq3A_9 = arith.cmpi eq, %arg1, %eq3A_8 : i32
    %convert_element_type3A_10 = arith.extui %eq3A_9 : i1 to i32
    %cond3A_11 = arith.constant 0 : i32
    %cond3A_12 = arith.cmpi ne, %convert_element_type3A_10, %cond3A_11 : i32
    scf.if %cond3A_12 {
      "tpu.region"() ({
        %run_scoped3A = tpu.sem_alloc : memref<!tpu.dma_semaphore, #tpu.memory_space<semaphore_mem>>
        tpu.enqueue_dma source(%arg7 : memref<72x128xf32, #tpu.memory_space<hbm>>) target(%arg11 : memref<72x128xf32, #tpu.memory_space<vmem_shared>>) target_semaphore(%run_scoped3A : memref<!tpu.dma_semaphore, #tpu.memory_space<semaphore_mem>>)
        tpu.wait_dma2 semaphore(%run_scoped3A : memref<!tpu.dma_semaphore, #tpu.memory_space<semaphore_mem>>) src(%arg7 : memref<72x128xf32, #tpu.memory_space<hbm>>) dst(%arg11 : memref<72x128xf32, #tpu.memory_space<vmem_shared>>)
        tpu.yield
      }) : () -> ()
    } else {
    }
    "tpu.region"() ({
      %run_scoped3A = tpu.sem_alloc : memref<!tpu.dma_semaphore, #tpu.memory_space<semaphore_mem>>
      tpu.enqueue_dma source(%arg5 : memref<10240xi32, #tpu.memory_space<hbm>>) target(%arg12 : memref<10240xi32, #tpu.memory_space<vmem>>) target_semaphore(%run_scoped3A : memref<!tpu.dma_semaphore, #tpu.memory_space<semaphore_mem>>)
      tpu.wait_dma2 semaphore(%run_scoped3A : memref<!tpu.dma_semaphore, #tpu.memory_space<semaphore_mem>>) src(%arg5 : memref<10240xi32, #tpu.memory_space<hbm>>) dst(%arg12 : memref<10240xi32, #tpu.memory_space<vmem>>)
      tpu.yield
    }) : () -> ()
    %barrier3A = arith.constant 0 : index
    tpu.barrier barrier_id(%barrier3A)
    %mul3A_13 = arith.constant 10240 : i32
    %mul3A_14 = arith.muli %arg1, %mul3A_13 : i32
    %add3A = arith.constant 0 : i32
    %add3A_15 = arith.addi %mul3A_14, %add3A : i32
    "tpu.region"() ({
      %run_scoped3A = tpu.sem_alloc : memref<!tpu.dma_semaphore, #tpu.memory_space<semaphore_mem>>
      %dma_start3A_115 = tpu.memref_slice %arg3[%add3A_15] : memref<163840xi32, #tpu.memory_space<hbm>> -> memref<256xi32, #tpu.memory_space<hbm>>
      %dma_start3A_116 = tpu.memref_slice %arg3[%add3A_15] : memref<163840xi32, #tpu.memory_space<hbm>> -> memref<256xi32, #tpu.memory_space<hbm>>
      tpu.enqueue_dma source(%dma_start3A_116 : memref<256xi32, #tpu.memory_space<hbm>>) target(%arg13 : memref<256xi32, #tpu.memory_space<vmem>>) target_semaphore(%run_scoped3A : memref<!tpu.dma_semaphore, #tpu.memory_space<semaphore_mem>>)
      %dma_wait3A_117 = tpu.memref_slice %arg3[%add3A_15] : memref<163840xi32, #tpu.memory_space<hbm>> -> memref<256xi32, #tpu.memory_space<hbm>>
      %dma_wait3A_118 = tpu.memref_slice %arg3[%add3A_15] : memref<163840xi32, #tpu.memory_space<hbm>> -> memref<256xi32, #tpu.memory_space<hbm>>
      tpu.wait_dma2 semaphore(%run_scoped3A : memref<!tpu.dma_semaphore, #tpu.memory_space<semaphore_mem>>) src(%dma_wait3A_118 : memref<256xi32, #tpu.memory_space<hbm>>) dst(%arg13 : memref<256xi32, #tpu.memory_space<vmem>>)
      tpu.yield
    }) : () -> ()
    "tpu.region"() ({
      %run_scoped3A = tpu.sem_alloc : memref<!tpu.dma_semaphore, #tpu.memory_space<semaphore_mem>>
      %dma_start3A_115 = tpu.memref_slice %arg4[%add3A_15] : memref<163840xi32, #tpu.memory_space<hbm>> -> memref<256xi32, #tpu.memory_space<hbm>>
      %dma_start3A_116 = tpu.memref_slice %arg4[%add3A_15] : memref<163840xi32, #tpu.memory_space<hbm>> -> memref<256xi32, #tpu.memory_space<hbm>>
      tpu.enqueue_dma source(%dma_start3A_116 : memref<256xi32, #tpu.memory_space<hbm>>) target(%arg14 : memref<256xi32, #tpu.memory_space<vmem>>) target_semaphore(%run_scoped3A : memref<!tpu.dma_semaphore, #tpu.memory_space<semaphore_mem>>)
      %dma_wait3A_117 = tpu.memref_slice %arg4[%add3A_15] : memref<163840xi32, #tpu.memory_space<hbm>> -> memref<256xi32, #tpu.memory_space<hbm>>
      %dma_wait3A_118 = tpu.memref_slice %arg4[%add3A_15] : memref<163840xi32, #tpu.memory_space<hbm>> -> memref<256xi32, #tpu.memory_space<hbm>>
      tpu.wait_dma2 semaphore(%run_scoped3A : memref<!tpu.dma_semaphore, #tpu.memory_space<semaphore_mem>>) src(%dma_wait3A_118 : memref<256xi32, #tpu.memory_space<hbm>>) dst(%arg14 : memref<256xi32, #tpu.memory_space<vmem>>)
      tpu.yield
    }) : () -> ()
    %scan3A = arith.constant 0 : i32
    %scan3A_16 = arith.constant 16 : i32
    %scan3A_17 = arith.addi %scan3A, %scan3A_16 : i32
    %scan3A_18 = arith.constant 1 : i32
    scf.for %scan3A_115 = %scan3A to %scan3A_17 step %scan3A_18  : i32 {
      %mul3A_116 = arith.constant 1 : i32
      %mul3A_117 = arith.muli %scan3A_115, %mul3A_116 : i32
      %add3A_118 = arith.constant 0 : i32
      %add3A_119 = arith.addi %add3A_118, %mul3A_117 : i32
      %mul3A_120 = arith.constant 16 : i32
      %mul3A_121 = arith.muli %add3A_119, %mul3A_120 : i32
      %get3A = arith.index_cast %mul3A_121 : i32 to index
      %get3A_122 = tpu.vector_load %arg14[%get3A] {strides = array<i32>} : memref<256xi32, #tpu.memory_space<vmem>>, vector<16xi32>,
      %gather3A = tpu.vector_load_idx %arg12[%get3A_122] : memref<10240xi32, #tpu.memory_space<vmem>>[vector<16xi32>], vector<16xi32>,
      %mul3A_123 = arith.constant 16 : i32
      %mul3A_124 = arith.muli %add3A_119, %mul3A_123 : i32
      %swap3A = arith.index_cast %mul3A_124 : i32 to index
      %swap3A_125 = tpu.vector_load %arg17[%swap3A] {strides = array<i32>} : memref<256xi32, #tpu.memory_space<vmem>>, vector<16xi32>,
      tpu.vector_store %arg17[%swap3A], %gather3A {strides = array<i32>} : memref<256xi32, #tpu.memory_space<vmem>>, vector<16xi32>,
      %mul3A_126 = arith.constant 16 : i32
      %mul3A_127 = arith.muli %add3A_119, %mul3A_126 : i32
      %get3A_128 = arith.index_cast %mul3A_127 : i32 to index
      %get3A_129 = tpu.vector_load %arg13[%get3A_128] {strides = array<i32>} : memref<256xi32, #tpu.memory_space<vmem>>, vector<16xi32>,
      %add3A_130 = vector.broadcast %mul3A_0 : i32 to vector<16xi32>
      %add3A_131 = arith.addi %get3A_129, %add3A_130 : vector<16xi32>
      %mul3A_132 = arith.constant 16 : i32
      %mul3A_133 = arith.muli %add3A_119, %mul3A_132 : i32
      %swap3A_134 = arith.index_cast %mul3A_133 : i32 to index
      %swap3A_135 = tpu.vector_load %arg13[%swap3A_134] {strides = array<i32>} : memref<256xi32, #tpu.memory_space<vmem>>, vector<16xi32>,
      tpu.vector_store %arg13[%swap3A_134], %add3A_131 {strides = array<i32>} : memref<256xi32, #tpu.memory_space<vmem>>, vector<16xi32>,
    }
    %scan3A_19 = arith.constant 16 : i32
    %dma_start3A = arith.constant 0 : i32
    %dma_start3A_20 = arith.constant 0 : i32
    %dma_start3A_21 = tpu.memref_slice %arg2[%dma_start3A, %dma_start3A_20] : memref<20480x128xf32, #tpu.memory_space<hbm>> -> memref<20480x128xf32, #tpu.memory_space<hbm>>
    tpu.enqueue_indirect_dma source(%dma_start3A_21 : memref<20480x128xf32, #tpu.memory_space<hbm>>) target(%arg24 : memref<256x128xf32, #tpu.memory_space<vmem>>) offsets(%arg13 : memref<256xi32, #tpu.memory_space<vmem>>) semaphore(%arg26 : memref<!tpu.dma_semaphore, #tpu.memory_space<semaphore_mem>>)
    %mul3A_22 = arith.constant 10240 : i32
    %mul3A_23 = arith.muli %arg1, %mul3A_22 : i32
    %add3A_24 = arith.constant 256 : i32
    %add3A_25 = arith.addi %mul3A_23, %add3A_24 : i32
    "tpu.region"() ({
      %run_scoped3A = tpu.sem_alloc : memref<!tpu.dma_semaphore, #tpu.memory_space<semaphore_mem>>
      %dma_start3A_115 = tpu.memref_slice %arg3[%add3A_25] : memref<163840xi32, #tpu.memory_space<hbm>> -> memref<256xi32, #tpu.memory_space<hbm>>
      %dma_start3A_116 = tpu.memref_slice %arg3[%add3A_25] : memref<163840xi32, #tpu.memory_space<hbm>> -> memref<256xi32, #tpu.memory_space<hbm>>
      tpu.enqueue_dma source(%dma_start3A_116 : memref<256xi32, #tpu.memory_space<hbm>>) target(%arg15 : memref<256xi32, #tpu.memory_space<vmem>>) target_semaphore(%run_scoped3A : memref<!tpu.dma_semaphore, #tpu.memory_space<semaphore_mem>>)
      %dma_wait3A_117 = tpu.memref_slice %arg3[%add3A_25] : memref<163840xi32, #tpu.memory_space<hbm>> -> memref<256xi32, #tpu.memory_space<hbm>>
      %dma_wait3A_118 = tpu.memref_slice %arg3[%add3A_25] : memref<163840xi32, #tpu.memory_space<hbm>> -> memref<256xi32, #tpu.memory_space<hbm>>
      tpu.wait_dma2 semaphore(%run_scoped3A : memref<!tpu.dma_semaphore, #tpu.memory_space<semaphore_mem>>) src(%dma_wait3A_118 : memref<256xi32, #tpu.memory_space<hbm>>) dst(%arg15 : memref<256xi32, #tpu.memory_space<vmem>>)
      tpu.yield
    }) : () -> ()
    "tpu.region"() ({
      %run_scoped3A = tpu.sem_alloc : memref<!tpu.dma_semaphore, #tpu.memory_space<semaphore_mem>>
      %dma_start3A_115 = tpu.memref_slice %arg4[%add3A_25] : memref<163840xi32, #tpu.memory_space<hbm>> -> memref<256xi32, #tpu.memory_space<hbm>>
      %dma_start3A_116 = tpu.memref_slice %arg4[%add3A_25] : memref<163840xi32, #tpu.memory_space<hbm>> -> memref<256xi32, #tpu.memory_space<hbm>>
      tpu.enqueue_dma source(%dma_start3A_116 : memref<256xi32, #tpu.memory_space<hbm>>) target(%arg16 : memref<256xi32, #tpu.memory_space<vmem>>) target_semaphore(%run_scoped3A : memref<!tpu.dma_semaphore, #tpu.memory_space<semaphore_mem>>)
      %dma_wait3A_117 = tpu.memref_slice %arg4[%add3A_25] : memref<163840xi32, #tpu.memory_space<hbm>> -> memref<256xi32, #tpu.memory_space<hbm>>
      %dma_wait3A_118 = tpu.memref_slice %arg4[%add3A_25] : memref<163840xi32, #tpu.memory_space<hbm>> -> memref<256xi32, #tpu.memory_space<hbm>>
      tpu.wait_dma2 semaphore(%run_scoped3A : memref<!tpu.dma_semaphore, #tpu.memory_space<semaphore_mem>>) src(%dma_wait3A_118 : memref<256xi32, #tpu.memory_space<hbm>>) dst(%arg16 : memref<256xi32, #tpu.memory_space<vmem>>)
      tpu.yield
    }) : () -> ()
    %scan3A_26 = arith.constant 0 : i32
    %scan3A_27 = arith.constant 16 : i32
    %scan3A_28 = arith.addi %scan3A_26, %scan3A_27 : i32
    %scan3A_29 = arith.constant 1 : i32
    scf.for %scan3A_115 = %scan3A_26 to %scan3A_28 step %scan3A_29  : i32 {
      %mul3A_116 = arith.constant 1 : i32
      %mul3A_117 = arith.muli %scan3A_115, %mul3A_116 : i32
      %add3A_118 = arith.constant 0 : i32
      %add3A_119 = arith.addi %add3A_118, %mul3A_117 : i32
      %mul3A_120 = arith.constant 16 : i32
      %mul3A_121 = arith.muli %add3A_119, %mul3A_120 : i32
      %get3A = arith.index_cast %mul3A_121 : i32 to index
      %get3A_122 = tpu.vector_load %arg16[%get3A] {strides = array<i32>} : memref<256xi32, #tpu.memory_space<vmem>>, vector<16xi32>,
      %gather3A = tpu.vector_load_idx %arg12[%get3A_122] : memref<10240xi32, #tpu.memory_space<vmem>>[vector<16xi32>], vector<16xi32>,
      %mul3A_123 = arith.constant 16 : i32
      %mul3A_124 = arith.muli %add3A_119, %mul3A_123 : i32
      %swap3A = arith.index_cast %mul3A_124 : i32 to index
      %swap3A_125 = tpu.vector_load %arg18[%swap3A] {strides = array<i32>} : memref<256xi32, #tpu.memory_space<vmem>>, vector<16xi32>,
      tpu.vector_store %arg18[%swap3A], %gather3A {strides = array<i32>} : memref<256xi32, #tpu.memory_space<vmem>>, vector<16xi32>,
      %mul3A_126 = arith.constant 16 : i32
      %mul3A_127 = arith.muli %add3A_119, %mul3A_126 : i32
      %get3A_128 = arith.index_cast %mul3A_127 : i32 to index
      %get3A_129 = tpu.vector_load %arg15[%get3A_128] {strides = array<i32>} : memref<256xi32, #tpu.memory_space<vmem>>, vector<16xi32>,
      %add3A_130 = vector.broadcast %mul3A_0 : i32 to vector<16xi32>
      %add3A_131 = arith.addi %get3A_129, %add3A_130 : vector<16xi32>
      %mul3A_132 = arith.constant 16 : i32
      %mul3A_133 = arith.muli %add3A_119, %mul3A_132 : i32
      %swap3A_134 = arith.index_cast %mul3A_133 : i32 to index
      %swap3A_135 = tpu.vector_load %arg15[%swap3A_134] {strides = array<i32>} : memref<256xi32, #tpu.memory_space<vmem>>, vector<16xi32>,
      tpu.vector_store %arg15[%swap3A_134], %add3A_131 {strides = array<i32>} : memref<256xi32, #tpu.memory_space<vmem>>, vector<16xi32>,
    }
    %scan3A_30 = arith.constant 16 : i32
    %dma_start3A_31 = arith.constant 0 : i32
    %dma_start3A_32 = arith.constant 0 : i32
    %dma_start3A_33 = tpu.memref_slice %arg2[%dma_start3A_31, %dma_start3A_32] : memref<20480x128xf32, #tpu.memory_space<hbm>> -> memref<20480x128xf32, #tpu.memory_space<hbm>>
    tpu.enqueue_indirect_dma source(%dma_start3A_33 : memref<20480x128xf32, #tpu.memory_space<hbm>>) target(%arg25 : memref<256x128xf32, #tpu.memory_space<vmem>>) offsets(%arg15 : memref<256xi32, #tpu.memory_space<vmem>>) semaphore(%arg27 : memref<!tpu.dma_semaphore, #tpu.memory_space<semaphore_mem>>)
    %scan3A_34 = arith.constant 0 : i32
    %scan3A_35 = arith.constant 20 : i32
    %scan3A_36 = arith.addi %scan3A_34, %scan3A_35 : i32
    %scan3A_37 = arith.constant 1 : i32
    scf.for %scan3A_115 = %scan3A_34 to %scan3A_36 step %scan3A_37  : i32 {
      %mul3A_116 = arith.constant 1 : i32
      %mul3A_117 = arith.muli %scan3A_115, %mul3A_116 : i32
      %add3A_118 = arith.constant 0 : i32
      %add3A_119 = arith.addi %add3A_118, %mul3A_117 : i32
      %dma_wait3A_120 = arith.constant 0 : i32
      %dma_wait3A_121 = arith.constant 0 : i32
      %dma_wait3A_122 = tpu.memref_slice %arg2[%dma_wait3A_120, %dma_wait3A_121] : memref<20480x128xf32, #tpu.memory_space<hbm>> -> memref<20480x128xf32, #tpu.memory_space<hbm>>
      tpu.wait_indirect_dma semaphore(%arg26 : memref<!tpu.dma_semaphore, #tpu.memory_space<semaphore_mem>>) src(%dma_wait3A_122 : memref<20480x128xf32, #tpu.memory_space<hbm>>) dst(%arg24 : memref<256x128xf32, #tpu.memory_space<vmem>>)
      %dma_start3A_123 = arith.constant 0 : i32
      %dma_start3A_124 = arith.constant 0 : i32
      %dma_start3A_125 = tpu.memref_slice %arg9[%dma_start3A_123, %dma_start3A_124] : memref<72x128xf32, #tpu.memory_space<vmem_shared>> -> memref<72x128xf32, #tpu.memory_space<vmem_shared>>
      tpu.enqueue_indirect_dma source(%arg24 : memref<256x128xf32, #tpu.memory_space<vmem>>) target(%dma_start3A_125 : memref<72x128xf32, #tpu.memory_space<vmem_shared>>) offsets(%arg17 : memref<256xi32, #tpu.memory_space<vmem>>) semaphore(%arg28 : memref<!tpu.dma_semaphore, #tpu.memory_space<semaphore_mem>>) {add = true}
      %dma_wait3A_126 = arith.constant 0 : i32
      %dma_wait3A_127 = arith.constant 0 : i32
      %dma_wait3A_128 = tpu.memref_slice %arg2[%dma_wait3A_126, %dma_wait3A_127] : memref<20480x128xf32, #tpu.memory_space<hbm>> -> memref<20480x128xf32, #tpu.memory_space<hbm>>
      tpu.wait_indirect_dma semaphore(%arg27 : memref<!tpu.dma_semaphore, #tpu.memory_space<semaphore_mem>>) src(%dma_wait3A_128 : memref<20480x128xf32, #tpu.memory_space<hbm>>) dst(%arg25 : memref<256x128xf32, #tpu.memory_space<vmem>>)
      %dma_start3A_129 = arith.constant 0 : i32
      %dma_start3A_130 = arith.constant 0 : i32
      %dma_start3A_131 = tpu.memref_slice %arg9[%dma_start3A_129, %dma_start3A_130] : memref<72x128xf32, #tpu.memory_space<vmem_shared>> -> memref<72x128xf32, #tpu.memory_space<vmem_shared>>
      tpu.enqueue_indirect_dma source(%arg25 : memref<256x128xf32, #tpu.memory_space<vmem>>) target(%dma_start3A_131 : memref<72x128xf32, #tpu.memory_space<vmem_shared>>) offsets(%arg18 : memref<256xi32, #tpu.memory_space<vmem>>) semaphore(%arg29 : memref<!tpu.dma_semaphore, #tpu.memory_space<semaphore_mem>>) {add = true}
      %lt3A = arith.constant 19 : i32
      %lt3A_132 = arith.cmpi slt, %add3A_119, %lt3A : i32
      %convert_element_type3A_133 = arith.extui %lt3A_132 : i1 to i32
      %cond3A_134 = arith.constant 0 : i32
      %cond3A_135 = arith.cmpi ne, %convert_element_type3A_133, %cond3A_134 : i32
      scf.if %cond3A_135 {
        %dma_wait3A_136 = arith.constant 0 : i32
        %dma_wait3A_137 = arith.constant 0 : i32
        %dma_wait3A_138 = tpu.memref_slice %arg9[%dma_wait3A_136, %dma_wait3A_137] : memref<72x128xf32, #tpu.memory_space<vmem_shared>> -> memref<72x128xf32, #tpu.memory_space<vmem_shared>>
        tpu.wait_indirect_dma semaphore(%arg28 : memref<!tpu.dma_semaphore, #tpu.memory_space<semaphore_mem>>) src(%arg24 : memref<256x128xf32, #tpu.memory_space<vmem>>) dst(%dma_wait3A_138 : memref<72x128xf32, #tpu.memory_space<vmem_shared>>)
        %mul3A_139 = arith.constant 2 : i32
        %mul3A_140 = arith.muli %mul3A_139, %add3A_119 : i32
        %add3A_141 = arith.constant 2 : i32
        %add3A_142 = arith.addi %mul3A_140, %add3A_141 : i32
        %mul3A_143 = arith.constant 10240 : i32
        %mul3A_144 = arith.muli %arg1, %mul3A_143 : i32
        %mul3A_145 = arith.constant 256 : i32
        %mul3A_146 = arith.muli %add3A_142, %mul3A_145 : i32
        %add3A_147 = arith.addi %mul3A_144, %mul3A_146 : i32
        "tpu.region"() ({
          %run_scoped3A = tpu.sem_alloc : memref<!tpu.dma_semaphore, #tpu.memory_space<semaphore_mem>>
          %dma_start3A_176 = tpu.memref_slice %arg3[%add3A_147] : memref<163840xi32, #tpu.memory_space<hbm>> -> memref<256xi32, #tpu.memory_space<hbm>>
          %dma_start3A_177 = tpu.memref_slice %arg3[%add3A_147] : memref<163840xi32, #tpu.memory_space<hbm>> -> memref<256xi32, #tpu.memory_space<hbm>>
          tpu.enqueue_dma source(%dma_start3A_177 : memref<256xi32, #tpu.memory_space<hbm>>) target(%arg13 : memref<256xi32, #tpu.memory_space<vmem>>) target_semaphore(%run_scoped3A : memref<!tpu.dma_semaphore, #tpu.memory_space<semaphore_mem>>)
          %dma_wait3A_178 = tpu.memref_slice %arg3[%add3A_147] : memref<163840xi32, #tpu.memory_space<hbm>> -> memref<256xi32, #tpu.memory_space<hbm>>
          %dma_wait3A_179 = tpu.memref_slice %arg3[%add3A_147] : memref<163840xi32, #tpu.memory_space<hbm>> -> memref<256xi32, #tpu.memory_space<hbm>>
          tpu.wait_dma2 semaphore(%run_scoped3A : memref<!tpu.dma_semaphore, #tpu.memory_space<semaphore_mem>>) src(%dma_wait3A_179 : memref<256xi32, #tpu.memory_space<hbm>>) dst(%arg13 : memref<256xi32, #tpu.memory_space<vmem>>)
          tpu.yield
        }) : () -> ()
        "tpu.region"() ({
          %run_scoped3A = tpu.sem_alloc : memref<!tpu.dma_semaphore, #tpu.memory_space<semaphore_mem>>
          %dma_start3A_176 = tpu.memref_slice %arg4[%add3A_147] : memref<163840xi32, #tpu.memory_space<hbm>> -> memref<256xi32, #tpu.memory_space<hbm>>
          %dma_start3A_177 = tpu.memref_slice %arg4[%add3A_147] : memref<163840xi32, #tpu.memory_space<hbm>> -> memref<256xi32, #tpu.memory_space<hbm>>
          tpu.enqueue_dma source(%dma_start3A_177 : memref<256xi32, #tpu.memory_space<hbm>>) target(%arg14 : memref<256xi32, #tpu.memory_space<vmem>>) target_semaphore(%run_scoped3A : memref<!tpu.dma_semaphore, #tpu.memory_space<semaphore_mem>>)
          %dma_wait3A_178 = tpu.memref_slice %arg4[%add3A_147] : memref<163840xi32, #tpu.memory_space<hbm>> -> memref<256xi32, #tpu.memory_space<hbm>>
          %dma_wait3A_179 = tpu.memref_slice %arg4[%add3A_147] : memref<163840xi32, #tpu.memory_space<hbm>> -> memref<256xi32, #tpu.memory_space<hbm>>
          tpu.wait_dma2 semaphore(%run_scoped3A : memref<!tpu.dma_semaphore, #tpu.memory_space<semaphore_mem>>) src(%dma_wait3A_179 : memref<256xi32, #tpu.memory_space<hbm>>) dst(%arg14 : memref<256xi32, #tpu.memory_space<vmem>>)
          tpu.yield
        }) : () -> ()
        %scan3A_148 = arith.constant 0 : i32
        %scan3A_149 = arith.constant 16 : i32
        %scan3A_150 = arith.addi %scan3A_148, %scan3A_149 : i32
        %scan3A_151 = arith.constant 1 : i32
        scf.for %scan3A_176 = %scan3A_148 to %scan3A_150 step %scan3A_151  : i32 {
          %mul3A_177 = arith.constant 1 : i32
          %mul3A_178 = arith.muli %scan3A_176, %mul3A_177 : i32
          %add3A_179 = arith.constant 0 : i32
          %add3A_180 = arith.addi %add3A_179, %mul3A_178 : i32
          %mul3A_181 = arith.constant 16 : i32
          %mul3A_182 = arith.muli %add3A_180, %mul3A_181 : i32
          %get3A = arith.index_cast %mul3A_182 : i32 to index
          %get3A_183 = tpu.vector_load %arg14[%get3A] {strides = array<i32>} : memref<256xi32, #tpu.memory_space<vmem>>, vector<16xi32>,
          %gather3A = tpu.vector_load_idx %arg12[%get3A_183] : memref<10240xi32, #tpu.memory_space<vmem>>[vector<16xi32>], vector<16xi32>,
          %mul3A_184 = arith.constant 16 : i32
          %mul3A_185 = arith.muli %add3A_180, %mul3A_184 : i32
          %swap3A = arith.index_cast %mul3A_185 : i32 to index
          %swap3A_186 = tpu.vector_load %arg17[%swap3A] {strides = array<i32>} : memref<256xi32, #tpu.memory_space<vmem>>, vector<16xi32>,
          tpu.vector_store %arg17[%swap3A], %gather3A {strides = array<i32>} : memref<256xi32, #tpu.memory_space<vmem>>, vector<16xi32>,
          %mul3A_187 = arith.constant 16 : i32
          %mul3A_188 = arith.muli %add3A_180, %mul3A_187 : i32
          %get3A_189 = arith.index_cast %mul3A_188 : i32 to index
          %get3A_190 = tpu.vector_load %arg13[%get3A_189] {strides = array<i32>} : memref<256xi32, #tpu.memory_space<vmem>>, vector<16xi32>,
          %add3A_191 = vector.broadcast %mul3A_0 : i32 to vector<16xi32>
          %add3A_192 = arith.addi %get3A_190, %add3A_191 : vector<16xi32>
          %mul3A_193 = arith.constant 16 : i32
          %mul3A_194 = arith.muli %add3A_180, %mul3A_193 : i32
          %swap3A_195 = arith.index_cast %mul3A_194 : i32 to index
          %swap3A_196 = tpu.vector_load %arg13[%swap3A_195] {strides = array<i32>} : memref<256xi32, #tpu.memory_space<vmem>>, vector<16xi32>,
          tpu.vector_store %arg13[%swap3A_195], %add3A_192 {strides = array<i32>} : memref<256xi32, #tpu.memory_space<vmem>>, vector<16xi32>,
        }
        %scan3A_152 = arith.constant 16 : i32
        %dma_start3A_153 = arith.constant 0 : i32
        %dma_start3A_154 = arith.constant 0 : i32
        %dma_start3A_155 = tpu.memref_slice %arg2[%dma_start3A_153, %dma_start3A_154] : memref<20480x128xf32, #tpu.memory_space<hbm>> -> memref<20480x128xf32, #tpu.memory_space<hbm>>
        tpu.enqueue_indirect_dma source(%dma_start3A_155 : memref<20480x128xf32, #tpu.memory_space<hbm>>) target(%arg24 : memref<256x128xf32, #tpu.memory_space<vmem>>) offsets(%arg13 : memref<256xi32, #tpu.memory_space<vmem>>) semaphore(%arg26 : memref<!tpu.dma_semaphore, #tpu.memory_space<semaphore_mem>>)
        %dma_wait3A_156 = arith.constant 0 : i32
        %dma_wait3A_157 = arith.constant 0 : i32
        %dma_wait3A_158 = tpu.memref_slice %arg9[%dma_wait3A_156, %dma_wait3A_157] : memref<72x128xf32, #tpu.memory_space<vmem_shared>> -> memref<72x128xf32, #tpu.memory_space<vmem_shared>>
        tpu.wait_indirect_dma semaphore(%arg29 : memref<!tpu.dma_semaphore, #tpu.memory_space<semaphore_mem>>) src(%arg25 : memref<256x128xf32, #tpu.memory_space<vmem>>) dst(%dma_wait3A_158 : memref<72x128xf32, #tpu.memory_space<vmem_shared>>)
        %mul3A_159 = arith.constant 2 : i32
        %mul3A_160 = arith.muli %mul3A_159, %add3A_119 : i32
        %add3A_161 = arith.constant 3 : i32
        %add3A_162 = arith.addi %mul3A_160, %add3A_161 : i32
        %mul3A_163 = arith.constant 10240 : i32
        %mul3A_164 = arith.muli %arg1, %mul3A_163 : i32
        %mul3A_165 = arith.constant 256 : i32
        %mul3A_166 = arith.muli %add3A_162, %mul3A_165 : i32
        %add3A_167 = arith.addi %mul3A_164, %mul3A_166 : i32
        "tpu.region"() ({
          %run_scoped3A = tpu.sem_alloc : memref<!tpu.dma_semaphore, #tpu.memory_space<semaphore_mem>>
          %dma_start3A_176 = tpu.memref_slice %arg3[%add3A_167] : memref<163840xi32, #tpu.memory_space<hbm>> -> memref<256xi32, #tpu.memory_space<hbm>>
          %dma_start3A_177 = tpu.memref_slice %arg3[%add3A_167] : memref<163840xi32, #tpu.memory_space<hbm>> -> memref<256xi32, #tpu.memory_space<hbm>>
          tpu.enqueue_dma source(%dma_start3A_177 : memref<256xi32, #tpu.memory_space<hbm>>) target(%arg15 : memref<256xi32, #tpu.memory_space<vmem>>) target_semaphore(%run_scoped3A : memref<!tpu.dma_semaphore, #tpu.memory_space<semaphore_mem>>)
          %dma_wait3A_178 = tpu.memref_slice %arg3[%add3A_167] : memref<163840xi32, #tpu.memory_space<hbm>> -> memref<256xi32, #tpu.memory_space<hbm>>
          %dma_wait3A_179 = tpu.memref_slice %arg3[%add3A_167] : memref<163840xi32, #tpu.memory_space<hbm>> -> memref<256xi32, #tpu.memory_space<hbm>>
          tpu.wait_dma2 semaphore(%run_scoped3A : memref<!tpu.dma_semaphore, #tpu.memory_space<semaphore_mem>>) src(%dma_wait3A_179 : memref<256xi32, #tpu.memory_space<hbm>>) dst(%arg15 : memref<256xi32, #tpu.memory_space<vmem>>)
          tpu.yield
        }) : () -> ()
        "tpu.region"() ({
          %run_scoped3A = tpu.sem_alloc : memref<!tpu.dma_semaphore, #tpu.memory_space<semaphore_mem>>
          %dma_start3A_176 = tpu.memref_slice %arg4[%add3A_167] : memref<163840xi32, #tpu.memory_space<hbm>> -> memref<256xi32, #tpu.memory_space<hbm>>
          %dma_start3A_177 = tpu.memref_slice %arg4[%add3A_167] : memref<163840xi32, #tpu.memory_space<hbm>> -> memref<256xi32, #tpu.memory_space<hbm>>
          tpu.enqueue_dma source(%dma_start3A_177 : memref<256xi32, #tpu.memory_space<hbm>>) target(%arg16 : memref<256xi32, #tpu.memory_space<vmem>>) target_semaphore(%run_scoped3A : memref<!tpu.dma_semaphore, #tpu.memory_space<semaphore_mem>>)
          %dma_wait3A_178 = tpu.memref_slice %arg4[%add3A_167] : memref<163840xi32, #tpu.memory_space<hbm>> -> memref<256xi32, #tpu.memory_space<hbm>>
          %dma_wait3A_179 = tpu.memref_slice %arg4[%add3A_167] : memref<163840xi32, #tpu.memory_space<hbm>> -> memref<256xi32, #tpu.memory_space<hbm>>
          tpu.wait_dma2 semaphore(%run_scoped3A : memref<!tpu.dma_semaphore, #tpu.memory_space<semaphore_mem>>) src(%dma_wait3A_179 : memref<256xi32, #tpu.memory_space<hbm>>) dst(%arg16 : memref<256xi32, #tpu.memory_space<vmem>>)
          tpu.yield
        }) : () -> ()
        %scan3A_168 = arith.constant 0 : i32
        %scan3A_169 = arith.constant 16 : i32
        %scan3A_170 = arith.addi %scan3A_168, %scan3A_169 : i32
        %scan3A_171 = arith.constant 1 : i32
        scf.for %scan3A_176 = %scan3A_168 to %scan3A_170 step %scan3A_171  : i32 {
          %mul3A_177 = arith.constant 1 : i32
          %mul3A_178 = arith.muli %scan3A_176, %mul3A_177 : i32
          %add3A_179 = arith.constant 0 : i32
          %add3A_180 = arith.addi %add3A_179, %mul3A_178 : i32
          %mul3A_181 = arith.constant 16 : i32
          %mul3A_182 = arith.muli %add3A_180, %mul3A_181 : i32
          %get3A = arith.index_cast %mul3A_182 : i32 to index
          %get3A_183 = tpu.vector_load %arg16[%get3A] {strides = array<i32>} : memref<256xi32, #tpu.memory_space<vmem>>, vector<16xi32>,
          %gather3A = tpu.vector_load_idx %arg12[%get3A_183] : memref<10240xi32, #tpu.memory_space<vmem>>[vector<16xi32>], vector<16xi32>,
          %mul3A_184 = arith.constant 16 : i32
          %mul3A_185 = arith.muli %add3A_180, %mul3A_184 : i32
          %swap3A = arith.index_cast %mul3A_185 : i32 to index
          %swap3A_186 = tpu.vector_load %arg18[%swap3A] {strides = array<i32>} : memref<256xi32, #tpu.memory_space<vmem>>, vector<16xi32>,
          tpu.vector_store %arg18[%swap3A], %gather3A {strides = array<i32>} : memref<256xi32, #tpu.memory_space<vmem>>, vector<16xi32>,
          %mul3A_187 = arith.constant 16 : i32
          %mul3A_188 = arith.muli %add3A_180, %mul3A_187 : i32
          %get3A_189 = arith.index_cast %mul3A_188 : i32 to index
          %get3A_190 = tpu.vector_load %arg15[%get3A_189] {strides = array<i32>} : memref<256xi32, #tpu.memory_space<vmem>>, vector<16xi32>,
          %add3A_191 = vector.broadcast %mul3A_0 : i32 to vector<16xi32>
          %add3A_192 = arith.addi %get3A_190, %add3A_191 : vector<16xi32>
          %mul3A_193 = arith.constant 16 : i32
          %mul3A_194 = arith.muli %add3A_180, %mul3A_193 : i32
          %swap3A_195 = arith.index_cast %mul3A_194 : i32 to index
          %swap3A_196 = tpu.vector_load %arg15[%swap3A_195] {strides = array<i32>} : memref<256xi32, #tpu.memory_space<vmem>>, vector<16xi32>,
          tpu.vector_store %arg15[%swap3A_195], %add3A_192 {strides = array<i32>} : memref<256xi32, #tpu.memory_space<vmem>>, vector<16xi32>,
        }
        %scan3A_172 = arith.constant 16 : i32
        %dma_start3A_173 = arith.constant 0 : i32
        %dma_start3A_174 = arith.constant 0 : i32
        %dma_start3A_175 = tpu.memref_slice %arg2[%dma_start3A_173, %dma_start3A_174] : memref<20480x128xf32, #tpu.memory_space<hbm>> -> memref<20480x128xf32, #tpu.memory_space<hbm>>
        tpu.enqueue_indirect_dma source(%dma_start3A_175 : memref<20480x128xf32, #tpu.memory_space<hbm>>) target(%arg25 : memref<256x128xf32, #tpu.memory_space<vmem>>) offsets(%arg15 : memref<256xi32, #tpu.memory_space<vmem>>) semaphore(%arg27 : memref<!tpu.dma_semaphore, #tpu.memory_space<semaphore_mem>>)
      } else {
      }
    }
    %scan3A_38 = arith.constant 20 : i32
    %dma_wait3A = arith.constant 0 : i32
    %dma_wait3A_39 = arith.constant 0 : i32
    %dma_wait3A_40 = tpu.memref_slice %arg9[%dma_wait3A, %dma_wait3A_39] : memref<72x128xf32, #tpu.memory_space<vmem_shared>> -> memref<72x128xf32, #tpu.memory_space<vmem_shared>>
    tpu.wait_indirect_dma semaphore(%arg28 : memref<!tpu.dma_semaphore, #tpu.memory_space<semaphore_mem>>) src(%arg24 : memref<256x128xf32, #tpu.memory_space<vmem>>) dst(%dma_wait3A_40 : memref<72x128xf32, #tpu.memory_space<vmem_shared>>)
    %dma_wait3A_41 = arith.constant 0 : i32
    %dma_wait3A_42 = arith.constant 0 : i32
    %dma_wait3A_43 = tpu.memref_slice %arg9[%dma_wait3A_41, %dma_wait3A_42] : memref<72x128xf32, #tpu.memory_space<vmem_shared>> -> memref<72x128xf32, #tpu.memory_space<vmem_shared>>
    tpu.wait_indirect_dma semaphore(%arg29 : memref<!tpu.dma_semaphore, #tpu.memory_space<semaphore_mem>>) src(%arg25 : memref<256x128xf32, #tpu.memory_space<vmem>>) dst(%dma_wait3A_43 : memref<72x128xf32, #tpu.memory_space<vmem_shared>>)
    %scan3A_44 = arith.constant 0 : i32
    %scan3A_45 = arith.constant 8 : i32
    %scan3A_46 = arith.addi %scan3A_44, %scan3A_45 : i32
    %scan3A_47 = arith.constant 1 : i32
    scf.for %scan3A_115 = %scan3A_44 to %scan3A_46 step %scan3A_47  : i32 {
      %mul3A_116 = arith.constant 1 : i32
      %mul3A_117 = arith.muli %scan3A_115, %mul3A_116 : i32
      %add3A_118 = arith.constant 0 : i32
      %add3A_119 = arith.addi %add3A_118, %mul3A_117 : i32
      %mul3A_120 = arith.constant 640 : i32
      %mul3A_121 = arith.muli %arg1, %mul3A_120 : i32
      %add3A_122 = arith.constant 0 : i32
      %add3A_123 = arith.addi %mul3A_121, %add3A_122 : i32
      %mul3A_124 = arith.constant 16 : i32
      %mul3A_125 = arith.muli %add3A_119, %mul3A_124 : i32
      %add3A_126 = arith.addi %add3A_123, %mul3A_125 : i32
      %get3A = arith.index_cast %add3A_126 : i32 to index
      %get3A_127 = tpu.vector_load %arg12[%get3A] {strides = array<i32>} : memref<10240xi32, #tpu.memory_space<vmem>>, vector<16xi32>,
      %mul3A_128 = arith.constant 16 : i32
      %mul3A_129 = arith.muli %add3A_119, %mul3A_128 : i32
      %swap3A = arith.index_cast %mul3A_129 : i32 to index
      %swap3A_130 = tpu.vector_load %arg19[%swap3A] {strides = array<i32>} : memref<128xi32, #tpu.memory_space<vmem>>, vector<16xi32>,
      tpu.vector_store %arg19[%swap3A], %get3A_127 {strides = array<i32>} : memref<128xi32, #tpu.memory_space<vmem>>, vector<16xi32>,
    }
    %scan3A_48 = arith.constant 8 : i32
    %scan3A_49 = arith.constant 0 : i32
    %scan3A_50 = arith.constant 8 : i32
    %scan3A_51 = arith.addi %scan3A_49, %scan3A_50 : i32
    %scan3A_52 = arith.constant 1 : i32
    scf.for %scan3A_115 = %scan3A_49 to %scan3A_51 step %scan3A_52  : i32 {
      %mul3A_116 = arith.constant 1 : i32
      %mul3A_117 = arith.muli %scan3A_115, %mul3A_116 : i32
      %add3A_118 = arith.constant 0 : i32
      %add3A_119 = arith.addi %add3A_118, %mul3A_117 : i32
      %mul3A_120 = arith.constant 640 : i32
      %mul3A_121 = arith.muli %arg1, %mul3A_120 : i32
      %add3A_122 = arith.constant 128 : i32
      %add3A_123 = arith.addi %mul3A_121, %add3A_122 : i32
      %mul3A_124 = arith.constant 16 : i32
      %mul3A_125 = arith.muli %add3A_119, %mul3A_124 : i32
      %add3A_126 = arith.addi %add3A_123, %mul3A_125 : i32
      %get3A = arith.index_cast %add3A_126 : i32 to index
      %get3A_127 = tpu.vector_load %arg12[%get3A] {strides = array<i32>} : memref<10240xi32, #tpu.memory_space<vmem>>, vector<16xi32>,
      %mul3A_128 = arith.constant 16 : i32
      %mul3A_129 = arith.muli %add3A_119, %mul3A_128 : i32
      %swap3A = arith.index_cast %mul3A_129 : i32 to index
      %swap3A_130 = tpu.vector_load %arg20[%swap3A] {strides = array<i32>} : memref<128xi32, #tpu.memory_space<vmem>>, vector<16xi32>,
      tpu.vector_store %arg20[%swap3A], %get3A_127 {strides = array<i32>} : memref<128xi32, #tpu.memory_space<vmem>>, vector<16xi32>,
    }
    %scan3A_53 = arith.constant 8 : i32
    %scan3A_54 = arith.constant 0 : i32
    %scan3A_55 = arith.constant 8 : i32
    %scan3A_56 = arith.addi %scan3A_54, %scan3A_55 : i32
    %scan3A_57 = arith.constant 1 : i32
    scf.for %scan3A_115 = %scan3A_54 to %scan3A_56 step %scan3A_57  : i32 {
      %mul3A_116 = arith.constant 1 : i32
      %mul3A_117 = arith.muli %scan3A_115, %mul3A_116 : i32
      %add3A_118 = arith.constant 0 : i32
      %add3A_119 = arith.addi %add3A_118, %mul3A_117 : i32
      %mul3A_120 = arith.constant 640 : i32
      %mul3A_121 = arith.muli %arg1, %mul3A_120 : i32
      %add3A_122 = arith.constant 256 : i32
      %add3A_123 = arith.addi %mul3A_121, %add3A_122 : i32
      %mul3A_124 = arith.constant 16 : i32
      %mul3A_125 = arith.muli %add3A_119, %mul3A_124 : i32
      %add3A_126 = arith.addi %add3A_123, %mul3A_125 : i32
      %get3A = arith.index_cast %add3A_126 : i32 to index
      %get3A_127 = tpu.vector_load %arg12[%get3A] {strides = array<i32>} : memref<10240xi32, #tpu.memory_space<vmem>>, vector<16xi32>,
      %mul3A_128 = arith.constant 16 : i32
      %mul3A_129 = arith.muli %add3A_119, %mul3A_128 : i32
      %swap3A = arith.index_cast %mul3A_129 : i32 to index
      %swap3A_130 = tpu.vector_load %arg21[%swap3A] {strides = array<i32>} : memref<128xi32, #tpu.memory_space<vmem>>, vector<16xi32>,
      tpu.vector_store %arg21[%swap3A], %get3A_127 {strides = array<i32>} : memref<128xi32, #tpu.memory_space<vmem>>, vector<16xi32>,
    }
    %scan3A_58 = arith.constant 8 : i32
    %scan3A_59 = arith.constant 0 : i32
    %scan3A_60 = arith.constant 8 : i32
    %scan3A_61 = arith.addi %scan3A_59, %scan3A_60 : i32
    %scan3A_62 = arith.constant 1 : i32
    scf.for %scan3A_115 = %scan3A_59 to %scan3A_61 step %scan3A_62  : i32 {
      %mul3A_116 = arith.constant 1 : i32
      %mul3A_117 = arith.muli %scan3A_115, %mul3A_116 : i32
      %add3A_118 = arith.constant 0 : i32
      %add3A_119 = arith.addi %add3A_118, %mul3A_117 : i32
      %mul3A_120 = arith.constant 640 : i32
      %mul3A_121 = arith.muli %arg1, %mul3A_120 : i32
      %add3A_122 = arith.constant 384 : i32
      %add3A_123 = arith.addi %mul3A_121, %add3A_122 : i32
      %mul3A_124 = arith.constant 16 : i32
      %mul3A_125 = arith.muli %add3A_119, %mul3A_124 : i32
      %add3A_126 = arith.addi %add3A_123, %mul3A_125 : i32
      %get3A = arith.index_cast %add3A_126 : i32 to index
      %get3A_127 = tpu.vector_load %arg12[%get3A] {strides = array<i32>} : memref<10240xi32, #tpu.memory_space<vmem>>, vector<16xi32>,
      %mul3A_128 = arith.constant 16 : i32
      %mul3A_129 = arith.muli %add3A_119, %mul3A_128 : i32
      %swap3A = arith.index_cast %mul3A_129 : i32 to index
      %swap3A_130 = tpu.vector_load %arg22[%swap3A] {strides = array<i32>} : memref<128xi32, #tpu.memory_space<vmem>>, vector<16xi32>,
      tpu.vector_store %arg22[%swap3A], %get3A_127 {strides = array<i32>} : memref<128xi32, #tpu.memory_space<vmem>>, vector<16xi32>,
    }
    %scan3A_63 = arith.constant 8 : i32
    %scan3A_64 = arith.constant 0 : i32
    %scan3A_65 = arith.constant 8 : i32
    %scan3A_66 = arith.addi %scan3A_64, %scan3A_65 : i32
    %scan3A_67 = arith.constant 1 : i32
    scf.for %scan3A_115 = %scan3A_64 to %scan3A_66 step %scan3A_67  : i32 {
      %mul3A_116 = arith.constant 1 : i32
      %mul3A_117 = arith.muli %scan3A_115, %mul3A_116 : i32
      %add3A_118 = arith.constant 0 : i32
      %add3A_119 = arith.addi %add3A_118, %mul3A_117 : i32
      %mul3A_120 = arith.constant 640 : i32
      %mul3A_121 = arith.muli %arg1, %mul3A_120 : i32
      %add3A_122 = arith.constant 512 : i32
      %add3A_123 = arith.addi %mul3A_121, %add3A_122 : i32
      %mul3A_124 = arith.constant 16 : i32
      %mul3A_125 = arith.muli %add3A_119, %mul3A_124 : i32
      %add3A_126 = arith.addi %add3A_123, %mul3A_125 : i32
      %get3A = arith.index_cast %add3A_126 : i32 to index
      %get3A_127 = tpu.vector_load %arg12[%get3A] {strides = array<i32>} : memref<10240xi32, #tpu.memory_space<vmem>>, vector<16xi32>,
      %mul3A_128 = arith.constant 16 : i32
      %mul3A_129 = arith.muli %add3A_119, %mul3A_128 : i32
      %swap3A = arith.index_cast %mul3A_129 : i32 to index
      %swap3A_130 = tpu.vector_load %arg23[%swap3A] {strides = array<i32>} : memref<128xi32, #tpu.memory_space<vmem>>, vector<16xi32>,
      tpu.vector_store %arg23[%swap3A], %get3A_127 {strides = array<i32>} : memref<128xi32, #tpu.memory_space<vmem>>, vector<16xi32>,
    }
    %scan3A_68 = arith.constant 8 : i32
    %mul3A_69 = arith.constant 640 : i32
    %mul3A_70 = arith.muli %arg1, %mul3A_69 : i32
    %add3A_71 = arith.addi %mul3A_0, %mul3A_70 : i32
    %add3A_72 = arith.constant 0 : i32
    %add3A_73 = arith.addi %add3A_71, %add3A_72 : i32
    "tpu.region"() ({
      %run_scoped3A = tpu.sem_alloc : memref<!tpu.dma_semaphore, #tpu.memory_space<semaphore_mem>>
      %dma_start3A_115 = arith.constant 0 : i32
      %dma_start3A_116 = arith.constant 0 : i32
      %dma_start3A_117 = tpu.memref_slice %arg24[%dma_start3A_115, %dma_start3A_116] : memref<256x128xf32, #tpu.memory_space<vmem>> -> memref<128x128xf32, #tpu.memory_space<vmem>>
      %dma_start3A_118 = arith.constant 0 : i32
      %dma_start3A_119 = tpu.memref_slice %arg2[%add3A_73, %dma_start3A_118] : memref<20480x128xf32, #tpu.memory_space<hbm>> -> memref<128x128xf32, #tpu.memory_space<hbm>>
      %dma_start3A_120 = arith.constant 0 : i32
      %dma_start3A_121 = arith.constant 0 : i32
      %dma_start3A_122 = tpu.memref_slice %arg24[%dma_start3A_120, %dma_start3A_121] : memref<256x128xf32, #tpu.memory_space<vmem>> -> memref<128x128xf32, #tpu.memory_space<vmem>>
      %dma_start3A_123 = arith.constant 0 : i32
      %dma_start3A_124 = tpu.memref_slice %arg2[%add3A_73, %dma_start3A_123] : memref<20480x128xf32, #tpu.memory_space<hbm>> -> memref<128x128xf32, #tpu.memory_space<hbm>>
      tpu.enqueue_dma source(%dma_start3A_124 : memref<128x128xf32, #tpu.memory_space<hbm>>) target(%dma_start3A_122 : memref<128x128xf32, #tpu.memory_space<vmem>>) target_semaphore(%run_scoped3A : memref<!tpu.dma_semaphore, #tpu.memory_space<semaphore_mem>>)
      %dma_wait3A_125 = arith.constant 0 : i32
      %dma_wait3A_126 = arith.constant 0 : i32
      %dma_wait3A_127 = tpu.memref_slice %arg24[%dma_wait3A_125, %dma_wait3A_126] : memref<256x128xf32, #tpu.memory_space<vmem>> -> memref<128x128xf32, #tpu.memory_space<vmem>>
      %dma_wait3A_128 = arith.constant 0 : i32
      %dma_wait3A_129 = tpu.memref_slice %arg2[%add3A_73, %dma_wait3A_128] : memref<20480x128xf32, #tpu.memory_space<hbm>> -> memref<128x128xf32, #tpu.memory_space<hbm>>
      %dma_wait3A_130 = arith.constant 0 : i32
      %dma_wait3A_131 = arith.constant 0 : i32
      %dma_wait3A_132 = tpu.memref_slice %arg24[%dma_wait3A_130, %dma_wait3A_131] : memref<256x128xf32, #tpu.memory_space<vmem>> -> memref<128x128xf32, #tpu.memory_space<vmem>>
      %dma_wait3A_133 = arith.constant 0 : i32
      %dma_wait3A_134 = tpu.memref_slice %arg2[%add3A_73, %dma_wait3A_133] : memref<20480x128xf32, #tpu.memory_space<hbm>> -> memref<128x128xf32, #tpu.memory_space<hbm>>
      tpu.wait_dma2 semaphore(%run_scoped3A : memref<!tpu.dma_semaphore, #tpu.memory_space<semaphore_mem>>) src(%dma_wait3A_134 : memref<128x128xf32, #tpu.memory_space<hbm>>) dst(%dma_wait3A_132 : memref<128x128xf32, #tpu.memory_space<vmem>>)
      tpu.yield
    }) : () -> ()
    "tpu.region"() ({
      %run_scoped3A = tpu.sem_alloc : memref<!tpu.dma_semaphore, #tpu.memory_space<semaphore_mem>>
      %dma_start3A_115 = arith.constant 0 : i32
      %dma_start3A_116 = arith.constant 0 : i32
      %dma_start3A_117 = tpu.memref_slice %arg24[%dma_start3A_115, %dma_start3A_116] : memref<256x128xf32, #tpu.memory_space<vmem>> -> memref<128x128xf32, #tpu.memory_space<vmem>>
      %dma_start3A_118 = arith.constant 0 : i32
      %dma_start3A_119 = arith.constant 0 : i32
      %dma_start3A_120 = tpu.memref_slice %arg10[%dma_start3A_118, %dma_start3A_119] : memref<72x128xf32, #tpu.memory_space<vmem_shared>> -> memref<72x128xf32, #tpu.memory_space<vmem_shared>>
      tpu.enqueue_indirect_dma source(%dma_start3A_117 : memref<128x128xf32, #tpu.memory_space<vmem>>) target(%dma_start3A_120 : memref<72x128xf32, #tpu.memory_space<vmem_shared>>) offsets(%arg19 : memref<128xi32, #tpu.memory_space<vmem>>) semaphore(%run_scoped3A : memref<!tpu.dma_semaphore, #tpu.memory_space<semaphore_mem>>) {add = true}
      %dma_wait3A_121 = arith.constant 0 : i32
      %dma_wait3A_122 = arith.constant 0 : i32
      %dma_wait3A_123 = tpu.memref_slice %arg24[%dma_wait3A_121, %dma_wait3A_122] : memref<256x128xf32, #tpu.memory_space<vmem>> -> memref<128x128xf32, #tpu.memory_space<vmem>>
      %dma_wait3A_124 = arith.constant 0 : i32
      %dma_wait3A_125 = arith.constant 0 : i32
      %dma_wait3A_126 = tpu.memref_slice %arg10[%dma_wait3A_124, %dma_wait3A_125] : memref<72x128xf32, #tpu.memory_space<vmem_shared>> -> memref<72x128xf32, #tpu.memory_space<vmem_shared>>
      tpu.wait_indirect_dma semaphore(%run_scoped3A : memref<!tpu.dma_semaphore, #tpu.memory_space<semaphore_mem>>) src(%dma_wait3A_123 : memref<128x128xf32, #tpu.memory_space<vmem>>) dst(%dma_wait3A_126 : memref<72x128xf32, #tpu.memory_space<vmem_shared>>)
      tpu.yield
    }) : () -> ()
    %mul3A_74 = arith.constant 640 : i32
    %mul3A_75 = arith.muli %arg1, %mul3A_74 : i32
    %add3A_76 = arith.addi %mul3A_0, %mul3A_75 : i32
    %add3A_77 = arith.constant 128 : i32
    %add3A_78 = arith.addi %add3A_76, %add3A_77 : i32
    "tpu.region"() ({
      %run_scoped3A = tpu.sem_alloc : memref<!tpu.dma_semaphore, #tpu.memory_space<semaphore_mem>>
      %dma_start3A_115 = arith.constant 0 : i32
      %dma_start3A_116 = arith.constant 0 : i32
      %dma_start3A_117 = tpu.memref_slice %arg24[%dma_start3A_115, %dma_start3A_116] : memref<256x128xf32, #tpu.memory_space<vmem>> -> memref<128x128xf32, #tpu.memory_space<vmem>>
      %dma_start3A_118 = arith.constant 0 : i32
      %dma_start3A_119 = tpu.memref_slice %arg2[%add3A_78, %dma_start3A_118] : memref<20480x128xf32, #tpu.memory_space<hbm>> -> memref<128x128xf32, #tpu.memory_space<hbm>>
      %dma_start3A_120 = arith.constant 0 : i32
      %dma_start3A_121 = arith.constant 0 : i32
      %dma_start3A_122 = tpu.memref_slice %arg24[%dma_start3A_120, %dma_start3A_121] : memref<256x128xf32, #tpu.memory_space<vmem>> -> memref<128x128xf32, #tpu.memory_space<vmem>>
      %dma_start3A_123 = arith.constant 0 : i32
      %dma_start3A_124 = tpu.memref_slice %arg2[%add3A_78, %dma_start3A_123] : memref<20480x128xf32, #tpu.memory_space<hbm>> -> memref<128x128xf32, #tpu.memory_space<hbm>>
      tpu.enqueue_dma source(%dma_start3A_124 : memref<128x128xf32, #tpu.memory_space<hbm>>) target(%dma_start3A_122 : memref<128x128xf32, #tpu.memory_space<vmem>>) target_semaphore(%run_scoped3A : memref<!tpu.dma_semaphore, #tpu.memory_space<semaphore_mem>>)
      %dma_wait3A_125 = arith.constant 0 : i32
      %dma_wait3A_126 = arith.constant 0 : i32
      %dma_wait3A_127 = tpu.memref_slice %arg24[%dma_wait3A_125, %dma_wait3A_126] : memref<256x128xf32, #tpu.memory_space<vmem>> -> memref<128x128xf32, #tpu.memory_space<vmem>>
      %dma_wait3A_128 = arith.constant 0 : i32
      %dma_wait3A_129 = tpu.memref_slice %arg2[%add3A_78, %dma_wait3A_128] : memref<20480x128xf32, #tpu.memory_space<hbm>> -> memref<128x128xf32, #tpu.memory_space<hbm>>
      %dma_wait3A_130 = arith.constant 0 : i32
      %dma_wait3A_131 = arith.constant 0 : i32
      %dma_wait3A_132 = tpu.memref_slice %arg24[%dma_wait3A_130, %dma_wait3A_131] : memref<256x128xf32, #tpu.memory_space<vmem>> -> memref<128x128xf32, #tpu.memory_space<vmem>>
      %dma_wait3A_133 = arith.constant 0 : i32
      %dma_wait3A_134 = tpu.memref_slice %arg2[%add3A_78, %dma_wait3A_133] : memref<20480x128xf32, #tpu.memory_space<hbm>> -> memref<128x128xf32, #tpu.memory_space<hbm>>
      tpu.wait_dma2 semaphore(%run_scoped3A : memref<!tpu.dma_semaphore, #tpu.memory_space<semaphore_mem>>) src(%dma_wait3A_134 : memref<128x128xf32, #tpu.memory_space<hbm>>) dst(%dma_wait3A_132 : memref<128x128xf32, #tpu.memory_space<vmem>>)
      tpu.yield
    }) : () -> ()
    "tpu.region"() ({
      %run_scoped3A = tpu.sem_alloc : memref<!tpu.dma_semaphore, #tpu.memory_space<semaphore_mem>>
      %dma_start3A_115 = arith.constant 0 : i32
      %dma_start3A_116 = arith.constant 0 : i32
      %dma_start3A_117 = tpu.memref_slice %arg24[%dma_start3A_115, %dma_start3A_116] : memref<256x128xf32, #tpu.memory_space<vmem>> -> memref<128x128xf32, #tpu.memory_space<vmem>>
      %dma_start3A_118 = arith.constant 0 : i32
      %dma_start3A_119 = arith.constant 0 : i32
      %dma_start3A_120 = tpu.memref_slice %arg10[%dma_start3A_118, %dma_start3A_119] : memref<72x128xf32, #tpu.memory_space<vmem_shared>> -> memref<72x128xf32, #tpu.memory_space<vmem_shared>>
      tpu.enqueue_indirect_dma source(%dma_start3A_117 : memref<128x128xf32, #tpu.memory_space<vmem>>) target(%dma_start3A_120 : memref<72x128xf32, #tpu.memory_space<vmem_shared>>) offsets(%arg20 : memref<128xi32, #tpu.memory_space<vmem>>) semaphore(%run_scoped3A : memref<!tpu.dma_semaphore, #tpu.memory_space<semaphore_mem>>) {add = true}
      %dma_wait3A_121 = arith.constant 0 : i32
      %dma_wait3A_122 = arith.constant 0 : i32
      %dma_wait3A_123 = tpu.memref_slice %arg24[%dma_wait3A_121, %dma_wait3A_122] : memref<256x128xf32, #tpu.memory_space<vmem>> -> memref<128x128xf32, #tpu.memory_space<vmem>>
      %dma_wait3A_124 = arith.constant 0 : i32
      %dma_wait3A_125 = arith.constant 0 : i32
      %dma_wait3A_126 = tpu.memref_slice %arg10[%dma_wait3A_124, %dma_wait3A_125] : memref<72x128xf32, #tpu.memory_space<vmem_shared>> -> memref<72x128xf32, #tpu.memory_space<vmem_shared>>
      tpu.wait_indirect_dma semaphore(%run_scoped3A : memref<!tpu.dma_semaphore, #tpu.memory_space<semaphore_mem>>) src(%dma_wait3A_123 : memref<128x128xf32, #tpu.memory_space<vmem>>) dst(%dma_wait3A_126 : memref<72x128xf32, #tpu.memory_space<vmem_shared>>)
      tpu.yield
    }) : () -> ()
    %mul3A_79 = arith.constant 640 : i32
    %mul3A_80 = arith.muli %arg1, %mul3A_79 : i32
    %add3A_81 = arith.addi %mul3A_0, %mul3A_80 : i32
    %add3A_82 = arith.constant 256 : i32
    %add3A_83 = arith.addi %add3A_81, %add3A_82 : i32
    "tpu.region"() ({
      %run_scoped3A = tpu.sem_alloc : memref<!tpu.dma_semaphore, #tpu.memory_space<semaphore_mem>>
      %dma_start3A_115 = arith.constant 0 : i32
      %dma_start3A_116 = arith.constant 0 : i32
      %dma_start3A_117 = tpu.memref_slice %arg24[%dma_start3A_115, %dma_start3A_116] : memref<256x128xf32, #tpu.memory_space<vmem>> -> memref<128x128xf32, #tpu.memory_space<vmem>>
      %dma_start3A_118 = arith.constant 0 : i32
      %dma_start3A_119 = tpu.memref_slice %arg2[%add3A_83, %dma_start3A_118] : memref<20480x128xf32, #tpu.memory_space<hbm>> -> memref<128x128xf32, #tpu.memory_space<hbm>>
      %dma_start3A_120 = arith.constant 0 : i32
      %dma_start3A_121 = arith.constant 0 : i32
      %dma_start3A_122 = tpu.memref_slice %arg24[%dma_start3A_120, %dma_start3A_121] : memref<256x128xf32, #tpu.memory_space<vmem>> -> memref<128x128xf32, #tpu.memory_space<vmem>>
      %dma_start3A_123 = arith.constant 0 : i32
      %dma_start3A_124 = tpu.memref_slice %arg2[%add3A_83, %dma_start3A_123] : memref<20480x128xf32, #tpu.memory_space<hbm>> -> memref<128x128xf32, #tpu.memory_space<hbm>>
      tpu.enqueue_dma source(%dma_start3A_124 : memref<128x128xf32, #tpu.memory_space<hbm>>) target(%dma_start3A_122 : memref<128x128xf32, #tpu.memory_space<vmem>>) target_semaphore(%run_scoped3A : memref<!tpu.dma_semaphore, #tpu.memory_space<semaphore_mem>>)
      %dma_wait3A_125 = arith.constant 0 : i32
      %dma_wait3A_126 = arith.constant 0 : i32
      %dma_wait3A_127 = tpu.memref_slice %arg24[%dma_wait3A_125, %dma_wait3A_126] : memref<256x128xf32, #tpu.memory_space<vmem>> -> memref<128x128xf32, #tpu.memory_space<vmem>>
      %dma_wait3A_128 = arith.constant 0 : i32
      %dma_wait3A_129 = tpu.memref_slice %arg2[%add3A_83, %dma_wait3A_128] : memref<20480x128xf32, #tpu.memory_space<hbm>> -> memref<128x128xf32, #tpu.memory_space<hbm>>
      %dma_wait3A_130 = arith.constant 0 : i32
      %dma_wait3A_131 = arith.constant 0 : i32
      %dma_wait3A_132 = tpu.memref_slice %arg24[%dma_wait3A_130, %dma_wait3A_131] : memref<256x128xf32, #tpu.memory_space<vmem>> -> memref<128x128xf32, #tpu.memory_space<vmem>>
      %dma_wait3A_133 = arith.constant 0 : i32
      %dma_wait3A_134 = tpu.memref_slice %arg2[%add3A_83, %dma_wait3A_133] : memref<20480x128xf32, #tpu.memory_space<hbm>> -> memref<128x128xf32, #tpu.memory_space<hbm>>
      tpu.wait_dma2 semaphore(%run_scoped3A : memref<!tpu.dma_semaphore, #tpu.memory_space<semaphore_mem>>) src(%dma_wait3A_134 : memref<128x128xf32, #tpu.memory_space<hbm>>) dst(%dma_wait3A_132 : memref<128x128xf32, #tpu.memory_space<vmem>>)
      tpu.yield
    }) : () -> ()
    "tpu.region"() ({
      %run_scoped3A = tpu.sem_alloc : memref<!tpu.dma_semaphore, #tpu.memory_space<semaphore_mem>>
      %dma_start3A_115 = arith.constant 0 : i32
      %dma_start3A_116 = arith.constant 0 : i32
      %dma_start3A_117 = tpu.memref_slice %arg24[%dma_start3A_115, %dma_start3A_116] : memref<256x128xf32, #tpu.memory_space<vmem>> -> memref<128x128xf32, #tpu.memory_space<vmem>>
      %dma_start3A_118 = arith.constant 0 : i32
      %dma_start3A_119 = arith.constant 0 : i32
      %dma_start3A_120 = tpu.memref_slice %arg10[%dma_start3A_118, %dma_start3A_119] : memref<72x128xf32, #tpu.memory_space<vmem_shared>> -> memref<72x128xf32, #tpu.memory_space<vmem_shared>>
      tpu.enqueue_indirect_dma source(%dma_start3A_117 : memref<128x128xf32, #tpu.memory_space<vmem>>) target(%dma_start3A_120 : memref<72x128xf32, #tpu.memory_space<vmem_shared>>) offsets(%arg21 : memref<128xi32, #tpu.memory_space<vmem>>) semaphore(%run_scoped3A : memref<!tpu.dma_semaphore, #tpu.memory_space<semaphore_mem>>) {add = true}
      %dma_wait3A_121 = arith.constant 0 : i32
      %dma_wait3A_122 = arith.constant 0 : i32
      %dma_wait3A_123 = tpu.memref_slice %arg24[%dma_wait3A_121, %dma_wait3A_122] : memref<256x128xf32, #tpu.memory_space<vmem>> -> memref<128x128xf32, #tpu.memory_space<vmem>>
      %dma_wait3A_124 = arith.constant 0 : i32
      %dma_wait3A_125 = arith.constant 0 : i32
      %dma_wait3A_126 = tpu.memref_slice %arg10[%dma_wait3A_124, %dma_wait3A_125] : memref<72x128xf32, #tpu.memory_space<vmem_shared>> -> memref<72x128xf32, #tpu.memory_space<vmem_shared>>
      tpu.wait_indirect_dma semaphore(%run_scoped3A : memref<!tpu.dma_semaphore, #tpu.memory_space<semaphore_mem>>) src(%dma_wait3A_123 : memref<128x128xf32, #tpu.memory_space<vmem>>) dst(%dma_wait3A_126 : memref<72x128xf32, #tpu.memory_space<vmem_shared>>)
      tpu.yield
    }) : () -> ()
    %mul3A_84 = arith.constant 640 : i32
    %mul3A_85 = arith.muli %arg1, %mul3A_84 : i32
    %add3A_86 = arith.addi %mul3A_0, %mul3A_85 : i32
    %add3A_87 = arith.constant 384 : i32
    %add3A_88 = arith.addi %add3A_86, %add3A_87 : i32
    "tpu.region"() ({
      %run_scoped3A = tpu.sem_alloc : memref<!tpu.dma_semaphore, #tpu.memory_space<semaphore_mem>>
      %dma_start3A_115 = arith.constant 0 : i32
      %dma_start3A_116 = arith.constant 0 : i32
      %dma_start3A_117 = tpu.memref_slice %arg24[%dma_start3A_115, %dma_start3A_116] : memref<256x128xf32, #tpu.memory_space<vmem>> -> memref<128x128xf32, #tpu.memory_space<vmem>>
      %dma_start3A_118 = arith.constant 0 : i32
      %dma_start3A_119 = tpu.memref_slice %arg2[%add3A_88, %dma_start3A_118] : memref<20480x128xf32, #tpu.memory_space<hbm>> -> memref<128x128xf32, #tpu.memory_space<hbm>>
      %dma_start3A_120 = arith.constant 0 : i32
      %dma_start3A_121 = arith.constant 0 : i32
      %dma_start3A_122 = tpu.memref_slice %arg24[%dma_start3A_120, %dma_start3A_121] : memref<256x128xf32, #tpu.memory_space<vmem>> -> memref<128x128xf32, #tpu.memory_space<vmem>>
      %dma_start3A_123 = arith.constant 0 : i32
      %dma_start3A_124 = tpu.memref_slice %arg2[%add3A_88, %dma_start3A_123] : memref<20480x128xf32, #tpu.memory_space<hbm>> -> memref<128x128xf32, #tpu.memory_space<hbm>>
      tpu.enqueue_dma source(%dma_start3A_124 : memref<128x128xf32, #tpu.memory_space<hbm>>) target(%dma_start3A_122 : memref<128x128xf32, #tpu.memory_space<vmem>>) target_semaphore(%run_scoped3A : memref<!tpu.dma_semaphore, #tpu.memory_space<semaphore_mem>>)
      %dma_wait3A_125 = arith.constant 0 : i32
      %dma_wait3A_126 = arith.constant 0 : i32
      %dma_wait3A_127 = tpu.memref_slice %arg24[%dma_wait3A_125, %dma_wait3A_126] : memref<256x128xf32, #tpu.memory_space<vmem>> -> memref<128x128xf32, #tpu.memory_space<vmem>>
      %dma_wait3A_128 = arith.constant 0 : i32
      %dma_wait3A_129 = tpu.memref_slice %arg2[%add3A_88, %dma_wait3A_128] : memref<20480x128xf32, #tpu.memory_space<hbm>> -> memref<128x128xf32, #tpu.memory_space<hbm>>
      %dma_wait3A_130 = arith.constant 0 : i32
      %dma_wait3A_131 = arith.constant 0 : i32
      %dma_wait3A_132 = tpu.memref_slice %arg24[%dma_wait3A_130, %dma_wait3A_131] : memref<256x128xf32, #tpu.memory_space<vmem>> -> memref<128x128xf32, #tpu.memory_space<vmem>>
      %dma_wait3A_133 = arith.constant 0 : i32
      %dma_wait3A_134 = tpu.memref_slice %arg2[%add3A_88, %dma_wait3A_133] : memref<20480x128xf32, #tpu.memory_space<hbm>> -> memref<128x128xf32, #tpu.memory_space<hbm>>
      tpu.wait_dma2 semaphore(%run_scoped3A : memref<!tpu.dma_semaphore, #tpu.memory_space<semaphore_mem>>) src(%dma_wait3A_134 : memref<128x128xf32, #tpu.memory_space<hbm>>) dst(%dma_wait3A_132 : memref<128x128xf32, #tpu.memory_space<vmem>>)
      tpu.yield
    }) : () -> ()
    "tpu.region"() ({
      %run_scoped3A = tpu.sem_alloc : memref<!tpu.dma_semaphore, #tpu.memory_space<semaphore_mem>>
      %dma_start3A_115 = arith.constant 0 : i32
      %dma_start3A_116 = arith.constant 0 : i32
      %dma_start3A_117 = tpu.memref_slice %arg24[%dma_start3A_115, %dma_start3A_116] : memref<256x128xf32, #tpu.memory_space<vmem>> -> memref<128x128xf32, #tpu.memory_space<vmem>>
      %dma_start3A_118 = arith.constant 0 : i32
      %dma_start3A_119 = arith.constant 0 : i32
      %dma_start3A_120 = tpu.memref_slice %arg10[%dma_start3A_118, %dma_start3A_119] : memref<72x128xf32, #tpu.memory_space<vmem_shared>> -> memref<72x128xf32, #tpu.memory_space<vmem_shared>>
      tpu.enqueue_indirect_dma source(%dma_start3A_117 : memref<128x128xf32, #tpu.memory_space<vmem>>) target(%dma_start3A_120 : memref<72x128xf32, #tpu.memory_space<vmem_shared>>) offsets(%arg22 : memref<128xi32, #tpu.memory_space<vmem>>) semaphore(%run_scoped3A : memref<!tpu.dma_semaphore, #tpu.memory_space<semaphore_mem>>) {add = true}
      %dma_wait3A_121 = arith.constant 0 : i32
      %dma_wait3A_122 = arith.constant 0 : i32
      %dma_wait3A_123 = tpu.memref_slice %arg24[%dma_wait3A_121, %dma_wait3A_122] : memref<256x128xf32, #tpu.memory_space<vmem>> -> memref<128x128xf32, #tpu.memory_space<vmem>>
      %dma_wait3A_124 = arith.constant 0 : i32
      %dma_wait3A_125 = arith.constant 0 : i32
      %dma_wait3A_126 = tpu.memref_slice %arg10[%dma_wait3A_124, %dma_wait3A_125] : memref<72x128xf32, #tpu.memory_space<vmem_shared>> -> memref<72x128xf32, #tpu.memory_space<vmem_shared>>
      tpu.wait_indirect_dma semaphore(%run_scoped3A : memref<!tpu.dma_semaphore, #tpu.memory_space<semaphore_mem>>) src(%dma_wait3A_123 : memref<128x128xf32, #tpu.memory_space<vmem>>) dst(%dma_wait3A_126 : memref<72x128xf32, #tpu.memory_space<vmem_shared>>)
      tpu.yield
    }) : () -> ()
    %mul3A_89 = arith.constant 640 : i32
    %mul3A_90 = arith.muli %arg1, %mul3A_89 : i32
    %add3A_91 = arith.addi %mul3A_0, %mul3A_90 : i32
    %add3A_92 = arith.constant 512 : i32
    %add3A_93 = arith.addi %add3A_91, %add3A_92 : i32
    "tpu.region"() ({
      %run_scoped3A = tpu.sem_alloc : memref<!tpu.dma_semaphore, #tpu.memory_space<semaphore_mem>>
      %dma_start3A_115 = arith.constant 0 : i32
      %dma_start3A_116 = arith.constant 0 : i32
      %dma_start3A_117 = tpu.memref_slice %arg24[%dma_start3A_115, %dma_start3A_116] : memref<256x128xf32, #tpu.memory_space<vmem>> -> memref<128x128xf32, #tpu.memory_space<vmem>>
      %dma_start3A_118 = arith.constant 0 : i32
      %dma_start3A_119 = tpu.memref_slice %arg2[%add3A_93, %dma_start3A_118] : memref<20480x128xf32, #tpu.memory_space<hbm>> -> memref<128x128xf32, #tpu.memory_space<hbm>>
      %dma_start3A_120 = arith.constant 0 : i32
      %dma_start3A_121 = arith.constant 0 : i32
      %dma_start3A_122 = tpu.memref_slice %arg24[%dma_start3A_120, %dma_start3A_121] : memref<256x128xf32, #tpu.memory_space<vmem>> -> memref<128x128xf32, #tpu.memory_space<vmem>>
      %dma_start3A_123 = arith.constant 0 : i32
      %dma_start3A_124 = tpu.memref_slice %arg2[%add3A_93, %dma_start3A_123] : memref<20480x128xf32, #tpu.memory_space<hbm>> -> memref<128x128xf32, #tpu.memory_space<hbm>>
      tpu.enqueue_dma source(%dma_start3A_124 : memref<128x128xf32, #tpu.memory_space<hbm>>) target(%dma_start3A_122 : memref<128x128xf32, #tpu.memory_space<vmem>>) target_semaphore(%run_scoped3A : memref<!tpu.dma_semaphore, #tpu.memory_space<semaphore_mem>>)
      %dma_wait3A_125 = arith.constant 0 : i32
      %dma_wait3A_126 = arith.constant 0 : i32
      %dma_wait3A_127 = tpu.memref_slice %arg24[%dma_wait3A_125, %dma_wait3A_126] : memref<256x128xf32, #tpu.memory_space<vmem>> -> memref<128x128xf32, #tpu.memory_space<vmem>>
      %dma_wait3A_128 = arith.constant 0 : i32
      %dma_wait3A_129 = tpu.memref_slice %arg2[%add3A_93, %dma_wait3A_128] : memref<20480x128xf32, #tpu.memory_space<hbm>> -> memref<128x128xf32, #tpu.memory_space<hbm>>
      %dma_wait3A_130 = arith.constant 0 : i32
      %dma_wait3A_131 = arith.constant 0 : i32
      %dma_wait3A_132 = tpu.memref_slice %arg24[%dma_wait3A_130, %dma_wait3A_131] : memref<256x128xf32, #tpu.memory_space<vmem>> -> memref<128x128xf32, #tpu.memory_space<vmem>>
      %dma_wait3A_133 = arith.constant 0 : i32
      %dma_wait3A_134 = tpu.memref_slice %arg2[%add3A_93, %dma_wait3A_133] : memref<20480x128xf32, #tpu.memory_space<hbm>> -> memref<128x128xf32, #tpu.memory_space<hbm>>
      tpu.wait_dma2 semaphore(%run_scoped3A : memref<!tpu.dma_semaphore, #tpu.memory_space<semaphore_mem>>) src(%dma_wait3A_134 : memref<128x128xf32, #tpu.memory_space<hbm>>) dst(%dma_wait3A_132 : memref<128x128xf32, #tpu.memory_space<vmem>>)
      tpu.yield
    }) : () -> ()
    "tpu.region"() ({
      %run_scoped3A = tpu.sem_alloc : memref<!tpu.dma_semaphore, #tpu.memory_space<semaphore_mem>>
      %dma_start3A_115 = arith.constant 0 : i32
      %dma_start3A_116 = arith.constant 0 : i32
      %dma_start3A_117 = tpu.memref_slice %arg24[%dma_start3A_115, %dma_start3A_116] : memref<256x128xf32, #tpu.memory_space<vmem>> -> memref<128x128xf32, #tpu.memory_space<vmem>>
      %dma_start3A_118 = arith.constant 0 : i32
      %dma_start3A_119 = arith.constant 0 : i32
      %dma_start3A_120 = tpu.memref_slice %arg10[%dma_start3A_118, %dma_start3A_119] : memref<72x128xf32, #tpu.memory_space<vmem_shared>> -> memref<72x128xf32, #tpu.memory_space<vmem_shared>>
      tpu.enqueue_indirect_dma source(%dma_start3A_117 : memref<128x128xf32, #tpu.memory_space<vmem>>) target(%dma_start3A_120 : memref<72x128xf32, #tpu.memory_space<vmem_shared>>) offsets(%arg23 : memref<128xi32, #tpu.memory_space<vmem>>) semaphore(%run_scoped3A : memref<!tpu.dma_semaphore, #tpu.memory_space<semaphore_mem>>) {add = true}
      %dma_wait3A_121 = arith.constant 0 : i32
      %dma_wait3A_122 = arith.constant 0 : i32
      %dma_wait3A_123 = tpu.memref_slice %arg24[%dma_wait3A_121, %dma_wait3A_122] : memref<256x128xf32, #tpu.memory_space<vmem>> -> memref<128x128xf32, #tpu.memory_space<vmem>>
      %dma_wait3A_124 = arith.constant 0 : i32
      %dma_wait3A_125 = arith.constant 0 : i32
      %dma_wait3A_126 = tpu.memref_slice %arg10[%dma_wait3A_124, %dma_wait3A_125] : memref<72x128xf32, #tpu.memory_space<vmem_shared>> -> memref<72x128xf32, #tpu.memory_space<vmem_shared>>
      tpu.wait_indirect_dma semaphore(%run_scoped3A : memref<!tpu.dma_semaphore, #tpu.memory_space<semaphore_mem>>) src(%dma_wait3A_123 : memref<128x128xf32, #tpu.memory_space<vmem>>) dst(%dma_wait3A_126 : memref<72x128xf32, #tpu.memory_space<vmem_shared>>)
      tpu.yield
    }) : () -> ()
    %eq3A_94 = arith.constant 0 : i32
    %eq3A_95 = arith.cmpi eq, %arg0, %eq3A_94 : i32
    %convert_element_type3A_96 = arith.extui %eq3A_95 : i1 to i32
    %cond3A_97 = arith.constant 0 : i32
    %cond3A_98 = arith.cmpi ne, %convert_element_type3A_96, %cond3A_97 : i32
    scf.if %cond3A_98 {
      "tpu.region"() ({
        %run_scoped3A = tpu.sem_alloc : memref<!tpu.dma_semaphore, #tpu.memory_space<semaphore_mem>>
        %dma_start3A_115 = arith.constant 0 : i32
        %dma_start3A_116 = arith.constant 0 : i32
        %dma_start3A_117 = tpu.memref_slice %arg24[%dma_start3A_115, %dma_start3A_116] : memref<256x128xf32, #tpu.memory_space<vmem>> -> memref<128x128xf32, #tpu.memory_space<vmem>>
        %dma_start3A_118 = arith.constant 0 : i32
        %dma_start3A_119 = arith.constant 0 : i32
        %dma_start3A_120 = tpu.memref_slice %arg24[%dma_start3A_118, %dma_start3A_119] : memref<256x128xf32, #tpu.memory_space<vmem>> -> memref<128x128xf32, #tpu.memory_space<vmem>>
        tpu.enqueue_dma source(%arg6 : memref<128x128xf32, #tpu.memory_space<hbm>>) target(%dma_start3A_120 : memref<128x128xf32, #tpu.memory_space<vmem>>) target_semaphore(%run_scoped3A : memref<!tpu.dma_semaphore, #tpu.memory_space<semaphore_mem>>)
        %dma_wait3A_121 = arith.constant 0 : i32
        %dma_wait3A_122 = arith.constant 0 : i32
        %dma_wait3A_123 = tpu.memref_slice %arg24[%dma_wait3A_121, %dma_wait3A_122] : memref<256x128xf32, #tpu.memory_space<vmem>> -> memref<128x128xf32, #tpu.memory_space<vmem>>
        %dma_wait3A_124 = arith.constant 0 : i32
        %dma_wait3A_125 = arith.constant 0 : i32
        %dma_wait3A_126 = tpu.memref_slice %arg24[%dma_wait3A_124, %dma_wait3A_125] : memref<256x128xf32, #tpu.memory_space<vmem>> -> memref<128x128xf32, #tpu.memory_space<vmem>>
        tpu.wait_dma2 semaphore(%run_scoped3A : memref<!tpu.dma_semaphore, #tpu.memory_space<semaphore_mem>>) src(%arg6 : memref<128x128xf32, #tpu.memory_space<hbm>>) dst(%dma_wait3A_126 : memref<128x128xf32, #tpu.memory_space<vmem>>)
        tpu.yield
      }) : () -> ()
      "tpu.region"() ({
        %run_scoped3A = tpu.sem_alloc : memref<!tpu.dma_semaphore, #tpu.memory_space<semaphore_mem>>
        %dma_start3A_115 = arith.constant 0 : i32
        %dma_start3A_116 = arith.constant 0 : i32
        %dma_start3A_117 = tpu.memref_slice %arg24[%dma_start3A_115, %dma_start3A_116] : memref<256x128xf32, #tpu.memory_space<vmem>> -> memref<128x128xf32, #tpu.memory_space<vmem>>
        %dma_start3A_118 = arith.constant 0 : i32
        %dma_start3A_119 = arith.constant 0 : i32
        %dma_start3A_120 = tpu.memref_slice %arg11[%dma_start3A_118, %dma_start3A_119] : memref<72x128xf32, #tpu.memory_space<vmem_shared>> -> memref<72x128xf32, #tpu.memory_space<vmem_shared>>
        tpu.enqueue_indirect_dma source(%dma_start3A_117 : memref<128x128xf32, #tpu.memory_space<vmem>>) target(%dma_start3A_120 : memref<72x128xf32, #tpu.memory_space<vmem_shared>>) offsets(%arg19 : memref<128xi32, #tpu.memory_space<vmem>>) semaphore(%run_scoped3A : memref<!tpu.dma_semaphore, #tpu.memory_space<semaphore_mem>>) {add = true}
        %dma_wait3A_121 = arith.constant 0 : i32
        %dma_wait3A_122 = arith.constant 0 : i32
        %dma_wait3A_123 = tpu.memref_slice %arg24[%dma_wait3A_121, %dma_wait3A_122] : memref<256x128xf32, #tpu.memory_space<vmem>> -> memref<128x128xf32, #tpu.memory_space<vmem>>
        %dma_wait3A_124 = arith.constant 0 : i32
        %dma_wait3A_125 = arith.constant 0 : i32
        %dma_wait3A_126 = tpu.memref_slice %arg11[%dma_wait3A_124, %dma_wait3A_125] : memref<72x128xf32, #tpu.memory_space<vmem_shared>> -> memref<72x128xf32, #tpu.memory_space<vmem_shared>>
        tpu.wait_indirect_dma semaphore(%run_scoped3A : memref<!tpu.dma_semaphore, #tpu.memory_space<semaphore_mem>>) src(%dma_wait3A_123 : memref<128x128xf32, #tpu.memory_space<vmem>>) dst(%dma_wait3A_126 : memref<72x128xf32, #tpu.memory_space<vmem_shared>>)
        tpu.yield
      }) : () -> ()
      "tpu.region"() ({
        %run_scoped3A = tpu.sem_alloc : memref<!tpu.dma_semaphore, #tpu.memory_space<semaphore_mem>>
        %dma_start3A_115 = arith.constant 0 : i32
        %dma_start3A_116 = arith.constant 0 : i32
        %dma_start3A_117 = tpu.memref_slice %arg24[%dma_start3A_115, %dma_start3A_116] : memref<256x128xf32, #tpu.memory_space<vmem>> -> memref<128x128xf32, #tpu.memory_space<vmem>>
        %dma_start3A_118 = arith.constant 0 : i32
        %dma_start3A_119 = arith.constant 0 : i32
        %dma_start3A_120 = tpu.memref_slice %arg11[%dma_start3A_118, %dma_start3A_119] : memref<72x128xf32, #tpu.memory_space<vmem_shared>> -> memref<72x128xf32, #tpu.memory_space<vmem_shared>>
        tpu.enqueue_indirect_dma source(%dma_start3A_117 : memref<128x128xf32, #tpu.memory_space<vmem>>) target(%dma_start3A_120 : memref<72x128xf32, #tpu.memory_space<vmem_shared>>) offsets(%arg20 : memref<128xi32, #tpu.memory_space<vmem>>) semaphore(%run_scoped3A : memref<!tpu.dma_semaphore, #tpu.memory_space<semaphore_mem>>) {add = true}
        %dma_wait3A_121 = arith.constant 0 : i32
        %dma_wait3A_122 = arith.constant 0 : i32
        %dma_wait3A_123 = tpu.memref_slice %arg24[%dma_wait3A_121, %dma_wait3A_122] : memref<256x128xf32, #tpu.memory_space<vmem>> -> memref<128x128xf32, #tpu.memory_space<vmem>>
        %dma_wait3A_124 = arith.constant 0 : i32
        %dma_wait3A_125 = arith.constant 0 : i32
        %dma_wait3A_126 = tpu.memref_slice %arg11[%dma_wait3A_124, %dma_wait3A_125] : memref<72x128xf32, #tpu.memory_space<vmem_shared>> -> memref<72x128xf32, #tpu.memory_space<vmem_shared>>
        tpu.wait_indirect_dma semaphore(%run_scoped3A : memref<!tpu.dma_semaphore, #tpu.memory_space<semaphore_mem>>) src(%dma_wait3A_123 : memref<128x128xf32, #tpu.memory_space<vmem>>) dst(%dma_wait3A_126 : memref<72x128xf32, #tpu.memory_space<vmem_shared>>)
        tpu.yield
      }) : () -> ()
      "tpu.region"() ({
        %run_scoped3A = tpu.sem_alloc : memref<!tpu.dma_semaphore, #tpu.memory_space<semaphore_mem>>
        %dma_start3A_115 = arith.constant 0 : i32
        %dma_start3A_116 = arith.constant 0 : i32
        %dma_start3A_117 = tpu.memref_slice %arg24[%dma_start3A_115, %dma_start3A_116] : memref<256x128xf32, #tpu.memory_space<vmem>> -> memref<128x128xf32, #tpu.memory_space<vmem>>
        %dma_start3A_118 = arith.constant 0 : i32
        %dma_start3A_119 = arith.constant 0 : i32
        %dma_start3A_120 = tpu.memref_slice %arg11[%dma_start3A_118, %dma_start3A_119] : memref<72x128xf32, #tpu.memory_space<vmem_shared>> -> memref<72x128xf32, #tpu.memory_space<vmem_shared>>
        tpu.enqueue_indirect_dma source(%dma_start3A_117 : memref<128x128xf32, #tpu.memory_space<vmem>>) target(%dma_start3A_120 : memref<72x128xf32, #tpu.memory_space<vmem_shared>>) offsets(%arg21 : memref<128xi32, #tpu.memory_space<vmem>>) semaphore(%run_scoped3A : memref<!tpu.dma_semaphore, #tpu.memory_space<semaphore_mem>>) {add = true}
        %dma_wait3A_121 = arith.constant 0 : i32
        %dma_wait3A_122 = arith.constant 0 : i32
        %dma_wait3A_123 = tpu.memref_slice %arg24[%dma_wait3A_121, %dma_wait3A_122] : memref<256x128xf32, #tpu.memory_space<vmem>> -> memref<128x128xf32, #tpu.memory_space<vmem>>
        %dma_wait3A_124 = arith.constant 0 : i32
        %dma_wait3A_125 = arith.constant 0 : i32
        %dma_wait3A_126 = tpu.memref_slice %arg11[%dma_wait3A_124, %dma_wait3A_125] : memref<72x128xf32, #tpu.memory_space<vmem_shared>> -> memref<72x128xf32, #tpu.memory_space<vmem_shared>>
        tpu.wait_indirect_dma semaphore(%run_scoped3A : memref<!tpu.dma_semaphore, #tpu.memory_space<semaphore_mem>>) src(%dma_wait3A_123 : memref<128x128xf32, #tpu.memory_space<vmem>>) dst(%dma_wait3A_126 : memref<72x128xf32, #tpu.memory_space<vmem_shared>>)
        tpu.yield
      }) : () -> ()
      "tpu.region"() ({
        %run_scoped3A = tpu.sem_alloc : memref<!tpu.dma_semaphore, #tpu.memory_space<semaphore_mem>>
        %dma_start3A_115 = arith.constant 0 : i32
        %dma_start3A_116 = arith.constant 0 : i32
        %dma_start3A_117 = tpu.memref_slice %arg24[%dma_start3A_115, %dma_start3A_116] : memref<256x128xf32, #tpu.memory_space<vmem>> -> memref<128x128xf32, #tpu.memory_space<vmem>>
        %dma_start3A_118 = arith.constant 0 : i32
        %dma_start3A_119 = arith.constant 0 : i32
        %dma_start3A_120 = tpu.memref_slice %arg11[%dma_start3A_118, %dma_start3A_119] : memref<72x128xf32, #tpu.memory_space<vmem_shared>> -> memref<72x128xf32, #tpu.memory_space<vmem_shared>>
        tpu.enqueue_indirect_dma source(%dma_start3A_117 : memref<128x128xf32, #tpu.memory_space<vmem>>) target(%dma_start3A_120 : memref<72x128xf32, #tpu.memory_space<vmem_shared>>) offsets(%arg22 : memref<128xi32, #tpu.memory_space<vmem>>) semaphore(%run_scoped3A : memref<!tpu.dma_semaphore, #tpu.memory_space<semaphore_mem>>) {add = true}
        %dma_wait3A_121 = arith.constant 0 : i32
        %dma_wait3A_122 = arith.constant 0 : i32
        %dma_wait3A_123 = tpu.memref_slice %arg24[%dma_wait3A_121, %dma_wait3A_122] : memref<256x128xf32, #tpu.memory_space<vmem>> -> memref<128x128xf32, #tpu.memory_space<vmem>>
        %dma_wait3A_124 = arith.constant 0 : i32
        %dma_wait3A_125 = arith.constant 0 : i32
        %dma_wait3A_126 = tpu.memref_slice %arg11[%dma_wait3A_124, %dma_wait3A_125] : memref<72x128xf32, #tpu.memory_space<vmem_shared>> -> memref<72x128xf32, #tpu.memory_space<vmem_shared>>
        tpu.wait_indirect_dma semaphore(%run_scoped3A : memref<!tpu.dma_semaphore, #tpu.memory_space<semaphore_mem>>) src(%dma_wait3A_123 : memref<128x128xf32, #tpu.memory_space<vmem>>) dst(%dma_wait3A_126 : memref<72x128xf32, #tpu.memory_space<vmem_shared>>)
        tpu.yield
      }) : () -> ()
      "tpu.region"() ({
        %run_scoped3A = tpu.sem_alloc : memref<!tpu.dma_semaphore, #tpu.memory_space<semaphore_mem>>
        %dma_start3A_115 = arith.constant 0 : i32
        %dma_start3A_116 = arith.constant 0 : i32
        %dma_start3A_117 = tpu.memref_slice %arg24[%dma_start3A_115, %dma_start3A_116] : memref<256x128xf32, #tpu.memory_space<vmem>> -> memref<128x128xf32, #tpu.memory_space<vmem>>
        %dma_start3A_118 = arith.constant 0 : i32
        %dma_start3A_119 = arith.constant 0 : i32
        %dma_start3A_120 = tpu.memref_slice %arg11[%dma_start3A_118, %dma_start3A_119] : memref<72x128xf32, #tpu.memory_space<vmem_shared>> -> memref<72x128xf32, #tpu.memory_space<vmem_shared>>
        tpu.enqueue_indirect_dma source(%dma_start3A_117 : memref<128x128xf32, #tpu.memory_space<vmem>>) target(%dma_start3A_120 : memref<72x128xf32, #tpu.memory_space<vmem_shared>>) offsets(%arg23 : memref<128xi32, #tpu.memory_space<vmem>>) semaphore(%run_scoped3A : memref<!tpu.dma_semaphore, #tpu.memory_space<semaphore_mem>>) {add = true}
        %dma_wait3A_121 = arith.constant 0 : i32
        %dma_wait3A_122 = arith.constant 0 : i32
        %dma_wait3A_123 = tpu.memref_slice %arg24[%dma_wait3A_121, %dma_wait3A_122] : memref<256x128xf32, #tpu.memory_space<vmem>> -> memref<128x128xf32, #tpu.memory_space<vmem>>
        %dma_wait3A_124 = arith.constant 0 : i32
        %dma_wait3A_125 = arith.constant 0 : i32
        %dma_wait3A_126 = tpu.memref_slice %arg11[%dma_wait3A_124, %dma_wait3A_125] : memref<72x128xf32, #tpu.memory_space<vmem_shared>> -> memref<72x128xf32, #tpu.memory_space<vmem_shared>>
        tpu.wait_indirect_dma semaphore(%run_scoped3A : memref<!tpu.dma_semaphore, #tpu.memory_space<semaphore_mem>>) src(%dma_wait3A_123 : memref<128x128xf32, #tpu.memory_space<vmem>>) dst(%dma_wait3A_126 : memref<72x128xf32, #tpu.memory_space<vmem_shared>>)
        tpu.yield
      }) : () -> ()
    } else {
    }
    %barrier3A_99 = arith.constant 0 : index
    tpu.barrier barrier_id(%barrier3A_99)
    %eq3A_100 = arith.constant 0 : i32
    %eq3A_101 = arith.cmpi eq, %arg1, %eq3A_100 : i32
    %convert_element_type3A_102 = arith.extui %eq3A_101 : i1 to i32
    %cond3A_103 = arith.constant 0 : i32
    %cond3A_104 = arith.cmpi ne, %convert_element_type3A_102, %cond3A_103 : i32
    scf.if %cond3A_104 {
      %mul3A_115 = arith.constant 192 : i32
      %mul3A_116 = arith.muli %arg0, %mul3A_115 : i32
      "tpu.region"() ({
        %run_scoped3A = tpu.sem_alloc : memref<!tpu.dma_semaphore, #tpu.memory_space<semaphore_mem>>
        %dma_start3A_117 = arith.constant 0 : i32
        %dma_start3A_118 = tpu.memref_slice %arg8[%mul3A_116, %dma_start3A_117] : memref<384x128xf32, #tpu.memory_space<hbm>> -> memref<64x128xf32, #tpu.memory_space<hbm>>
        %dma_start3A_119 = arith.constant 0 : i32
        %dma_start3A_120 = arith.constant 0 : i32
        %dma_start3A_121 = tpu.memref_slice %arg9[%dma_start3A_119, %dma_start3A_120] : memref<72x128xf32, #tpu.memory_space<vmem_shared>> -> memref<64x128xf32, #tpu.memory_space<vmem_shared>>
        tpu.enqueue_dma source(%dma_start3A_121 : memref<64x128xf32, #tpu.memory_space<vmem_shared>>) target(%dma_start3A_118 : memref<64x128xf32, #tpu.memory_space<hbm>>) target_semaphore(%run_scoped3A : memref<!tpu.dma_semaphore, #tpu.memory_space<semaphore_mem>>)
        %dma_wait3A_122 = arith.constant 0 : i32
        %dma_wait3A_123 = tpu.memref_slice %arg8[%mul3A_116, %dma_wait3A_122] : memref<384x128xf32, #tpu.memory_space<hbm>> -> memref<64x128xf32, #tpu.memory_space<hbm>>
        %dma_wait3A_124 = arith.constant 0 : i32
        %dma_wait3A_125 = arith.constant 0 : i32
        %dma_wait3A_126 = tpu.memref_slice %arg9[%dma_wait3A_124, %dma_wait3A_125] : memref<72x128xf32, #tpu.memory_space<vmem_shared>> -> memref<64x128xf32, #tpu.memory_space<vmem_shared>>
        tpu.wait_dma2 semaphore(%run_scoped3A : memref<!tpu.dma_semaphore, #tpu.memory_space<semaphore_mem>>) src(%dma_wait3A_126 : memref<64x128xf32, #tpu.memory_space<vmem_shared>>) dst(%dma_wait3A_123 : memref<64x128xf32, #tpu.memory_space<hbm>>)
        tpu.yield
      }) : () -> ()
    } else {
    }
    %eq3A_105 = arith.constant 1 : i32
    %eq3A_106 = arith.cmpi eq, %arg1, %eq3A_105 : i32
    %convert_element_type3A_107 = arith.extui %eq3A_106 : i1 to i32
    %cond3A_108 = arith.constant 0 : i32
    %cond3A_109 = arith.cmpi ne, %convert_element_type3A_107, %cond3A_108 : i32
    scf.if %cond3A_109 {
      %mul3A_115 = arith.constant 192 : i32
      %mul3A_116 = arith.muli %arg0, %mul3A_115 : i32
      %add3A_117 = arith.constant 64 : i32
      %add3A_118 = arith.addi %mul3A_116, %add3A_117 : i32
      "tpu.region"() ({
        %run_scoped3A = tpu.sem_alloc : memref<!tpu.dma_semaphore, #tpu.memory_space<semaphore_mem>>
        %dma_start3A_119 = arith.constant 0 : i32
        %dma_start3A_120 = tpu.memref_slice %arg8[%add3A_118, %dma_start3A_119] : memref<384x128xf32, #tpu.memory_space<hbm>> -> memref<64x128xf32, #tpu.memory_space<hbm>>
        %dma_start3A_121 = arith.constant 0 : i32
        %dma_start3A_122 = arith.constant 0 : i32
        %dma_start3A_123 = tpu.memref_slice %arg10[%dma_start3A_121, %dma_start3A_122] : memref<72x128xf32, #tpu.memory_space<vmem_shared>> -> memref<64x128xf32, #tpu.memory_space<vmem_shared>>
        tpu.enqueue_dma source(%dma_start3A_123 : memref<64x128xf32, #tpu.memory_space<vmem_shared>>) target(%dma_start3A_120 : memref<64x128xf32, #tpu.memory_space<hbm>>) target_semaphore(%run_scoped3A : memref<!tpu.dma_semaphore, #tpu.memory_space<semaphore_mem>>)
        %dma_wait3A_124 = arith.constant 0 : i32
        %dma_wait3A_125 = tpu.memref_slice %arg8[%add3A_118, %dma_wait3A_124] : memref<384x128xf32, #tpu.memory_space<hbm>> -> memref<64x128xf32, #tpu.memory_space<hbm>>
        %dma_wait3A_126 = arith.constant 0 : i32
        %dma_wait3A_127 = arith.constant 0 : i32
        %dma_wait3A_128 = tpu.memref_slice %arg10[%dma_wait3A_126, %dma_wait3A_127] : memref<72x128xf32, #tpu.memory_space<vmem_shared>> -> memref<64x128xf32, #tpu.memory_space<vmem_shared>>
        tpu.wait_dma2 semaphore(%run_scoped3A : memref<!tpu.dma_semaphore, #tpu.memory_space<semaphore_mem>>) src(%dma_wait3A_128 : memref<64x128xf32, #tpu.memory_space<vmem_shared>>) dst(%dma_wait3A_125 : memref<64x128xf32, #tpu.memory_space<hbm>>)
        tpu.yield
      }) : () -> ()
    } else {
    }
    %eq3A_110 = arith.constant 2 : i32
    %eq3A_111 = arith.cmpi eq, %arg1, %eq3A_110 : i32
    %convert_element_type3A_112 = arith.extui %eq3A_111 : i1 to i32
    %cond3A_113 = arith.constant 0 : i32
    %cond3A_114 = arith.cmpi ne, %convert_element_type3A_112, %cond3A_113 : i32
    scf.if %cond3A_114 {
      %mul3A_115 = arith.constant 192 : i32
      %mul3A_116 = arith.muli %arg0, %mul3A_115 : i32
      %add3A_117 = arith.constant 128 : i32
      %add3A_118 = arith.addi %mul3A_116, %add3A_117 : i32
      "tpu.region"() ({
        %run_scoped3A = tpu.sem_alloc : memref<!tpu.dma_semaphore, #tpu.memory_space<semaphore_mem>>
        %dma_start3A_119 = arith.constant 0 : i32
        %dma_start3A_120 = tpu.memref_slice %arg8[%add3A_118, %dma_start3A_119] : memref<384x128xf32, #tpu.memory_space<hbm>> -> memref<64x128xf32, #tpu.memory_space<hbm>>
        %dma_start3A_121 = arith.constant 0 : i32
        %dma_start3A_122 = arith.constant 0 : i32
        %dma_start3A_123 = tpu.memref_slice %arg11[%dma_start3A_121, %dma_start3A_122] : memref<72x128xf32, #tpu.memory_space<vmem_shared>> -> memref<64x128xf32, #tpu.memory_space<vmem_shared>>
        tpu.enqueue_dma source(%dma_start3A_123 : memref<64x128xf32, #tpu.memory_space<vmem_shared>>) target(%dma_start3A_120 : memref<64x128xf32, #tpu.memory_space<hbm>>) target_semaphore(%run_scoped3A : memref<!tpu.dma_semaphore, #tpu.memory_space<semaphore_mem>>)
        %dma_wait3A_124 = arith.constant 0 : i32
        %dma_wait3A_125 = tpu.memref_slice %arg8[%add3A_118, %dma_wait3A_124] : memref<384x128xf32, #tpu.memory_space<hbm>> -> memref<64x128xf32, #tpu.memory_space<hbm>>
        %dma_wait3A_126 = arith.constant 0 : i32
        %dma_wait3A_127 = arith.constant 0 : i32
        %dma_wait3A_128 = tpu.memref_slice %arg11[%dma_wait3A_126, %dma_wait3A_127] : memref<72x128xf32, #tpu.memory_space<vmem_shared>> -> memref<64x128xf32, #tpu.memory_space<vmem_shared>>
        tpu.wait_dma2 semaphore(%run_scoped3A : memref<!tpu.dma_semaphore, #tpu.memory_space<semaphore_mem>>) src(%dma_wait3A_128 : memref<64x128xf32, #tpu.memory_space<vmem_shared>>) dst(%dma_wait3A_125 : memref<64x128xf32, #tpu.memory_space<hbm>>)
        tpu.yield
      }) : () -> ()
    } else {
    }
    return
  }
}

#map = affine_map<(d0, d1) -> (0, 0)>
#map1 = affine_map<(d0, d1) -> (0)>
module attributes {stable_mosaic.version = 14 : i64} {
  func.func @_sc_seg_body(%arg0: i32, %arg1: i32, %arg2: memref<20480x128xf32, #tpu.memory_space<hbm>>, %arg3: memref<163840xi32, #tpu.memory_space<hbm>>, %arg4: memref<163840xi32, #tpu.memory_space<hbm>>, %arg5: memref<640x128xf32, #tpu.memory_space<hbm>>, %arg6: memref<20480x128xf32, #tpu.memory_space<hbm>>, %arg7: memref<10240x128xf32, #tpu.memory_space<vmem_shared>>, %arg8: memref<128xi32, #tpu.memory_space<vmem>>, %arg9: memref<128xi32, #tpu.memory_space<vmem>>, %arg10: memref<128xi32, #tpu.memory_space<vmem>>, %arg11: memref<128xi32, #tpu.memory_space<vmem>>, %arg12: memref<128x128xf32, #tpu.memory_space<vmem>>, %arg13: memref<128x128xf32, #tpu.memory_space<vmem>>, %arg14: memref<!tpu.dma_semaphore, #tpu.memory_space<semaphore_mem>>, %arg15: memref<!tpu.dma_semaphore, #tpu.memory_space<semaphore_mem>>, %arg16: memref<!tpu.dma_semaphore, #tpu.memory_space<semaphore_mem>>, %arg17: memref<!tpu.dma_semaphore, #tpu.memory_space<semaphore_mem>>) attributes {dimension_semantics = [#tpu.dimension_semantics<core_parallel>, #tpu.dimension_semantics<subcore_parallel>], iteration_bounds = array<i64: 2, 16>, scalar_prefetch = 0 : i64, scratch_operands = 11 : i64, tpu.core_type = #tpu.core_type<sc_vector_subcore>, window_params = [{transform_indices = #map}, {transform_indices = #map1}, {transform_indices = #map1}, {transform_indices = #map}, {transform_indices = #map}]} {
    %mul3A = arith.constant 10240 : i32
    %mul3A_0 = arith.muli %arg0, %mul3A : i32
    %mul3A_1 = arith.constant 640 : i32
    %mul3A_2 = arith.muli %arg1, %mul3A_1 : i32
    "tpu.region"() ({
      %run_scoped3A = tpu.sem_alloc : memref<!tpu.dma_semaphore, #tpu.memory_space<semaphore_mem>>
      %dma_start3A_40 = arith.constant 0 : i32
      %dma_start3A_41 = tpu.memref_slice %arg7[%mul3A_2, %dma_start3A_40] : memref<10240x128xf32, #tpu.memory_space<vmem_shared>> -> memref<640x128xf32, #tpu.memory_space<vmem_shared>>
      tpu.enqueue_dma source(%arg5 : memref<640x128xf32, #tpu.memory_space<hbm>>) target(%dma_start3A_41 : memref<640x128xf32, #tpu.memory_space<vmem_shared>>) target_semaphore(%run_scoped3A : memref<!tpu.dma_semaphore, #tpu.memory_space<semaphore_mem>>)
      %dma_wait3A_42 = arith.constant 0 : i32
      %dma_wait3A_43 = tpu.memref_slice %arg7[%mul3A_2, %dma_wait3A_42] : memref<10240x128xf32, #tpu.memory_space<vmem_shared>> -> memref<640x128xf32, #tpu.memory_space<vmem_shared>>
      tpu.wait_dma2 semaphore(%run_scoped3A : memref<!tpu.dma_semaphore, #tpu.memory_space<semaphore_mem>>) src(%arg5 : memref<640x128xf32, #tpu.memory_space<hbm>>) dst(%dma_wait3A_43 : memref<640x128xf32, #tpu.memory_space<vmem_shared>>)
      tpu.yield
    }) : () -> ()
    %barrier3A = arith.constant 0 : index
    tpu.barrier barrier_id(%barrier3A)
    %mul3A_3 = arith.constant 10240 : i32
    %mul3A_4 = arith.muli %arg1, %mul3A_3 : i32
    %add3A = arith.constant 0 : i32
    %add3A_5 = arith.addi %mul3A_4, %add3A : i32
    "tpu.region"() ({
      %run_scoped3A = tpu.sem_alloc : memref<!tpu.dma_semaphore, #tpu.memory_space<semaphore_mem>>
      %dma_start3A_40 = tpu.memref_slice %arg3[%add3A_5] : memref<163840xi32, #tpu.memory_space<hbm>> -> memref<128xi32, #tpu.memory_space<hbm>>
      %dma_start3A_41 = tpu.memref_slice %arg3[%add3A_5] : memref<163840xi32, #tpu.memory_space<hbm>> -> memref<128xi32, #tpu.memory_space<hbm>>
      tpu.enqueue_dma source(%dma_start3A_41 : memref<128xi32, #tpu.memory_space<hbm>>) target(%arg8 : memref<128xi32, #tpu.memory_space<vmem>>) target_semaphore(%run_scoped3A : memref<!tpu.dma_semaphore, #tpu.memory_space<semaphore_mem>>)
      %dma_wait3A_42 = tpu.memref_slice %arg3[%add3A_5] : memref<163840xi32, #tpu.memory_space<hbm>> -> memref<128xi32, #tpu.memory_space<hbm>>
      %dma_wait3A_43 = tpu.memref_slice %arg3[%add3A_5] : memref<163840xi32, #tpu.memory_space<hbm>> -> memref<128xi32, #tpu.memory_space<hbm>>
      tpu.wait_dma2 semaphore(%run_scoped3A : memref<!tpu.dma_semaphore, #tpu.memory_space<semaphore_mem>>) src(%dma_wait3A_43 : memref<128xi32, #tpu.memory_space<hbm>>) dst(%arg8 : memref<128xi32, #tpu.memory_space<vmem>>)
      tpu.yield
    }) : () -> ()
    "tpu.region"() ({
      %run_scoped3A = tpu.sem_alloc : memref<!tpu.dma_semaphore, #tpu.memory_space<semaphore_mem>>
      %dma_start3A_40 = tpu.memref_slice %arg4[%add3A_5] : memref<163840xi32, #tpu.memory_space<hbm>> -> memref<128xi32, #tpu.memory_space<hbm>>
      %dma_start3A_41 = tpu.memref_slice %arg4[%add3A_5] : memref<163840xi32, #tpu.memory_space<hbm>> -> memref<128xi32, #tpu.memory_space<hbm>>
      tpu.enqueue_dma source(%dma_start3A_41 : memref<128xi32, #tpu.memory_space<hbm>>) target(%arg9 : memref<128xi32, #tpu.memory_space<vmem>>) target_semaphore(%run_scoped3A : memref<!tpu.dma_semaphore, #tpu.memory_space<semaphore_mem>>)
      %dma_wait3A_42 = tpu.memref_slice %arg4[%add3A_5] : memref<163840xi32, #tpu.memory_space<hbm>> -> memref<128xi32, #tpu.memory_space<hbm>>
      %dma_wait3A_43 = tpu.memref_slice %arg4[%add3A_5] : memref<163840xi32, #tpu.memory_space<hbm>> -> memref<128xi32, #tpu.memory_space<hbm>>
      tpu.wait_dma2 semaphore(%run_scoped3A : memref<!tpu.dma_semaphore, #tpu.memory_space<semaphore_mem>>) src(%dma_wait3A_43 : memref<128xi32, #tpu.memory_space<hbm>>) dst(%arg9 : memref<128xi32, #tpu.memory_space<vmem>>)
      tpu.yield
    }) : () -> ()
    %scan3A = arith.constant 0 : i32
    %scan3A_6 = arith.constant 8 : i32
    %scan3A_7 = arith.addi %scan3A, %scan3A_6 : i32
    %scan3A_8 = arith.constant 1 : i32
    scf.for %scan3A_40 = %scan3A to %scan3A_7 step %scan3A_8  : i32 {
      %mul3A_41 = arith.constant 1 : i32
      %mul3A_42 = arith.muli %scan3A_40, %mul3A_41 : i32
      %add3A_43 = arith.constant 0 : i32
      %add3A_44 = arith.addi %add3A_43, %mul3A_42 : i32
      %mul3A_45 = arith.constant 16 : i32
      %mul3A_46 = arith.muli %add3A_44, %mul3A_45 : i32
      %get3A = arith.index_cast %mul3A_46 : i32 to index
      %get3A_47 = tpu.vector_load %arg8[%get3A] {strides = array<i32>} : memref<128xi32, #tpu.memory_space<vmem>>, vector<16xi32>,
      %add3A_48 = vector.broadcast %mul3A_0 : i32 to vector<16xi32>
      %add3A_49 = arith.addi %get3A_47, %add3A_48 : vector<16xi32>
      %mul3A_50 = arith.constant 16 : i32
      %mul3A_51 = arith.muli %add3A_44, %mul3A_50 : i32
      %swap3A = arith.index_cast %mul3A_51 : i32 to index
      %swap3A_52 = tpu.vector_load %arg8[%swap3A] {strides = array<i32>} : memref<128xi32, #tpu.memory_space<vmem>>, vector<16xi32>,
      tpu.vector_store %arg8[%swap3A], %add3A_49 {strides = array<i32>} : memref<128xi32, #tpu.memory_space<vmem>>, vector<16xi32>,
    }
    %scan3A_9 = arith.constant 8 : i32
    %dma_start3A = arith.constant 0 : i32
    %dma_start3A_10 = arith.constant 0 : i32
    %dma_start3A_11 = tpu.memref_slice %arg2[%dma_start3A, %dma_start3A_10] : memref<20480x128xf32, #tpu.memory_space<hbm>> -> memref<20480x128xf32, #tpu.memory_space<hbm>>
    tpu.enqueue_indirect_dma source(%dma_start3A_11 : memref<20480x128xf32, #tpu.memory_space<hbm>>) target(%arg12 : memref<128x128xf32, #tpu.memory_space<vmem>>) offsets(%arg8 : memref<128xi32, #tpu.memory_space<vmem>>) semaphore(%arg14 : memref<!tpu.dma_semaphore, #tpu.memory_space<semaphore_mem>>)
    %mul3A_12 = arith.constant 10240 : i32
    %mul3A_13 = arith.muli %arg1, %mul3A_12 : i32
    %add3A_14 = arith.constant 128 : i32
    %add3A_15 = arith.addi %mul3A_13, %add3A_14 : i32
    "tpu.region"() ({
      %run_scoped3A = tpu.sem_alloc : memref<!tpu.dma_semaphore, #tpu.memory_space<semaphore_mem>>
      %dma_start3A_40 = tpu.memref_slice %arg3[%add3A_15] : memref<163840xi32, #tpu.memory_space<hbm>> -> memref<128xi32, #tpu.memory_space<hbm>>
      %dma_start3A_41 = tpu.memref_slice %arg3[%add3A_15] : memref<163840xi32, #tpu.memory_space<hbm>> -> memref<128xi32, #tpu.memory_space<hbm>>
      tpu.enqueue_dma source(%dma_start3A_41 : memref<128xi32, #tpu.memory_space<hbm>>) target(%arg10 : memref<128xi32, #tpu.memory_space<vmem>>) target_semaphore(%run_scoped3A : memref<!tpu.dma_semaphore, #tpu.memory_space<semaphore_mem>>)
      %dma_wait3A_42 = tpu.memref_slice %arg3[%add3A_15] : memref<163840xi32, #tpu.memory_space<hbm>> -> memref<128xi32, #tpu.memory_space<hbm>>
      %dma_wait3A_43 = tpu.memref_slice %arg3[%add3A_15] : memref<163840xi32, #tpu.memory_space<hbm>> -> memref<128xi32, #tpu.memory_space<hbm>>
      tpu.wait_dma2 semaphore(%run_scoped3A : memref<!tpu.dma_semaphore, #tpu.memory_space<semaphore_mem>>) src(%dma_wait3A_43 : memref<128xi32, #tpu.memory_space<hbm>>) dst(%arg10 : memref<128xi32, #tpu.memory_space<vmem>>)
      tpu.yield
    }) : () -> ()
    "tpu.region"() ({
      %run_scoped3A = tpu.sem_alloc : memref<!tpu.dma_semaphore, #tpu.memory_space<semaphore_mem>>
      %dma_start3A_40 = tpu.memref_slice %arg4[%add3A_15] : memref<163840xi32, #tpu.memory_space<hbm>> -> memref<128xi32, #tpu.memory_space<hbm>>
      %dma_start3A_41 = tpu.memref_slice %arg4[%add3A_15] : memref<163840xi32, #tpu.memory_space<hbm>> -> memref<128xi32, #tpu.memory_space<hbm>>
      tpu.enqueue_dma source(%dma_start3A_41 : memref<128xi32, #tpu.memory_space<hbm>>) target(%arg11 : memref<128xi32, #tpu.memory_space<vmem>>) target_semaphore(%run_scoped3A : memref<!tpu.dma_semaphore, #tpu.memory_space<semaphore_mem>>)
      %dma_wait3A_42 = tpu.memref_slice %arg4[%add3A_15] : memref<163840xi32, #tpu.memory_space<hbm>> -> memref<128xi32, #tpu.memory_space<hbm>>
      %dma_wait3A_43 = tpu.memref_slice %arg4[%add3A_15] : memref<163840xi32, #tpu.memory_space<hbm>> -> memref<128xi32, #tpu.memory_space<hbm>>
      tpu.wait_dma2 semaphore(%run_scoped3A : memref<!tpu.dma_semaphore, #tpu.memory_space<semaphore_mem>>) src(%dma_wait3A_43 : memref<128xi32, #tpu.memory_space<hbm>>) dst(%arg11 : memref<128xi32, #tpu.memory_space<vmem>>)
      tpu.yield
    }) : () -> ()
    %scan3A_16 = arith.constant 0 : i32
    %scan3A_17 = arith.constant 8 : i32
    %scan3A_18 = arith.addi %scan3A_16, %scan3A_17 : i32
    %scan3A_19 = arith.constant 1 : i32
    scf.for %scan3A_40 = %scan3A_16 to %scan3A_18 step %scan3A_19  : i32 {
      %mul3A_41 = arith.constant 1 : i32
      %mul3A_42 = arith.muli %scan3A_40, %mul3A_41 : i32
      %add3A_43 = arith.constant 0 : i32
      %add3A_44 = arith.addi %add3A_43, %mul3A_42 : i32
      %mul3A_45 = arith.constant 16 : i32
      %mul3A_46 = arith.muli %add3A_44, %mul3A_45 : i32
      %get3A = arith.index_cast %mul3A_46 : i32 to index
      %get3A_47 = tpu.vector_load %arg10[%get3A] {strides = array<i32>} : memref<128xi32, #tpu.memory_space<vmem>>, vector<16xi32>,
      %add3A_48 = vector.broadcast %mul3A_0 : i32 to vector<16xi32>
      %add3A_49 = arith.addi %get3A_47, %add3A_48 : vector<16xi32>
      %mul3A_50 = arith.constant 16 : i32
      %mul3A_51 = arith.muli %add3A_44, %mul3A_50 : i32
      %swap3A = arith.index_cast %mul3A_51 : i32 to index
      %swap3A_52 = tpu.vector_load %arg10[%swap3A] {strides = array<i32>} : memref<128xi32, #tpu.memory_space<vmem>>, vector<16xi32>,
      tpu.vector_store %arg10[%swap3A], %add3A_49 {strides = array<i32>} : memref<128xi32, #tpu.memory_space<vmem>>, vector<16xi32>,
    }
    %scan3A_20 = arith.constant 8 : i32
    %dma_start3A_21 = arith.constant 0 : i32
    %dma_start3A_22 = arith.constant 0 : i32
    %dma_start3A_23 = tpu.memref_slice %arg2[%dma_start3A_21, %dma_start3A_22] : memref<20480x128xf32, #tpu.memory_space<hbm>> -> memref<20480x128xf32, #tpu.memory_space<hbm>>
    tpu.enqueue_indirect_dma source(%dma_start3A_23 : memref<20480x128xf32, #tpu.memory_space<hbm>>) target(%arg13 : memref<128x128xf32, #tpu.memory_space<vmem>>) offsets(%arg10 : memref<128xi32, #tpu.memory_space<vmem>>) semaphore(%arg15 : memref<!tpu.dma_semaphore, #tpu.memory_space<semaphore_mem>>)
    %scan3A_24 = arith.constant 0 : i32
    %scan3A_25 = arith.constant 40 : i32
    %scan3A_26 = arith.addi %scan3A_24, %scan3A_25 : i32
    %scan3A_27 = arith.constant 1 : i32
    scf.for %scan3A_40 = %scan3A_24 to %scan3A_26 step %scan3A_27  : i32 {
      %mul3A_41 = arith.constant 1 : i32
      %mul3A_42 = arith.muli %scan3A_40, %mul3A_41 : i32
      %add3A_43 = arith.constant 0 : i32
      %add3A_44 = arith.addi %add3A_43, %mul3A_42 : i32
      %dma_wait3A_45 = arith.constant 0 : i32
      %dma_wait3A_46 = arith.constant 0 : i32
      %dma_wait3A_47 = tpu.memref_slice %arg2[%dma_wait3A_45, %dma_wait3A_46] : memref<20480x128xf32, #tpu.memory_space<hbm>> -> memref<20480x128xf32, #tpu.memory_space<hbm>>
      tpu.wait_indirect_dma semaphore(%arg14 : memref<!tpu.dma_semaphore, #tpu.memory_space<semaphore_mem>>) src(%dma_wait3A_47 : memref<20480x128xf32, #tpu.memory_space<hbm>>) dst(%arg12 : memref<128x128xf32, #tpu.memory_space<vmem>>)
      %dma_start3A_48 = arith.constant 0 : i32
      %dma_start3A_49 = arith.constant 0 : i32
      %dma_start3A_50 = tpu.memref_slice %arg7[%dma_start3A_48, %dma_start3A_49] : memref<10240x128xf32, #tpu.memory_space<vmem_shared>> -> memref<10240x128xf32, #tpu.memory_space<vmem_shared>>
      tpu.enqueue_indirect_dma source(%arg12 : memref<128x128xf32, #tpu.memory_space<vmem>>) target(%dma_start3A_50 : memref<10240x128xf32, #tpu.memory_space<vmem_shared>>) offsets(%arg9 : memref<128xi32, #tpu.memory_space<vmem>>) semaphore(%arg16 : memref<!tpu.dma_semaphore, #tpu.memory_space<semaphore_mem>>) {add = true}
      %dma_wait3A_51 = arith.constant 0 : i32
      %dma_wait3A_52 = arith.constant 0 : i32
      %dma_wait3A_53 = tpu.memref_slice %arg2[%dma_wait3A_51, %dma_wait3A_52] : memref<20480x128xf32, #tpu.memory_space<hbm>> -> memref<20480x128xf32, #tpu.memory_space<hbm>>
      tpu.wait_indirect_dma semaphore(%arg15 : memref<!tpu.dma_semaphore, #tpu.memory_space<semaphore_mem>>) src(%dma_wait3A_53 : memref<20480x128xf32, #tpu.memory_space<hbm>>) dst(%arg13 : memref<128x128xf32, #tpu.memory_space<vmem>>)
      %dma_start3A_54 = arith.constant 0 : i32
      %dma_start3A_55 = arith.constant 0 : i32
      %dma_start3A_56 = tpu.memref_slice %arg7[%dma_start3A_54, %dma_start3A_55] : memref<10240x128xf32, #tpu.memory_space<vmem_shared>> -> memref<10240x128xf32, #tpu.memory_space<vmem_shared>>
      tpu.enqueue_indirect_dma source(%arg13 : memref<128x128xf32, #tpu.memory_space<vmem>>) target(%dma_start3A_56 : memref<10240x128xf32, #tpu.memory_space<vmem_shared>>) offsets(%arg11 : memref<128xi32, #tpu.memory_space<vmem>>) semaphore(%arg17 : memref<!tpu.dma_semaphore, #tpu.memory_space<semaphore_mem>>) {add = true}
      %lt3A = arith.constant 39 : i32
      %lt3A_57 = arith.cmpi slt, %add3A_44, %lt3A : i32
      %convert_element_type3A = arith.extui %lt3A_57 : i1 to i32
      %cond3A = arith.constant 0 : i32
      %cond3A_58 = arith.cmpi ne, %convert_element_type3A, %cond3A : i32
      scf.if %cond3A_58 {
        %dma_wait3A_59 = arith.constant 0 : i32
        %dma_wait3A_60 = arith.constant 0 : i32
        %dma_wait3A_61 = tpu.memref_slice %arg7[%dma_wait3A_59, %dma_wait3A_60] : memref<10240x128xf32, #tpu.memory_space<vmem_shared>> -> memref<10240x128xf32, #tpu.memory_space<vmem_shared>>
        tpu.wait_indirect_dma semaphore(%arg16 : memref<!tpu.dma_semaphore, #tpu.memory_space<semaphore_mem>>) src(%arg12 : memref<128x128xf32, #tpu.memory_space<vmem>>) dst(%dma_wait3A_61 : memref<10240x128xf32, #tpu.memory_space<vmem_shared>>)
        %mul3A_62 = arith.constant 2 : i32
        %mul3A_63 = arith.muli %mul3A_62, %add3A_44 : i32
        %add3A_64 = arith.constant 2 : i32
        %add3A_65 = arith.addi %mul3A_63, %add3A_64 : i32
        %mul3A_66 = arith.constant 10240 : i32
        %mul3A_67 = arith.muli %arg1, %mul3A_66 : i32
        %mul3A_68 = arith.constant 128 : i32
        %mul3A_69 = arith.muli %add3A_65, %mul3A_68 : i32
        %add3A_70 = arith.addi %mul3A_67, %mul3A_69 : i32
        "tpu.region"() ({
          %run_scoped3A = tpu.sem_alloc : memref<!tpu.dma_semaphore, #tpu.memory_space<semaphore_mem>>
          %dma_start3A_99 = tpu.memref_slice %arg3[%add3A_70] : memref<163840xi32, #tpu.memory_space<hbm>> -> memref<128xi32, #tpu.memory_space<hbm>>
          %dma_start3A_100 = tpu.memref_slice %arg3[%add3A_70] : memref<163840xi32, #tpu.memory_space<hbm>> -> memref<128xi32, #tpu.memory_space<hbm>>
          tpu.enqueue_dma source(%dma_start3A_100 : memref<128xi32, #tpu.memory_space<hbm>>) target(%arg8 : memref<128xi32, #tpu.memory_space<vmem>>) target_semaphore(%run_scoped3A : memref<!tpu.dma_semaphore, #tpu.memory_space<semaphore_mem>>)
          %dma_wait3A_101 = tpu.memref_slice %arg3[%add3A_70] : memref<163840xi32, #tpu.memory_space<hbm>> -> memref<128xi32, #tpu.memory_space<hbm>>
          %dma_wait3A_102 = tpu.memref_slice %arg3[%add3A_70] : memref<163840xi32, #tpu.memory_space<hbm>> -> memref<128xi32, #tpu.memory_space<hbm>>
          tpu.wait_dma2 semaphore(%run_scoped3A : memref<!tpu.dma_semaphore, #tpu.memory_space<semaphore_mem>>) src(%dma_wait3A_102 : memref<128xi32, #tpu.memory_space<hbm>>) dst(%arg8 : memref<128xi32, #tpu.memory_space<vmem>>)
          tpu.yield
        }) : () -> ()
        "tpu.region"() ({
          %run_scoped3A = tpu.sem_alloc : memref<!tpu.dma_semaphore, #tpu.memory_space<semaphore_mem>>
          %dma_start3A_99 = tpu.memref_slice %arg4[%add3A_70] : memref<163840xi32, #tpu.memory_space<hbm>> -> memref<128xi32, #tpu.memory_space<hbm>>
          %dma_start3A_100 = tpu.memref_slice %arg4[%add3A_70] : memref<163840xi32, #tpu.memory_space<hbm>> -> memref<128xi32, #tpu.memory_space<hbm>>
          tpu.enqueue_dma source(%dma_start3A_100 : memref<128xi32, #tpu.memory_space<hbm>>) target(%arg9 : memref<128xi32, #tpu.memory_space<vmem>>) target_semaphore(%run_scoped3A : memref<!tpu.dma_semaphore, #tpu.memory_space<semaphore_mem>>)
          %dma_wait3A_101 = tpu.memref_slice %arg4[%add3A_70] : memref<163840xi32, #tpu.memory_space<hbm>> -> memref<128xi32, #tpu.memory_space<hbm>>
          %dma_wait3A_102 = tpu.memref_slice %arg4[%add3A_70] : memref<163840xi32, #tpu.memory_space<hbm>> -> memref<128xi32, #tpu.memory_space<hbm>>
          tpu.wait_dma2 semaphore(%run_scoped3A : memref<!tpu.dma_semaphore, #tpu.memory_space<semaphore_mem>>) src(%dma_wait3A_102 : memref<128xi32, #tpu.memory_space<hbm>>) dst(%arg9 : memref<128xi32, #tpu.memory_space<vmem>>)
          tpu.yield
        }) : () -> ()
        %scan3A_71 = arith.constant 0 : i32
        %scan3A_72 = arith.constant 8 : i32
        %scan3A_73 = arith.addi %scan3A_71, %scan3A_72 : i32
        %scan3A_74 = arith.constant 1 : i32
        scf.for %scan3A_99 = %scan3A_71 to %scan3A_73 step %scan3A_74  : i32 {
          %mul3A_100 = arith.constant 1 : i32
          %mul3A_101 = arith.muli %scan3A_99, %mul3A_100 : i32
          %add3A_102 = arith.constant 0 : i32
          %add3A_103 = arith.addi %add3A_102, %mul3A_101 : i32
          %mul3A_104 = arith.constant 16 : i32
          %mul3A_105 = arith.muli %add3A_103, %mul3A_104 : i32
          %get3A = arith.index_cast %mul3A_105 : i32 to index
          %get3A_106 = tpu.vector_load %arg8[%get3A] {strides = array<i32>} : memref<128xi32, #tpu.memory_space<vmem>>, vector<16xi32>,
          %add3A_107 = vector.broadcast %mul3A_0 : i32 to vector<16xi32>
          %add3A_108 = arith.addi %get3A_106, %add3A_107 : vector<16xi32>
          %mul3A_109 = arith.constant 16 : i32
          %mul3A_110 = arith.muli %add3A_103, %mul3A_109 : i32
          %swap3A = arith.index_cast %mul3A_110 : i32 to index
          %swap3A_111 = tpu.vector_load %arg8[%swap3A] {strides = array<i32>} : memref<128xi32, #tpu.memory_space<vmem>>, vector<16xi32>,
          tpu.vector_store %arg8[%swap3A], %add3A_108 {strides = array<i32>} : memref<128xi32, #tpu.memory_space<vmem>>, vector<16xi32>,
        }
        %scan3A_75 = arith.constant 8 : i32
        %dma_start3A_76 = arith.constant 0 : i32
        %dma_start3A_77 = arith.constant 0 : i32
        %dma_start3A_78 = tpu.memref_slice %arg2[%dma_start3A_76, %dma_start3A_77] : memref<20480x128xf32, #tpu.memory_space<hbm>> -> memref<20480x128xf32, #tpu.memory_space<hbm>>
        tpu.enqueue_indirect_dma source(%dma_start3A_78 : memref<20480x128xf32, #tpu.memory_space<hbm>>) target(%arg12 : memref<128x128xf32, #tpu.memory_space<vmem>>) offsets(%arg8 : memref<128xi32, #tpu.memory_space<vmem>>) semaphore(%arg14 : memref<!tpu.dma_semaphore, #tpu.memory_space<semaphore_mem>>)
        %dma_wait3A_79 = arith.constant 0 : i32
        %dma_wait3A_80 = arith.constant 0 : i32
        %dma_wait3A_81 = tpu.memref_slice %arg7[%dma_wait3A_79, %dma_wait3A_80] : memref<10240x128xf32, #tpu.memory_space<vmem_shared>> -> memref<10240x128xf32, #tpu.memory_space<vmem_shared>>
        tpu.wait_indirect_dma semaphore(%arg17 : memref<!tpu.dma_semaphore, #tpu.memory_space<semaphore_mem>>) src(%arg13 : memref<128x128xf32, #tpu.memory_space<vmem>>) dst(%dma_wait3A_81 : memref<10240x128xf32, #tpu.memory_space<vmem_shared>>)
        %mul3A_82 = arith.constant 2 : i32
        %mul3A_83 = arith.muli %mul3A_82, %add3A_44 : i32
        %add3A_84 = arith.constant 3 : i32
        %add3A_85 = arith.addi %mul3A_83, %add3A_84 : i32
        %mul3A_86 = arith.constant 10240 : i32
        %mul3A_87 = arith.muli %arg1, %mul3A_86 : i32
        %mul3A_88 = arith.constant 128 : i32
        %mul3A_89 = arith.muli %add3A_85, %mul3A_88 : i32
        %add3A_90 = arith.addi %mul3A_87, %mul3A_89 : i32
        "tpu.region"() ({
          %run_scoped3A = tpu.sem_alloc : memref<!tpu.dma_semaphore, #tpu.memory_space<semaphore_mem>>
          %dma_start3A_99 = tpu.memref_slice %arg3[%add3A_90] : memref<163840xi32, #tpu.memory_space<hbm>> -> memref<128xi32, #tpu.memory_space<hbm>>
          %dma_start3A_100 = tpu.memref_slice %arg3[%add3A_90] : memref<163840xi32, #tpu.memory_space<hbm>> -> memref<128xi32, #tpu.memory_space<hbm>>
          tpu.enqueue_dma source(%dma_start3A_100 : memref<128xi32, #tpu.memory_space<hbm>>) target(%arg10 : memref<128xi32, #tpu.memory_space<vmem>>) target_semaphore(%run_scoped3A : memref<!tpu.dma_semaphore, #tpu.memory_space<semaphore_mem>>)
          %dma_wait3A_101 = tpu.memref_slice %arg3[%add3A_90] : memref<163840xi32, #tpu.memory_space<hbm>> -> memref<128xi32, #tpu.memory_space<hbm>>
          %dma_wait3A_102 = tpu.memref_slice %arg3[%add3A_90] : memref<163840xi32, #tpu.memory_space<hbm>> -> memref<128xi32, #tpu.memory_space<hbm>>
          tpu.wait_dma2 semaphore(%run_scoped3A : memref<!tpu.dma_semaphore, #tpu.memory_space<semaphore_mem>>) src(%dma_wait3A_102 : memref<128xi32, #tpu.memory_space<hbm>>) dst(%arg10 : memref<128xi32, #tpu.memory_space<vmem>>)
          tpu.yield
        }) : () -> ()
        "tpu.region"() ({
          %run_scoped3A = tpu.sem_alloc : memref<!tpu.dma_semaphore, #tpu.memory_space<semaphore_mem>>
          %dma_start3A_99 = tpu.memref_slice %arg4[%add3A_90] : memref<163840xi32, #tpu.memory_space<hbm>> -> memref<128xi32, #tpu.memory_space<hbm>>
          %dma_start3A_100 = tpu.memref_slice %arg4[%add3A_90] : memref<163840xi32, #tpu.memory_space<hbm>> -> memref<128xi32, #tpu.memory_space<hbm>>
          tpu.enqueue_dma source(%dma_start3A_100 : memref<128xi32, #tpu.memory_space<hbm>>) target(%arg11 : memref<128xi32, #tpu.memory_space<vmem>>) target_semaphore(%run_scoped3A : memref<!tpu.dma_semaphore, #tpu.memory_space<semaphore_mem>>)
          %dma_wait3A_101 = tpu.memref_slice %arg4[%add3A_90] : memref<163840xi32, #tpu.memory_space<hbm>> -> memref<128xi32, #tpu.memory_space<hbm>>
          %dma_wait3A_102 = tpu.memref_slice %arg4[%add3A_90] : memref<163840xi32, #tpu.memory_space<hbm>> -> memref<128xi32, #tpu.memory_space<hbm>>
          tpu.wait_dma2 semaphore(%run_scoped3A : memref<!tpu.dma_semaphore, #tpu.memory_space<semaphore_mem>>) src(%dma_wait3A_102 : memref<128xi32, #tpu.memory_space<hbm>>) dst(%arg11 : memref<128xi32, #tpu.memory_space<vmem>>)
          tpu.yield
        }) : () -> ()
        %scan3A_91 = arith.constant 0 : i32
        %scan3A_92 = arith.constant 8 : i32
        %scan3A_93 = arith.addi %scan3A_91, %scan3A_92 : i32
        %scan3A_94 = arith.constant 1 : i32
        scf.for %scan3A_99 = %scan3A_91 to %scan3A_93 step %scan3A_94  : i32 {
          %mul3A_100 = arith.constant 1 : i32
          %mul3A_101 = arith.muli %scan3A_99, %mul3A_100 : i32
          %add3A_102 = arith.constant 0 : i32
          %add3A_103 = arith.addi %add3A_102, %mul3A_101 : i32
          %mul3A_104 = arith.constant 16 : i32
          %mul3A_105 = arith.muli %add3A_103, %mul3A_104 : i32
          %get3A = arith.index_cast %mul3A_105 : i32 to index
          %get3A_106 = tpu.vector_load %arg10[%get3A] {strides = array<i32>} : memref<128xi32, #tpu.memory_space<vmem>>, vector<16xi32>,
          %add3A_107 = vector.broadcast %mul3A_0 : i32 to vector<16xi32>
          %add3A_108 = arith.addi %get3A_106, %add3A_107 : vector<16xi32>
          %mul3A_109 = arith.constant 16 : i32
          %mul3A_110 = arith.muli %add3A_103, %mul3A_109 : i32
          %swap3A = arith.index_cast %mul3A_110 : i32 to index
          %swap3A_111 = tpu.vector_load %arg10[%swap3A] {strides = array<i32>} : memref<128xi32, #tpu.memory_space<vmem>>, vector<16xi32>,
          tpu.vector_store %arg10[%swap3A], %add3A_108 {strides = array<i32>} : memref<128xi32, #tpu.memory_space<vmem>>, vector<16xi32>,
        }
        %scan3A_95 = arith.constant 8 : i32
        %dma_start3A_96 = arith.constant 0 : i32
        %dma_start3A_97 = arith.constant 0 : i32
        %dma_start3A_98 = tpu.memref_slice %arg2[%dma_start3A_96, %dma_start3A_97] : memref<20480x128xf32, #tpu.memory_space<hbm>> -> memref<20480x128xf32, #tpu.memory_space<hbm>>
        tpu.enqueue_indirect_dma source(%dma_start3A_98 : memref<20480x128xf32, #tpu.memory_space<hbm>>) target(%arg13 : memref<128x128xf32, #tpu.memory_space<vmem>>) offsets(%arg10 : memref<128xi32, #tpu.memory_space<vmem>>) semaphore(%arg15 : memref<!tpu.dma_semaphore, #tpu.memory_space<semaphore_mem>>)
      } else {
      }
    }
    %scan3A_28 = arith.constant 40 : i32
    %dma_wait3A = arith.constant 0 : i32
    %dma_wait3A_29 = arith.constant 0 : i32
    %dma_wait3A_30 = tpu.memref_slice %arg7[%dma_wait3A, %dma_wait3A_29] : memref<10240x128xf32, #tpu.memory_space<vmem_shared>> -> memref<10240x128xf32, #tpu.memory_space<vmem_shared>>
    tpu.wait_indirect_dma semaphore(%arg16 : memref<!tpu.dma_semaphore, #tpu.memory_space<semaphore_mem>>) src(%arg12 : memref<128x128xf32, #tpu.memory_space<vmem>>) dst(%dma_wait3A_30 : memref<10240x128xf32, #tpu.memory_space<vmem_shared>>)
    %dma_wait3A_31 = arith.constant 0 : i32
    %dma_wait3A_32 = arith.constant 0 : i32
    %dma_wait3A_33 = tpu.memref_slice %arg7[%dma_wait3A_31, %dma_wait3A_32] : memref<10240x128xf32, #tpu.memory_space<vmem_shared>> -> memref<10240x128xf32, #tpu.memory_space<vmem_shared>>
    tpu.wait_indirect_dma semaphore(%arg17 : memref<!tpu.dma_semaphore, #tpu.memory_space<semaphore_mem>>) src(%arg13 : memref<128x128xf32, #tpu.memory_space<vmem>>) dst(%dma_wait3A_33 : memref<10240x128xf32, #tpu.memory_space<vmem_shared>>)
    %barrier3A_34 = arith.constant 0 : index
    tpu.barrier barrier_id(%barrier3A_34)
    %mul3A_35 = arith.constant 640 : i32
    %mul3A_36 = arith.muli %arg1, %mul3A_35 : i32
    %mul3A_37 = arith.constant 640 : i32
    %mul3A_38 = arith.muli %arg1, %mul3A_37 : i32
    %add3A_39 = arith.addi %mul3A_0, %mul3A_38 : i32
    "tpu.region"() ({
      %run_scoped3A = tpu.sem_alloc : memref<!tpu.dma_semaphore, #tpu.memory_space<semaphore_mem>>
      %dma_start3A_40 = arith.constant 0 : i32
      %dma_start3A_41 = tpu.memref_slice %arg6[%add3A_39, %dma_start3A_40] : memref<20480x128xf32, #tpu.memory_space<hbm>> -> memref<640x128xf32, #tpu.memory_space<hbm>>
      %dma_start3A_42 = arith.constant 0 : i32
      %dma_start3A_43 = tpu.memref_slice %arg7[%mul3A_36, %dma_start3A_42] : memref<10240x128xf32, #tpu.memory_space<vmem_shared>> -> memref<640x128xf32, #tpu.memory_space<vmem_shared>>
      tpu.enqueue_dma source(%dma_start3A_43 : memref<640x128xf32, #tpu.memory_space<vmem_shared>>) target(%dma_start3A_41 : memref<640x128xf32, #tpu.memory_space<hbm>>) target_semaphore(%run_scoped3A : memref<!tpu.dma_semaphore, #tpu.memory_space<semaphore_mem>>)
      %dma_wait3A_44 = arith.constant 0 : i32
      %dma_wait3A_45 = tpu.memref_slice %arg6[%add3A_39, %dma_wait3A_44] : memref<20480x128xf32, #tpu.memory_space<hbm>> -> memref<640x128xf32, #tpu.memory_space<hbm>>
      %dma_wait3A_46 = arith.constant 0 : i32
      %dma_wait3A_47 = tpu.memref_slice %arg7[%mul3A_36, %dma_wait3A_46] : memref<10240x128xf32, #tpu.memory_space<vmem_shared>> -> memref<640x128xf32, #tpu.memory_space<vmem_shared>>
      tpu.wait_dma2 semaphore(%run_scoped3A : memref<!tpu.dma_semaphore, #tpu.memory_space<semaphore_mem>>) src(%dma_wait3A_47 : memref<640x128xf32, #tpu.memory_space<vmem_shared>>) dst(%dma_wait3A_45 : memref<640x128xf32, #tpu.memory_space<hbm>>)
      tpu.yield
    }) : () -> ()
    return
  }
}

#map = affine_map<(d0, d1) -> (0, 0)>
#map1 = affine_map<(d0, d1) -> (0)>
module attributes {stable_mosaic.version = 14 : i64} {
  func.func @_sc_seg_body(%arg0: i32, %arg1: i32, %arg2: memref<20480x128xf32, #tpu.memory_space<hbm>>, %arg3: memref<163840xi32, #tpu.memory_space<hbm>>, %arg4: memref<163840xi32, #tpu.memory_space<hbm>>, %arg5: memref<640x128xf32, #tpu.memory_space<hbm>>, %arg6: memref<20480x128xf32, #tpu.memory_space<hbm>>, %arg7: memref<10240x128xf32, #tpu.memory_space<vmem_shared>>, %arg8: memref<128xi32, #tpu.memory_space<vmem>>, %arg9: memref<128xi32, #tpu.memory_space<vmem>>, %arg10: memref<128xi32, #tpu.memory_space<vmem>>, %arg11: memref<128xi32, #tpu.memory_space<vmem>>, %arg12: memref<128x128xf32, #tpu.memory_space<vmem>>, %arg13: memref<128x128xf32, #tpu.memory_space<vmem>>, %arg14: memref<!tpu.dma_semaphore, #tpu.memory_space<semaphore_mem>>, %arg15: memref<!tpu.dma_semaphore, #tpu.memory_space<semaphore_mem>>, %arg16: memref<!tpu.dma_semaphore, #tpu.memory_space<semaphore_mem>>, %arg17: memref<!tpu.dma_semaphore, #tpu.memory_space<semaphore_mem>>) attributes {dimension_semantics = [#tpu.dimension_semantics<core_parallel>, #tpu.dimension_semantics<subcore_parallel>], iteration_bounds = array<i64: 2, 16>, scalar_prefetch = 0 : i64, scratch_operands = 11 : i64, tpu.core_type = #tpu.core_type<sc_vector_subcore>, window_params = [{transform_indices = #map}, {transform_indices = #map1}, {transform_indices = #map1}, {transform_indices = #map}, {transform_indices = #map}]} {
    %mul3A = arith.constant 10240 : i32
    %mul3A_0 = arith.muli %arg0, %mul3A : i32
    %mul3A_1 = arith.constant 640 : i32
    %mul3A_2 = arith.muli %arg1, %mul3A_1 : i32
    "tpu.region"() ({
      %run_scoped3A = tpu.sem_alloc : memref<!tpu.dma_semaphore, #tpu.memory_space<semaphore_mem>>
      %dma_start3A_40 = arith.constant 0 : i32
      %dma_start3A_41 = tpu.memref_slice %arg7[%mul3A_2, %dma_start3A_40] : memref<10240x128xf32, #tpu.memory_space<vmem_shared>> -> memref<640x128xf32, #tpu.memory_space<vmem_shared>>
      tpu.enqueue_dma source(%arg5 : memref<640x128xf32, #tpu.memory_space<hbm>>) target(%dma_start3A_41 : memref<640x128xf32, #tpu.memory_space<vmem_shared>>) target_semaphore(%run_scoped3A : memref<!tpu.dma_semaphore, #tpu.memory_space<semaphore_mem>>)
      %dma_wait3A_42 = arith.constant 0 : i32
      %dma_wait3A_43 = tpu.memref_slice %arg7[%mul3A_2, %dma_wait3A_42] : memref<10240x128xf32, #tpu.memory_space<vmem_shared>> -> memref<640x128xf32, #tpu.memory_space<vmem_shared>>
      tpu.wait_dma2 semaphore(%run_scoped3A : memref<!tpu.dma_semaphore, #tpu.memory_space<semaphore_mem>>) src(%arg5 : memref<640x128xf32, #tpu.memory_space<hbm>>) dst(%dma_wait3A_43 : memref<640x128xf32, #tpu.memory_space<vmem_shared>>)
      tpu.yield
    }) : () -> ()
    %barrier3A = arith.constant 0 : index
    tpu.barrier barrier_id(%barrier3A)
    %mul3A_3 = arith.constant 10240 : i32
    %mul3A_4 = arith.muli %arg1, %mul3A_3 : i32
    %add3A = arith.constant 0 : i32
    %add3A_5 = arith.addi %mul3A_4, %add3A : i32
    "tpu.region"() ({
      %run_scoped3A = tpu.sem_alloc : memref<!tpu.dma_semaphore, #tpu.memory_space<semaphore_mem>>
      %dma_start3A_40 = tpu.memref_slice %arg3[%add3A_5] : memref<163840xi32, #tpu.memory_space<hbm>> -> memref<128xi32, #tpu.memory_space<hbm>>
      %dma_start3A_41 = tpu.memref_slice %arg3[%add3A_5] : memref<163840xi32, #tpu.memory_space<hbm>> -> memref<128xi32, #tpu.memory_space<hbm>>
      tpu.enqueue_dma source(%dma_start3A_41 : memref<128xi32, #tpu.memory_space<hbm>>) target(%arg8 : memref<128xi32, #tpu.memory_space<vmem>>) target_semaphore(%run_scoped3A : memref<!tpu.dma_semaphore, #tpu.memory_space<semaphore_mem>>)
      %dma_wait3A_42 = tpu.memref_slice %arg3[%add3A_5] : memref<163840xi32, #tpu.memory_space<hbm>> -> memref<128xi32, #tpu.memory_space<hbm>>
      %dma_wait3A_43 = tpu.memref_slice %arg3[%add3A_5] : memref<163840xi32, #tpu.memory_space<hbm>> -> memref<128xi32, #tpu.memory_space<hbm>>
      tpu.wait_dma2 semaphore(%run_scoped3A : memref<!tpu.dma_semaphore, #tpu.memory_space<semaphore_mem>>) src(%dma_wait3A_43 : memref<128xi32, #tpu.memory_space<hbm>>) dst(%arg8 : memref<128xi32, #tpu.memory_space<vmem>>)
      tpu.yield
    }) : () -> ()
    "tpu.region"() ({
      %run_scoped3A = tpu.sem_alloc : memref<!tpu.dma_semaphore, #tpu.memory_space<semaphore_mem>>
      %dma_start3A_40 = tpu.memref_slice %arg4[%add3A_5] : memref<163840xi32, #tpu.memory_space<hbm>> -> memref<128xi32, #tpu.memory_space<hbm>>
      %dma_start3A_41 = tpu.memref_slice %arg4[%add3A_5] : memref<163840xi32, #tpu.memory_space<hbm>> -> memref<128xi32, #tpu.memory_space<hbm>>
      tpu.enqueue_dma source(%dma_start3A_41 : memref<128xi32, #tpu.memory_space<hbm>>) target(%arg9 : memref<128xi32, #tpu.memory_space<vmem>>) target_semaphore(%run_scoped3A : memref<!tpu.dma_semaphore, #tpu.memory_space<semaphore_mem>>)
      %dma_wait3A_42 = tpu.memref_slice %arg4[%add3A_5] : memref<163840xi32, #tpu.memory_space<hbm>> -> memref<128xi32, #tpu.memory_space<hbm>>
      %dma_wait3A_43 = tpu.memref_slice %arg4[%add3A_5] : memref<163840xi32, #tpu.memory_space<hbm>> -> memref<128xi32, #tpu.memory_space<hbm>>
      tpu.wait_dma2 semaphore(%run_scoped3A : memref<!tpu.dma_semaphore, #tpu.memory_space<semaphore_mem>>) src(%dma_wait3A_43 : memref<128xi32, #tpu.memory_space<hbm>>) dst(%arg9 : memref<128xi32, #tpu.memory_space<vmem>>)
      tpu.yield
    }) : () -> ()
    %scan3A = arith.constant 0 : i32
    %scan3A_6 = arith.constant 8 : i32
    %scan3A_7 = arith.addi %scan3A, %scan3A_6 : i32
    %scan3A_8 = arith.constant 1 : i32
    scf.for %scan3A_40 = %scan3A to %scan3A_7 step %scan3A_8  : i32 {
      %mul3A_41 = arith.constant 1 : i32
      %mul3A_42 = arith.muli %scan3A_40, %mul3A_41 : i32
      %add3A_43 = arith.constant 0 : i32
      %add3A_44 = arith.addi %add3A_43, %mul3A_42 : i32
      %mul3A_45 = arith.constant 16 : i32
      %mul3A_46 = arith.muli %add3A_44, %mul3A_45 : i32
      %get3A = arith.index_cast %mul3A_46 : i32 to index
      %get3A_47 = tpu.vector_load %arg8[%get3A] {strides = array<i32>} : memref<128xi32, #tpu.memory_space<vmem>>, vector<16xi32>,
      %add3A_48 = vector.broadcast %mul3A_0 : i32 to vector<16xi32>
      %add3A_49 = arith.addi %get3A_47, %add3A_48 : vector<16xi32>
      %mul3A_50 = arith.constant 16 : i32
      %mul3A_51 = arith.muli %add3A_44, %mul3A_50 : i32
      %swap3A = arith.index_cast %mul3A_51 : i32 to index
      %swap3A_52 = tpu.vector_load %arg8[%swap3A] {strides = array<i32>} : memref<128xi32, #tpu.memory_space<vmem>>, vector<16xi32>,
      tpu.vector_store %arg8[%swap3A], %add3A_49 {strides = array<i32>} : memref<128xi32, #tpu.memory_space<vmem>>, vector<16xi32>,
    }
    %scan3A_9 = arith.constant 8 : i32
    %dma_start3A = arith.constant 0 : i32
    %dma_start3A_10 = arith.constant 0 : i32
    %dma_start3A_11 = tpu.memref_slice %arg2[%dma_start3A, %dma_start3A_10] : memref<20480x128xf32, #tpu.memory_space<hbm>> -> memref<20480x128xf32, #tpu.memory_space<hbm>>
    tpu.enqueue_indirect_dma source(%dma_start3A_11 : memref<20480x128xf32, #tpu.memory_space<hbm>>) target(%arg12 : memref<128x128xf32, #tpu.memory_space<vmem>>) offsets(%arg8 : memref<128xi32, #tpu.memory_space<vmem>>) semaphore(%arg14 : memref<!tpu.dma_semaphore, #tpu.memory_space<semaphore_mem>>)
    %mul3A_12 = arith.constant 10240 : i32
    %mul3A_13 = arith.muli %arg1, %mul3A_12 : i32
    %add3A_14 = arith.constant 128 : i32
    %add3A_15 = arith.addi %mul3A_13, %add3A_14 : i32
    "tpu.region"() ({
      %run_scoped3A = tpu.sem_alloc : memref<!tpu.dma_semaphore, #tpu.memory_space<semaphore_mem>>
      %dma_start3A_40 = tpu.memref_slice %arg3[%add3A_15] : memref<163840xi32, #tpu.memory_space<hbm>> -> memref<128xi32, #tpu.memory_space<hbm>>
      %dma_start3A_41 = tpu.memref_slice %arg3[%add3A_15] : memref<163840xi32, #tpu.memory_space<hbm>> -> memref<128xi32, #tpu.memory_space<hbm>>
      tpu.enqueue_dma source(%dma_start3A_41 : memref<128xi32, #tpu.memory_space<hbm>>) target(%arg10 : memref<128xi32, #tpu.memory_space<vmem>>) target_semaphore(%run_scoped3A : memref<!tpu.dma_semaphore, #tpu.memory_space<semaphore_mem>>)
      %dma_wait3A_42 = tpu.memref_slice %arg3[%add3A_15] : memref<163840xi32, #tpu.memory_space<hbm>> -> memref<128xi32, #tpu.memory_space<hbm>>
      %dma_wait3A_43 = tpu.memref_slice %arg3[%add3A_15] : memref<163840xi32, #tpu.memory_space<hbm>> -> memref<128xi32, #tpu.memory_space<hbm>>
      tpu.wait_dma2 semaphore(%run_scoped3A : memref<!tpu.dma_semaphore, #tpu.memory_space<semaphore_mem>>) src(%dma_wait3A_43 : memref<128xi32, #tpu.memory_space<hbm>>) dst(%arg10 : memref<128xi32, #tpu.memory_space<vmem>>)
      tpu.yield
    }) : () -> ()
    "tpu.region"() ({
      %run_scoped3A = tpu.sem_alloc : memref<!tpu.dma_semaphore, #tpu.memory_space<semaphore_mem>>
      %dma_start3A_40 = tpu.memref_slice %arg4[%add3A_15] : memref<163840xi32, #tpu.memory_space<hbm>> -> memref<128xi32, #tpu.memory_space<hbm>>
      %dma_start3A_41 = tpu.memref_slice %arg4[%add3A_15] : memref<163840xi32, #tpu.memory_space<hbm>> -> memref<128xi32, #tpu.memory_space<hbm>>
      tpu.enqueue_dma source(%dma_start3A_41 : memref<128xi32, #tpu.memory_space<hbm>>) target(%arg11 : memref<128xi32, #tpu.memory_space<vmem>>) target_semaphore(%run_scoped3A : memref<!tpu.dma_semaphore, #tpu.memory_space<semaphore_mem>>)
      %dma_wait3A_42 = tpu.memref_slice %arg4[%add3A_15] : memref<163840xi32, #tpu.memory_space<hbm>> -> memref<128xi32, #tpu.memory_space<hbm>>
      %dma_wait3A_43 = tpu.memref_slice %arg4[%add3A_15] : memref<163840xi32, #tpu.memory_space<hbm>> -> memref<128xi32, #tpu.memory_space<hbm>>
      tpu.wait_dma2 semaphore(%run_scoped3A : memref<!tpu.dma_semaphore, #tpu.memory_space<semaphore_mem>>) src(%dma_wait3A_43 : memref<128xi32, #tpu.memory_space<hbm>>) dst(%arg11 : memref<128xi32, #tpu.memory_space<vmem>>)
      tpu.yield
    }) : () -> ()
    %scan3A_16 = arith.constant 0 : i32
    %scan3A_17 = arith.constant 8 : i32
    %scan3A_18 = arith.addi %scan3A_16, %scan3A_17 : i32
    %scan3A_19 = arith.constant 1 : i32
    scf.for %scan3A_40 = %scan3A_16 to %scan3A_18 step %scan3A_19  : i32 {
      %mul3A_41 = arith.constant 1 : i32
      %mul3A_42 = arith.muli %scan3A_40, %mul3A_41 : i32
      %add3A_43 = arith.constant 0 : i32
      %add3A_44 = arith.addi %add3A_43, %mul3A_42 : i32
      %mul3A_45 = arith.constant 16 : i32
      %mul3A_46 = arith.muli %add3A_44, %mul3A_45 : i32
      %get3A = arith.index_cast %mul3A_46 : i32 to index
      %get3A_47 = tpu.vector_load %arg10[%get3A] {strides = array<i32>} : memref<128xi32, #tpu.memory_space<vmem>>, vector<16xi32>,
      %add3A_48 = vector.broadcast %mul3A_0 : i32 to vector<16xi32>
      %add3A_49 = arith.addi %get3A_47, %add3A_48 : vector<16xi32>
      %mul3A_50 = arith.constant 16 : i32
      %mul3A_51 = arith.muli %add3A_44, %mul3A_50 : i32
      %swap3A = arith.index_cast %mul3A_51 : i32 to index
      %swap3A_52 = tpu.vector_load %arg10[%swap3A] {strides = array<i32>} : memref<128xi32, #tpu.memory_space<vmem>>, vector<16xi32>,
      tpu.vector_store %arg10[%swap3A], %add3A_49 {strides = array<i32>} : memref<128xi32, #tpu.memory_space<vmem>>, vector<16xi32>,
    }
    %scan3A_20 = arith.constant 8 : i32
    %dma_start3A_21 = arith.constant 0 : i32
    %dma_start3A_22 = arith.constant 0 : i32
    %dma_start3A_23 = tpu.memref_slice %arg2[%dma_start3A_21, %dma_start3A_22] : memref<20480x128xf32, #tpu.memory_space<hbm>> -> memref<20480x128xf32, #tpu.memory_space<hbm>>
    tpu.enqueue_indirect_dma source(%dma_start3A_23 : memref<20480x128xf32, #tpu.memory_space<hbm>>) target(%arg13 : memref<128x128xf32, #tpu.memory_space<vmem>>) offsets(%arg10 : memref<128xi32, #tpu.memory_space<vmem>>) semaphore(%arg15 : memref<!tpu.dma_semaphore, #tpu.memory_space<semaphore_mem>>)
    %scan3A_24 = arith.constant 0 : i32
    %scan3A_25 = arith.constant 40 : i32
    %scan3A_26 = arith.addi %scan3A_24, %scan3A_25 : i32
    %scan3A_27 = arith.constant 1 : i32
    scf.for %scan3A_40 = %scan3A_24 to %scan3A_26 step %scan3A_27  : i32 {
      %mul3A_41 = arith.constant 1 : i32
      %mul3A_42 = arith.muli %scan3A_40, %mul3A_41 : i32
      %add3A_43 = arith.constant 0 : i32
      %add3A_44 = arith.addi %add3A_43, %mul3A_42 : i32
      %dma_wait3A_45 = arith.constant 0 : i32
      %dma_wait3A_46 = arith.constant 0 : i32
      %dma_wait3A_47 = tpu.memref_slice %arg2[%dma_wait3A_45, %dma_wait3A_46] : memref<20480x128xf32, #tpu.memory_space<hbm>> -> memref<20480x128xf32, #tpu.memory_space<hbm>>
      tpu.wait_indirect_dma semaphore(%arg14 : memref<!tpu.dma_semaphore, #tpu.memory_space<semaphore_mem>>) src(%dma_wait3A_47 : memref<20480x128xf32, #tpu.memory_space<hbm>>) dst(%arg12 : memref<128x128xf32, #tpu.memory_space<vmem>>)
      %dma_start3A_48 = arith.constant 0 : i32
      %dma_start3A_49 = arith.constant 0 : i32
      %dma_start3A_50 = tpu.memref_slice %arg7[%dma_start3A_48, %dma_start3A_49] : memref<10240x128xf32, #tpu.memory_space<vmem_shared>> -> memref<10240x128xf32, #tpu.memory_space<vmem_shared>>
      tpu.enqueue_indirect_dma source(%arg12 : memref<128x128xf32, #tpu.memory_space<vmem>>) target(%dma_start3A_50 : memref<10240x128xf32, #tpu.memory_space<vmem_shared>>) offsets(%arg9 : memref<128xi32, #tpu.memory_space<vmem>>) semaphore(%arg16 : memref<!tpu.dma_semaphore, #tpu.memory_space<semaphore_mem>>) {add = true}
      %dma_wait3A_51 = arith.constant 0 : i32
      %dma_wait3A_52 = arith.constant 0 : i32
      %dma_wait3A_53 = tpu.memref_slice %arg2[%dma_wait3A_51, %dma_wait3A_52] : memref<20480x128xf32, #tpu.memory_space<hbm>> -> memref<20480x128xf32, #tpu.memory_space<hbm>>
      tpu.wait_indirect_dma semaphore(%arg15 : memref<!tpu.dma_semaphore, #tpu.memory_space<semaphore_mem>>) src(%dma_wait3A_53 : memref<20480x128xf32, #tpu.memory_space<hbm>>) dst(%arg13 : memref<128x128xf32, #tpu.memory_space<vmem>>)
      %dma_start3A_54 = arith.constant 0 : i32
      %dma_start3A_55 = arith.constant 0 : i32
      %dma_start3A_56 = tpu.memref_slice %arg7[%dma_start3A_54, %dma_start3A_55] : memref<10240x128xf32, #tpu.memory_space<vmem_shared>> -> memref<10240x128xf32, #tpu.memory_space<vmem_shared>>
      tpu.enqueue_indirect_dma source(%arg13 : memref<128x128xf32, #tpu.memory_space<vmem>>) target(%dma_start3A_56 : memref<10240x128xf32, #tpu.memory_space<vmem_shared>>) offsets(%arg11 : memref<128xi32, #tpu.memory_space<vmem>>) semaphore(%arg17 : memref<!tpu.dma_semaphore, #tpu.memory_space<semaphore_mem>>) {add = true}
      %lt3A = arith.constant 39 : i32
      %lt3A_57 = arith.cmpi slt, %add3A_44, %lt3A : i32
      %convert_element_type3A = arith.extui %lt3A_57 : i1 to i32
      %cond3A = arith.constant 0 : i32
      %cond3A_58 = arith.cmpi ne, %convert_element_type3A, %cond3A : i32
      scf.if %cond3A_58 {
        %dma_wait3A_59 = arith.constant 0 : i32
        %dma_wait3A_60 = arith.constant 0 : i32
        %dma_wait3A_61 = tpu.memref_slice %arg7[%dma_wait3A_59, %dma_wait3A_60] : memref<10240x128xf32, #tpu.memory_space<vmem_shared>> -> memref<10240x128xf32, #tpu.memory_space<vmem_shared>>
        tpu.wait_indirect_dma semaphore(%arg16 : memref<!tpu.dma_semaphore, #tpu.memory_space<semaphore_mem>>) src(%arg12 : memref<128x128xf32, #tpu.memory_space<vmem>>) dst(%dma_wait3A_61 : memref<10240x128xf32, #tpu.memory_space<vmem_shared>>)
        %mul3A_62 = arith.constant 2 : i32
        %mul3A_63 = arith.muli %mul3A_62, %add3A_44 : i32
        %add3A_64 = arith.constant 2 : i32
        %add3A_65 = arith.addi %mul3A_63, %add3A_64 : i32
        %mul3A_66 = arith.constant 10240 : i32
        %mul3A_67 = arith.muli %arg1, %mul3A_66 : i32
        %mul3A_68 = arith.constant 128 : i32
        %mul3A_69 = arith.muli %add3A_65, %mul3A_68 : i32
        %add3A_70 = arith.addi %mul3A_67, %mul3A_69 : i32
        "tpu.region"() ({
          %run_scoped3A = tpu.sem_alloc : memref<!tpu.dma_semaphore, #tpu.memory_space<semaphore_mem>>
          %dma_start3A_99 = tpu.memref_slice %arg3[%add3A_70] : memref<163840xi32, #tpu.memory_space<hbm>> -> memref<128xi32, #tpu.memory_space<hbm>>
          %dma_start3A_100 = tpu.memref_slice %arg3[%add3A_70] : memref<163840xi32, #tpu.memory_space<hbm>> -> memref<128xi32, #tpu.memory_space<hbm>>
          tpu.enqueue_dma source(%dma_start3A_100 : memref<128xi32, #tpu.memory_space<hbm>>) target(%arg8 : memref<128xi32, #tpu.memory_space<vmem>>) target_semaphore(%run_scoped3A : memref<!tpu.dma_semaphore, #tpu.memory_space<semaphore_mem>>)
          %dma_wait3A_101 = tpu.memref_slice %arg3[%add3A_70] : memref<163840xi32, #tpu.memory_space<hbm>> -> memref<128xi32, #tpu.memory_space<hbm>>
          %dma_wait3A_102 = tpu.memref_slice %arg3[%add3A_70] : memref<163840xi32, #tpu.memory_space<hbm>> -> memref<128xi32, #tpu.memory_space<hbm>>
          tpu.wait_dma2 semaphore(%run_scoped3A : memref<!tpu.dma_semaphore, #tpu.memory_space<semaphore_mem>>) src(%dma_wait3A_102 : memref<128xi32, #tpu.memory_space<hbm>>) dst(%arg8 : memref<128xi32, #tpu.memory_space<vmem>>)
          tpu.yield
        }) : () -> ()
        "tpu.region"() ({
          %run_scoped3A = tpu.sem_alloc : memref<!tpu.dma_semaphore, #tpu.memory_space<semaphore_mem>>
          %dma_start3A_99 = tpu.memref_slice %arg4[%add3A_70] : memref<163840xi32, #tpu.memory_space<hbm>> -> memref<128xi32, #tpu.memory_space<hbm>>
          %dma_start3A_100 = tpu.memref_slice %arg4[%add3A_70] : memref<163840xi32, #tpu.memory_space<hbm>> -> memref<128xi32, #tpu.memory_space<hbm>>
          tpu.enqueue_dma source(%dma_start3A_100 : memref<128xi32, #tpu.memory_space<hbm>>) target(%arg9 : memref<128xi32, #tpu.memory_space<vmem>>) target_semaphore(%run_scoped3A : memref<!tpu.dma_semaphore, #tpu.memory_space<semaphore_mem>>)
          %dma_wait3A_101 = tpu.memref_slice %arg4[%add3A_70] : memref<163840xi32, #tpu.memory_space<hbm>> -> memref<128xi32, #tpu.memory_space<hbm>>
          %dma_wait3A_102 = tpu.memref_slice %arg4[%add3A_70] : memref<163840xi32, #tpu.memory_space<hbm>> -> memref<128xi32, #tpu.memory_space<hbm>>
          tpu.wait_dma2 semaphore(%run_scoped3A : memref<!tpu.dma_semaphore, #tpu.memory_space<semaphore_mem>>) src(%dma_wait3A_102 : memref<128xi32, #tpu.memory_space<hbm>>) dst(%arg9 : memref<128xi32, #tpu.memory_space<vmem>>)
          tpu.yield
        }) : () -> ()
        %scan3A_71 = arith.constant 0 : i32
        %scan3A_72 = arith.constant 8 : i32
        %scan3A_73 = arith.addi %scan3A_71, %scan3A_72 : i32
        %scan3A_74 = arith.constant 1 : i32
        scf.for %scan3A_99 = %scan3A_71 to %scan3A_73 step %scan3A_74  : i32 {
          %mul3A_100 = arith.constant 1 : i32
          %mul3A_101 = arith.muli %scan3A_99, %mul3A_100 : i32
          %add3A_102 = arith.constant 0 : i32
          %add3A_103 = arith.addi %add3A_102, %mul3A_101 : i32
          %mul3A_104 = arith.constant 16 : i32
          %mul3A_105 = arith.muli %add3A_103, %mul3A_104 : i32
          %get3A = arith.index_cast %mul3A_105 : i32 to index
          %get3A_106 = tpu.vector_load %arg8[%get3A] {strides = array<i32>} : memref<128xi32, #tpu.memory_space<vmem>>, vector<16xi32>,
          %add3A_107 = vector.broadcast %mul3A_0 : i32 to vector<16xi32>
          %add3A_108 = arith.addi %get3A_106, %add3A_107 : vector<16xi32>
          %mul3A_109 = arith.constant 16 : i32
          %mul3A_110 = arith.muli %add3A_103, %mul3A_109 : i32
          %swap3A = arith.index_cast %mul3A_110 : i32 to index
          %swap3A_111 = tpu.vector_load %arg8[%swap3A] {strides = array<i32>} : memref<128xi32, #tpu.memory_space<vmem>>, vector<16xi32>,
          tpu.vector_store %arg8[%swap3A], %add3A_108 {strides = array<i32>} : memref<128xi32, #tpu.memory_space<vmem>>, vector<16xi32>,
        }
        %scan3A_75 = arith.constant 8 : i32
        %dma_start3A_76 = arith.constant 0 : i32
        %dma_start3A_77 = arith.constant 0 : i32
        %dma_start3A_78 = tpu.memref_slice %arg2[%dma_start3A_76, %dma_start3A_77] : memref<20480x128xf32, #tpu.memory_space<hbm>> -> memref<20480x128xf32, #tpu.memory_space<hbm>>
        tpu.enqueue_indirect_dma source(%dma_start3A_78 : memref<20480x128xf32, #tpu.memory_space<hbm>>) target(%arg12 : memref<128x128xf32, #tpu.memory_space<vmem>>) offsets(%arg8 : memref<128xi32, #tpu.memory_space<vmem>>) semaphore(%arg14 : memref<!tpu.dma_semaphore, #tpu.memory_space<semaphore_mem>>)
        %dma_wait3A_79 = arith.constant 0 : i32
        %dma_wait3A_80 = arith.constant 0 : i32
        %dma_wait3A_81 = tpu.memref_slice %arg7[%dma_wait3A_79, %dma_wait3A_80] : memref<10240x128xf32, #tpu.memory_space<vmem_shared>> -> memref<10240x128xf32, #tpu.memory_space<vmem_shared>>
        tpu.wait_indirect_dma semaphore(%arg17 : memref<!tpu.dma_semaphore, #tpu.memory_space<semaphore_mem>>) src(%arg13 : memref<128x128xf32, #tpu.memory_space<vmem>>) dst(%dma_wait3A_81 : memref<10240x128xf32, #tpu.memory_space<vmem_shared>>)
        %mul3A_82 = arith.constant 2 : i32
        %mul3A_83 = arith.muli %mul3A_82, %add3A_44 : i32
        %add3A_84 = arith.constant 3 : i32
        %add3A_85 = arith.addi %mul3A_83, %add3A_84 : i32
        %mul3A_86 = arith.constant 10240 : i32
        %mul3A_87 = arith.muli %arg1, %mul3A_86 : i32
        %mul3A_88 = arith.constant 128 : i32
        %mul3A_89 = arith.muli %add3A_85, %mul3A_88 : i32
        %add3A_90 = arith.addi %mul3A_87, %mul3A_89 : i32
        "tpu.region"() ({
          %run_scoped3A = tpu.sem_alloc : memref<!tpu.dma_semaphore, #tpu.memory_space<semaphore_mem>>
          %dma_start3A_99 = tpu.memref_slice %arg3[%add3A_90] : memref<163840xi32, #tpu.memory_space<hbm>> -> memref<128xi32, #tpu.memory_space<hbm>>
          %dma_start3A_100 = tpu.memref_slice %arg3[%add3A_90] : memref<163840xi32, #tpu.memory_space<hbm>> -> memref<128xi32, #tpu.memory_space<hbm>>
          tpu.enqueue_dma source(%dma_start3A_100 : memref<128xi32, #tpu.memory_space<hbm>>) target(%arg10 : memref<128xi32, #tpu.memory_space<vmem>>) target_semaphore(%run_scoped3A : memref<!tpu.dma_semaphore, #tpu.memory_space<semaphore_mem>>)
          %dma_wait3A_101 = tpu.memref_slice %arg3[%add3A_90] : memref<163840xi32, #tpu.memory_space<hbm>> -> memref<128xi32, #tpu.memory_space<hbm>>
          %dma_wait3A_102 = tpu.memref_slice %arg3[%add3A_90] : memref<163840xi32, #tpu.memory_space<hbm>> -> memref<128xi32, #tpu.memory_space<hbm>>
          tpu.wait_dma2 semaphore(%run_scoped3A : memref<!tpu.dma_semaphore, #tpu.memory_space<semaphore_mem>>) src(%dma_wait3A_102 : memref<128xi32, #tpu.memory_space<hbm>>) dst(%arg10 : memref<128xi32, #tpu.memory_space<vmem>>)
          tpu.yield
        }) : () -> ()
        "tpu.region"() ({
          %run_scoped3A = tpu.sem_alloc : memref<!tpu.dma_semaphore, #tpu.memory_space<semaphore_mem>>
          %dma_start3A_99 = tpu.memref_slice %arg4[%add3A_90] : memref<163840xi32, #tpu.memory_space<hbm>> -> memref<128xi32, #tpu.memory_space<hbm>>
          %dma_start3A_100 = tpu.memref_slice %arg4[%add3A_90] : memref<163840xi32, #tpu.memory_space<hbm>> -> memref<128xi32, #tpu.memory_space<hbm>>
          tpu.enqueue_dma source(%dma_start3A_100 : memref<128xi32, #tpu.memory_space<hbm>>) target(%arg11 : memref<128xi32, #tpu.memory_space<vmem>>) target_semaphore(%run_scoped3A : memref<!tpu.dma_semaphore, #tpu.memory_space<semaphore_mem>>)
          %dma_wait3A_101 = tpu.memref_slice %arg4[%add3A_90] : memref<163840xi32, #tpu.memory_space<hbm>> -> memref<128xi32, #tpu.memory_space<hbm>>
          %dma_wait3A_102 = tpu.memref_slice %arg4[%add3A_90] : memref<163840xi32, #tpu.memory_space<hbm>> -> memref<128xi32, #tpu.memory_space<hbm>>
          tpu.wait_dma2 semaphore(%run_scoped3A : memref<!tpu.dma_semaphore, #tpu.memory_space<semaphore_mem>>) src(%dma_wait3A_102 : memref<128xi32, #tpu.memory_space<hbm>>) dst(%arg11 : memref<128xi32, #tpu.memory_space<vmem>>)
          tpu.yield
        }) : () -> ()
        %scan3A_91 = arith.constant 0 : i32
        %scan3A_92 = arith.constant 8 : i32
        %scan3A_93 = arith.addi %scan3A_91, %scan3A_92 : i32
        %scan3A_94 = arith.constant 1 : i32
        scf.for %scan3A_99 = %scan3A_91 to %scan3A_93 step %scan3A_94  : i32 {
          %mul3A_100 = arith.constant 1 : i32
          %mul3A_101 = arith.muli %scan3A_99, %mul3A_100 : i32
          %add3A_102 = arith.constant 0 : i32
          %add3A_103 = arith.addi %add3A_102, %mul3A_101 : i32
          %mul3A_104 = arith.constant 16 : i32
          %mul3A_105 = arith.muli %add3A_103, %mul3A_104 : i32
          %get3A = arith.index_cast %mul3A_105 : i32 to index
          %get3A_106 = tpu.vector_load %arg10[%get3A] {strides = array<i32>} : memref<128xi32, #tpu.memory_space<vmem>>, vector<16xi32>,
          %add3A_107 = vector.broadcast %mul3A_0 : i32 to vector<16xi32>
          %add3A_108 = arith.addi %get3A_106, %add3A_107 : vector<16xi32>
          %mul3A_109 = arith.constant 16 : i32
          %mul3A_110 = arith.muli %add3A_103, %mul3A_109 : i32
          %swap3A = arith.index_cast %mul3A_110 : i32 to index
          %swap3A_111 = tpu.vector_load %arg10[%swap3A] {strides = array<i32>} : memref<128xi32, #tpu.memory_space<vmem>>, vector<16xi32>,
          tpu.vector_store %arg10[%swap3A], %add3A_108 {strides = array<i32>} : memref<128xi32, #tpu.memory_space<vmem>>, vector<16xi32>,
        }
        %scan3A_95 = arith.constant 8 : i32
        %dma_start3A_96 = arith.constant 0 : i32
        %dma_start3A_97 = arith.constant 0 : i32
        %dma_start3A_98 = tpu.memref_slice %arg2[%dma_start3A_96, %dma_start3A_97] : memref<20480x128xf32, #tpu.memory_space<hbm>> -> memref<20480x128xf32, #tpu.memory_space<hbm>>
        tpu.enqueue_indirect_dma source(%dma_start3A_98 : memref<20480x128xf32, #tpu.memory_space<hbm>>) target(%arg13 : memref<128x128xf32, #tpu.memory_space<vmem>>) offsets(%arg10 : memref<128xi32, #tpu.memory_space<vmem>>) semaphore(%arg15 : memref<!tpu.dma_semaphore, #tpu.memory_space<semaphore_mem>>)
      } else {
      }
    }
    %scan3A_28 = arith.constant 40 : i32
    %dma_wait3A = arith.constant 0 : i32
    %dma_wait3A_29 = arith.constant 0 : i32
    %dma_wait3A_30 = tpu.memref_slice %arg7[%dma_wait3A, %dma_wait3A_29] : memref<10240x128xf32, #tpu.memory_space<vmem_shared>> -> memref<10240x128xf32, #tpu.memory_space<vmem_shared>>
    tpu.wait_indirect_dma semaphore(%arg16 : memref<!tpu.dma_semaphore, #tpu.memory_space<semaphore_mem>>) src(%arg12 : memref<128x128xf32, #tpu.memory_space<vmem>>) dst(%dma_wait3A_30 : memref<10240x128xf32, #tpu.memory_space<vmem_shared>>)
    %dma_wait3A_31 = arith.constant 0 : i32
    %dma_wait3A_32 = arith.constant 0 : i32
    %dma_wait3A_33 = tpu.memref_slice %arg7[%dma_wait3A_31, %dma_wait3A_32] : memref<10240x128xf32, #tpu.memory_space<vmem_shared>> -> memref<10240x128xf32, #tpu.memory_space<vmem_shared>>
    tpu.wait_indirect_dma semaphore(%arg17 : memref<!tpu.dma_semaphore, #tpu.memory_space<semaphore_mem>>) src(%arg13 : memref<128x128xf32, #tpu.memory_space<vmem>>) dst(%dma_wait3A_33 : memref<10240x128xf32, #tpu.memory_space<vmem_shared>>)
    %barrier3A_34 = arith.constant 0 : index
    tpu.barrier barrier_id(%barrier3A_34)
    %mul3A_35 = arith.constant 640 : i32
    %mul3A_36 = arith.muli %arg1, %mul3A_35 : i32
    %mul3A_37 = arith.constant 640 : i32
    %mul3A_38 = arith.muli %arg1, %mul3A_37 : i32
    %add3A_39 = arith.addi %mul3A_0, %mul3A_38 : i32
    "tpu.region"() ({
      %run_scoped3A = tpu.sem_alloc : memref<!tpu.dma_semaphore, #tpu.memory_space<semaphore_mem>>
      %dma_start3A_40 = arith.constant 0 : i32
      %dma_start3A_41 = tpu.memref_slice %arg6[%add3A_39, %dma_start3A_40] : memref<20480x128xf32, #tpu.memory_space<hbm>> -> memref<640x128xf32, #tpu.memory_space<hbm>>
      %dma_start3A_42 = arith.constant 0 : i32
      %dma_start3A_43 = tpu.memref_slice %arg7[%mul3A_36, %dma_start3A_42] : memref<10240x128xf32, #tpu.memory_space<vmem_shared>> -> memref<640x128xf32, #tpu.memory_space<vmem_shared>>
      tpu.enqueue_dma source(%dma_start3A_43 : memref<640x128xf32, #tpu.memory_space<vmem_shared>>) target(%dma_start3A_41 : memref<640x128xf32, #tpu.memory_space<hbm>>) target_semaphore(%run_scoped3A : memref<!tpu.dma_semaphore, #tpu.memory_space<semaphore_mem>>)
      %dma_wait3A_44 = arith.constant 0 : i32
      %dma_wait3A_45 = tpu.memref_slice %arg6[%add3A_39, %dma_wait3A_44] : memref<20480x128xf32, #tpu.memory_space<hbm>> -> memref<640x128xf32, #tpu.memory_space<hbm>>
      %dma_wait3A_46 = arith.constant 0 : i32
      %dma_wait3A_47 = tpu.memref_slice %arg7[%mul3A_36, %dma_wait3A_46] : memref<10240x128xf32, #tpu.memory_space<vmem_shared>> -> memref<640x128xf32, #tpu.memory_space<vmem_shared>>
      tpu.wait_dma2 semaphore(%run_scoped3A : memref<!tpu.dma_semaphore, #tpu.memory_space<semaphore_mem>>) src(%dma_wait3A_47 : memref<640x128xf32, #tpu.memory_space<vmem_shared>>) dst(%dma_wait3A_45 : memref<640x128xf32, #tpu.memory_space<hbm>>)
      tpu.yield
    }) : () -> ()
    return
  }
}

module attributes {stable_mosaic.version = 14 : i64} {
  func.func @_tc1_body(%arg0: i32, %arg1: i32, %arg2: memref<1024x1xf32, #tpu.memory_space<vmem>>, %arg3: memref<1024x1xf32, #tpu.memory_space<vmem>>, %arg4: memref<1x128xf32, #tpu.memory_space<vmem>>, %arg5: memref<1x128xf32, #tpu.memory_space<vmem>>, %arg6: memref<1x128xf32, #tpu.memory_space<vmem>>, %arg7: memref<1024x128xf32, #tpu.memory_space<vmem>>) attributes {dimension_semantics = [#tpu.dimension_semantics<arbitrary>, #tpu.dimension_semantics<arbitrary>], iteration_bounds = array<i64: 10, 2>, scalar_prefetch = 0 : i64, scratch_operands = 0 : i64, tpu.core_type = #tpu.core_type<tc>, window_params = [{transform_indices = @transform_0, window_bounds = array<i64: 1024, 1>}, {transform_indices = @transform_1, window_bounds = array<i64: 1024, 1>}, {transform_indices = @transform_2, window_bounds = array<i64: 1, 128>}, {transform_indices = @transform_3, window_bounds = array<i64: 1, 128>}, {transform_indices = @transform_4, window_bounds = array<i64: 1, 128>}, {transform_indices = @transform_5, window_bounds = array<i64: 1024, 128>}]} {
    %get3A = arith.constant 0 : index
    %get3A_0 = arith.constant 0 : index
    %get3A_1 = vector.load %arg2[%get3A, %get3A_0] : memref<1024x1xf32, #tpu.memory_space<vmem>>, vector<1024x1xf32>
    %get3A_2 = arith.constant 0 : index
    %get3A_3 = arith.constant 0 : index
    %get3A_4 = vector.load %arg3[%get3A_2, %get3A_3] : memref<1024x1xf32, #tpu.memory_space<vmem>>, vector<1024x1xf32>
    %get3A_5 = arith.constant 0 : index
    %get3A_6 = arith.constant 0 : index
    %get3A_7 = vector.load %arg4[%get3A_5, %get3A_6] : memref<1x128xf32, #tpu.memory_space<vmem>>, vector<1x128xf32>
    %mul3A = vector.broadcast %get3A_1 : vector<1024x1xf32> to vector<1024x128xf32>
    %mul3A_8 = vector.broadcast %get3A_7 : vector<1x128xf32> to vector<1024x128xf32>
    %mul3A_9 = arith.mulf %mul3A, %mul3A_8 : vector<1024x128xf32>
    %get3A_10 = arith.constant 0 : index
    %get3A_11 = arith.constant 0 : index
    %get3A_12 = vector.load %arg5[%get3A_10, %get3A_11] : memref<1x128xf32, #tpu.memory_space<vmem>>, vector<1x128xf32>
    %mul3A_13 = vector.broadcast %get3A_4 : vector<1024x1xf32> to vector<1024x128xf32>
    %mul3A_14 = vector.broadcast %get3A_12 : vector<1x128xf32> to vector<1024x128xf32>
    %mul3A_15 = arith.mulf %mul3A_13, %mul3A_14 : vector<1024x128xf32>
    %add3A = arith.addf %mul3A_9, %mul3A_15 : vector<1024x128xf32>
    %get3A_16 = arith.constant 0 : index
    %get3A_17 = arith.constant 0 : index
    %get3A_18 = vector.load %arg6[%get3A_16, %get3A_17] : memref<1x128xf32, #tpu.memory_space<vmem>>, vector<1x128xf32>
    %add3A_19 = vector.broadcast %get3A_18 : vector<1x128xf32> to vector<1024x128xf32>
    %add3A_20 = arith.addf %add3A, %add3A_19 : vector<1024x128xf32>
    %max3A = arith.constant 0.000000e+00 : f32
    %max3A_21 = vector.broadcast %max3A : f32 to vector<1024x128xf32>
    %max3A_22 = arith.maximumf %add3A_20, %max3A_21 : vector<1024x128xf32>
    %swap3A = arith.constant 0 : index
    %swap3A_23 = arith.constant 0 : index
    %swap3A_24 = vector.load %arg7[%swap3A, %swap3A_23] : memref<1024x128xf32, #tpu.memory_space<vmem>>, vector<1024x128xf32>
    tpu.vector_store %arg7[%swap3A, %swap3A_23], %max3A_22 {strides = array<i32>} : memref<1024x128xf32, #tpu.memory_space<vmem>>, vector<1024x128xf32>,
    return
  }
  func.func @transform_0(%arg0: i32, %arg1: i32) -> (i32, i32) {
    %c0_i32 = arith.constant 0 : i32
    %c0_i32_0 = arith.constant 0 : i32
    return %arg0, %c0_i32 : i32, i32
  }
  func.func @transform_1(%arg0: i32, %arg1: i32) -> (i32, i32) {
    %c0_i32 = arith.constant 0 : i32
    %c0_i32_0 = arith.constant 0 : i32
    return %arg0, %c0_i32 : i32, i32
  }
  func.func @transform_2(%arg0: i32, %arg1: i32) -> (i32, i32) {
    %c0_i32 = arith.constant 0 : i32
    %c0_i32_0 = arith.constant 0 : i32
    return %c0_i32, %arg1 : i32, i32
  }
  func.func @transform_3(%arg0: i32, %arg1: i32) -> (i32, i32) {
    %c0_i32 = arith.constant 0 : i32
    %c0_i32_0 = arith.constant 0 : i32
    return %c0_i32, %arg1 : i32, i32
  }
  func.func @transform_4(%arg0: i32, %arg1: i32) -> (i32, i32) {
    %c0_i32 = arith.constant 0 : i32
    %c0_i32_0 = arith.constant 0 : i32
    return %c0_i32, %arg1 : i32, i32
  }
  func.func @transform_5(%arg0: i32, %arg1: i32) -> (i32, i32) {
    %mul3A = arith.constant 10 : i32
    %mul3A_0 = arith.muli %arg1, %mul3A : i32
    %add3A = arith.addi %mul3A_0, %arg0 : i32
    %c0_i32 = arith.constant 0 : i32
    %c0_i32_1 = arith.constant 0 : i32
    return %add3A, %c0_i32 : i32, i32
  }
}

module attributes {stable_mosaic.version = 14 : i64} {
  func.func @_tc_layer_body(%arg0: i32, %arg1: i32, %arg2: memref<1024x128xf32, #tpu.memory_space<vmem>>, %arg3: memref<1024x128xf32, #tpu.memory_space<vmem>>, %arg4: memref<1024x128xf32, #tpu.memory_space<vmem>>, %arg5: memref<1024x128xf32, #tpu.memory_space<vmem>>, %arg6: memref<256x128xf32, #tpu.memory_space<vmem>>, %arg7: memref<256x128xf32, #tpu.memory_space<vmem>>, %arg8: memref<1x128xf32, #tpu.memory_space<vmem>>, %arg9: memref<1024x128xf32, #tpu.memory_space<vmem>>) attributes {dimension_semantics = [#tpu.dimension_semantics<arbitrary>, #tpu.dimension_semantics<arbitrary>], iteration_bounds = array<i64: 10, 2>, scalar_prefetch = 0 : i64, scratch_operands = 0 : i64, tpu.core_type = #tpu.core_type<tc>, window_params = [{transform_indices = @transform_0, window_bounds = array<i64: 1024, 128>}, {transform_indices = @transform_1, window_bounds = array<i64: 1024, 128>}, {transform_indices = @transform_2, window_bounds = array<i64: 1024, 128>}, {transform_indices = @transform_3, window_bounds = array<i64: 1024, 128>}, {transform_indices = @transform_4, window_bounds = array<i64: 256, 128>}, {transform_indices = @transform_5, window_bounds = array<i64: 256, 128>}, {transform_indices = @transform_6, window_bounds = array<i64: 1, 128>}, {transform_indices = @transform_7, window_bounds = array<i64: 1024, 128>}]} {
    %get3A = arith.constant 0 : index
    %get3A_0 = arith.constant 0 : index
    %get3A_1 = vector.load %arg2[%get3A, %get3A_0] : memref<1024x128xf32, #tpu.memory_space<vmem>>, vector<1024x128xf32>
    %get3A_2 = arith.constant 0 : index
    %get3A_3 = arith.constant 0 : index
    %get3A_4 = vector.load %arg3[%get3A_2, %get3A_3] : memref<1024x128xf32, #tpu.memory_space<vmem>>, vector<1024x128xf32>
    %concatenate3A = tpu.concatenate %get3A_1, %get3A_4 in 1 : vector<1024x128xf32>, vector<1024x128xf32> -> vector<1024x256xf32>
    %get3A_5 = arith.constant 0 : index
    %get3A_6 = arith.constant 0 : index
    %get3A_7 = vector.load %arg4[%get3A_5, %get3A_6] : memref<1024x128xf32, #tpu.memory_space<vmem>>, vector<1024x128xf32>
    %get3A_8 = arith.constant 0 : index
    %get3A_9 = arith.constant 0 : index
    %get3A_10 = vector.load %arg5[%get3A_8, %get3A_9] : memref<1024x128xf32, #tpu.memory_space<vmem>>, vector<1024x128xf32>
    %concatenate3A_11 = tpu.concatenate %get3A_7, %get3A_10 in 1 : vector<1024x128xf32>, vector<1024x128xf32> -> vector<1024x256xf32>
    %get3A_12 = arith.constant 0 : index
    %get3A_13 = arith.constant 0 : index
    %get3A_14 = vector.load %arg6[%get3A_12, %get3A_13] : memref<256x128xf32, #tpu.memory_space<vmem>>, vector<256x128xf32>
    %dot_general3A = arith.constant dense<0.000000e+00> : vector<1024x128xf32>
    %dot_general3A_15 = tpu.matmul %concatenate3A, %get3A_14, %dot_general3A {dimension_numbers = #tpu.dot_dimension_numbers<[1], [0], [0], [1], [0, 0, 1, 1], [], []>, precision = #tpu.contract_precision<fp32>, transpose_lhs_hint = false} : vector<1024x256xf32>, vector<256x128xf32>, vector<1024x128xf32> -> vector<1024x128xf32>
    %get3A_16 = arith.constant 0 : index
    %get3A_17 = arith.constant 0 : index
    %get3A_18 = vector.load %arg7[%get3A_16, %get3A_17] : memref<256x128xf32, #tpu.memory_space<vmem>>, vector<256x128xf32>
    %dot_general3A_19 = arith.constant dense<0.000000e+00> : vector<1024x128xf32>
    %dot_general3A_20 = tpu.matmul %concatenate3A_11, %get3A_18, %dot_general3A_19 {dimension_numbers = #tpu.dot_dimension_numbers<[1], [0], [0], [1], [0, 0, 1, 1], [], []>, precision = #tpu.contract_precision<fp32>, transpose_lhs_hint = false} : vector<1024x256xf32>, vector<256x128xf32>, vector<1024x128xf32> -> vector<1024x128xf32>
    %add3A = arith.addf %dot_general3A_15, %dot_general3A_20 : vector<1024x128xf32>
    %get3A_21 = arith.constant 0 : index
    %get3A_22 = arith.constant 0 : index
    %get3A_23 = vector.load %arg8[%get3A_21, %get3A_22] : memref<1x128xf32, #tpu.memory_space<vmem>>, vector<1x128xf32>
    %add3A_24 = vector.broadcast %get3A_23 : vector<1x128xf32> to vector<1024x128xf32>
    %add3A_25 = arith.addf %add3A, %add3A_24 : vector<1024x128xf32>
    %max3A = arith.constant 0.000000e+00 : f32
    %max3A_26 = vector.broadcast %max3A : f32 to vector<1024x128xf32>
    %max3A_27 = arith.maximumf %add3A_25, %max3A_26 : vector<1024x128xf32>
    %swap3A = arith.constant 0 : index
    %swap3A_28 = arith.constant 0 : index
    %swap3A_29 = vector.load %arg9[%swap3A, %swap3A_28] : memref<1024x128xf32, #tpu.memory_space<vmem>>, vector<1024x128xf32>
    tpu.vector_store %arg9[%swap3A, %swap3A_28], %max3A_27 {strides = array<i32>} : memref<1024x128xf32, #tpu.memory_space<vmem>>, vector<1024x128xf32>,
    return
  }
  func.func @transform_0(%arg0: i32, %arg1: i32) -> (i32, i32) {
    %c0_i32 = arith.constant 0 : i32
    %c0_i32_0 = arith.constant 0 : i32
    return %arg0, %c0_i32 : i32, i32
  }
  func.func @transform_1(%arg0: i32, %arg1: i32) -> (i32, i32) {
    %add3A = arith.constant 10 : i32
    %add3A_0 = arith.addi %add3A, %arg0 : i32
    %c0_i32 = arith.constant 0 : i32
    %c0_i32_1 = arith.constant 0 : i32
    return %add3A_0, %c0_i32 : i32, i32
  }
  func.func @transform_2(%arg0: i32, %arg1: i32) -> (i32, i32) {
    %c0_i32 = arith.constant 0 : i32
    %c0_i32_0 = arith.constant 0 : i32
    return %arg0, %c0_i32 : i32, i32
  }
  func.func @transform_3(%arg0: i32, %arg1: i32) -> (i32, i32) {
    %add3A = arith.constant 10 : i32
    %add3A_0 = arith.addi %add3A, %arg0 : i32
    %c0_i32 = arith.constant 0 : i32
    %c0_i32_1 = arith.constant 0 : i32
    return %add3A_0, %c0_i32 : i32, i32
  }
  func.func @transform_4(%arg0: i32, %arg1: i32) -> (i32, i32) {
    %c0_i32 = arith.constant 0 : i32
    %c0_i32_0 = arith.constant 0 : i32
    return %c0_i32, %arg1 : i32, i32
  }
  func.func @transform_5(%arg0: i32, %arg1: i32) -> (i32, i32) {
    %c0_i32 = arith.constant 0 : i32
    %c0_i32_0 = arith.constant 0 : i32
    return %c0_i32, %arg1 : i32, i32
  }
  func.func @transform_6(%arg0: i32, %arg1: i32) -> (i32, i32) {
    %c0_i32 = arith.constant 0 : i32
    %c0_i32_0 = arith.constant 0 : i32
    return %c0_i32, %arg1 : i32, i32
  }
  func.func @transform_7(%arg0: i32, %arg1: i32) -> (i32, i32) {
    %mul3A = arith.constant 10 : i32
    %mul3A_0 = arith.muli %arg1, %mul3A : i32
    %add3A = arith.addi %mul3A_0, %arg0 : i32
    %c0_i32 = arith.constant 0 : i32
    %c0_i32_1 = arith.constant 0 : i32
    return %add3A, %c0_i32 : i32, i32
  }
}

module attributes {stable_mosaic.version = 14 : i64} {
  func.func @_tc_head_body(%arg0: memref<384x128xf32, #tpu.memory_space<vmem>>, %arg1: memref<256x256xf32, #tpu.memory_space<vmem>>, %arg2: memref<256x256xf32, #tpu.memory_space<vmem>>, %arg3: memref<1x256xf32, #tpu.memory_space<vmem>>, %arg4: memref<256x256xf32, #tpu.memory_space<vmem>>, %arg5: memref<1x256xf32, #tpu.memory_space<vmem>>, %arg6: memref<256x256xf32, #tpu.memory_space<vmem>>, %arg7: memref<1x256xf32, #tpu.memory_space<vmem>>, %arg8: memref<256x256xf32, #tpu.memory_space<vmem>>, %arg9: memref<1x256xf32, #tpu.memory_space<vmem>>, %arg10: memref<256x256xf32, #tpu.memory_space<vmem>>, %arg11: memref<1x256xf32, #tpu.memory_space<vmem>>, %arg12: memref<256x2xf32, #tpu.memory_space<vmem>>, %arg13: memref<1x2xf32, #tpu.memory_space<vmem>>, %arg14: memref<64x2xf32, #tpu.memory_space<vmem>>) attributes {dimension_semantics = [], scalar_prefetch = 0 : i64, scratch_operands = 0 : i64, tpu.core_type = #tpu.core_type<tc>} {
    %get3A = arith.constant 0 : index
    %get3A_0 = arith.constant 0 : index
    %get3A_1 = vector.load %arg0[%get3A, %get3A_0] : memref<384x128xf32, #tpu.memory_space<vmem>>, vector<384x128xf32>
    %slice3A = vector.extract_strided_slice %get3A_1 {offsets = [0, 0], sizes = [64, 128], strides = [1, 1]} : vector<384x128xf32> to vector<64x128xf32>
    %slice3A_2 = vector.extract_strided_slice %get3A_1 {offsets = [192, 0], sizes = [64, 128], strides = [1, 1]} : vector<384x128xf32> to vector<64x128xf32>
    %concatenate3A = tpu.concatenate %slice3A, %slice3A_2 in 1 : vector<64x128xf32>, vector<64x128xf32> -> vector<64x256xf32>
    %slice3A_3 = vector.extract_strided_slice %get3A_1 {offsets = [64, 0], sizes = [64, 128], strides = [1, 1]} : vector<384x128xf32> to vector<64x128xf32>
    %slice3A_4 = vector.extract_strided_slice %get3A_1 {offsets = [256, 0], sizes = [64, 128], strides = [1, 1]} : vector<384x128xf32> to vector<64x128xf32>
    %concatenate3A_5 = tpu.concatenate %slice3A_3, %slice3A_4 in 1 : vector<64x128xf32>, vector<64x128xf32> -> vector<64x256xf32>
    %slice3A_6 = vector.extract_strided_slice %get3A_1 {offsets = [128, 0], sizes = [64, 1], strides = [1, 1]} : vector<384x128xf32> to vector<64x1xf32>
    %get3A_7 = arith.constant 0 : index
    %get3A_8 = arith.constant 0 : index
    %get3A_9 = vector.load %arg1[%get3A_7, %get3A_8] : memref<256x256xf32, #tpu.memory_space<vmem>>, vector<256x256xf32>
    %dot_general3A = arith.constant dense<0.000000e+00> : vector<64x256xf32>
    %dot_general3A_10 = tpu.matmul %concatenate3A, %get3A_9, %dot_general3A {dimension_numbers = #tpu.dot_dimension_numbers<[1], [0], [0], [1], [0, 0, 1, 1], [], []>, precision = #tpu.contract_precision<fp32>, transpose_lhs_hint = false} : vector<64x256xf32>, vector<256x256xf32>, vector<64x256xf32> -> vector<64x256xf32>
    %get3A_11 = arith.constant 0 : index
    %get3A_12 = arith.constant 0 : index
    %get3A_13 = vector.load %arg3[%get3A_11, %get3A_12] : memref<1x256xf32, #tpu.memory_space<vmem>>, vector<1x256xf32>
    %mul3A = vector.broadcast %slice3A_6 : vector<64x1xf32> to vector<64x256xf32>
    %mul3A_14 = vector.broadcast %get3A_13 : vector<1x256xf32> to vector<64x256xf32>
    %mul3A_15 = arith.mulf %mul3A, %mul3A_14 : vector<64x256xf32>
    %add3A = arith.addf %dot_general3A_10, %mul3A_15 : vector<64x256xf32>
    %get3A_16 = arith.constant 0 : index
    %get3A_17 = arith.constant 0 : index
    %get3A_18 = vector.load %arg2[%get3A_16, %get3A_17] : memref<256x256xf32, #tpu.memory_space<vmem>>, vector<256x256xf32>
    %dot_general3A_19 = arith.constant dense<0.000000e+00> : vector<64x256xf32>
    %dot_general3A_20 = tpu.matmul %concatenate3A_5, %get3A_18, %dot_general3A_19 {dimension_numbers = #tpu.dot_dimension_numbers<[1], [0], [0], [1], [0, 0, 1, 1], [], []>, precision = #tpu.contract_precision<fp32>, transpose_lhs_hint = false} : vector<64x256xf32>, vector<256x256xf32>, vector<64x256xf32> -> vector<64x256xf32>
    %add3A_21 = arith.addf %add3A, %dot_general3A_20 : vector<64x256xf32>
    %max3A = arith.constant 1.000000e+00 : f32
    %max3A_22 = vector.broadcast %max3A : f32 to vector<64x1xf32>
    %max3A_23 = arith.maximumf %slice3A_6, %max3A_22 : vector<64x1xf32>
    %div3A = vector.broadcast %max3A_23 : vector<64x1xf32> to vector<64x256xf32>
    %div3A_24 = arith.divf %add3A_21, %div3A : vector<64x256xf32>
    %get3A_25 = arith.constant 0 : index
    %get3A_26 = arith.constant 0 : index
    %get3A_27 = vector.load %arg4[%get3A_25, %get3A_26] : memref<256x256xf32, #tpu.memory_space<vmem>>, vector<256x256xf32>
    %dot_general3A_28 = arith.constant dense<0.000000e+00> : vector<64x256xf32>
    %dot_general3A_29 = tpu.matmul %div3A_24, %get3A_27, %dot_general3A_28 {dimension_numbers = #tpu.dot_dimension_numbers<[1], [0], [0], [1], [0, 0, 1, 1], [], []>, precision = #tpu.contract_precision<fp32>, transpose_lhs_hint = false} : vector<64x256xf32>, vector<256x256xf32>, vector<64x256xf32> -> vector<64x256xf32>
    %get3A_30 = arith.constant 0 : index
    %get3A_31 = arith.constant 0 : index
    %get3A_32 = vector.load %arg5[%get3A_30, %get3A_31] : memref<1x256xf32, #tpu.memory_space<vmem>>, vector<1x256xf32>
    %add3A_33 = vector.broadcast %get3A_32 : vector<1x256xf32> to vector<64x256xf32>
    %add3A_34 = arith.addf %dot_general3A_29, %add3A_33 : vector<64x256xf32>
    %get3A_35 = arith.constant 0 : index
    %get3A_36 = arith.constant 0 : index
    %get3A_37 = vector.load %arg6[%get3A_35, %get3A_36] : memref<256x256xf32, #tpu.memory_space<vmem>>, vector<256x256xf32>
    %dot_general3A_38 = arith.constant dense<0.000000e+00> : vector<64x256xf32>
    %dot_general3A_39 = tpu.matmul %add3A_34, %get3A_37, %dot_general3A_38 {dimension_numbers = #tpu.dot_dimension_numbers<[1], [0], [0], [1], [0, 0, 1, 1], [], []>, precision = #tpu.contract_precision<fp32>, transpose_lhs_hint = false} : vector<64x256xf32>, vector<256x256xf32>, vector<64x256xf32> -> vector<64x256xf32>
    %get3A_40 = arith.constant 0 : index
    %get3A_41 = arith.constant 0 : index
    %get3A_42 = vector.load %arg7[%get3A_40, %get3A_41] : memref<1x256xf32, #tpu.memory_space<vmem>>, vector<1x256xf32>
    %add3A_43 = vector.broadcast %get3A_42 : vector<1x256xf32> to vector<64x256xf32>
    %add3A_44 = arith.addf %dot_general3A_39, %add3A_43 : vector<64x256xf32>
    %get3A_45 = arith.constant 0 : index
    %get3A_46 = arith.constant 0 : index
    %get3A_47 = vector.load %arg8[%get3A_45, %get3A_46] : memref<256x256xf32, #tpu.memory_space<vmem>>, vector<256x256xf32>
    %dot_general3A_48 = arith.constant dense<0.000000e+00> : vector<64x256xf32>
    %dot_general3A_49 = tpu.matmul %add3A_44, %get3A_47, %dot_general3A_48 {dimension_numbers = #tpu.dot_dimension_numbers<[1], [0], [0], [1], [0, 0, 1, 1], [], []>, precision = #tpu.contract_precision<fp32>, transpose_lhs_hint = false} : vector<64x256xf32>, vector<256x256xf32>, vector<64x256xf32> -> vector<64x256xf32>
    %get3A_50 = arith.constant 0 : index
    %get3A_51 = arith.constant 0 : index
    %get3A_52 = vector.load %arg9[%get3A_50, %get3A_51] : memref<1x256xf32, #tpu.memory_space<vmem>>, vector<1x256xf32>
    %add3A_53 = vector.broadcast %get3A_52 : vector<1x256xf32> to vector<64x256xf32>
    %add3A_54 = arith.addf %dot_general3A_49, %add3A_53 : vector<64x256xf32>
    %get3A_55 = arith.constant 0 : index
    %get3A_56 = arith.constant 0 : index
    %get3A_57 = vector.load %arg10[%get3A_55, %get3A_56] : memref<256x256xf32, #tpu.memory_space<vmem>>, vector<256x256xf32>
    %dot_general3A_58 = arith.constant dense<0.000000e+00> : vector<64x256xf32>
    %dot_general3A_59 = tpu.matmul %add3A_54, %get3A_57, %dot_general3A_58 {dimension_numbers = #tpu.dot_dimension_numbers<[1], [0], [0], [1], [0, 0, 1, 1], [], []>, precision = #tpu.contract_precision<fp32>, transpose_lhs_hint = false} : vector<64x256xf32>, vector<256x256xf32>, vector<64x256xf32> -> vector<64x256xf32>
    %get3A_60 = arith.constant 0 : index
    %get3A_61 = arith.constant 0 : index
    %get3A_62 = vector.load %arg11[%get3A_60, %get3A_61] : memref<1x256xf32, #tpu.memory_space<vmem>>, vector<1x256xf32>
    %add3A_63 = vector.broadcast %get3A_62 : vector<1x256xf32> to vector<64x256xf32>
    %add3A_64 = arith.addf %dot_general3A_59, %add3A_63 : vector<64x256xf32>
    %get3A_65 = arith.constant 0 : index
    %get3A_66 = arith.constant 0 : index
    %get3A_67 = vector.load %arg12[%get3A_65, %get3A_66] : memref<256x2xf32, #tpu.memory_space<vmem>>, vector<256x2xf32>
    %dot_general3A_68 = arith.constant dense<0.000000e+00> : vector<64x2xf32>
    %dot_general3A_69 = tpu.matmul %add3A_64, %get3A_67, %dot_general3A_68 {dimension_numbers = #tpu.dot_dimension_numbers<[1], [0], [0], [1], [0, 0, 1, 1], [], []>, precision = #tpu.contract_precision<fp32>, transpose_lhs_hint = false} : vector<64x256xf32>, vector<256x2xf32>, vector<64x2xf32> -> vector<64x2xf32>
    %get3A_70 = arith.constant 0 : index
    %get3A_71 = arith.constant 0 : index
    %get3A_72 = vector.load %arg13[%get3A_70, %get3A_71] : memref<1x2xf32, #tpu.memory_space<vmem>>, vector<1x2xf32>
    %add3A_73 = vector.broadcast %get3A_72 : vector<1x2xf32> to vector<64x2xf32>
    %add3A_74 = arith.addf %dot_general3A_69, %add3A_73 : vector<64x2xf32>
    %logistic3A = arith.negf %add3A_74 : vector<64x2xf32>
    %logistic3A_75 = math.exp %logistic3A : vector<64x2xf32>
    %logistic3A_76 = arith.constant 1.000000e+00 : f32
    %logistic3A_77 = vector.broadcast %logistic3A_76 : f32 to vector<64x2xf32>
    %logistic3A_78 = arith.addf %logistic3A_77, %logistic3A_75 : vector<64x2xf32>
    %logistic3A_79 = arith.divf %logistic3A_77, %logistic3A_78 : vector<64x2xf32>
    %swap3A = arith.constant 0 : index
    %swap3A_80 = arith.constant 0 : index
    %swap3A_81 = vector.load %arg14[%swap3A, %swap3A_80] : memref<64x2xf32, #tpu.memory_space<vmem>>, vector<64x2xf32>
    tpu.vector_store %arg14[%swap3A, %swap3A_80], %logistic3A_79 {strides = array<i32>} : memref<64x2xf32, #tpu.memory_space<vmem>>, vector<64x2xf32>,
    return
  }
}

</mosaic_0001>

<sc_bundles>
// kernel: kernel.10.cloned.1.call-start
scs
__scs_entry_jumppad:
0x0: {  	(pc) =	sbr.rel $0x88, $3  }
0x1: {  	(tag) =	ssettag $0x0;
	lr =	simm.s32 $0x1  }
0x2: {  	[smem:$0x3F88] =	sst lr;
	_ =	strace $0xD0000000  }
0x3: {  	_ = 	snop  }
0x4: {  	_ = 	snop  }
0x5: {  	_ = 	snop  }
0x6: {  	_ = 	snop  }
0x7: {  	_ = 	snop  }
__scs_overlays_trampoline_lowered:
0x8: {  	[smem:$0x3F97] =	sst s0  }
0x9: {  	[smem:$0x3F98] =	sst s1  }
0xa: {  	[smem:$0x3F99] =	sst s2  }
0xb: {  	[smem:$0x3F9A] =	sst s3  }
0xc: {  	[smem:$0x3F9B] =	sst s4  }
0xd: {  	[smem:$0x3F9C] =	sst s5  }
0xe: {  	[smem:$0x3F9D] =	sst s6  }
0xf: {  	[smem:$0x3F9E] =	sst s7  }
0x10: {  	[smem:$0x3F9F] =	sst s8  }
0x11: {  	[smem:$0x3FA0] =	sst s9;
	s0 =	simm.s32 @!p0 $0x0  }
0x12: {  	s1 =	sld [smem:$0x3F86];
	s0 =	simm.s32 @p0 $0x1  }
0x13: {  	[smem:$0x3FA1] =	sst s0;
	s0 =	simm.s32 @!p1 $0x0  }
0x14: {  	s2 =	sld [smem:$0x3F85];
	s0 =	simm.s32 @p1 $0x1  }
0x15: {  	[smem:$0x3FA2] =	sst s0;
	s0 =	simm.s32 @!p2 $0x0  }
0x16: {  	s3 =	sld [smem:$0x3FDB];
	s0 =	simm.s32 @p2 $0x1  }
0x17: {  	s4 =	simm.s32 $0x1BF5;
	[smem:$0x3FA4] =	sst s0  }
0x18: {  	s0 =	sld [smem:$0x3F87];
	_ =	swait.ge [sflag:s4], $0x0  }
0x19: {  	s7 =	sld [smem:$0x3F88]  }
0x1a: {  	s8 =	sadd.s32 $0xFFFFE003, lr  }
0x1b: {  	s9 =	sadd.s32 $0xFFFFFEF7, lr;
	s5 =	simm.s32 $0xFFFFFFFF;
	p2 =	slt.u32 s8, $0xFFFFF086  }
0x1c: {  	p1 =	slt.u32 s9, $0xF7A;
	s5 =	simm.s32 @!p2 $0x0  }
0x1d: {  	s5 =	simm.s32 @p1 $0x1;
	p0 =	seq.s32 s7, s2  }
0x1e: {  	s7 =	smul.u32 @!p0 $0xF7A, s2;
	p2 =	seq.s32 @!p0 s5, $0x0  }
0x1f: {  	s9 =	smul.u32 $0xF7A, s1;
	s8 =	simm.s32 @!p0 $0x1BF5;
	p2 =	por !p2, p0  }
0x20: {  	[sflag:s8] =	ssyncset.s32 @!p0 $0xFFFFF086;
	s6 =	sadd.s32 @!p0 s3, s7;
	s7 =	simm.s32 @!p0 $0x108  }
0x21: {  	s3 =	sadd.s32 s3, s9;
	s6 =	sadd.s32 @!p0 $0x88, s6;
	s7 =	simm.s32 @p2 $0x1082  }
0x22: {  	[simem:s7], [sflag:s8] =	dma.local @!p0 [hbm:s6], $0xF7A  }
0x23: {  	s9 =	sor.u32 $0xD0000000, s2;
	s6 =	simm.s32 $0x108;
	_ =	swait.ge @!p0 [sflag:s8], $0x0  }
0x24: {  	s3 =	sadd.s32 $0x88, s3;
	s6 =	simm.s32 @!p1 $0x1082;
	[sflag:s4] =	ssyncset.s32 $0xFFFFF086  }
0x25: {  	[simem:s6], [sflag:s4] =	dma.local [hbm:s3], $0xF7A  }
0x26: {  	[smem:$0x3F88] =	sst s1;
	(tag) =	ssettag s2;
	_ =	strace s9  }
0x27: {  	s1 =	sld [smem:$0x3F98]  }
0x28: {  	s2 =	sld [smem:$0x3F99]  }
0x29: {  	s4 =	sld [smem:$0x3F9B]  }
0x2a: {  	p0 =	seq.s32 s5, $0x0;
	s5 =	sld [smem:$0x3F9C]  }
0x2b: {  	s6 =	sld [smem:$0x3F9D]  }
0x2c: {  	s7 =	sld [smem:$0x3F9E]  }
0x2d: {  	s3 =	simm.s32 $0x108;
	s8 =	sld [smem:$0x3F9F]  }
0x2e: {  	s3 =	simm.s32 @!p0 $0x1082;
	s9 =	sld [smem:$0x3FA0]  }
0x2f: {  	lr =	sadd.s32 s0, s3;
	s0 =	sld [smem:$0x3F97]  }
0x30: {  	s3 =	sld [smem:$0x3F9A]  }
0x31: {  	[smem:$0x3FA3] =	sst s10  }
0x32: {  	s10 =	sld [smem:$0x3FA1];
	_ =	sdelay $0x3  }
0x33: {  	p0 =	seq.s32 s10, $0x1;
	s10 =	sld [smem:$0x3FA3];
	_ =	sdelay $0x3  }
0x34: {  	[smem:$0x3FA3] =	sst s10  }
0x35: {  	s10 =	sld [smem:$0x3FA2];
	_ =	sdelay $0x3  }
0x36: {  	p1 =	seq.s32 s10, $0x1;
	s10 =	sld [smem:$0x3FA3];
	_ =	sdelay $0x3  }
0x37: {  	[smem:$0x3FA3] =	sst s10  }
0x38: {  	s10 =	sld [smem:$0x3FA4]  }
0x39: {  	_ = 	snop;
	(pc) =	sbr.ind lr, $3  }
0x3a: {  	_ = 	snop  }
0x3b: {  	_ = 	snop  }
0x3c: {  	p2 =	seq.s32 s10, $0x1;
	s10 =	sld [smem:$0x3FA3]  }
0x3d: {  	_ =	shalt  }
0x3e: {  	_ =	shalt  }
0x3f: {  	_ =	shalt  }
0x40: {  	_ =	shalt  }
0x41: {  	_ =	shalt  }
0x42: {  	_ =	shalt  }
0x43: {  	_ =	shalt  }
0x44: {  	_ =	shalt  }
0x45: {  	_ =	shalt  }
0x46: {  	_ =	shalt  }
0x47: {  	_ =	shalt  }
0x48: {  	_ =	shalt  }
0x49: {  	_ =	shalt  }
0x4a: {  	_ =	shalt  }
0x4b: {  	_ =	shalt  }
0x4c: {  	_ =	shalt  }
0x4d: {  	_ =	shalt  }
0x4e: {  	_ =	shalt  }
0x4f: {  	_ =	shalt  }
0x50: {  	_ =	shalt  }
0x51: {  	_ =	shalt  }
0x52: {  	_ =	shalt  }
0x53: {  	_ =	shalt  }
0x54: {  	_ =	shalt  }
0x55: {  	_ =	shalt  }
0x56: {  	_ =	shalt  }
0x57: {  	_ =	shalt  }
0x58: {  	_ =	shalt  }
0x59: {  	_ =	shalt  }
0x5a: {  	_ =	shalt  }
0x5b: {  	_ =	shalt  }
0x5c: {  	_ =	shalt  }
0x5d: {  	_ =	shalt  }
0x5e: {  	_ =	shalt  }
0x5f: {  	_ =	shalt  }
0x60: {  	_ =	shalt  }
0x61: {  	_ =	shalt  }
0x62: {  	_ =	shalt  }
0x63: {  	_ =	shalt  }
0x64: {  	_ =	shalt  }
0x65: {  	_ =	shalt  }
0x66: {  	_ =	shalt  }
0x67: {  	_ =	shalt  }
0x68: {  	_ =	shalt  }
0x69: {  	_ =	shalt  }
0x6a: {  	_ =	shalt  }
0x6b: {  	_ =	shalt  }
0x6c: {  	_ =	shalt  }
0x6d: {  	_ =	shalt  }
0x6e: {  	_ =	shalt  }
0x6f: {  	_ =	shalt  }
0x70: {  	_ =	shalt  }
0x71: {  	_ =	shalt  }
0x72: {  	_ =	shalt  }
0x73: {  	_ =	shalt  }
0x74: {  	_ =	shalt  }
0x75: {  	_ =	shalt  }
0x76: {  	_ =	shalt  }
0x77: {  	_ =	shalt  }
0x78: {  	_ =	shalt  }
0x79: {  	_ =	shalt  }
0x7a: {  	_ =	shalt  }
0x7b: {  	_ =	shalt  }
0x7c: {  	_ =	shalt  }
0x7d: {  	_ =	shalt  }
0x7e: {  	_ =	shalt  }
0x7f: {  	_ =	shalt  }
0x80: {  	_ =	shalt  }
0x81: {  	_ =	shalt  }
0x82: {  	_ =	shalt  }
0x83: {  	_ =	shalt  }
0x84: {  	_ =	shalt  }
0x85: {  	_ =	shalt  }
0x86: {  	_ =	shalt  }
0x87: {  	_ =	shalt  }
.Lfunc_end0:
.L_simem_size_0:
called_computation_lowered:
.L_overlay_start_0:
0x88: {  	s2 =	sld [smem:$0x3FD9]  }
0x89: {  	s3 =	sld [smem:$0x3FFE];
	_ =	sdelay $0x1  }
0x8a: {  	s1 =	srdreg.scid  }
0x8b: {  	s0 =	sand.u32 $0x1, s1  }
0x8c: {  	s16 =	sshll.u32 s0, $0xA;
	s2 =	sadd.s32 s3, s2  }
0x8d: {  	s2 =	sadd.s32 s2, s16  }
0x8e: {  	[smem:$0x3FAF] =	sst s2  }
0x8f: {  	_ = 	snop  }
0x90: {  	(tm) =	ssettm $0x1  }
0x91: {  	s17 =	sld [smem:$0x3FFB];
	_ =	sdelay $0x3  }
0x92: {  	_ =	strace s17  }
0x93: {  	s2 =	sld [smem:$0x3FFC];
	_ =	sdelay $0x3  }
0x94: {  	_ =	strace s2  }
0x95: {  	s2 =	sld [smem:$0x3FFD];
	_ =	sdelay $0x3  }
0x96: {  	_ =	strace s2  }
0x97: {  	_ =	strace $0x8FFFFFFF  }
0x98: {  	s18 =	sld [smem:$0x3FDB];
	_ =	sdelay $0x1  }
0x99: {  	s19 =	simm.s32 $_scs_section_size  }
0x9a: {  	s4 =	simm.s32 $_size__tile_overlayer_lowered;
	s5 =	simm.s32 $_tile_overlayer_lowered  }
0x9b: {  	s22 =	simm.s32 $0x1BFF;
	s21 =	sshll.u32 s5, $0x1;
	s2 =	sadd.s32 s19, s18  }
0x9c: {  	s6 =	simm.s32 $0x0;
	s20 =	sshll.u32 s4, $0x1;
	s4 =	sadd.s32 s21, s2  }
0x9d: {  	[timem:s6], [sflag:s22] =	dma.local [hbm:s4], s20  }
0x9e: {  	_ =	swait.ge [sflag:s22], s20  }
0x9f: {  	s3 =	ssub.s32 $0x0, s20;
	[sflag:s22] =	ssyncset.done $0x0  }
0xa0: {  	[sflag:s22] =	ssyncadd.s32 s3;
	_ =	sdelay $0x1  }
0xa1: {  	s23 =	simm.s32 $0x1B8B  }
0xa2: {  	_ =	swait.ge [sflag:s23], $0x1  }
0xa3: {  	[sflag:s23] =	ssyncset.done $0x0  }
0xa4: {  	s25 =	simm.s32 $0x1B8E;
	s24 =	sld [smem:$0x3FFE];
	[sflag:s23] =	ssyncadd.s32 $0xFFFFFFFF  }
0xa5: {  	s26 =	simm.s32 $execute0_lowered;
	[smem:$0x3FD2] =	sst s25  }
0xa6: {  	s4 =	sshll.u32 s26, $0x1;
	_ =	strace $0x80000046;
	[dreg:$0x1] =	wrdreg $0xFFFFFFFF  }
0xa7: {  	s28 =	simm.s32 $_size_execute0_lowered;
	s2 =	sadd.s32 s2, s4;
	[dreg:$0x0] =	wrdreg $0x0  }
0xa8: {  	s4 =	sshll.u32 s28, $0x1;
	[dreg:$0x2] =	wrdreg s2  }
0xa9: {  	[dreg:$0x3] =	wrdreg s4  }
0xaa: {  	[dreg:$0x4] =	wrdreg $0xC0  }
0xab: {  	_ =	task [dreg:s6], $0x5FFFF  }
0xac: {  	[dreg:$0x1] =	wrdreg $0xFFFFFFFF  }
0xad: {  	[dreg:$0x0] =	wrdreg $0x60  }
0xae: {  	[dreg:$0x2] =	wrdreg s24  }
0xaf: {  	[dreg:$0x3] =	wrdreg $0xCA800  }
0xb0: {  	[dreg:$0x4] =	wrdreg $0x9  }
0xb1: {  	_ =	task.clear_ibuf [dreg:s6], $0x5FFFF;
	_ =	strace $0x90000046  }
0xb2: {  	s29 =	simm.s32 $0x9;
	_ =	strace $0x80000048  }
0xb3: {  	_ =	swait.ge [sflag:s29], $0x1  }
0xb4: {  	[sflag:s29] =	ssyncadd.s32 $0xFFFFFFFF  }
0xb5: {  	_ =	strace $0x90000048  }
0xb6: {  	_ =	sfence  }
0xb7: {  	s30 =	sld [smem:$0x0];
	_ =	sdelay $0x2  }
0xb8: {  	s31 =	sshll.u32 s1, $0xD;
	s1 =	sshrl.u32 s1, $0x2  }
0xb9: {  	s3 =	sand.u32 $0x4000, s31;
	s1 =	sadd.s32 s1, s30  }
0xba: {  	s0 =	sor.u32 s3, s0;
	s1 =	sshll.u32 s1, $0x11  }
0xbb: {  	s0 =	sor.u32 s1, s0  }
0xbc: {  	s0 =	sadd.s32 $0x8F2B, s0  }
0xbd: {  	[sflag:s0] =	ssyncadd.remote.s32 $0x1  }
0xbe: {  	_ =	sfence.sel $0xFFFF  }
0xbf: {  	[dreg:$0x0] =	wrdreg $0xFFFFFFFF;
	(pc) =	sbr.abs _section_cstart, $3  }
0xc0: {  	[dreg:$0x1] =	wrdreg $0xFFFFFFFF  }
0xc1: {  	_ =	task.clear_ibuf [dreg:s6], $0x2FFFF;
	_ =	strace $0x9FFFFFFF  }
0xc2: {  	(tm) =	ssettm $0x7FFFFFFF  }
0xc3: {  	_ =	shalt  }
tec
execute0_lowered:
.L_overlay_start_1:
0x0: {  	(tag) =	ssettag $0x1  }
0x1: {  	s0 =	rddreg [dreg:$0x0]  }
0x2: {  	s1 =	rddreg [dreg:$0x1];
	s9 =	stileid.u32  }
0x3: {  	s2 =	simm.s32 $0x0;
	s4 =	srdreg.scid;
	s3 =	smul.u32 $0x500, s9  }
0x4: {  	[smem:$0x7FF] =	sst s2;
	s4 =	sand.u32 $0x1, s4;
	s5 =	smul.u32 $0x280, s9  }
0x5: {  	s7 =	sadd.s32 $0xDC00, s0;
	s24 =	sshrl.u32 s9, $0x3;
	s8 =	smul.u32 $0x5000, s9  }
0x6: {  	s9 =	sshll.u32 s9, $0x7;
	_ =	strace $0x80000047;
	s6 =	smul.u32 $0x2800, s4  }
0x7: {  	[dreg:$0x3] =	wrdreg s7;
	s4 =	ssub.s32 $0x2, s4;
	s25 =	smul.u32 $0x50000, s24  }
0x8: {  	s11 =	sand.u32 $0x380, s9;
	s3 =	sadd.s32 s3, s0;
	s26 =	sshrl.u32 s4, $0x1  }
0x9: {  	s10 =	sshrl.u32 s8, $0x2;
	s5 =	sadd.s32 s5, s6;
	s4 =	ssub.s32 s4, s26  }
0xa: {  	s7 =	sadd.s32 $0x3C00, s3;
	s6 =	sshrl.u32 s25, $0x2;
	s12 =	sadd.s32 $0x8C00, s3  }
0xb: {  	s5 =	sshrl.u32 s5, $0x3;
	[dreg:$0x4] =	wrdreg s7;
	s6 =	sadd.s32 s6, s1  }
0xc: {  	[dreg:$0x5] =	wrdreg s12;
	s7 =	smax.u32 s4, $0x1;
	s0 =	sadd.s32 s5, s0  }
0xd: {  	s5 =	sadd.s32 s10, s1;
	s13 =	sadd.s32 s11, s6;
	[dreg:$0x17] =	wrdreg s7  }
0xe: {  	[dreg:$0x6] =	wrdreg s13;
	s14 =	sadd.s32 $0x80, s5  }
0xf: {  	s15 =	sadd.s32 $0x100, s5;
	[dreg:$0x7] =	wrdreg s14  }
0x10: {  	s16 =	sadd.s32 $0x180, s5;
	[dreg:$0x8] =	wrdreg s15  }
0x11: {  	s17 =	sadd.s32 $0x200, s5;
	[dreg:$0x9] =	wrdreg s16  }
0x12: {  	s18 =	sadd.s32 $0x280, s5;
	[dreg:$0xa] =	wrdreg s17  }
0x13: {  	s19 =	sadd.s32 $0x300, s5;
	[dreg:$0xb] =	wrdreg s18  }
0x14: {  	s20 =	sadd.s32 $0x380, s5;
	[dreg:$0xc] =	wrdreg s19  }
0x15: {  	s21 =	sadd.s32 $0x14000, s5;
	[dreg:$0xd] =	wrdreg s20  }
0x16: {  	s22 =	sadd.s32 $0x14080, s5;
	[dreg:$0xe] =	wrdreg s21  }
0x17: {  	s23 =	sadd.s32 $0x14100, s5;
	[dreg:$0xf] =	wrdreg s22  }
0x18: {  	s24 =	sadd.s32 $0x14180, s5;
	[dreg:$0x10] =	wrdreg s23  }
0x19: {  	s25 =	sadd.s32 $0x14200, s5;
	[dreg:$0x11] =	wrdreg s24  }
0x1a: {  	s26 =	sadd.s32 $0x14280, s5;
	[dreg:$0x12] =	wrdreg s25  }
0x1b: {  	s3 =	sadd.s32 $0x14300, s5;
	[dreg:$0x13] =	wrdreg s26  }
0x1c: {  	s6 =	sadd.s32 $0x14380, s5;
	[dreg:$0x14] =	wrdreg s3  }
0x1d: {  	s0 =	sadd.s32 $0xE200, s0;
	[dreg:$0x15] =	wrdreg s6  }
0x1e: {  	s8 =	sadd.s32 $0x400, s5;
	[dreg:$0x16] =	wrdreg s0  }
0x1f: {  	s9 =	sadd.s32 $0x800, s5;
	[dreg:$0x18] =	wrdreg s8  }
0x20: {  	s10 =	sadd.s32 $0xC00, s5;
	[dreg:$0x19] =	wrdreg s9  }
0x21: {  	s11 =	sadd.s32 $0x1000, s5;
	[dreg:$0x1a] =	wrdreg s10  }
0x22: {  	s12 =	sadd.s32 $0x480, s5;
	[dreg:$0x1b] =	wrdreg s11  }
0x23: {  	s13 =	sadd.s32 $0x880, s5;
	[dreg:$0x1c] =	wrdreg s12  }
0x24: {  	s1 =	sadd.s32 $0x1200, s5;
	[dreg:$0x1d] =	wrdreg s13  }
0x25: {  	s4 =	sadd.s32 $0xA80, s5;
	[smem:$0x7E6] =	sst s1  }
0x26: {  	s7 =	sadd.s32 $0x1280, s5;
	[smem:$0x7E8] =	sst s4  }
0x27: {  	s14 =	sadd.s32 $0xC80, s5;
	[smem:$0x7EA] =	sst s7  }
0x28: {  	s15 =	sadd.s32 $0x1080, s5;
	[dreg:$0x1e] =	wrdreg s14  }
0x29: {  	s16 =	sadd.s32 $0x500, s5;
	[dreg:$0x1f] =	wrdreg s15  }
0x2a: {  	s17 =	sadd.s32 $0x900, s5;
	[smem:$0x7DB] =	sst s16  }
0x2b: {  	s18 =	sadd.s32 $0xD00, s5;
	[smem:$0x7DC] =	sst s17  }
0x2c: {  	s19 =	sadd.s32 $0x1100, s5;
	[smem:$0x7DD] =	sst s18  }
0x2d: {  	s20 =	sadd.s32 $0x580, s5;
	[smem:$0x7DE] =	sst s19  }
0x2e: {  	s21 =	sadd.s32 $0x980, s5;
	[smem:$0x7DF] =	sst s20  }
0x2f: {  	s22 =	sadd.s32 $0xD80, s5;
	[smem:$0x7E0] =	sst s21  }
0x30: {  	s23 =	sadd.s32 $0x1180, s5;
	[smem:$0x7E1] =	sst s22  }
0x31: {  	s24 =	sadd.s32 $0x600, s5;
	[smem:$0x7E2] =	sst s23  }
0x32: {  	s25 =	sadd.s32 $0xA00, s5;
	[smem:$0x7E3] =	sst s24  }
0x33: {  	s26 =	sadd.s32 $0xE00, s5;
	[smem:$0x7E4] =	sst s25  }
0x34: {  	s3 =	sadd.s32 $0x680, s5;
	[smem:$0x7E5] =	sst s26  }
0x35: {  	s6 =	sadd.s32 $0xE80, s5;
	[smem:$0x7E7] =	sst s3  }
0x36: {  	s8 =	sadd.s32 $0x700, s5;
	[smem:$0x7E9] =	sst s6  }
0x37: {  	s9 =	sadd.s32 $0xB00, s5;
	[smem:$0x7EB] =	sst s8  }
0x38: {  	s10 =	sadd.s32 $0xF00, s5;
	[smem:$0x7EC] =	sst s9  }
0x39: {  	s11 =	sadd.s32 $0x1300, s5;
	[smem:$0x7ED] =	sst s10  }
0x3a: {  	s12 =	sadd.s32 $0x780, s5;
	[smem:$0x7EE] =	sst s11  }
0x3b: {  	s13 =	sadd.s32 $0xB80, s5;
	[smem:$0x7EF] =	sst s12  }
0x3c: {  	[smem:$0x7F0] =	sst s13;
	s14 =	sadd.s32 $0xF80, s5  }
0x3d: {  	s15 =	sadd.s32 $0x1380, s5;
	[smem:$0x7F1] =	sst s14  }
0x3e: {  	s16 =	sadd.s32 $0x14400, s5;
	[smem:$0x7F2] =	sst s15  }
0x3f: {  	s28 =	sadd.s32 $0x14780, s5;
	s17 =	sadd.s32 $0x14800, s5;
	[smem:$0x7F3] =	sst s16  }
0x40: {  	s29 =	sadd.s32 $0x14B80, s5;
	s18 =	sadd.s32 $0x14C00, s5;
	[smem:$0x7F4] =	sst s17  }
0x41: {  	s30 =	sadd.s32 $0x14F80, s5;
	s19 =	sadd.s32 $0x15000, s5;
	[smem:$0x7F5] =	sst s18  }
0x42: {  	s31 =	sadd.s32 $0x15380, s5;
	s20 =	sadd.s32 $0x14480, s5;
	[smem:$0x7F6] =	sst s19  }
0x43: {  	s0 =	simm.s32 $0x1;
	s21 =	sadd.s32 $0x14880, s5;
	[smem:$0x7F7] =	sst s20  }
0x44: {  	s1 =	simm.s32 $0x2800;
	s22 =	sadd.s32 $0x14C80, s5;
	[smem:$0x7F8] =	sst s21  }
0x45: {  	s23 =	sadd.s32 $0x15080, s5;
	s24 =	sadd.s32 $0x14500, s5;
	[smem:$0x7F9] =	sst s22  }
0x46: {  	s25 =	sadd.s32 $0x14900, s5;
	s26 =	sadd.s32 $0x14D00, s5;
	[smem:$0x7FA] =	sst s23  }
0x47: {  	s10 =	sadd.s32 $0x15100, s5;
	s11 =	sadd.s32 $0x14580, s5;
	[smem:$0x7FB] =	sst s24  }
0x48: {  	s12 =	sadd.s32 $0x14980, s5;
	s13 =	sadd.s32 $0x14D80, s5;
	[smem:$0x7FC] =	sst s25  }
0x49: {  	s3 =	simm.s32 $0x0;
	[smem:$0x7FD] =	sst s26;
	s14 =	sadd.s32 $0x15180, s5  }
0x4a: {  	s15 =	sadd.s32 $0x14600, s5;
	s16 =	sadd.s32 $0x14A00, s5;
	s17 =	sadd.s32 $0x14E00, s5  }
0x4b: {  	s18 =	sadd.s32 $0x15200, s5;
	s19 =	sadd.s32 $0x14680, s5;
	s20 =	sadd.s32 $0x14A80, s5  }
0x4c: {  	s21 =	sadd.s32 $0x14E80, s5;
	s22 =	sadd.s32 $0x15280, s5;
	s23 =	sadd.s32 $0x14700, s5  }
0x4d: {  	v0 =	vimm.f32 $0.0e+00;
	s24 =	sadd.s32 $0x14B00, s5;
	s25 =	sadd.s32 $0x14F00, s5;
	s26 =	sadd.s32 $0x15300, s5  }
.LBB2_1:
0x4e: {  	s4 =	rddreg [dreg:$0x3]  }
0x4f: {  	[tilespmem:s2], [sflag:$0x1] =	stream.linear.gather [hbm4b:s4+s2], $0x2800, $0x38;
	[tilespmem:$0xF280] =	vst v63  }
0x50: {  	_ =	swait.ge [sflag:s0], $0x2800  }
0x51: {  	[sflag:s0] =	ssyncset.done $0x0  }
0x52: {  	s6 =	simm.s32 $0x0;
	s4 =	simm.s32 $0x40;
	[sflag:s0] =	ssyncadd.s32 $0xFFFFD800  }
.LBB2_2:
0x53: {  	p0 =	sne.s32 s4, $0x9FC0;
	[tilespmem:s6+$0x2800] =	vst v0;
	s6 =	smov.u32 s4;
	s4 =	sadd.s32 $0x40, s4  }
.Ltmp0:
0x54: {  	(pc) =	sbr.rel @p0 .LBB2_2-.Ltmp0, $2  }
0x55: {  	_ =	sdelay $0x2  }
0x56: {  	s6 =	sshra.s32 s6, $0x2  }
0x57: {  	[tilespmem:s6+$0x2800] =	vst v0;
	s4 =	simm.s32 $0x0;
	s9 =	rddreg [dreg:$0x4];
	s7 =	simm.s32 $0x5000  }
0x58: {  	[tilespmem:s7], [sflag:$0x1] =	stream.linear.gather [hbm4b:s9+s4], $0x2800, $0x38;
	[tilespmem:$0xF280] =	vst v63  }
0x59: {  	_ =	swait.ge [sflag:s0], $0x2800  }
0x5a: {  	[sflag:s0] =	ssyncset.done $0x0  }
0x5b: {  	s9 =	simm.s32 $0x7800;
	s8 =	rddreg [dreg:$0x5];
	[sflag:s0] =	ssyncadd.s32 $0xFFFFD800  }
0x5c: {  	[tilespmem:s9], [sflag:$0x1] =	stream.linear.gather [hbm4b:s8+s4], $0x2800, $0x38;
	[tilespmem:$0xF280] =	vst v63  }
0x5d: {  	_ =	swait.ge [sflag:s0], $0x2800  }
0x5e: {  	[sflag:s0] =	ssyncset.done $0x0  }
0x5f: {  	s6 =	simm.s32 $0x0;
	s4 =	simm.s32 $0x40;
	[sflag:s0] =	ssyncadd.s32 $0xFFFFD800  }
.LBB2_4:
0x60: {  	p0 =	sne.s32 s4, $0x9FC0;
	v1 =	vld [tilespmem:s6+$0x5000];
	_ =	sdelay $0x5  }
0x61: {  	v2 =	vld [tilespmem:s6+$0x7800];
	_ =	sdelay $0x1  }
0x62: {  	v1 =	vld.idx.msk [tilespmem:v1+s2+$0x0], $0xffff;
	_ =	sdelay $0x1  }
.Ltmp1:
0x63: {  	(pc) =	sbr.rel @p0 .LBB2_4-.Ltmp1, $2  }
0x64: {  	_ =	sdelay $0x2  }
0x65: {  	s6 =	sshra.s32 s4, $0x2;
	s4 =	sadd.s32 $0x40, s4;
	[tilespmem:v2+s1+$0x0] =	vst.idx.add.f32.msk $0xffff, v1  }
0x66: {  	v1 =	vld [tilespmem:s6+$0x5000];
	_ =	sdelay $0x4  }
0x67: {  	v2 =	vld [tilespmem:s6+$0x7800];
	_ =	sdelay $0x2  }
0x68: {  	v1 =	vld.idx.msk [tilespmem:v1+s2+$0x0], $0xffff;
	_ =	sdelay $0x4  }
0x69: {  	s4 =	rddreg [dreg:$0x6];
	s9 =	simm.s32 $0x80;
	s7 =	simm.s32 $0x400;
	[tilespmem:v2+s1+$0x0] =	vst.idx.add.f32.msk $0xffff, v1  }
0x6a: {  	[spmem:s4] =	stream.strided.scatter [tilespmem:s1], [sflag:$0x1], $0x2800, s7, s9, $0x38;
	[tilespmem:$0xF280] =	vst v63  }
0x6b: {  	_ =	swait.ge [sflag:s0], $0x2800  }
0x6c: {  	[sflag:s0] =	ssyncset.done $0x0  }
0x6d: {  	[sflag:s0] =	ssyncadd.s32 $0xFFFFD800  }
0x6e: {  	s7 =	simm.s32 $0xA280;
	[bflag:$0x0] =	sbarrier.arrive $0xFFFF  }
0x6f: {  	[tilespmem:s7], [sflag:$0x1] =	stream.linear.gather [spmem:s5], $0x80, $0x38;
	[tilespmem:$0xF280] =	vst v63  }
0x70: {  	s9 =	simm.s32 $0xA680;
	s8 =	rddreg [dreg:$0x18]  }
0x71: {  	[tilespmem:s9], [sflag:$0x1] =	stream.linear.gather [spmem:s8], $0x80, $0x38;
	[tilespmem:$0xF280] =	vst v63  }
0x72: {  	s6 =	rddreg [dreg:$0x19];
	s7 =	simm.s32 $0xAA80  }
0x73: {  	[tilespmem:s7], [sflag:$0x1] =	stream.linear.gather [spmem:s6], $0x80, $0x38;
	[tilespmem:$0xF280] =	vst v63  }
0x74: {  	s8 =	rddreg [dreg:$0x1a];
	s9 =	simm.s32 $0xAE80  }
0x75: {  	[tilespmem:s9], [sflag:$0x1] =	stream.linear.gather [spmem:s8], $0x80, $0x38;
	[tilespmem:$0xF280] =	vst v63  }
0x76: {  	s6 =	rddreg [dreg:$0x1b];
	s7 =	simm.s32 $0xB280  }
0x77: {  	[tilespmem:s7], [sflag:$0x1] =	stream.linear.gather [spmem:s6], $0x80, $0x38;
	[tilespmem:$0xF280] =	vst v63  }
0x78: {  	_ =	swait.ge [sflag:s0], $0x280  }
0x79: {  	[sflag:s0] =	ssyncset.done $0x0  }
0x7a: {  	s9 =	simm.s32 $0xA300;
	s8 =	rddreg [dreg:$0x7];
	[sflag:s0] =	ssyncadd.s32 $0xFFFFFD80  }
0x7b: {  	[tilespmem:s9], [sflag:$0x1] =	stream.linear.gather [spmem:s8], $0x80, $0x38;
	[tilespmem:$0xF280] =	vst v63  }
0x7c: {  	s7 =	simm.s32 $0xA700;
	s6 =	rddreg [dreg:$0x1c]  }
0x7d: {  	[tilespmem:s7], [sflag:$0x1] =	stream.linear.gather [spmem:s6], $0x80, $0x38;
	[tilespmem:$0xF280] =	vst v63  }
0x7e: {  	s8 =	rddreg [dreg:$0x1d];
	s9 =	simm.s32 $0xAB00  }
0x7f: {  	[tilespmem:s9], [sflag:$0x1] =	stream.linear.gather [spmem:s8], $0x80, $0x38;
	[tilespmem:$0xF280] =	vst v63  }
0x80: {  	s6 =	rddreg [dreg:$0x1e];
	s7 =	simm.s32 $0xAF00  }
0x81: {  	[tilespmem:s7], [sflag:$0x1] =	stream.linear.gather [spmem:s6], $0x80, $0x38;
	[tilespmem:$0xF280] =	vst v63  }
0x82: {  	s8 =	rddreg [dreg:$0x1f];
	s9 =	simm.s32 $0xB300  }
0x83: {  	[tilespmem:s9], [sflag:$0x1] =	stream.linear.gather [spmem:s8], $0x80, $0x38;
	[tilespmem:$0xF280] =	vst v63  }
0x84: {  	_ =	swait.ge [sflag:s0], $0x280  }
0x85: {  	[sflag:s0] =	ssyncset.done $0x0;
	s6 =	rddreg [dreg:$0x8]  }
0x86: {  	s7 =	simm.s32 $0xA380;
	s8 =	sld [smem:$0x7DB];
	[sflag:s0] =	ssyncadd.s32 $0xFFFFFD80  }
0x87: {  	[tilespmem:s7], [sflag:$0x1] =	stream.linear.gather [spmem:s6], $0x80, $0x38;
	[tilespmem:$0xF280] =	vst v63  }
0x88: {  	s9 =	simm.s32 $0xA780;
	s6 =	sld [smem:$0x7DC]  }
0x89: {  	[tilespmem:s9], [sflag:$0x1] =	stream.linear.gather [spmem:s8], $0x80, $0x38;
	[tilespmem:$0xF280] =	vst v63  }
0x8a: {  	s7 =	simm.s32 $0xAB80;
	s8 =	sld [smem:$0x7DD]  }
0x8b: {  	[tilespmem:s7], [sflag:$0x1] =	stream.linear.gather [spmem:s6], $0x80, $0x38;
	[tilespmem:$0xF280] =	vst v63  }
0x8c: {  	s9 =	simm.s32 $0xAF80;
	s6 =	sld [smem:$0x7DE]  }
0x8d: {  	[tilespmem:s9], [sflag:$0x1] =	stream.linear.gather [spmem:s8], $0x80, $0x38;
	[tilespmem:$0xF280] =	vst v63  }
0x8e: {  	s7 =	simm.s32 $0xB380  }
0x8f: {  	[tilespmem:s7], [sflag:$0x1] =	stream.linear.gather [spmem:s6], $0x80, $0x38;
	[tilespmem:$0xF280] =	vst v63  }
0x90: {  	_ =	swait.ge [sflag:s0], $0x280  }
0x91: {  	[sflag:s0] =	ssyncset.done $0x0;
	s8 =	rddreg [dreg:$0x9]  }
0x92: {  	s9 =	simm.s32 $0xA400;
	s6 =	sld [smem:$0x7DF];
	[sflag:s0] =	ssyncadd.s32 $0xFFFFFD80  }
0x93: {  	[tilespmem:s9], [sflag:$0x1] =	stream.linear.gather [spmem:s8], $0x80, $0x38;
	[tilespmem:$0xF280] =	vst v63  }
0x94: {  	s7 =	simm.s32 $0xA800;
	s8 =	sld [smem:$0x7E0]  }
0x95: {  	[tilespmem:s7], [sflag:$0x1] =	stream.linear.gather [spmem:s6], $0x80, $0x38;
	[tilespmem:$0xF280] =	vst v63  }
0x96: {  	s9 =	simm.s32 $0xAC00;
	s6 =	sld [smem:$0x7E1]  }
0x97: {  	[tilespmem:s9], [sflag:$0x1] =	stream.linear.gather [spmem:s8], $0x80, $0x38;
	[tilespmem:$0xF280] =	vst v63  }
0x98: {  	s7 =	simm.s32 $0xB000;
	s8 =	sld [smem:$0x7E2]  }
0x99: {  	[tilespmem:s7], [sflag:$0x1] =	stream.linear.gather [spmem:s6], $0x80, $0x38;
	[tilespmem:$0xF280] =	vst v63  }
0x9a: {  	s9 =	simm.s32 $0xB400  }
0x9b: {  	[tilespmem:s9], [sflag:$0x1] =	stream.linear.gather [spmem:s8], $0x80, $0x38;
	[tilespmem:$0xF280] =	vst v63  }
0x9c: {  	_ =	swait.ge [sflag:s0], $0x280  }
0x9d: {  	[sflag:s0] =	ssyncset.done $0x0;
	s6 =	rddreg [dreg:$0xa]  }
0x9e: {  	s7 =	simm.s32 $0xA480;
	s8 =	sld [smem:$0x7E3];
	[sflag:s0] =	ssyncadd.s32 $0xFFFFFD80  }
0x9f: {  	[tilespmem:s7], [sflag:$0x1] =	stream.linear.gather [spmem:s6], $0x80, $0x38;
	[tilespmem:$0xF280] =	vst v63  }
0xa0: {  	s9 =	simm.s32 $0xA880;
	s6 =	sld [smem:$0x7E4]  }
0xa1: {  	[tilespmem:s9], [sflag:$0x1] =	stream.linear.gather [spmem:s8], $0x80, $0x38;
	[tilespmem:$0xF280] =	vst v63  }
0xa2: {  	s7 =	simm.s32 $0xAC80;
	s8 =	sld [smem:$0x7E5]  }
0xa3: {  	[tilespmem:s7], [sflag:$0x1] =	stream.linear.gather [spmem:s6], $0x80, $0x38;
	[tilespmem:$0xF280] =	vst v63  }
0xa4: {  	s9 =	simm.s32 $0xB080;
	s6 =	sld [smem:$0x7E6]  }
0xa5: {  	[tilespmem:s9], [sflag:$0x1] =	stream.linear.gather [spmem:s8], $0x80, $0x38;
	[tilespmem:$0xF280] =	vst v63  }
0xa6: {  	s7 =	simm.s32 $0xB480  }
0xa7: {  	[tilespmem:s7], [sflag:$0x1] =	stream.linear.gather [spmem:s6], $0x80, $0x38;
	[tilespmem:$0xF280] =	vst v63  }
0xa8: {  	_ =	swait.ge [sflag:s0], $0x280  }
0xa9: {  	[sflag:s0] =	ssyncset.done $0x0;
	s8 =	rddreg [dreg:$0xb]  }
0xaa: {  	s9 =	simm.s32 $0xA500;
	s6 =	sld [smem:$0x7E7];
	[sflag:s0] =	ssyncadd.s32 $0xFFFFFD80  }
0xab: {  	[tilespmem:s9], [sflag:$0x1] =	stream.linear.gather [spmem:s8], $0x80, $0x38;
	[tilespmem:$0xF280] =	vst v63  }
0xac: {  	s7 =	simm.s32 $0xA900;
	s8 =	sld [smem:$0x7E8]  }
0xad: {  	[tilespmem:s7], [sflag:$0x1] =	stream.linear.gather [spmem:s6], $0x80, $0x38;
	[tilespmem:$0xF280] =	vst v63  }
0xae: {  	s9 =	simm.s32 $0xAD00;
	s6 =	sld [smem:$0x7E9]  }
0xaf: {  	[tilespmem:s9], [sflag:$0x1] =	stream.linear.gather [spmem:s8], $0x80, $0x38;
	[tilespmem:$0xF280] =	vst v63  }
0xb0: {  	s7 =	simm.s32 $0xB100;
	s8 =	sld [smem:$0x7EA]  }
0xb1: {  	[tilespmem:s7], [sflag:$0x1] =	stream.linear.gather [spmem:s6], $0x80, $0x38;
	[tilespmem:$0xF280] =	vst v63  }
0xb2: {  	s9 =	simm.s32 $0xB500  }
0xb3: {  	[tilespmem:s9], [sflag:$0x1] =	stream.linear.gather [spmem:s8], $0x80, $0x38;
	[tilespmem:$0xF280] =	vst v63  }
0xb4: {  	_ =	swait.ge [sflag:s0], $0x280  }
0xb5: {  	[sflag:s0] =	ssyncset.done $0x0;
	s6 =	rddreg [dreg:$0xc]  }
0xb6: {  	s7 =	simm.s32 $0xA580;
	s8 =	sld [smem:$0x7EB];
	[sflag:s0] =	ssyncadd.s32 $0xFFFFFD80  }
0xb7: {  	[tilespmem:s7], [sflag:$0x1] =	stream.linear.gather [spmem:s6], $0x80, $0x38;
	[tilespmem:$0xF280] =	vst v63  }
0xb8: {  	s9 =	simm.s32 $0xA980;
	s6 =	sld [smem:$0x7EC]  }
0xb9: {  	[tilespmem:s9], [sflag:$0x1] =	stream.linear.gather [spmem:s8], $0x80, $0x38;
	[tilespmem:$0xF280] =	vst v63  }
0xba: {  	s7 =	simm.s32 $0xAD80;
	s8 =	sld [smem:$0x7ED]  }
0xbb: {  	[tilespmem:s7], [sflag:$0x1] =	stream.linear.gather [spmem:s6], $0x80, $0x38;
	[tilespmem:$0xF280] =	vst v63  }
0xbc: {  	s9 =	simm.s32 $0xB180;
	s6 =	sld [smem:$0x7EE]  }
0xbd: {  	[tilespmem:s9], [sflag:$0x1] =	stream.linear.gather [spmem:s8], $0x80, $0x38;
	[tilespmem:$0xF280] =	vst v63  }
0xbe: {  	s7 =	simm.s32 $0xB580  }
0xbf: {  	[tilespmem:s7], [sflag:$0x1] =	stream.linear.gather [spmem:s6], $0x80, $0x38;
	[tilespmem:$0xF280] =	vst v63  }
0xc0: {  	_ =	swait.ge [sflag:s0], $0x280  }
0xc1: {  	[sflag:s0] =	ssyncset.done $0x0;
	s8 =	rddreg [dreg:$0xd]  }
0xc2: {  	s9 =	simm.s32 $0xA600;
	s6 =	sld [smem:$0x7EF];
	[sflag:s0] =	ssyncadd.s32 $0xFFFFFD80  }
0xc3: {  	[tilespmem:s9], [sflag:$0x1] =	stream.linear.gather [spmem:s8], $0x80, $0x38;
	[tilespmem:$0xF280] =	vst v63  }
0xc4: {  	s7 =	simm.s32 $0xAA00;
	s8 =	sld [smem:$0x7F0]  }
0xc5: {  	[tilespmem:s7], [sflag:$0x1] =	stream.linear.gather [spmem:s6], $0x80, $0x38;
	[tilespmem:$0xF280] =	vst v63  }
0xc6: {  	s9 =	simm.s32 $0xAE00;
	s6 =	sld [smem:$0x7F1]  }
0xc7: {  	[tilespmem:s9], [sflag:$0x1] =	stream.linear.gather [spmem:s8], $0x80, $0x38;
	[tilespmem:$0xF280] =	vst v63  }
0xc8: {  	s7 =	simm.s32 $0xB200;
	s8 =	sld [smem:$0x7F2]  }
0xc9: {  	[tilespmem:s7], [sflag:$0x1] =	stream.linear.gather [spmem:s6], $0x80, $0x38;
	[tilespmem:$0xF280] =	vst v63  }
0xca: {  	s9 =	simm.s32 $0xB600  }
0xcb: {  	[tilespmem:s9], [sflag:$0x1] =	stream.linear.gather [spmem:s8], $0x80, $0x38;
	[tilespmem:$0xF280] =	vst v63  }
0xcc: {  	_ =	swait.ge [sflag:s0], $0x280  }
0xcd: {  	[sflag:s0] =	ssyncset.done $0x0;
	s6 =	rddreg [dreg:$0xe]  }
0xce: {  	s7 =	simm.s32 $0xB680;
	s8 =	sld [smem:$0x7F3];
	[sflag:s0] =	ssyncadd.s32 $0xFFFFFD80  }
0xcf: {  	[tilespmem:s7], [sflag:$0x1] =	stream.linear.gather [spmem:s6], $0x80, $0x38;
	[tilespmem:$0xF280] =	vst v63  }
0xd0: {  	s9 =	simm.s32 $0xBA80;
	s6 =	sld [smem:$0x7F4]  }
0xd1: {  	[tilespmem:s9], [sflag:$0x1] =	stream.linear.gather [spmem:s8], $0x80, $0x38;
	[tilespmem:$0xF280] =	vst v63  }
0xd2: {  	s7 =	simm.s32 $0xBE80;
	s8 =	sld [smem:$0x7F5]  }
0xd3: {  	[tilespmem:s7], [sflag:$0x1] =	stream.linear.gather [spmem:s6], $0x80, $0x38;
	[tilespmem:$0xF280] =	vst v63  }
0xd4: {  	s9 =	simm.s32 $0xC280;
	s6 =	sld [smem:$0x7F6]  }
0xd5: {  	[tilespmem:s9], [sflag:$0x1] =	stream.linear.gather [spmem:s8], $0x80, $0x38;
	[tilespmem:$0xF280] =	vst v63  }
0xd6: {  	s7 =	simm.s32 $0xC680  }
0xd7: {  	[tilespmem:s7], [sflag:$0x1] =	stream.linear.gather [spmem:s6], $0x80, $0x38;
	[tilespmem:$0xF280] =	vst v63  }
0xd8: {  	_ =	swait.ge [sflag:s0], $0x280  }
0xd9: {  	[sflag:s0] =	ssyncset.done $0x0;
	s8 =	rddreg [dreg:$0xf]  }
0xda: {  	s9 =	simm.s32 $0xB700;
	s6 =	sld [smem:$0x7F7];
	[sflag:s0] =	ssyncadd.s32 $0xFFFFFD80  }
0xdb: {  	[tilespmem:s9], [sflag:$0x1] =	stream.linear.gather [spmem:s8], $0x80, $0x38;
	[tilespmem:$0xF280] =	vst v63  }
0xdc: {  	s7 =	simm.s32 $0xBB00;
	s8 =	sld [smem:$0x7F8]  }
0xdd: {  	[tilespmem:s7], [sflag:$0x1] =	stream.linear.gather [spmem:s6], $0x80, $0x38;
	[tilespmem:$0xF280] =	vst v63  }
0xde: {  	s9 =	simm.s32 $0xBF00;
	s6 =	sld [smem:$0x7F9]  }
0xdf: {  	[tilespmem:s9], [sflag:$0x1] =	stream.linear.gather [spmem:s8], $0x80, $0x38;
	[tilespmem:$0xF280] =	vst v63  }
0xe0: {  	s7 =	simm.s32 $0xC300;
	s8 =	sld [smem:$0x7FA]  }
0xe1: {  	[tilespmem:s7], [sflag:$0x1] =	stream.linear.gather [spmem:s6], $0x80, $0x38;
	[tilespmem:$0xF280] =	vst v63  }
0xe2: {  	s9 =	simm.s32 $0xC700  }
0xe3: {  	[tilespmem:s9], [sflag:$0x1] =	stream.linear.gather [spmem:s8], $0x80, $0x38;
	[tilespmem:$0xF280] =	vst v63  }
0xe4: {  	_ =	swait.ge [sflag:s0], $0x280  }
0xe5: {  	[sflag:s0] =	ssyncset.done $0x0;
	s6 =	rddreg [dreg:$0x10]  }
0xe6: {  	s7 =	simm.s32 $0xB780;
	s8 =	sld [smem:$0x7FB];
	[sflag:s0] =	ssyncadd.s32 $0xFFFFFD80  }
0xe7: {  	[tilespmem:s7], [sflag:$0x1] =	stream.linear.gather [spmem:s6], $0x80, $0x38;
	[tilespmem:$0xF280] =	vst v63  }
0xe8: {  	s9 =	simm.s32 $0xBB80;
	s6 =	sld [smem:$0x7FC]  }
0xe9: {  	[tilespmem:s9], [sflag:$0x1] =	stream.linear.gather [spmem:s8], $0x80, $0x38;
	[tilespmem:$0xF280] =	vst v63  }
0xea: {  	s7 =	simm.s32 $0xBF80;
	s8 =	sld [smem:$0x7FD]  }
0xeb: {  	[tilespmem:s7], [sflag:$0x1] =	stream.linear.gather [spmem:s6], $0x80, $0x38;
	[tilespmem:$0xF280] =	vst v63  }
0xec: {  	s9 =	simm.s32 $0xC380  }
0xed: {  	[tilespmem:s9], [sflag:$0x1] =	stream.linear.gather [spmem:s8], $0x80, $0x38;
	[tilespmem:$0xF280] =	vst v63  }
0xee: {  	s7 =	simm.s32 $0xC780  }
0xef: {  	[tilespmem:s7], [sflag:$0x1] =	stream.linear.gather [spmem:s10], $0x80, $0x38;
	[tilespmem:$0xF280] =	vst v63  }
0xf0: {  	_ =	swait.ge [sflag:s0], $0x280  }
0xf1: {  	[sflag:s0] =	ssyncset.done $0x0  }
0xf2: {  	s9 =	simm.s32 $0xB800;
	s8 =	rddreg [dreg:$0x11];
	[sflag:s0] =	ssyncadd.s32 $0xFFFFFD80  }
0xf3: {  	[tilespmem:s9], [sflag:$0x1] =	stream.linear.gather [spmem:s8], $0x80, $0x38;
	[tilespmem:$0xF280] =	vst v63  }
0xf4: {  	s6 =	simm.s32 $0xBC00  }
0xf5: {  	[tilespmem:s6], [sflag:$0x1] =	stream.linear.gather [spmem:s11], $0x80, $0x38;
	[tilespmem:$0xF280] =	vst v63  }
0xf6: {  	s7 =	simm.s32 $0xC000  }
0xf7: {  	[tilespmem:s7], [sflag:$0x1] =	stream.linear.gather [spmem:s12], $0x80, $0x38;
	[tilespmem:$0xF280] =	vst v63  }
0xf8: {  	s8 =	simm.s32 $0xC400  }
0xf9: {  	[tilespmem:s8], [sflag:$0x1] =	stream.linear.gather [spmem:s13], $0x80, $0x38;
	[tilespmem:$0xF280] =	vst v63  }
0xfa: {  	s9 =	simm.s32 $0xC800  }
0xfb: {  	[tilespmem:s9], [sflag:$0x1] =	stream.linear.gather [spmem:s14], $0x80, $0x38;
	[tilespmem:$0xF280] =	vst v63  }
0xfc: {  	_ =	swait.ge [sflag:s0], $0x280  }
0xfd: {  	[sflag:s0] =	ssyncset.done $0x0  }
0xfe: {  	s7 =	simm.s32 $0xB880;
	s6 =	rddreg [dreg:$0x12];
	[sflag:s0] =	ssyncadd.s32 $0xFFFFFD80  }
0xff: {  	[tilespmem:s7], [sflag:$0x1] =	stream.linear.gather [spmem:s6], $0x80, $0x38;
	[tilespmem:$0xF280] =	vst v63  }
0x100: {  	s8 =	simm.s32 $0xBC80  }
0x101: {  	[tilespmem:s8], [sflag:$0x1] =	stream.linear.gather [spmem:s15], $0x80, $0x38;
	[tilespmem:$0xF280] =	vst v63  }
0x102: {  	s9 =	simm.s32 $0xC080  }
0x103: {  	[tilespmem:s9], [sflag:$0x1] =	stream.linear.gather [spmem:s16], $0x80, $0x38;
	[tilespmem:$0xF280] =	vst v63  }
0x104: {  	s6 =	simm.s32 $0xC480  }
0x105: {  	[tilespmem:s6], [sflag:$0x1] =	stream.linear.gather [spmem:s17], $0x80, $0x38;
	[tilespmem:$0xF280] =	vst v63  }
0x106: {  	s7 =	simm.s32 $0xC880  }
0x107: {  	[tilespmem:s7], [sflag:$0x1] =	stream.linear.gather [spmem:s18], $0x80, $0x38;
	[tilespmem:$0xF280] =	vst v63  }
0x108: {  	_ =	swait.ge [sflag:s0], $0x280  }
0x109: {  	[sflag:s0] =	ssyncset.done $0x0  }
0x10a: {  	s9 =	simm.s32 $0xB900;
	s8 =	rddreg [dreg:$0x13];
	[sflag:s0] =	ssyncadd.s32 $0xFFFFFD80  }
0x10b: {  	[tilespmem:s9], [sflag:$0x1] =	stream.linear.gather [spmem:s8], $0x80, $0x38;
	[tilespmem:$0xF280] =	vst v63  }
0x10c: {  	s6 =	simm.s32 $0xBD00  }
0x10d: {  	[tilespmem:s6], [sflag:$0x1] =	stream.linear.gather [spmem:s19], $0x80, $0x38;
	[tilespmem:$0xF280] =	vst v63  }
0x10e: {  	s7 =	simm.s32 $0xC100  }
0x10f: {  	[tilespmem:s7], [sflag:$0x1] =	stream.linear.gather [spmem:s20], $0x80, $0x38;
	[tilespmem:$0xF280] =	vst v63  }
0x110: {  	s8 =	simm.s32 $0xC500  }
0x111: {  	[tilespmem:s8], [sflag:$0x1] =	stream.linear.gather [spmem:s21], $0x80, $0x38;
	[tilespmem:$0xF280] =	vst v63  }
0x112: {  	s9 =	simm.s32 $0xC900  }
0x113: {  	[tilespmem:s9], [sflag:$0x1] =	stream.linear.gather [spmem:s22], $0x80, $0x38;
	[tilespmem:$0xF280] =	vst v63  }
0x114: {  	_ =	swait.ge [sflag:s0], $0x280  }
0x115: {  	[sflag:s0] =	ssyncset.done $0x0  }
0x116: {  	s7 =	simm.s32 $0xB980;
	s6 =	rddreg [dreg:$0x14];
	[sflag:s0] =	ssyncadd.s32 $0xFFFFFD80  }
0x117: {  	[tilespmem:s7], [sflag:$0x1] =	stream.linear.gather [spmem:s6], $0x80, $0x38;
	[tilespmem:$0xF280] =	vst v63  }
0x118: {  	s8 =	simm.s32 $0xBD80  }
0x119: {  	[tilespmem:s8], [sflag:$0x1] =	stream.linear.gather [spmem:s23], $0x80, $0x38;
	[tilespmem:$0xF280] =	vst v63  }
0x11a: {  	s9 =	simm.s32 $0xC180  }
0x11b: {  	[tilespmem:s9], [sflag:$0x1] =	stream.linear.gather [spmem:s24], $0x80, $0x38;
	[tilespmem:$0xF280] =	vst v63  }
0x11c: {  	s6 =	simm.s32 $0xC580  }
0x11d: {  	[tilespmem:s6], [sflag:$0x1] =	stream.linear.gather [spmem:s25], $0x80, $0x38;
	[tilespmem:$0xF280] =	vst v63  }
0x11e: {  	s7 =	simm.s32 $0xC980  }
0x11f: {  	[tilespmem:s7], [sflag:$0x1] =	stream.linear.gather [spmem:s26], $0x80, $0x38;
	[tilespmem:$0xF280] =	vst v63  }
0x120: {  	_ =	swait.ge [sflag:s0], $0x280  }
0x121: {  	[sflag:s0] =	ssyncset.done $0x0  }
0x122: {  	s9 =	simm.s32 $0xBA00;
	s8 =	rddreg [dreg:$0x15];
	[sflag:s0] =	ssyncadd.s32 $0xFFFFFD80  }
0x123: {  	[tilespmem:s9], [sflag:$0x1] =	stream.linear.gather [spmem:s8], $0x80, $0x38;
	[tilespmem:$0xF280] =	vst v63  }
0x124: {  	s7 =	simm.s32 $0xBE00  }
0x125: {  	[tilespmem:s7], [sflag:$0x1] =	stream.linear.gather [spmem:s28], $0x80, $0x38;
	[tilespmem:$0xF280] =	vst v63  }
0x126: {  	s8 =	simm.s32 $0xC200  }
0x127: {  	[tilespmem:s8], [sflag:$0x1] =	stream.linear.gather [spmem:s29], $0x80, $0x38;
	[tilespmem:$0xF280] =	vst v63  }
0x128: {  	s9 =	simm.s32 $0xC600  }
0x129: {  	[tilespmem:s9], [sflag:$0x1] =	stream.linear.gather [spmem:s30], $0x80, $0x38;
	[tilespmem:$0xF280] =	vst v63  }
0x12a: {  	s6 =	simm.s32 $0xCA00  }
0x12b: {  	[tilespmem:s6], [sflag:$0x1] =	stream.linear.gather [spmem:s31], $0x80, $0x38;
	[tilespmem:$0xF280] =	vst v63  }
0x12c: {  	s7 =	simm.s32 $0x0;
	_ =	swait.ge [sflag:s0], $0x280  }
0x12d: {  	s4 =	sand.u32 $0x1C00, s7;
	s8 =	sand.u32 $0x70, s7;
	[sflag:s0] =	ssyncset.done $0x0  }
0x12e: {  	s4 =	sor.u32 s8, s4;
	[sflag:s0] =	ssyncadd.s32 $0xFFFFFD80  }
0x12f: {  	v1 =	vld [tilespmem:s4+$0xA300]  }
0x130: {  	v2 =	vld [tilespmem:s4+$0xA280];
	_ =	sdelay $0x1  }
0x131: {  	v3 =	vld [tilespmem:s4+$0xA380];
	_ =	sdelay $0x1  }
0x132: {  	v4 =	vld [tilespmem:s4+$0xA400]  }
0x133: {  	v1 =	vadd.f32 v1, v2  }
0x134: {  	v2 =	vld [tilespmem:s4+$0xA480]  }
0x135: {  	v1 =	vadd.f32 v3, v1  }
0x136: {  	v3 =	vld [tilespmem:s4+$0xA500]  }
0x137: {  	v1 =	vadd.f32 v4, v1  }
0x138: {  	v60 =	vld [tilespmem:s4+$0xA580]  }
0x139: {  	v1 =	vadd.f32 v2, v1  }
0x13a: {  	v2 =	vld [tilespmem:s4+$0xA600]  }
0x13b: {  	v1 =	vadd.f32 v3, v1  }
0x13c: {  	v3 =	vld [tilespmem:s4+$0xB680]  }
0x13d: {  	v1 =	vadd.f32 v60, v1  }
0x13e: {  	v61 =	vld [tilespmem:s4+$0xB700]  }
0x13f: {  	v1 =	vadd.f32 v2, v1  }
0x140: {  	v2 =	vld [tilespmem:s4+$0xB780]  }
0x141: {  	v1 =	vadd.f32 v3, v1  }
0x142: {  	v3 =	vld [tilespmem:s4+$0xB800]  }
0x143: {  	v1 =	vadd.f32 v61, v1  }
0x144: {  	v62 =	vld [tilespmem:s4+$0xB880]  }
0x145: {  	v1 =	vadd.f32 v2, v1  }
0x146: {  	v2 =	vld [tilespmem:s4+$0xB900]  }
0x147: {  	v1 =	vadd.f32 v3, v1  }
0x148: {  	v3 =	vld [tilespmem:s4+$0xB980]  }
0x149: {  	v1 =	vadd.f32 v62, v1  }
0x14a: {  	v63 =	vld [tilespmem:s4+$0xBA00]  }
0x14b: {  	v1 =	vadd.f32 v2, v1;
	_ =	sdelay $0x1  }
0x14c: {  	v1 =	vadd.f32 v3, v1;
	_ =	sdelay $0x1  }
0x14d: {  	s7 =	simm.s32 $0x80;
	s9 =	simm.s32 $0x10;
	v1 =	vadd.f32 v63, v1  }
0x14e: {  	s8 =	sand.u32 $0x1C00, s7;
	s6 =	sand.u32 $0x70, s9;
	s4 =	simm.s32 $0xA000  }
0x14f: {  	s6 =	sor.u32 s6, s8;
	s8 =	simm.s32 $0x20;
	[tilespmem:s4+$0x0] =	vst v1  }
.LBB2_6:
0x150: {  	p0 =	sne.s32 s8, $0x270;
	v1 =	vld [tilespmem:s6+$0xA300]  }
0x151: {  	v2 =	vld [tilespmem:s6+$0xA280];
	_ =	sdelay $0x1  }
0x152: {  	v3 =	vld [tilespmem:s6+$0xA380];
	_ =	sdelay $0x1  }
0x153: {  	v4 =	vld [tilespmem:s6+$0xA400]  }
0x154: {  	v1 =	vadd.f32 v1, v2  }
0x155: {  	v2 =	vld [tilespmem:s6+$0xA480]  }
0x156: {  	v1 =	vadd.f32 v3, v1  }
0x157: {  	v3 =	vld [tilespmem:s6+$0xA500]  }
0x158: {  	v1 =	vadd.f32 v4, v1  }
0x159: {  	v4 =	vld [tilespmem:s6+$0xA580]  }
0x15a: {  	v1 =	vadd.f32 v2, v1  }
0x15b: {  	v2 =	vld [tilespmem:s6+$0xA600]  }
0x15c: {  	v1 =	vadd.f32 v3, v1  }
0x15d: {  	v3 =	vld [tilespmem:s6+$0xB680]  }
0x15e: {  	v1 =	vadd.f32 v4, v1  }
0x15f: {  	v4 =	vld [tilespmem:s6+$0xB700]  }
0x160: {  	v1 =	vadd.f32 v2, v1  }
0x161: {  	v2 =	vld [tilespmem:s6+$0xB780]  }
0x162: {  	v1 =	vadd.f32 v3, v1  }
0x163: {  	v3 =	vld [tilespmem:s6+$0xB800]  }
0x164: {  	v1 =	vadd.f32 v4, v1  }
0x165: {  	v4 =	vld [tilespmem:s6+$0xB880]  }
0x166: {  	v1 =	vadd.f32 v2, v1  }
0x167: {  	v2 =	vld [tilespmem:s6+$0xB900]  }
0x168: {  	v1 =	vadd.f32 v3, v1  }
0x169: {  	v3 =	vld [tilespmem:s6+$0xB980]  }
0x16a: {  	v1 =	vadd.f32 v4, v1  }
0x16b: {  	v4 =	vld [tilespmem:s6+$0xBA00]  }
0x16c: {  	v1 =	vadd.f32 v2, v1;
	_ =	sdelay $0x1  }
.Ltmp2:
0x16d: {  	v1 =	vadd.f32 v3, v1;
	(pc) =	sbr.rel @p0 .LBB2_6-.Ltmp2, $4  }
0x16e: {  	_ = 	snop  }
0x16f: {  	s7 =	sadd.s32 $0x80, s7;
	v1 =	vadd.f32 v4, v1  }
0x170: {  	s4 =	sadd.s32 $0x10, s4;
	s9 =	sand.u32 $0x1C00, s7;
	s6 =	sand.u32 $0x70, s8  }
0x171: {  	s8 =	sadd.s32 $0x10, s8;
	s6 =	sor.u32 s6, s9;
	[tilespmem:s4+$0x0] =	vst v1  }
0x172: {  	v1 =	vld [tilespmem:s6+$0xA300]  }
0x173: {  	v2 =	vld [tilespmem:s6+$0xA280];
	_ =	sdelay $0x1  }
0x174: {  	v3 =	vld [tilespmem:s6+$0xA380];
	_ =	sdelay $0x1  }
0x175: {  	v4 =	vld [tilespmem:s6+$0xA400]  }
0x176: {  	v1 =	vadd.f32 v1, v2  }
0x177: {  	v2 =	vld [tilespmem:s6+$0xA480]  }
0x178: {  	v1 =	vadd.f32 v3, v1  }
0x179: {  	v3 =	vld [tilespmem:s6+$0xA500]  }
0x17a: {  	v1 =	vadd.f32 v4, v1  }
0x17b: {  	v60 =	vld [tilespmem:s6+$0xA580]  }
0x17c: {  	v1 =	vadd.f32 v2, v1  }
0x17d: {  	v2 =	vld [tilespmem:s6+$0xA600]  }
0x17e: {  	v1 =	vadd.f32 v3, v1  }
0x17f: {  	v3 =	vld [tilespmem:s6+$0xB680]  }
0x180: {  	v1 =	vadd.f32 v60, v1  }
0x181: {  	v61 =	vld [tilespmem:s6+$0xB700]  }
0x182: {  	v1 =	vadd.f32 v2, v1  }
0x183: {  	v2 =	vld [tilespmem:s6+$0xB780]  }
0x184: {  	v1 =	vadd.f32 v3, v1  }
0x185: {  	v3 =	vld [tilespmem:s6+$0xB800]  }
0x186: {  	v1 =	vadd.f32 v61, v1  }
0x187: {  	v62 =	vld [tilespmem:s6+$0xB880]  }
0x188: {  	v1 =	vadd.f32 v2, v1  }
0x189: {  	v2 =	vld [tilespmem:s6+$0xB900]  }
0x18a: {  	v1 =	vadd.f32 v3, v1  }
0x18b: {  	v3 =	vld [tilespmem:s6+$0xB980]  }
0x18c: {  	v1 =	vadd.f32 v62, v1  }
0x18d: {  	v63 =	vld [tilespmem:s6+$0xBA00]  }
0x18e: {  	v1 =	vadd.f32 v2, v1;
	_ =	sdelay $0x1  }
0x18f: {  	v1 =	vadd.f32 v3, v1;
	_ =	sdelay $0x1  }
0x190: {  	v1 =	vadd.f32 v63, v1  }
0x191: {  	s4 =	sadd.s32 $0x10, s4  }
0x192: {  	s7 =	rddreg [dreg:$0x16];
	s8 =	simm.s32 $0xA000;
	[tilespmem:s4+$0x0] =	vst v1  }
0x193: {  	[hbm4b:s7+s2] =	stream.linear.scatter [tilespmem:s8], [sflag:$0x1], $0x280, $0x38;
	[tilespmem:$0xF280] =	vst v63  }
0x194: {  	_ =	swait.ge [sflag:s0], $0x280  }
0x195: {  	s3 =	sadd.s32 $0x1, s3;
	s9 =	rddreg [dreg:$0x17]  }
0x196: {  	p0 =	sne.s32 s3, s9  }
.Ltmp3:
0x197: {  	_ = 	snop;
	(pc) =	sbr.rel @p0 .LBB2_1-.Ltmp3, $3  }
0x198: {  	_ =	sdelay $0x1  }
0x199: {  	[sflag:s0] =	ssyncset.done $0x0  }
0x19a: {  	[sflag:s0] =	ssyncadd.s32 $0xFFFFFD80  }
0x19b: {  	_ =	sfence.sel $0x180000  }
0x19c: {  	[bflag:$0x0] =	sbarrier.arrive $0xFFFF  }
0x19d: {  	_ =	strace $0x90000047  }
0x19e: {  	s0 =	stileid.u32;
	[bflag:$0x2] =	sbarrier.arrive $0xFFFF  }
0x19f: {  	p0 =	sne.s32 s0, $0x0;
	s0 =	rddreg [dreg:$0x2]  }
0x1a0: {  	s0 =	sadd.s32 @!p0 $0x100000, s0  }
0x1a1: {  	[sflag:s0] =	ssyncadd.tile.s32 @!p0 $0x1;
	_ =	shalt  }
.Lfunc_end2:
_tile_overlayer_lowered:
.L_overlay_start_2:
0x1a2: {  	(tag) =	ssettag $0x2  }
0x1a3: {  	s0 =	rddreg [dreg:$0x0];
	s2 =	stileid.u32  }
0x1a4: {  	s1 =	rddreg [dreg:$0x1];
	p0 =	sne.s32 s2, $0x0  }
0x1a5: {  	s3 =	rddreg [dreg:$0x2];
	[bflag:$0x3] =	sbarrier.arrive $0xFFFF;
	s2 =	simm.s32 @!p0 $0x1C01  }
0x1a6: {  	[timem:s3], [sflag:s2] =	dma.local @!p0 [hbm:s0], s1  }
0x1a7: {  	s0 =	simm.s32 @!p0 $0x1  }
0x1a8: {  	_ =	swait.ge @!p0 [sflag:s0], s1  }
0x1a9: {  	s1 =	ssub.s32 @!p0 $0x0, s1;
	[sflag:s0] =	ssyncset.done @!p0 $0x0  }
0x1aa: {  	[sflag:s0] =	ssyncadd.s32 @!p0 s1  }
0x1ab: {  	[bflag:$0x3] =	sbarrier.arrive $0xFFFF  }
0x1ac: {  	_ =	shalt  }

// kernel: kernel.13.cloned.1.call-start
scs
__scs_entry_jumppad:
0x0: {  	(pc) =	sbr.rel $0x88, $3  }
0x1: {  	(tag) =	ssettag $0x0;
	lr =	simm.s32 $0x1  }
0x2: {  	[smem:$0x3F88] =	sst lr;
	_ =	strace $0xD0000000  }
0x3: {  	_ = 	snop  }
0x4: {  	_ = 	snop  }
0x5: {  	_ = 	snop  }
0x6: {  	_ = 	snop  }
0x7: {  	_ = 	snop  }
__scs_overlays_trampoline_lowered:
0x8: {  	[smem:$0x3F97] =	sst s0  }
0x9: {  	[smem:$0x3F98] =	sst s1  }
0xa: {  	[smem:$0x3F99] =	sst s2  }
0xb: {  	[smem:$0x3F9A] =	sst s3  }
0xc: {  	[smem:$0x3F9B] =	sst s4  }
0xd: {  	[smem:$0x3F9C] =	sst s5  }
0xe: {  	[smem:$0x3F9D] =	sst s6  }
0xf: {  	[smem:$0x3F9E] =	sst s7  }
0x10: {  	[smem:$0x3F9F] =	sst s8  }
0x11: {  	[smem:$0x3FA0] =	sst s9;
	s0 =	simm.s32 @!p0 $0x0  }
0x12: {  	s1 =	sld [smem:$0x3F86];
	s0 =	simm.s32 @p0 $0x1  }
0x13: {  	[smem:$0x3FA1] =	sst s0;
	s0 =	simm.s32 @!p1 $0x0  }
0x14: {  	s2 =	sld [smem:$0x3F85];
	s0 =	simm.s32 @p1 $0x1  }
0x15: {  	[smem:$0x3FA2] =	sst s0;
	s0 =	simm.s32 @!p2 $0x0  }
0x16: {  	s3 =	sld [smem:$0x3FDB];
	s0 =	simm.s32 @p2 $0x1  }
0x17: {  	s4 =	simm.s32 $0x1BF5;
	[smem:$0x3FA4] =	sst s0  }
0x18: {  	s0 =	sld [smem:$0x3F87];
	_ =	swait.ge [sflag:s4], $0x0  }
0x19: {  	s7 =	sld [smem:$0x3F88]  }
0x1a: {  	s8 =	sadd.s32 $0xFFFFE003, lr  }
0x1b: {  	s9 =	sadd.s32 $0xFFFFFEF7, lr;
	s5 =	simm.s32 $0xFFFFFFFF;
	p2 =	slt.u32 s8, $0xFFFFF086  }
0x1c: {  	p1 =	slt.u32 s9, $0xF7A;
	s5 =	simm.s32 @!p2 $0x0  }
0x1d: {  	s5 =	simm.s32 @p1 $0x1;
	p0 =	seq.s32 s7, s2  }
0x1e: {  	s7 =	smul.u32 @!p0 $0xF7A, s2;
	p2 =	seq.s32 @!p0 s5, $0x0  }
0x1f: {  	s9 =	smul.u32 $0xF7A, s1;
	s8 =	simm.s32 @!p0 $0x1BF5;
	p2 =	por !p2, p0  }
0x20: {  	[sflag:s8] =	ssyncset.s32 @!p0 $0xFFFFF086;
	s6 =	sadd.s32 @!p0 s3, s7;
	s7 =	simm.s32 @!p0 $0x108  }
0x21: {  	s3 =	sadd.s32 s3, s9;
	s6 =	sadd.s32 @!p0 $0x88, s6;
	s7 =	simm.s32 @p2 $0x1082  }
0x22: {  	[simem:s7], [sflag:s8] =	dma.local @!p0 [hbm:s6], $0xF7A  }
0x23: {  	s9 =	sor.u32 $0xD0000000, s2;
	s6 =	simm.s32 $0x108;
	_ =	swait.ge @!p0 [sflag:s8], $0x0  }
0x24: {  	s3 =	sadd.s32 $0x88, s3;
	s6 =	simm.s32 @!p1 $0x1082;
	[sflag:s4] =	ssyncset.s32 $0xFFFFF086  }
0x25: {  	[simem:s6], [sflag:s4] =	dma.local [hbm:s3], $0xF7A  }
0x26: {  	[smem:$0x3F88] =	sst s1;
	(tag) =	ssettag s2;
	_ =	strace s9  }
0x27: {  	s1 =	sld [smem:$0x3F98]  }
0x28: {  	s2 =	sld [smem:$0x3F99]  }
0x29: {  	s4 =	sld [smem:$0x3F9B]  }
0x2a: {  	p0 =	seq.s32 s5, $0x0;
	s5 =	sld [smem:$0x3F9C]  }
0x2b: {  	s6 =	sld [smem:$0x3F9D]  }
0x2c: {  	s7 =	sld [smem:$0x3F9E]  }
0x2d: {  	s3 =	simm.s32 $0x108;
	s8 =	sld [smem:$0x3F9F]  }
0x2e: {  	s3 =	simm.s32 @!p0 $0x1082;
	s9 =	sld [smem:$0x3FA0]  }
0x2f: {  	lr =	sadd.s32 s0, s3;
	s0 =	sld [smem:$0x3F97]  }
0x30: {  	s3 =	sld [smem:$0x3F9A]  }
0x31: {  	[smem:$0x3FA3] =	sst s10  }
0x32: {  	s10 =	sld [smem:$0x3FA1];
	_ =	sdelay $0x3  }
0x33: {  	p0 =	seq.s32 s10, $0x1;
	s10 =	sld [smem:$0x3FA3];
	_ =	sdelay $0x3  }
0x34: {  	[smem:$0x3FA3] =	sst s10  }
0x35: {  	s10 =	sld [smem:$0x3FA2];
	_ =	sdelay $0x3  }
0x36: {  	p1 =	seq.s32 s10, $0x1;
	s10 =	sld [smem:$0x3FA3];
	_ =	sdelay $0x3  }
0x37: {  	[smem:$0x3FA3] =	sst s10  }
0x38: {  	s10 =	sld [smem:$0x3FA4]  }
0x39: {  	_ = 	snop;
	(pc) =	sbr.ind lr, $3  }
0x3a: {  	_ = 	snop  }
0x3b: {  	_ = 	snop  }
0x3c: {  	p2 =	seq.s32 s10, $0x1;
	s10 =	sld [smem:$0x3FA3]  }
0x3d: {  	_ =	shalt  }
0x3e: {  	_ =	shalt  }
0x3f: {  	_ =	shalt  }
0x40: {  	_ =	shalt  }
0x41: {  	_ =	shalt  }
0x42: {  	_ =	shalt  }
0x43: {  	_ =	shalt  }
0x44: {  	_ =	shalt  }
0x45: {  	_ =	shalt  }
0x46: {  	_ =	shalt  }
0x47: {  	_ =	shalt  }
0x48: {  	_ =	shalt  }
0x49: {  	_ =	shalt  }
0x4a: {  	_ =	shalt  }
0x4b: {  	_ =	shalt  }
0x4c: {  	_ =	shalt  }
0x4d: {  	_ =	shalt  }
0x4e: {  	_ =	shalt  }
0x4f: {  	_ =	shalt  }
0x50: {  	_ =	shalt  }
0x51: {  	_ =	shalt  }
0x52: {  	_ =	shalt  }
0x53: {  	_ =	shalt  }
0x54: {  	_ =	shalt  }
0x55: {  	_ =	shalt  }
0x56: {  	_ =	shalt  }
0x57: {  	_ =	shalt  }
0x58: {  	_ =	shalt  }
0x59: {  	_ =	shalt  }
0x5a: {  	_ =	shalt  }
0x5b: {  	_ =	shalt  }
0x5c: {  	_ =	shalt  }
0x5d: {  	_ =	shalt  }
0x5e: {  	_ =	shalt  }
0x5f: {  	_ =	shalt  }
0x60: {  	_ =	shalt  }
0x61: {  	_ =	shalt  }
0x62: {  	_ =	shalt  }
0x63: {  	_ =	shalt  }
0x64: {  	_ =	shalt  }
0x65: {  	_ =	shalt  }
0x66: {  	_ =	shalt  }
0x67: {  	_ =	shalt  }
0x68: {  	_ =	shalt  }
0x69: {  	_ =	shalt  }
0x6a: {  	_ =	shalt  }
0x6b: {  	_ =	shalt  }
0x6c: {  	_ =	shalt  }
0x6d: {  	_ =	shalt  }
0x6e: {  	_ =	shalt  }
0x6f: {  	_ =	shalt  }
0x70: {  	_ =	shalt  }
0x71: {  	_ =	shalt  }
0x72: {  	_ =	shalt  }
0x73: {  	_ =	shalt  }
0x74: {  	_ =	shalt  }
0x75: {  	_ =	shalt  }
0x76: {  	_ =	shalt  }
0x77: {  	_ =	shalt  }
0x78: {  	_ =	shalt  }
0x79: {  	_ =	shalt  }
0x7a: {  	_ =	shalt  }
0x7b: {  	_ =	shalt  }
0x7c: {  	_ =	shalt  }
0x7d: {  	_ =	shalt  }
0x7e: {  	_ =	shalt  }
0x7f: {  	_ =	shalt  }
0x80: {  	_ =	shalt  }
0x81: {  	_ =	shalt  }
0x82: {  	_ =	shalt  }
0x83: {  	_ =	shalt  }
0x84: {  	_ =	shalt  }
0x85: {  	_ =	shalt  }
0x86: {  	_ =	shalt  }
0x87: {  	_ =	shalt  }
.Lfunc_end0:
.L_simem_size_0:
called_computation.1_lowered:
.L_overlay_start_0:
0x88: {  	s2 =	sld [smem:$0x3FD9]  }
0x89: {  	s3 =	sld [smem:$0x3FFE];
	_ =	sdelay $0x1  }
0x8a: {  	s1 =	srdreg.scid  }
0x8b: {  	s0 =	sand.u32 $0x1, s1  }
0x8c: {  	s16 =	sshll.u32 s0, $0xA;
	s2 =	sadd.s32 s3, s2  }
0x8d: {  	s2 =	sadd.s32 s2, s16  }
0x8e: {  	[smem:$0x3FAF] =	sst s2  }
0x8f: {  	_ = 	snop  }
0x90: {  	(tm) =	ssettm $0x1  }
0x91: {  	s17 =	sld [smem:$0x3FFB];
	_ =	sdelay $0x3  }
0x92: {  	_ =	strace s17  }
0x93: {  	s2 =	sld [smem:$0x3FFC];
	_ =	sdelay $0x3  }
0x94: {  	_ =	strace s2  }
0x95: {  	s2 =	sld [smem:$0x3FFD];
	_ =	sdelay $0x3  }
0x96: {  	_ =	strace s2  }
0x97: {  	_ =	strace $0x8FFFFFFF  }
0x98: {  	s18 =	sld [smem:$0x3FDB];
	_ =	sdelay $0x1  }
0x99: {  	s19 =	simm.s32 $_scs_section_size  }
0x9a: {  	s4 =	simm.s32 $_size__tile_overlayer_lowered;
	s5 =	simm.s32 $_tile_overlayer_lowered  }
0x9b: {  	s22 =	simm.s32 $0x1BFF;
	s21 =	sshll.u32 s5, $0x1;
	s2 =	sadd.s32 s19, s18  }
0x9c: {  	s6 =	simm.s32 $0x0;
	s20 =	sshll.u32 s4, $0x1;
	s4 =	sadd.s32 s21, s2  }
0x9d: {  	[timem:s6], [sflag:s22] =	dma.local [hbm:s4], s20  }
0x9e: {  	_ =	swait.ge [sflag:s22], s20  }
0x9f: {  	s3 =	ssub.s32 $0x0, s20;
	[sflag:s22] =	ssyncset.done $0x0  }
0xa0: {  	[sflag:s22] =	ssyncadd.s32 s3;
	_ =	sdelay $0x1  }
0xa1: {  	s23 =	simm.s32 $0x1B8B  }
0xa2: {  	_ =	swait.ge [sflag:s23], $0x1  }
0xa3: {  	[sflag:s23] =	ssyncset.done $0x0  }
0xa4: {  	s25 =	simm.s32 $0x1B8E;
	s24 =	sld [smem:$0x3FFE];
	[sflag:s23] =	ssyncadd.s32 $0xFFFFFFFF  }
0xa5: {  	s26 =	simm.s32 $execute0_lowered;
	[smem:$0x3FD2] =	sst s25  }
0xa6: {  	s4 =	sshll.u32 s26, $0x1;
	_ =	strace $0x80000049;
	[dreg:$0x1] =	wrdreg $0xFFFFFFFF  }
0xa7: {  	s28 =	simm.s32 $_size_execute0_lowered;
	s2 =	sadd.s32 s2, s4;
	[dreg:$0x0] =	wrdreg $0x0  }
0xa8: {  	s4 =	sshll.u32 s28, $0x1;
	[dreg:$0x2] =	wrdreg s2  }
0xa9: {  	[dreg:$0x3] =	wrdreg s4  }
0xaa: {  	[dreg:$0x4] =	wrdreg $0xC0  }
0xab: {  	_ =	task [dreg:s6], $0x5FFFF  }
0xac: {  	[dreg:$0x1] =	wrdreg $0xFFFFFFFF  }
0xad: {  	[dreg:$0x0] =	wrdreg $0x60  }
0xae: {  	[dreg:$0x2] =	wrdreg s24  }
0xaf: {  	[dreg:$0x3] =	wrdreg $0x0  }
0xb0: {  	[dreg:$0x4] =	wrdreg $0x9  }
0xb1: {  	_ =	task.clear_ibuf [dreg:s6], $0x5FFFF;
	_ =	strace $0x90000049  }
0xb2: {  	s29 =	simm.s32 $0x9;
	_ =	strace $0x8000004B  }
0xb3: {  	_ =	swait.ge [sflag:s29], $0x1  }
0xb4: {  	[sflag:s29] =	ssyncadd.s32 $0xFFFFFFFF  }
0xb5: {  	_ =	strace $0x9000004B  }
0xb6: {  	_ =	sfence  }
0xb7: {  	s30 =	sld [smem:$0x0];
	_ =	sdelay $0x2  }
0xb8: {  	s31 =	sshll.u32 s1, $0xD;
	s1 =	sshrl.u32 s1, $0x2  }
0xb9: {  	s3 =	sand.u32 $0x4000, s31;
	s1 =	sadd.s32 s1, s30  }
0xba: {  	s0 =	sor.u32 s3, s0;
	s1 =	sshll.u32 s1, $0x11  }
0xbb: {  	s0 =	sor.u32 s1, s0  }
0xbc: {  	s0 =	sadd.s32 $0x8F2B, s0  }
0xbd: {  	[sflag:s0] =	ssyncadd.remote.s32 $0x1  }
0xbe: {  	_ =	sfence.sel $0xFFFF  }
0xbf: {  	[dreg:$0x0] =	wrdreg $0xFFFFFFFF;
	(pc) =	sbr.abs _section_cstart, $3  }
0xc0: {  	[dreg:$0x1] =	wrdreg $0xFFFFFFFF  }
0xc1: {  	_ =	task.clear_ibuf [dreg:s6], $0x2FFFF;
	_ =	strace $0x9FFFFFFF  }
0xc2: {  	(tm) =	ssettm $0x7FFFFFFF  }
0xc3: {  	_ =	shalt  }
tec
execute0_lowered:
.L_overlay_start_1:
0x0: {  	(tag) =	ssettag $0x1  }
0x1: {  	s0 =	rddreg [dreg:$0x0]  }
0x2: {  	s1 =	rddreg [dreg:$0x1];
	s2 =	srdreg.scid  }
0x3: {  	s3 =	simm.s32 $0x0;
	s23 =	stileid.u32;
	s17 =	simm.s32 $0x14000  }
0x4: {  	s18 =	simm.s32 $0x14080;
	s19 =	simm.s32 $0x80;
	s20 =	simm.s32 $0x14200  }
0x5: {  	s21 =	simm.s32 $0x14100;
	s22 =	simm.s32 $0x14180;
	s28 =	simm.s32 $0x4  }
0x6: {  	s29 =	simm.s32 $0x0;
	s6 =	sand.u32 $0x1, s2;
	s7 =	smul.u32 $0x280, s23  }
0x7: {  	[smem:$0x7FF] =	sst s3;
	s4 =	sadd.s32 $0xDC00, s0;
	s8 =	smul.u32 $0x50000, s23  }
0x8: {  	s14 =	sadd.s32 $0x3C00, s0;
	s13 =	sadd.s32 $0x8C00, s0;
	s9 =	smul.u32 $0x2800, s23  }
0x9: {  	s5 =	sadd.s32 $0x5DC00, s0;
	s30 =	sshll.u32 s23, $0x6;
	s16 =	smul.u32 $0x500, s23  }
0xa: {  	s23 =	simm.s32 $0x18200;
	s26 =	smul.u32 $0x2800, s6;
	s6 =	ssub.s32 $0x2, s6  }
0xb: {  	_ =	strace $0x8000004A;
	s24 =	sshrl.u32 s6, $0x1;
	s25 =	sshrl.u32 s8, $0x2  }
0xc: {  	s31 =	sshrl.u32 s9, $0x3;
	s7 =	sadd.s32 s7, s26;
	s12 =	ssub.s32 s6, s24  }
0xd: {  	s15 =	sadd.s32 s25, s1;
	s6 =	sor.u32 $0x1C05, s30;
	s10 =	sor.u32 $0x10, s31  }
0xe: {  	s8 =	sadd.s32 s13, s31;
	s24 =	simm.s32 $0x1;
	s25 =	simm.s32 $0x2  }
0xf: {  	v0 =	vmov s26;
	s26 =	simm.s32 $0x3;
	s7 =	sshll.u32 s7, $0x4;
	s9 =	sadd.s32 s14, s10  }
0x10: {  	s10 =	sadd.s32 s13, s10;
	s12 =	smax.u32 s12, $0x1;
	s13 =	sadd.s32 s16, s13  }
0x11: {  	s15 =	sshrl.u32 s15, $0x3;
	s0 =	sadd.s32 s7, s0;
	s7 =	sadd.s32 s14, s31  }
0x12: {  	s14 =	sadd.s32 s16, s14;
	s16 =	simm.s32 $0x5;
	s11 =	sadd.s32 $0x60400, s0  }
.LBB2_1:
0x13: {  	[spmem:s15], [sflag:s6] =	dma.local [hbm:s5], $0x2800  }
0x14: {  	_ =	swait.ge [sflag:s16], $0x2800  }
0x15: {  	[sflag:s16] =	ssyncset.done $0x0  }
0x16: {  	[sflag:s16] =	ssyncadd.s32 $0xFFFFD800  }
0x17: {  	[bflag:$0x0] =	sbarrier.arrive $0xFFFF  }
0x18: {  	[tilespmem:s17], [sflag:$0x5] =	stream.linear.gather [hbm4b:s7+s3], $0x80, $0x38;
	[tilespmem:$0x1C200] =	vst v63  }
0x19: {  	_ =	swait.ge [sflag:s16], $0x80  }
0x1a: {  	[sflag:s16] =	ssyncset.done $0x0  }
0x1b: {  	[sflag:s16] =	ssyncadd.s32 $0xFFFFFF80  }
0x1c: {  	[tilespmem:s18], [sflag:$0x5] =	stream.linear.gather [hbm4b:s8+s3], $0x80, $0x38;
	[tilespmem:$0x1C200] =	vst v63  }
0x1d: {  	_ =	swait.ge [sflag:s16], $0x80  }
0x1e: {  	[sflag:s16] =	ssyncset.done $0x0  }
0x1f: {  	[sflag:s16] =	ssyncadd.s32 $0xFFFFFF80  }
0x20: {  	v1 =	vld [tilespmem:$0x14000]  }
0x21: {  	v2 =	vld [tilespmem:$0x14010]  }
0x22: {  	v3 =	vld [tilespmem:$0x14020]  }
0x23: {  	v4 =	vld [tilespmem:$0x14030]  }
0x24: {  	v5 =	vld [tilespmem:$0x14040]  }
0x25: {  	v6 =	vld [tilespmem:$0x14050];
	v1 =	vadd.s32 v0, v1  }
0x26: {  	[tilespmem:$0x14000] =	vst v1;
	v1 =	vadd.s32 v0, v2;
	v2 =	vld [tilespmem:$0x14060]  }
0x27: {  	[tilespmem:$0x14010] =	vst v1;
	v1 =	vadd.s32 v0, v3;
	v3 =	vld [tilespmem:$0x14070]  }
0x28: {  	[tilespmem:$0x14020] =	vst v1;
	v1 =	vadd.s32 v0, v4  }
0x29: {  	[tilespmem:$0x14030] =	vst v1;
	v1 =	vadd.s32 v0, v5  }
0x2a: {  	[tilespmem:$0x14040] =	vst v1;
	v1 =	vadd.s32 v0, v6  }
0x2b: {  	[tilespmem:$0x14050] =	vst v1;
	v1 =	vadd.s32 v0, v2  }
0x2c: {  	[tilespmem:$0x14060] =	vst v1;
	v1 =	vadd.s32 v0, v3  }
0x2d: {  	[tilespmem:$0x14070] =	vst v1  }
0x2e: {  	[tilespmem:s20], [sflag:$0x1] =	stream.indirect.gather [hbm4b:s4+s19], $0x80, s17, s19, $0xb8;
	[tilespmem:$0x1C200] =	vst v63  }
0x2f: {  	_ = 	snop  }
0x30: {  	[tilespmem:s21], [sflag:$0x5] =	stream.linear.gather [hbm4b:s9+s3], $0x80, $0x38;
	[tilespmem:$0x1C200] =	vst v63  }
0x31: {  	_ =	swait.ge [sflag:s16], $0x80  }
0x32: {  	[sflag:s16] =	ssyncset.done $0x0  }
0x33: {  	[sflag:s16] =	ssyncadd.s32 $0xFFFFFF80  }
0x34: {  	[tilespmem:s22], [sflag:$0x5] =	stream.linear.gather [hbm4b:s10+s3], $0x80, $0x38;
	[tilespmem:$0x1C200] =	vst v63  }
0x35: {  	_ =	swait.ge [sflag:s16], $0x80  }
0x36: {  	[sflag:s16] =	ssyncset.done $0x0  }
0x37: {  	[sflag:s16] =	ssyncadd.s32 $0xFFFFFF80  }
0x38: {  	v1 =	vld [tilespmem:$0x14100]  }
0x39: {  	v2 =	vld [tilespmem:$0x14110]  }
0x3a: {  	v3 =	vld [tilespmem:$0x14120]  }
0x3b: {  	v58 =	vld [tilespmem:$0x14130]  }
0x3c: {  	v59 =	vld [tilespmem:$0x14140]  }
0x3d: {  	v60 =	vld [tilespmem:$0x14150];
	v1 =	vadd.s32 v0, v1  }
0x3e: {  	[tilespmem:$0x14100] =	vst v1;
	v1 =	vadd.s32 v0, v2;
	v2 =	vld [tilespmem:$0x14160]  }
0x3f: {  	[tilespmem:$0x14110] =	vst v1;
	v1 =	vadd.s32 v0, v3;
	v3 =	vld [tilespmem:$0x14170]  }
0x40: {  	[tilespmem:$0x14120] =	vst v1;
	v1 =	vadd.s32 v0, v58  }
0x41: {  	[tilespmem:$0x14130] =	vst v1;
	v1 =	vadd.s32 v0, v59  }
0x42: {  	[tilespmem:$0x14140] =	vst v1;
	v1 =	vadd.s32 v0, v60  }
0x43: {  	[tilespmem:$0x14150] =	vst v1;
	v1 =	vadd.s32 v0, v2  }
0x44: {  	[tilespmem:$0x14160] =	vst v1;
	v1 =	vadd.s32 v0, v3  }
0x45: {  	[tilespmem:$0x14170] =	vst v1  }
0x46: {  	[tilespmem:s23], [sflag:$0x2] =	stream.indirect.gather [hbm4b:s4+s19], $0x80, s21, s19, $0xb8;
	[tilespmem:$0x1C200] =	vst v63  }
0x47: {  	_ =	swait.ge [sflag:s24], $0x4000  }
0x48: {  	[sflag:s24] =	ssyncset.done $0x0  }
0x49: {  	[sflag:s24] =	ssyncadd.s32 $0xFFFFC000  }
0x4a: {  	[spmem:s1] =	stream.indirect.scatter.add.f32 [tilespmem:s20], [sflag:$0x3], $0x80, s18, s19, $0xb8;
	[tilespmem:$0x1C200] =	vst v63  }
0x4b: {  	_ =	swait.ge [sflag:s25], $0x4000  }
0x4c: {  	[sflag:s25] =	ssyncset.done $0x0  }
0x4d: {  	[sflag:s25] =	ssyncadd.s32 $0xFFFFC000  }
0x4e: {  	[spmem:s1] =	stream.indirect.scatter.add.f32 [tilespmem:s23], [sflag:$0x4], $0x80, s22, s19, $0xb8;
	[tilespmem:$0x1C200] =	vst v63  }
0x4f: {  	_ =	swait.ge [sflag:s26], $0x4000  }
0x50: {  	s0 =	sadd.s32 $0xFFFFFB20, s14;
	[sflag:s26] =	ssyncset.done $0x0  }
0x51: {  	s30 =	sadd.s32 $0x500, s0;
	[sflag:s26] =	ssyncadd.s32 $0xFFFFC000  }
0x52: {  	[tilespmem:s17], [sflag:$0x5] =	stream.linear.gather [hbm4b:s30+s3], $0x80, $0x38;
	[tilespmem:$0x1C200] =	vst v63  }
0x53: {  	_ =	swait.ge [sflag:s16], $0x80  }
0x54: {  	s30 =	sadd.s32 $0xFFFFFB20, s13;
	[sflag:s16] =	ssyncset.done $0x0  }
0x55: {  	s31 =	sadd.s32 $0x500, s30;
	[sflag:s16] =	ssyncadd.s32 $0xFFFFFF80  }
0x56: {  	[tilespmem:s18], [sflag:$0x5] =	stream.linear.gather [hbm4b:s31+s3], $0x80, $0x38;
	[tilespmem:$0x1C200] =	vst v63  }
0x57: {  	_ =	swait.ge [sflag:s16], $0x80  }
0x58: {  	[sflag:s16] =	ssyncset.done $0x0  }
0x59: {  	[sflag:s16] =	ssyncadd.s32 $0xFFFFFF80  }
0x5a: {  	v1 =	vld [tilespmem:$0x14030]  }
0x5b: {  	v2 =	vld [tilespmem:$0x14060]  }
0x5c: {  	v3 =	vld [tilespmem:$0x14070]  }
0x5d: {  	v61 =	vld [tilespmem:$0x14050]  }
0x5e: {  	v62 =	vld [tilespmem:$0x14020]  }
0x5f: {  	v63 =	vld [tilespmem:$0x14000];
	v1 =	vadd.s32 v0, v1  }
0x60: {  	v7 =	vld [tilespmem:$0x14010];
	[tilespmem:$0x14030] =	vst v1;
	v1 =	vadd.s32 v0, v2  }
0x61: {  	v2 =	vld [tilespmem:$0x14040];
	[tilespmem:$0x14060] =	vst v1;
	v1 =	vadd.s32 v0, v3  }
0x62: {  	v3 =	vadd.s32 v0, v61;
	[tilespmem:$0x14070] =	vst v1  }
0x63: {  	v1 =	vadd.s32 v0, v62;
	[tilespmem:$0x14050] =	vst v3  }
0x64: {  	v3 =	vadd.s32 v0, v63;
	[tilespmem:$0x14020] =	vst v1  }
0x65: {  	v1 =	vadd.s32 v0, v7;
	[tilespmem:$0x14000] =	vst v3  }
0x66: {  	[tilespmem:$0x14010] =	vst v1;
	v2 =	vadd.s32 v0, v2  }
0x67: {  	[tilespmem:$0x14040] =	vst v2  }
0x68: {  	[tilespmem:s20], [sflag:$0x1] =	stream.indirect.gather [hbm4b:s4+s19], $0x80, s17, s19, $0xb8;
	[tilespmem:$0x1C200] =	vst v63  }
0x69: {  	_ =	swait.ge [sflag:s28], $0x4000  }
0x6a: {  	[sflag:s28] =	ssyncset.done $0x0  }
0x6b: {  	s0 =	sadd.s32 $0x510, s0;
	[sflag:s28] =	ssyncadd.s32 $0xFFFFC000  }
0x6c: {  	[tilespmem:s21], [sflag:$0x5] =	stream.linear.gather [hbm4b:s0+s3], $0x80, $0x38;
	[tilespmem:$0x1C200] =	vst v63  }
0x6d: {  	_ =	swait.ge [sflag:s16], $0x80  }
0x6e: {  	[sflag:s16] =	ssyncset.done $0x0  }
0x6f: {  	s31 =	sadd.s32 $0x510, s30;
	[sflag:s16] =	ssyncadd.s32 $0xFFFFFF80  }
0x70: {  	[tilespmem:s22], [sflag:$0x5] =	stream.linear.gather [hbm4b:s31+s3], $0x80, $0x38;
	[tilespmem:$0x1C200] =	vst v63  }
0x71: {  	_ =	swait.ge [sflag:s16], $0x80  }
0x72: {  	[sflag:s16] =	ssyncset.done $0x0  }
0x73: {  	s30 =	simm.s32 $0xFFFFFB40;
	[sflag:s16] =	ssyncadd.s32 $0xFFFFFF80  }
.LBB2_2:
0x74: {  	p0 =	sne.s32 s30, $0xFFFFFFE0;
	v1 =	vld [tilespmem:$0x14170];
	s31 =	smov.u32 s30;
	s30 =	sadd.s32 $0x20, s30  }
0x75: {  	v2 =	vld [tilespmem:$0x14160]  }
0x76: {  	v3 =	vld [tilespmem:$0x14150]  }
0x77: {  	v4 =	vld [tilespmem:$0x14140]  }
0x78: {  	v5 =	vld [tilespmem:$0x14130]  }
0x79: {  	v6 =	vld [tilespmem:$0x14120];
	v1 =	vadd.s32 v0, v1  }
0x7a: {  	v7 =	vld [tilespmem:$0x14110];
	v2 =	vadd.s32 v0, v2;
	[tilespmem:$0x14170] =	vst v1  }
0x7b: {  	v1 =	vld [tilespmem:$0x14100];
	v3 =	vadd.s32 v0, v3;
	[tilespmem:$0x14160] =	vst v2  }
0x7c: {  	v2 =	vadd.s32 v0, v4;
	[tilespmem:$0x14150] =	vst v3  }
0x7d: {  	v3 =	vadd.s32 v0, v5;
	[tilespmem:$0x14140] =	vst v2  }
0x7e: {  	v2 =	vadd.s32 v0, v6;
	[tilespmem:$0x14130] =	vst v3  }
0x7f: {  	v3 =	vadd.s32 v0, v7;
	[tilespmem:$0x14120] =	vst v2  }
0x80: {  	v1 =	vadd.s32 v0, v1;
	[tilespmem:$0x14110] =	vst v3  }
0x81: {  	[tilespmem:$0x14100] =	vst v1  }
0x82: {  	[tilespmem:s23], [sflag:$0x2] =	stream.indirect.gather [hbm4b:s4+s19], $0x80, s21, s19, $0xb8;
	[tilespmem:$0x1C200] =	vst v63  }
0x83: {  	_ =	swait.ge [sflag:s24], $0x4000  }
0x84: {  	[sflag:s24] =	ssyncset.done $0x0  }
0x85: {  	[sflag:s24] =	ssyncadd.s32 $0xFFFFC000  }
0x86: {  	[spmem:s1] =	stream.indirect.scatter.add.f32 [tilespmem:s20], [sflag:$0x3], $0x80, s18, s19, $0xb8;
	[tilespmem:$0x1C200] =	vst v63  }
0x87: {  	_ =	swait.ge [sflag:s25], $0x4000  }
0x88: {  	[sflag:s25] =	ssyncset.done $0x0  }
0x89: {  	[sflag:s25] =	ssyncadd.s32 $0xFFFFC000  }
0x8a: {  	[spmem:s1] =	stream.indirect.scatter.add.f32 [tilespmem:s23], [sflag:$0x4], $0x80, s22, s19, $0xb8;
	[tilespmem:$0x1C200] =	vst v63  }
0x8b: {  	_ =	swait.ge [sflag:s26], $0x4000  }
0x8c: {  	s0 =	sadd.s32 s31, s14;
	[sflag:s26] =	ssyncset.done $0x0  }
0x8d: {  	s2 =	sadd.s32 $0x500, s0;
	[sflag:s26] =	ssyncadd.s32 $0xFFFFC000  }
0x8e: {  	[tilespmem:s17], [sflag:$0x5] =	stream.linear.gather [hbm4b:s2+s3], $0x80, $0x38;
	[tilespmem:$0x1C200] =	vst v63  }
0x8f: {  	_ =	swait.ge [sflag:s16], $0x80  }
0x90: {  	s31 =	sadd.s32 s31, s13;
	[sflag:s16] =	ssyncset.done $0x0  }
0x91: {  	s2 =	sadd.s32 $0x500, s31;
	[sflag:s16] =	ssyncadd.s32 $0xFFFFFF80  }
0x92: {  	[tilespmem:s18], [sflag:$0x5] =	stream.linear.gather [hbm4b:s2+s3], $0x80, $0x38;
	[tilespmem:$0x1C200] =	vst v63  }
0x93: {  	_ =	swait.ge [sflag:s16], $0x80  }
0x94: {  	[sflag:s16] =	ssyncset.done $0x0  }
0x95: {  	[sflag:s16] =	ssyncadd.s32 $0xFFFFFF80  }
0x96: {  	v1 =	vld [tilespmem:$0x14030]  }
0x97: {  	v2 =	vld [tilespmem:$0x14070]  }
0x98: {  	v3 =	vld [tilespmem:$0x14060]  }
0x99: {  	v4 =	vld [tilespmem:$0x14050]  }
0x9a: {  	v5 =	vld [tilespmem:$0x14010]  }
0x9b: {  	v6 =	vld [tilespmem:$0x14020];
	v1 =	vadd.s32 v0, v1  }
0x9c: {  	v7 =	vld [tilespmem:$0x14000];
	[tilespmem:$0x14030] =	vst v1  }
0x9d: {  	v1 =	vld [tilespmem:$0x14040];
	v3 =	vadd.s32 v0, v3  }
0x9e: {  	v2 =	vadd.s32 v0, v2;
	[tilespmem:$0x14060] =	vst v3  }
0x9f: {  	v4 =	vadd.s32 v0, v4;
	v3 =	vadd.s32 v0, v5;
	[tilespmem:$0x14070] =	vst v2  }
0xa0: {  	v2 =	vadd.s32 v0, v6;
	[tilespmem:$0x14050] =	vst v4  }
0xa1: {  	v4 =	vadd.s32 v0, v7;
	[tilespmem:$0x14020] =	vst v2  }
0xa2: {  	[tilespmem:$0x14000] =	vst v4;
	v1 =	vadd.s32 v0, v1  }
0xa3: {  	[tilespmem:$0x14010] =	vst v3  }
0xa4: {  	[tilespmem:$0x14040] =	vst v1  }
0xa5: {  	[tilespmem:s20], [sflag:$0x1] =	stream.indirect.gather [hbm4b:s4+s19], $0x80, s17, s19, $0xb8;
	[tilespmem:$0x1C200] =	vst v63  }
0xa6: {  	_ =	swait.ge [sflag:s28], $0x4000  }
0xa7: {  	[sflag:s28] =	ssyncset.done $0x0  }
0xa8: {  	s0 =	sadd.s32 $0x510, s0;
	[sflag:s28] =	ssyncadd.s32 $0xFFFFC000  }
0xa9: {  	[tilespmem:s21], [sflag:$0x5] =	stream.linear.gather [hbm4b:s0+s3], $0x80, $0x38;
	[tilespmem:$0x1C200] =	vst v63  }
0xaa: {  	_ =	swait.ge [sflag:s16], $0x80  }
0xab: {  	[sflag:s16] =	ssyncset.done $0x0  }
.Ltmp0:
0xac: {  	s0 =	sadd.s32 $0x510, s31;
	[sflag:s16] =	ssyncadd.s32 $0xFFFFFF80;
	(pc) =	sbr.rel @p0 .LBB2_2-.Ltmp0, $4  }
0xad: {  	[tilespmem:s22], [sflag:$0x5] =	stream.linear.gather [hbm4b:s0+s3], $0x80, $0x38;
	[tilespmem:$0x1C200] =	vst v63  }
0xae: {  	_ =	swait.ge [sflag:s16], $0x80  }
0xaf: {  	[sflag:s16] =	ssyncset.done $0x0  }
0xb0: {  	[sflag:s16] =	ssyncadd.s32 $0xFFFFFF80  }
0xb1: {  	v1 =	vld [tilespmem:$0x14170]  }
0xb2: {  	v2 =	vld [tilespmem:$0x14160]  }
0xb3: {  	v3 =	vld [tilespmem:$0x14150]  }
0xb4: {  	v4 =	vld [tilespmem:$0x14140]  }
0xb5: {  	v5 =	vld [tilespmem:$0x14130]  }
0xb6: {  	v6 =	vld [tilespmem:$0x14120];
	v1 =	vadd.s32 v0, v1  }
0xb7: {  	v7 =	vld [tilespmem:$0x14110];
	v2 =	vadd.s32 v0, v2;
	[tilespmem:$0x14170] =	vst v1  }
0xb8: {  	v3 =	vadd.s32 v0, v3;
	v1 =	vld [tilespmem:$0x14100];
	[tilespmem:$0x14160] =	vst v2  }
0xb9: {  	v2 =	vadd.s32 v0, v4;
	[tilespmem:$0x14150] =	vst v3  }
0xba: {  	v3 =	vadd.s32 v0, v5;
	[tilespmem:$0x14140] =	vst v2  }
0xbb: {  	v2 =	vadd.s32 v0, v6;
	[tilespmem:$0x14130] =	vst v3  }
0xbc: {  	v3 =	vadd.s32 v0, v7;
	[tilespmem:$0x14120] =	vst v2  }
0xbd: {  	[tilespmem:$0x14110] =	vst v3;
	v1 =	vadd.s32 v0, v1  }
0xbe: {  	[tilespmem:$0x14100] =	vst v1  }
0xbf: {  	[tilespmem:s23], [sflag:$0x2] =	stream.indirect.gather [hbm4b:s4+s19], $0x80, s21, s19, $0xb8;
	[tilespmem:$0x1C200] =	vst v63  }
0xc0: {  	_ =	swait.ge [sflag:s24], $0x4000  }
0xc1: {  	[sflag:s24] =	ssyncset.done $0x0  }
0xc2: {  	[sflag:s24] =	ssyncadd.s32 $0xFFFFC000  }
0xc3: {  	[spmem:s1] =	stream.indirect.scatter.add.f32 [tilespmem:s20], [sflag:$0x3], $0x80, s18, s19, $0xb8;
	[tilespmem:$0x1C200] =	vst v63  }
0xc4: {  	_ =	swait.ge [sflag:s25], $0x4000  }
0xc5: {  	[sflag:s25] =	ssyncset.done $0x0  }
0xc6: {  	[sflag:s25] =	ssyncadd.s32 $0xFFFFC000  }
0xc7: {  	[spmem:s1] =	stream.indirect.scatter.add.f32 [tilespmem:s23], [sflag:$0x4], $0x80, s22, s19, $0xb8;
	[tilespmem:$0x1C200] =	vst v63  }
0xc8: {  	_ =	swait.ge [sflag:s26], $0x4000  }
0xc9: {  	[sflag:s26] =	ssyncset.done $0x0  }
0xca: {  	[sflag:s26] =	ssyncadd.s32 $0xFFFFC000  }
0xcb: {  	_ =	swait.ge [sflag:s28], $0x4000  }
0xcc: {  	s29 =	sadd.s32 $0x1, s29;
	[sflag:s28] =	ssyncset.done $0x0  }
0xcd: {  	p0 =	sne.s32 s29, s12;
	[sflag:s28] =	ssyncadd.s32 $0xFFFFC000  }
.Ltmp1:
0xce: {  	[bflag:$0x0] =	sbarrier.arrive $0xFFFF;
	(pc) =	sbr.rel @p0 .LBB2_1-.Ltmp1, $4  }
0xcf: {  	[hbm:s11], [sflag:s6] =	dma.local [spmem:s15], $0x2800  }
0xd0: {  	_ =	swait.ge [sflag:s16], $0x2800  }
0xd1: {  	[sflag:s16] =	ssyncset.done $0x0  }
0xd2: {  	[sflag:s16] =	ssyncadd.s32 $0xFFFFD800  }
0xd3: {  	_ =	sfence.sel $0x180000  }
0xd4: {  	[bflag:$0x0] =	sbarrier.arrive $0xFFFF  }
0xd5: {  	_ =	strace $0x9000004A  }
0xd6: {  	s0 =	stileid.u32;
	[bflag:$0x2] =	sbarrier.arrive $0xFFFF  }
0xd7: {  	p0 =	sne.s32 s0, $0x0;
	s0 =	rddreg [dreg:$0x2]  }
0xd8: {  	s0 =	sadd.s32 @!p0 $0x100000, s0  }
0xd9: {  	[sflag:s0] =	ssyncadd.tile.s32 @!p0 $0x1;
	_ =	shalt  }
.Lfunc_end2:
_tile_overlayer_lowered:
.L_overlay_start_2:
0xda: {  	(tag) =	ssettag $0x2  }
0xdb: {  	s0 =	rddreg [dreg:$0x0];
	s2 =	stileid.u32  }
0xdc: {  	s1 =	rddreg [dreg:$0x1];
	p0 =	sne.s32 s2, $0x0  }
0xdd: {  	s3 =	rddreg [dreg:$0x2];
	[bflag:$0x3] =	sbarrier.arrive $0xFFFF;
	s2 =	simm.s32 @!p0 $0x1C05  }
0xde: {  	[timem:s3], [sflag:s2] =	dma.local @!p0 [hbm:s0], s1  }
0xdf: {  	s0 =	simm.s32 @!p0 $0x5  }
0xe0: {  	_ =	swait.ge @!p0 [sflag:s0], s1  }
0xe1: {  	s1 =	ssub.s32 @!p0 $0x0, s1;
	[sflag:s0] =	ssyncset.done @!p0 $0x0  }
0xe2: {  	[sflag:s0] =	ssyncadd.s32 @!p0 s1  }
0xe3: {  	[bflag:$0x3] =	sbarrier.arrive $0xFFFF  }
0xe4: {  	_ =	shalt  }

// kernel: kernel.16.cloned.1.call-start
scs
__scs_entry_jumppad:
0x0: {  	(pc) =	sbr.rel $0x88, $3  }
0x1: {  	(tag) =	ssettag $0x0;
	lr =	simm.s32 $0x1  }
0x2: {  	[smem:$0x3F88] =	sst lr;
	_ =	strace $0xD0000000  }
0x3: {  	_ = 	snop  }
0x4: {  	_ = 	snop  }
0x5: {  	_ = 	snop  }
0x6: {  	_ = 	snop  }
0x7: {  	_ = 	snop  }
__scs_overlays_trampoline_lowered:
0x8: {  	[smem:$0x3F97] =	sst s0  }
0x9: {  	[smem:$0x3F98] =	sst s1  }
0xa: {  	[smem:$0x3F99] =	sst s2  }
0xb: {  	[smem:$0x3F9A] =	sst s3  }
0xc: {  	[smem:$0x3F9B] =	sst s4  }
0xd: {  	[smem:$0x3F9C] =	sst s5  }
0xe: {  	[smem:$0x3F9D] =	sst s6  }
0xf: {  	[smem:$0x3F9E] =	sst s7  }
0x10: {  	[smem:$0x3F9F] =	sst s8  }
0x11: {  	[smem:$0x3FA0] =	sst s9;
	s0 =	simm.s32 @!p0 $0x0  }
0x12: {  	s1 =	sld [smem:$0x3F86];
	s0 =	simm.s32 @p0 $0x1  }
0x13: {  	[smem:$0x3FA1] =	sst s0;
	s0 =	simm.s32 @!p1 $0x0  }
0x14: {  	s2 =	sld [smem:$0x3F85];
	s0 =	simm.s32 @p1 $0x1  }
0x15: {  	[smem:$0x3FA2] =	sst s0;
	s0 =	simm.s32 @!p2 $0x0  }
0x16: {  	s3 =	sld [smem:$0x3FDB];
	s0 =	simm.s32 @p2 $0x1  }
0x17: {  	s4 =	simm.s32 $0x1BF5;
	[smem:$0x3FA4] =	sst s0  }
0x18: {  	s0 =	sld [smem:$0x3F87];
	_ =	swait.ge [sflag:s4], $0x0  }
0x19: {  	s7 =	sld [smem:$0x3F88]  }
0x1a: {  	s8 =	sadd.s32 $0xFFFFE003, lr  }
0x1b: {  	s9 =	sadd.s32 $0xFFFFFEF7, lr;
	s5 =	simm.s32 $0xFFFFFFFF;
	p2 =	slt.u32 s8, $0xFFFFF086  }
0x1c: {  	p1 =	slt.u32 s9, $0xF7A;
	s5 =	simm.s32 @!p2 $0x0  }
0x1d: {  	s5 =	simm.s32 @p1 $0x1;
	p0 =	seq.s32 s7, s2  }
0x1e: {  	s7 =	smul.u32 @!p0 $0xF7A, s2;
	p2 =	seq.s32 @!p0 s5, $0x0  }
0x1f: {  	s9 =	smul.u32 $0xF7A, s1;
	s8 =	simm.s32 @!p0 $0x1BF5;
	p2 =	por !p2, p0  }
0x20: {  	[sflag:s8] =	ssyncset.s32 @!p0 $0xFFFFF086;
	s6 =	sadd.s32 @!p0 s3, s7;
	s7 =	simm.s32 @!p0 $0x108  }
0x21: {  	s3 =	sadd.s32 s3, s9;
	s6 =	sadd.s32 @!p0 $0x88, s6;
	s7 =	simm.s32 @p2 $0x1082  }
0x22: {  	[simem:s7], [sflag:s8] =	dma.local @!p0 [hbm:s6], $0xF7A  }
0x23: {  	s9 =	sor.u32 $0xD0000000, s2;
	s6 =	simm.s32 $0x108;
	_ =	swait.ge @!p0 [sflag:s8], $0x0  }
0x24: {  	s3 =	sadd.s32 $0x88, s3;
	s6 =	simm.s32 @!p1 $0x1082;
	[sflag:s4] =	ssyncset.s32 $0xFFFFF086  }
0x25: {  	[simem:s6], [sflag:s4] =	dma.local [hbm:s3], $0xF7A  }
0x26: {  	[smem:$0x3F88] =	sst s1;
	(tag) =	ssettag s2;
	_ =	strace s9  }
0x27: {  	s1 =	sld [smem:$0x3F98]  }
0x28: {  	s2 =	sld [smem:$0x3F99]  }
0x29: {  	s4 =	sld [smem:$0x3F9B]  }
0x2a: {  	p0 =	seq.s32 s5, $0x0;
	s5 =	sld [smem:$0x3F9C]  }
0x2b: {  	s6 =	sld [smem:$0x3F9D]  }
0x2c: {  	s7 =	sld [smem:$0x3F9E]  }
0x2d: {  	s3 =	simm.s32 $0x108;
	s8 =	sld [smem:$0x3F9F]  }
0x2e: {  	s3 =	simm.s32 @!p0 $0x1082;
	s9 =	sld [smem:$0x3FA0]  }
0x2f: {  	lr =	sadd.s32 s0, s3;
	s0 =	sld [smem:$0x3F97]  }
0x30: {  	s3 =	sld [smem:$0x3F9A]  }
0x31: {  	[smem:$0x3FA3] =	sst s10  }
0x32: {  	s10 =	sld [smem:$0x3FA1];
	_ =	sdelay $0x3  }
0x33: {  	p0 =	seq.s32 s10, $0x1;
	s10 =	sld [smem:$0x3FA3];
	_ =	sdelay $0x3  }
0x34: {  	[smem:$0x3FA3] =	sst s10  }
0x35: {  	s10 =	sld [smem:$0x3FA2];
	_ =	sdelay $0x3  }
0x36: {  	p1 =	seq.s32 s10, $0x1;
	s10 =	sld [smem:$0x3FA3];
	_ =	sdelay $0x3  }
0x37: {  	[smem:$0x3FA3] =	sst s10  }
0x38: {  	s10 =	sld [smem:$0x3FA4]  }
0x39: {  	_ = 	snop;
	(pc) =	sbr.ind lr, $3  }
0x3a: {  	_ = 	snop  }
0x3b: {  	_ = 	snop  }
0x3c: {  	p2 =	seq.s32 s10, $0x1;
	s10 =	sld [smem:$0x3FA3]  }
0x3d: {  	_ =	shalt  }
0x3e: {  	_ =	shalt  }
0x3f: {  	_ =	shalt  }
0x40: {  	_ =	shalt  }
0x41: {  	_ =	shalt  }
0x42: {  	_ =	shalt  }
0x43: {  	_ =	shalt  }
0x44: {  	_ =	shalt  }
0x45: {  	_ =	shalt  }
0x46: {  	_ =	shalt  }
0x47: {  	_ =	shalt  }
0x48: {  	_ =	shalt  }
0x49: {  	_ =	shalt  }
0x4a: {  	_ =	shalt  }
0x4b: {  	_ =	shalt  }
0x4c: {  	_ =	shalt  }
0x4d: {  	_ =	shalt  }
0x4e: {  	_ =	shalt  }
0x4f: {  	_ =	shalt  }
0x50: {  	_ =	shalt  }
0x51: {  	_ =	shalt  }
0x52: {  	_ =	shalt  }
0x53: {  	_ =	shalt  }
0x54: {  	_ =	shalt  }
0x55: {  	_ =	shalt  }
0x56: {  	_ =	shalt  }
0x57: {  	_ =	shalt  }
0x58: {  	_ =	shalt  }
0x59: {  	_ =	shalt  }
0x5a: {  	_ =	shalt  }
0x5b: {  	_ =	shalt  }
0x5c: {  	_ =	shalt  }
0x5d: {  	_ =	shalt  }
0x5e: {  	_ =	shalt  }
0x5f: {  	_ =	shalt  }
0x60: {  	_ =	shalt  }
0x61: {  	_ =	shalt  }
0x62: {  	_ =	shalt  }
0x63: {  	_ =	shalt  }
0x64: {  	_ =	shalt  }
0x65: {  	_ =	shalt  }
0x66: {  	_ =	shalt  }
0x67: {  	_ =	shalt  }
0x68: {  	_ =	shalt  }
0x69: {  	_ =	shalt  }
0x6a: {  	_ =	shalt  }
0x6b: {  	_ =	shalt  }
0x6c: {  	_ =	shalt  }
0x6d: {  	_ =	shalt  }
0x6e: {  	_ =	shalt  }
0x6f: {  	_ =	shalt  }
0x70: {  	_ =	shalt  }
0x71: {  	_ =	shalt  }
0x72: {  	_ =	shalt  }
0x73: {  	_ =	shalt  }
0x74: {  	_ =	shalt  }
0x75: {  	_ =	shalt  }
0x76: {  	_ =	shalt  }
0x77: {  	_ =	shalt  }
0x78: {  	_ =	shalt  }
0x79: {  	_ =	shalt  }
0x7a: {  	_ =	shalt  }
0x7b: {  	_ =	shalt  }
0x7c: {  	_ =	shalt  }
0x7d: {  	_ =	shalt  }
0x7e: {  	_ =	shalt  }
0x7f: {  	_ =	shalt  }
0x80: {  	_ =	shalt  }
0x81: {  	_ =	shalt  }
0x82: {  	_ =	shalt  }
0x83: {  	_ =	shalt  }
0x84: {  	_ =	shalt  }
0x85: {  	_ =	shalt  }
0x86: {  	_ =	shalt  }
0x87: {  	_ =	shalt  }
.Lfunc_end0:
.L_simem_size_0:
called_computation.2_lowered:
.L_overlay_start_0:
0x88: {  	s2 =	sld [smem:$0x3FD9]  }
0x89: {  	s3 =	sld [smem:$0x3FFE];
	_ =	sdelay $0x1  }
0x8a: {  	s1 =	srdreg.scid  }
0x8b: {  	s0 =	sand.u32 $0x1, s1  }
0x8c: {  	s16 =	sshll.u32 s0, $0xA;
	s2 =	sadd.s32 s3, s2  }
0x8d: {  	s2 =	sadd.s32 s2, s16  }
0x8e: {  	[smem:$0x3FAF] =	sst s2  }
0x8f: {  	_ = 	snop  }
0x90: {  	(tm) =	ssettm $0x1  }
0x91: {  	s17 =	sld [smem:$0x3FFB];
	_ =	sdelay $0x3  }
0x92: {  	_ =	strace s17  }
0x93: {  	s2 =	sld [smem:$0x3FFC];
	_ =	sdelay $0x3  }
0x94: {  	_ =	strace s2  }
0x95: {  	s2 =	sld [smem:$0x3FFD];
	_ =	sdelay $0x3  }
0x96: {  	_ =	strace s2  }
0x97: {  	_ =	strace $0x8FFFFFFF  }
0x98: {  	s18 =	sld [smem:$0x3FDB];
	_ =	sdelay $0x1  }
0x99: {  	s19 =	simm.s32 $_scs_section_size  }
0x9a: {  	s4 =	simm.s32 $_size__tile_overlayer_lowered;
	s5 =	simm.s32 $_tile_overlayer_lowered  }
0x9b: {  	s22 =	simm.s32 $0x1BFF;
	s21 =	sshll.u32 s5, $0x1;
	s2 =	sadd.s32 s19, s18  }
0x9c: {  	s6 =	simm.s32 $0x0;
	s20 =	sshll.u32 s4, $0x1;
	s4 =	sadd.s32 s21, s2  }
0x9d: {  	[timem:s6], [sflag:s22] =	dma.local [hbm:s4], s20  }
0x9e: {  	_ =	swait.ge [sflag:s22], s20  }
0x9f: {  	s3 =	ssub.s32 $0x0, s20;
	[sflag:s22] =	ssyncset.done $0x0  }
0xa0: {  	[sflag:s22] =	ssyncadd.s32 s3;
	_ =	sdelay $0x1  }
0xa1: {  	s23 =	simm.s32 $0x1B8B  }
0xa2: {  	_ =	swait.ge [sflag:s23], $0x1  }
0xa3: {  	[sflag:s23] =	ssyncset.done $0x0  }
0xa4: {  	s25 =	simm.s32 $0x1B8E;
	s24 =	sld [smem:$0x3FFE];
	[sflag:s23] =	ssyncadd.s32 $0xFFFFFFFF  }
0xa5: {  	s26 =	simm.s32 $execute0_lowered;
	[smem:$0x3FD2] =	sst s25  }
0xa6: {  	s4 =	sshll.u32 s26, $0x1;
	_ =	strace $0x8000004C;
	[dreg:$0x1] =	wrdreg $0xFFFFFFFF  }
0xa7: {  	s28 =	simm.s32 $_size_execute0_lowered;
	s2 =	sadd.s32 s2, s4;
	[dreg:$0x0] =	wrdreg $0x0  }
0xa8: {  	s4 =	sshll.u32 s28, $0x1;
	[dreg:$0x2] =	wrdreg s2  }
0xa9: {  	[dreg:$0x3] =	wrdreg s4  }
0xaa: {  	[dreg:$0x4] =	wrdreg $0xC0  }
0xab: {  	_ =	task [dreg:s6], $0x5FFFF  }
0xac: {  	[dreg:$0x1] =	wrdreg $0xFFFFFFFF  }
0xad: {  	[dreg:$0x0] =	wrdreg $0x60  }
0xae: {  	[dreg:$0x2] =	wrdreg s24  }
0xaf: {  	[dreg:$0x3] =	wrdreg $0x0  }
0xb0: {  	[dreg:$0x4] =	wrdreg $0x9  }
0xb1: {  	_ =	task.clear_ibuf [dreg:s6], $0x5FFFF;
	_ =	strace $0x9000004C  }
0xb2: {  	s29 =	simm.s32 $0x9;
	_ =	strace $0x8000004E  }
0xb3: {  	_ =	swait.ge [sflag:s29], $0x1  }
0xb4: {  	[sflag:s29] =	ssyncadd.s32 $0xFFFFFFFF  }
0xb5: {  	_ =	strace $0x9000004E  }
0xb6: {  	_ =	sfence  }
0xb7: {  	s30 =	sld [smem:$0x0];
	_ =	sdelay $0x2  }
0xb8: {  	s31 =	sshll.u32 s1, $0xD;
	s1 =	sshrl.u32 s1, $0x2  }
0xb9: {  	s3 =	sand.u32 $0x4000, s31;
	s1 =	sadd.s32 s1, s30  }
0xba: {  	s0 =	sor.u32 s3, s0;
	s1 =	sshll.u32 s1, $0x11  }
0xbb: {  	s0 =	sor.u32 s1, s0  }
0xbc: {  	s0 =	sadd.s32 $0x8F2B, s0  }
0xbd: {  	[sflag:s0] =	ssyncadd.remote.s32 $0x1  }
0xbe: {  	_ =	sfence.sel $0xFFFF  }
0xbf: {  	[dreg:$0x0] =	wrdreg $0xFFFFFFFF;
	(pc) =	sbr.abs _section_cstart, $3  }
0xc0: {  	[dreg:$0x1] =	wrdreg $0xFFFFFFFF  }
0xc1: {  	_ =	task.clear_ibuf [dreg:s6], $0x2FFFF;
	_ =	strace $0x9FFFFFFF  }
0xc2: {  	(tm) =	ssettm $0x7FFFFFFF  }
0xc3: {  	_ =	shalt  }
tec
execute0_lowered:
.L_overlay_start_1:
0x0: {  	(tag) =	ssettag $0x1  }
0x1: {  	s0 =	rddreg [dreg:$0x0]  }
0x2: {  	s1 =	rddreg [dreg:$0x1];
	s2 =	srdreg.scid  }
0x3: {  	s3 =	simm.s32 $0x0;
	s23 =	stileid.u32;
	s17 =	simm.s32 $0x14000  }
0x4: {  	s18 =	simm.s32 $0x14080;
	s19 =	simm.s32 $0x80;
	s20 =	simm.s32 $0x14200  }
0x5: {  	s21 =	simm.s32 $0x14100;
	s22 =	simm.s32 $0x14180;
	s28 =	simm.s32 $0x4  }
0x6: {  	s29 =	simm.s32 $0x0;
	s6 =	sand.u32 $0x1, s2;
	s7 =	smul.u32 $0x280, s23  }
0x7: {  	[smem:$0x7FF] =	sst s3;
	s4 =	sadd.s32 $0xDC00, s0;
	s8 =	smul.u32 $0x50000, s23  }
0x8: {  	s14 =	sadd.s32 $0x3C00, s0;
	s13 =	sadd.s32 $0x8C00, s0;
	s9 =	smul.u32 $0x2800, s23  }
0x9: {  	s5 =	sadd.s32 $0x5DC00, s0;
	s30 =	sshll.u32 s23, $0x6;
	s16 =	smul.u32 $0x500, s23  }
0xa: {  	s23 =	simm.s32 $0x18200;
	s26 =	smul.u32 $0x2800, s6;
	s6 =	ssub.s32 $0x2, s6  }
0xb: {  	_ =	strace $0x8000004D;
	s24 =	sshrl.u32 s6, $0x1;
	s25 =	sshrl.u32 s8, $0x2  }
0xc: {  	s31 =	sshrl.u32 s9, $0x3;
	s7 =	sadd.s32 s7, s26;
	s12 =	ssub.s32 s6, s24  }
0xd: {  	s15 =	sadd.s32 s25, s1;
	s6 =	sor.u32 $0x1C05, s30;
	s10 =	sor.u32 $0x10, s31  }
0xe: {  	s8 =	sadd.s32 s13, s31;
	s24 =	simm.s32 $0x1;
	s25 =	simm.s32 $0x2  }
0xf: {  	v0 =	vmov s26;
	s26 =	simm.s32 $0x3;
	s7 =	sshll.u32 s7, $0x4;
	s9 =	sadd.s32 s14, s10  }
0x10: {  	s10 =	sadd.s32 s13, s10;
	s12 =	smax.u32 s12, $0x1;
	s13 =	sadd.s32 s16, s13  }
0x11: {  	s15 =	sshrl.u32 s15, $0x3;
	s0 =	sadd.s32 s7, s0;
	s7 =	sadd.s32 s14, s31  }
0x12: {  	s14 =	sadd.s32 s16, s14;
	s16 =	simm.s32 $0x5;
	s11 =	sadd.s32 $0x60400, s0  }
.LBB2_1:
0x13: {  	[spmem:s15], [sflag:s6] =	dma.local [hbm:s5], $0x2800  }
0x14: {  	_ =	swait.ge [sflag:s16], $0x2800  }
0x15: {  	[sflag:s16] =	ssyncset.done $0x0  }
0x16: {  	[sflag:s16] =	ssyncadd.s32 $0xFFFFD800  }
0x17: {  	[bflag:$0x0] =	sbarrier.arrive $0xFFFF  }
0x18: {  	[tilespmem:s17], [sflag:$0x5] =	stream.linear.gather [hbm4b:s7+s3], $0x80, $0x38;
	[tilespmem:$0x1C200] =	vst v63  }
0x19: {  	_ =	swait.ge [sflag:s16], $0x80  }
0x1a: {  	[sflag:s16] =	ssyncset.done $0x0  }
0x1b: {  	[sflag:s16] =	ssyncadd.s32 $0xFFFFFF80  }
0x1c: {  	[tilespmem:s18], [sflag:$0x5] =	stream.linear.gather [hbm4b:s8+s3], $0x80, $0x38;
	[tilespmem:$0x1C200] =	vst v63  }
0x1d: {  	_ =	swait.ge [sflag:s16], $0x80  }
0x1e: {  	[sflag:s16] =	ssyncset.done $0x0  }
0x1f: {  	[sflag:s16] =	ssyncadd.s32 $0xFFFFFF80  }
0x20: {  	v1 =	vld [tilespmem:$0x14000]  }
0x21: {  	v2 =	vld [tilespmem:$0x14010]  }
0x22: {  	v3 =	vld [tilespmem:$0x14020]  }
0x23: {  	v4 =	vld [tilespmem:$0x14030]  }
0x24: {  	v5 =	vld [tilespmem:$0x14040]  }
0x25: {  	v6 =	vld [tilespmem:$0x14050];
	v1 =	vadd.s32 v0, v1  }
0x26: {  	[tilespmem:$0x14000] =	vst v1;
	v1 =	vadd.s32 v0, v2;
	v2 =	vld [tilespmem:$0x14060]  }
0x27: {  	[tilespmem:$0x14010] =	vst v1;
	v1 =	vadd.s32 v0, v3;
	v3 =	vld [tilespmem:$0x14070]  }
0x28: {  	[tilespmem:$0x14020] =	vst v1;
	v1 =	vadd.s32 v0, v4  }
0x29: {  	[tilespmem:$0x14030] =	vst v1;
	v1 =	vadd.s32 v0, v5  }
0x2a: {  	[tilespmem:$0x14040] =	vst v1;
	v1 =	vadd.s32 v0, v6  }
0x2b: {  	[tilespmem:$0x14050] =	vst v1;
	v1 =	vadd.s32 v0, v2  }
0x2c: {  	[tilespmem:$0x14060] =	vst v1;
	v1 =	vadd.s32 v0, v3  }
0x2d: {  	[tilespmem:$0x14070] =	vst v1  }
0x2e: {  	[tilespmem:s20], [sflag:$0x1] =	stream.indirect.gather [hbm4b:s4+s19], $0x80, s17, s19, $0xb8;
	[tilespmem:$0x1C200] =	vst v63  }
0x2f: {  	_ = 	snop  }
0x30: {  	[tilespmem:s21], [sflag:$0x5] =	stream.linear.gather [hbm4b:s9+s3], $0x80, $0x38;
	[tilespmem:$0x1C200] =	vst v63  }
0x31: {  	_ =	swait.ge [sflag:s16], $0x80  }
0x32: {  	[sflag:s16] =	ssyncset.done $0x0  }
0x33: {  	[sflag:s16] =	ssyncadd.s32 $0xFFFFFF80  }
0x34: {  	[tilespmem:s22], [sflag:$0x5] =	stream.linear.gather [hbm4b:s10+s3], $0x80, $0x38;
	[tilespmem:$0x1C200] =	vst v63  }
0x35: {  	_ =	swait.ge [sflag:s16], $0x80  }
0x36: {  	[sflag:s16] =	ssyncset.done $0x0  }
0x37: {  	[sflag:s16] =	ssyncadd.s32 $0xFFFFFF80  }
0x38: {  	v1 =	vld [tilespmem:$0x14100]  }
0x39: {  	v2 =	vld [tilespmem:$0x14110]  }
0x3a: {  	v3 =	vld [tilespmem:$0x14120]  }
0x3b: {  	v58 =	vld [tilespmem:$0x14130]  }
0x3c: {  	v59 =	vld [tilespmem:$0x14140]  }
0x3d: {  	v60 =	vld [tilespmem:$0x14150];
	v1 =	vadd.s32 v0, v1  }
0x3e: {  	[tilespmem:$0x14100] =	vst v1;
	v1 =	vadd.s32 v0, v2;
	v2 =	vld [tilespmem:$0x14160]  }
0x3f: {  	[tilespmem:$0x14110] =	vst v1;
	v1 =	vadd.s32 v0, v3;
	v3 =	vld [tilespmem:$0x14170]  }
0x40: {  	[tilespmem:$0x14120] =	vst v1;
	v1 =	vadd.s32 v0, v58  }
0x41: {  	[tilespmem:$0x14130] =	vst v1;
	v1 =	vadd.s32 v0, v59  }
0x42: {  	[tilespmem:$0x14140] =	vst v1;
	v1 =	vadd.s32 v0, v60  }
0x43: {  	[tilespmem:$0x14150] =	vst v1;
	v1 =	vadd.s32 v0, v2  }
0x44: {  	[tilespmem:$0x14160] =	vst v1;
	v1 =	vadd.s32 v0, v3  }
0x45: {  	[tilespmem:$0x14170] =	vst v1  }
0x46: {  	[tilespmem:s23], [sflag:$0x2] =	stream.indirect.gather [hbm4b:s4+s19], $0x80, s21, s19, $0xb8;
	[tilespmem:$0x1C200] =	vst v63  }
0x47: {  	_ =	swait.ge [sflag:s24], $0x4000  }
0x48: {  	[sflag:s24] =	ssyncset.done $0x0  }
0x49: {  	[sflag:s24] =	ssyncadd.s32 $0xFFFFC000  }
0x4a: {  	[spmem:s1] =	stream.indirect.scatter.add.f32 [tilespmem:s20], [sflag:$0x3], $0x80, s18, s19, $0xb8;
	[tilespmem:$0x1C200] =	vst v63  }
0x4b: {  	_ =	swait.ge [sflag:s25], $0x4000  }
0x4c: {  	[sflag:s25] =	ssyncset.done $0x0  }
0x4d: {  	[sflag:s25] =	ssyncadd.s32 $0xFFFFC000  }
0x4e: {  	[spmem:s1] =	stream.indirect.scatter.add.f32 [tilespmem:s23], [sflag:$0x4], $0x80, s22, s19, $0xb8;
	[tilespmem:$0x1C200] =	vst v63  }
0x4f: {  	_ =	swait.ge [sflag:s26], $0x4000  }
0x50: {  	s0 =	sadd.s32 $0xFFFFFB20, s14;
	[sflag:s26] =	ssyncset.done $0x0  }
0x51: {  	s30 =	sadd.s32 $0x500, s0;
	[sflag:s26] =	ssyncadd.s32 $0xFFFFC000  }
0x52: {  	[tilespmem:s17], [sflag:$0x5] =	stream.linear.gather [hbm4b:s30+s3], $0x80, $0x38;
	[tilespmem:$0x1C200] =	vst v63  }
0x53: {  	_ =	swait.ge [sflag:s16], $0x80  }
0x54: {  	s30 =	sadd.s32 $0xFFFFFB20, s13;
	[sflag:s16] =	ssyncset.done $0x0  }
0x55: {  	s31 =	sadd.s32 $0x500, s30;
	[sflag:s16] =	ssyncadd.s32 $0xFFFFFF80  }
0x56: {  	[tilespmem:s18], [sflag:$0x5] =	stream.linear.gather [hbm4b:s31+s3], $0x80, $0x38;
	[tilespmem:$0x1C200] =	vst v63  }
0x57: {  	_ =	swait.ge [sflag:s16], $0x80  }
0x58: {  	[sflag:s16] =	ssyncset.done $0x0  }
0x59: {  	[sflag:s16] =	ssyncadd.s32 $0xFFFFFF80  }
0x5a: {  	v1 =	vld [tilespmem:$0x14030]  }
0x5b: {  	v2 =	vld [tilespmem:$0x14060]  }
0x5c: {  	v3 =	vld [tilespmem:$0x14070]  }
0x5d: {  	v61 =	vld [tilespmem:$0x14050]  }
0x5e: {  	v62 =	vld [tilespmem:$0x14020]  }
0x5f: {  	v63 =	vld [tilespmem:$0x14000];
	v1 =	vadd.s32 v0, v1  }
0x60: {  	v7 =	vld [tilespmem:$0x14010];
	[tilespmem:$0x14030] =	vst v1;
	v1 =	vadd.s32 v0, v2  }
0x61: {  	v2 =	vld [tilespmem:$0x14040];
	[tilespmem:$0x14060] =	vst v1;
	v1 =	vadd.s32 v0, v3  }
0x62: {  	v3 =	vadd.s32 v0, v61;
	[tilespmem:$0x14070] =	vst v1  }
0x63: {  	v1 =	vadd.s32 v0, v62;
	[tilespmem:$0x14050] =	vst v3  }
0x64: {  	v3 =	vadd.s32 v0, v63;
	[tilespmem:$0x14020] =	vst v1  }
0x65: {  	v1 =	vadd.s32 v0, v7;
	[tilespmem:$0x14000] =	vst v3  }
0x66: {  	[tilespmem:$0x14010] =	vst v1;
	v2 =	vadd.s32 v0, v2  }
0x67: {  	[tilespmem:$0x14040] =	vst v2  }
0x68: {  	[tilespmem:s20], [sflag:$0x1] =	stream.indirect.gather [hbm4b:s4+s19], $0x80, s17, s19, $0xb8;
	[tilespmem:$0x1C200] =	vst v63  }
0x69: {  	_ =	swait.ge [sflag:s28], $0x4000  }
0x6a: {  	[sflag:s28] =	ssyncset.done $0x0  }
0x6b: {  	s0 =	sadd.s32 $0x510, s0;
	[sflag:s28] =	ssyncadd.s32 $0xFFFFC000  }
0x6c: {  	[tilespmem:s21], [sflag:$0x5] =	stream.linear.gather [hbm4b:s0+s3], $0x80, $0x38;
	[tilespmem:$0x1C200] =	vst v63  }
0x6d: {  	_ =	swait.ge [sflag:s16], $0x80  }
0x6e: {  	[sflag:s16] =	ssyncset.done $0x0  }
0x6f: {  	s31 =	sadd.s32 $0x510, s30;
	[sflag:s16] =	ssyncadd.s32 $0xFFFFFF80  }
0x70: {  	[tilespmem:s22], [sflag:$0x5] =	stream.linear.gather [hbm4b:s31+s3], $0x80, $0x38;
	[tilespmem:$0x1C200] =	vst v63  }
0x71: {  	_ =	swait.ge [sflag:s16], $0x80  }
0x72: {  	[sflag:s16] =	ssyncset.done $0x0  }
0x73: {  	s30 =	simm.s32 $0xFFFFFB40;
	[sflag:s16] =	ssyncadd.s32 $0xFFFFFF80  }
.LBB2_2:
0x74: {  	p0 =	sne.s32 s30, $0xFFFFFFE0;
	v1 =	vld [tilespmem:$0x14170];
	s31 =	smov.u32 s30;
	s30 =	sadd.s32 $0x20, s30  }
0x75: {  	v2 =	vld [tilespmem:$0x14160]  }
0x76: {  	v3 =	vld [tilespmem:$0x14150]  }
0x77: {  	v4 =	vld [tilespmem:$0x14140]  }
0x78: {  	v5 =	vld [tilespmem:$0x14130]  }
0x79: {  	v6 =	vld [tilespmem:$0x14120];
	v1 =	vadd.s32 v0, v1  }
0x7a: {  	v7 =	vld [tilespmem:$0x14110];
	v2 =	vadd.s32 v0, v2;
	[tilespmem:$0x14170] =	vst v1  }
0x7b: {  	v1 =	vld [tilespmem:$0x14100];
	v3 =	vadd.s32 v0, v3;
	[tilespmem:$0x14160] =	vst v2  }
0x7c: {  	v2 =	vadd.s32 v0, v4;
	[tilespmem:$0x14150] =	vst v3  }
0x7d: {  	v3 =	vadd.s32 v0, v5;
	[tilespmem:$0x14140] =	vst v2  }
0x7e: {  	v2 =	vadd.s32 v0, v6;
	[tilespmem:$0x14130] =	vst v3  }
0x7f: {  	v3 =	vadd.s32 v0, v7;
	[tilespmem:$0x14120] =	vst v2  }
0x80: {  	v1 =	vadd.s32 v0, v1;
	[tilespmem:$0x14110] =	vst v3  }
0x81: {  	[tilespmem:$0x14100] =	vst v1  }
0x82: {  	[tilespmem:s23], [sflag:$0x2] =	stream.indirect.gather [hbm4b:s4+s19], $0x80, s21, s19, $0xb8;
	[tilespmem:$0x1C200] =	vst v63  }
0x83: {  	_ =	swait.ge [sflag:s24], $0x4000  }
0x84: {  	[sflag:s24] =	ssyncset.done $0x0  }
0x85: {  	[sflag:s24] =	ssyncadd.s32 $0xFFFFC000  }
0x86: {  	[spmem:s1] =	stream.indirect.scatter.add.f32 [tilespmem:s20], [sflag:$0x3], $0x80, s18, s19, $0xb8;
	[tilespmem:$0x1C200] =	vst v63  }
0x87: {  	_ =	swait.ge [sflag:s25], $0x4000  }
0x88: {  	[sflag:s25] =	ssyncset.done $0x0  }
0x89: {  	[sflag:s25] =	ssyncadd.s32 $0xFFFFC000  }
0x8a: {  	[spmem:s1] =	stream.indirect.scatter.add.f32 [tilespmem:s23], [sflag:$0x4], $0x80, s22, s19, $0xb8;
	[tilespmem:$0x1C200] =	vst v63  }
0x8b: {  	_ =	swait.ge [sflag:s26], $0x4000  }
0x8c: {  	s0 =	sadd.s32 s31, s14;
	[sflag:s26] =	ssyncset.done $0x0  }
0x8d: {  	s2 =	sadd.s32 $0x500, s0;
	[sflag:s26] =	ssyncadd.s32 $0xFFFFC000  }
0x8e: {  	[tilespmem:s17], [sflag:$0x5] =	stream.linear.gather [hbm4b:s2+s3], $0x80, $0x38;
	[tilespmem:$0x1C200] =	vst v63  }
0x8f: {  	_ =	swait.ge [sflag:s16], $0x80  }
0x90: {  	s31 =	sadd.s32 s31, s13;
	[sflag:s16] =	ssyncset.done $0x0  }
0x91: {  	s2 =	sadd.s32 $0x500, s31;
	[sflag:s16] =	ssyncadd.s32 $0xFFFFFF80  }
0x92: {  	[tilespmem:s18], [sflag:$0x5] =	stream.linear.gather [hbm4b:s2+s3], $0x80, $0x38;
	[tilespmem:$0x1C200] =	vst v63  }
0x93: {  	_ =	swait.ge [sflag:s16], $0x80  }
0x94: {  	[sflag:s16] =	ssyncset.done $0x0  }
0x95: {  	[sflag:s16] =	ssyncadd.s32 $0xFFFFFF80  }
0x96: {  	v1 =	vld [tilespmem:$0x14030]  }
0x97: {  	v2 =	vld [tilespmem:$0x14070]  }
0x98: {  	v3 =	vld [tilespmem:$0x14060]  }
0x99: {  	v4 =	vld [tilespmem:$0x14050]  }
0x9a: {  	v5 =	vld [tilespmem:$0x14010]  }
0x9b: {  	v6 =	vld [tilespmem:$0x14020];
	v1 =	vadd.s32 v0, v1  }
0x9c: {  	v7 =	vld [tilespmem:$0x14000];
	[tilespmem:$0x14030] =	vst v1  }
0x9d: {  	v1 =	vld [tilespmem:$0x14040];
	v3 =	vadd.s32 v0, v3  }
0x9e: {  	v2 =	vadd.s32 v0, v2;
	[tilespmem:$0x14060] =	vst v3  }
0x9f: {  	v4 =	vadd.s32 v0, v4;
	v3 =	vadd.s32 v0, v5;
	[tilespmem:$0x14070] =	vst v2  }
0xa0: {  	v2 =	vadd.s32 v0, v6;
	[tilespmem:$0x14050] =	vst v4  }
0xa1: {  	v4 =	vadd.s32 v0, v7;
	[tilespmem:$0x14020] =	vst v2  }
0xa2: {  	[tilespmem:$0x14000] =	vst v4;
	v1 =	vadd.s32 v0, v1  }
0xa3: {  	[tilespmem:$0x14010] =	vst v3  }
0xa4: {  	[tilespmem:$0x14040] =	vst v1  }
0xa5: {  	[tilespmem:s20], [sflag:$0x1] =	stream.indirect.gather [hbm4b:s4+s19], $0x80, s17, s19, $0xb8;
	[tilespmem:$0x1C200] =	vst v63  }
0xa6: {  	_ =	swait.ge [sflag:s28], $0x4000  }
0xa7: {  	[sflag:s28] =	ssyncset.done $0x0  }
0xa8: {  	s0 =	sadd.s32 $0x510, s0;
	[sflag:s28] =	ssyncadd.s32 $0xFFFFC000  }
0xa9: {  	[tilespmem:s21], [sflag:$0x5] =	stream.linear.gather [hbm4b:s0+s3], $0x80, $0x38;
	[tilespmem:$0x1C200] =	vst v63  }
0xaa: {  	_ =	swait.ge [sflag:s16], $0x80  }
0xab: {  	[sflag:s16] =	ssyncset.done $0x0  }
.Ltmp0:
0xac: {  	s0 =	sadd.s32 $0x510, s31;
	[sflag:s16] =	ssyncadd.s32 $0xFFFFFF80;
	(pc) =	sbr.rel @p0 .LBB2_2-.Ltmp0, $4  }
0xad: {  	[tilespmem:s22], [sflag:$0x5] =	stream.linear.gather [hbm4b:s0+s3], $0x80, $0x38;
	[tilespmem:$0x1C200] =	vst v63  }
0xae: {  	_ =	swait.ge [sflag:s16], $0x80  }
0xaf: {  	[sflag:s16] =	ssyncset.done $0x0  }
0xb0: {  	[sflag:s16] =	ssyncadd.s32 $0xFFFFFF80  }
0xb1: {  	v1 =	vld [tilespmem:$0x14170]  }
0xb2: {  	v2 =	vld [tilespmem:$0x14160]  }
0xb3: {  	v3 =	vld [tilespmem:$0x14150]  }
0xb4: {  	v4 =	vld [tilespmem:$0x14140]  }
0xb5: {  	v5 =	vld [tilespmem:$0x14130]  }
0xb6: {  	v6 =	vld [tilespmem:$0x14120];
	v1 =	vadd.s32 v0, v1  }
0xb7: {  	v7 =	vld [tilespmem:$0x14110];
	v2 =	vadd.s32 v0, v2;
	[tilespmem:$0x14170] =	vst v1  }
0xb8: {  	v3 =	vadd.s32 v0, v3;
	v1 =	vld [tilespmem:$0x14100];
	[tilespmem:$0x14160] =	vst v2  }
0xb9: {  	v2 =	vadd.s32 v0, v4;
	[tilespmem:$0x14150] =	vst v3  }
0xba: {  	v3 =	vadd.s32 v0, v5;
	[tilespmem:$0x14140] =	vst v2  }
0xbb: {  	v2 =	vadd.s32 v0, v6;
	[tilespmem:$0x14130] =	vst v3  }
0xbc: {  	v3 =	vadd.s32 v0, v7;
	[tilespmem:$0x14120] =	vst v2  }
0xbd: {  	[tilespmem:$0x14110] =	vst v3;
	v1 =	vadd.s32 v0, v1  }
0xbe: {  	[tilespmem:$0x14100] =	vst v1  }
0xbf: {  	[tilespmem:s23], [sflag:$0x2] =	stream.indirect.gather [hbm4b:s4+s19], $0x80, s21, s19, $0xb8;
	[tilespmem:$0x1C200] =	vst v63  }
0xc0: {  	_ =	swait.ge [sflag:s24], $0x4000  }
0xc1: {  	[sflag:s24] =	ssyncset.done $0x0  }
0xc2: {  	[sflag:s24] =	ssyncadd.s32 $0xFFFFC000  }
0xc3: {  	[spmem:s1] =	stream.indirect.scatter.add.f32 [tilespmem:s20], [sflag:$0x3], $0x80, s18, s19, $0xb8;
	[tilespmem:$0x1C200] =	vst v63  }
0xc4: {  	_ =	swait.ge [sflag:s25], $0x4000  }
0xc5: {  	[sflag:s25] =	ssyncset.done $0x0  }
0xc6: {  	[sflag:s25] =	ssyncadd.s32 $0xFFFFC000  }
0xc7: {  	[spmem:s1] =	stream.indirect.scatter.add.f32 [tilespmem:s23], [sflag:$0x4], $0x80, s22, s19, $0xb8;
	[tilespmem:$0x1C200] =	vst v63  }
0xc8: {  	_ =	swait.ge [sflag:s26], $0x4000  }
0xc9: {  	[sflag:s26] =	ssyncset.done $0x0  }
0xca: {  	[sflag:s26] =	ssyncadd.s32 $0xFFFFC000  }
0xcb: {  	_ =	swait.ge [sflag:s28], $0x4000  }
0xcc: {  	s29 =	sadd.s32 $0x1, s29;
	[sflag:s28] =	ssyncset.done $0x0  }
0xcd: {  	p0 =	sne.s32 s29, s12;
	[sflag:s28] =	ssyncadd.s32 $0xFFFFC000  }
.Ltmp1:
0xce: {  	[bflag:$0x0] =	sbarrier.arrive $0xFFFF;
	(pc) =	sbr.rel @p0 .LBB2_1-.Ltmp1, $4  }
0xcf: {  	[hbm:s11], [sflag:s6] =	dma.local [spmem:s15], $0x2800  }
0xd0: {  	_ =	swait.ge [sflag:s16], $0x2800  }
0xd1: {  	[sflag:s16] =	ssyncset.done $0x0  }
0xd2: {  	[sflag:s16] =	ssyncadd.s32 $0xFFFFD800  }
0xd3: {  	_ =	sfence.sel $0x180000  }
0xd4: {  	[bflag:$0x0] =	sbarrier.arrive $0xFFFF  }
0xd5: {  	_ =	strace $0x9000004D  }
0xd6: {  	s0 =	stileid.u32;
	[bflag:$0x2] =	sbarrier.arrive $0xFFFF  }
0xd7: {  	p0 =	sne.s32 s0, $0x0;
	s0 =	rddreg [dreg:$0x2]  }
0xd8: {  	s0 =	sadd.s32 @!p0 $0x100000, s0  }
0xd9: {  	[sflag:s0] =	ssyncadd.tile.s32 @!p0 $0x1;
	_ =	shalt  }
.Lfunc_end2:
_tile_overlayer_lowered:
.L_overlay_start_2:
0xda: {  	(tag) =	ssettag $0x2  }
0xdb: {  	s0 =	rddreg [dreg:$0x0];
	s2 =	stileid.u32  }
0xdc: {  	s1 =	rddreg [dreg:$0x1];
	p0 =	sne.s32 s2, $0x0  }
0xdd: {  	s3 =	rddreg [dreg:$0x2];
	[bflag:$0x3] =	sbarrier.arrive $0xFFFF;
	s2 =	simm.s32 @!p0 $0x1C05  }
0xde: {  	[timem:s3], [sflag:s2] =	dma.local @!p0 [hbm:s0], s1  }
0xdf: {  	s0 =	simm.s32 @!p0 $0x5  }
0xe0: {  	_ =	swait.ge @!p0 [sflag:s0], s1  }
0xe1: {  	s1 =	ssub.s32 @!p0 $0x0, s1;
	[sflag:s0] =	ssyncset.done @!p0 $0x0  }
0xe2: {  	[sflag:s0] =	ssyncadd.s32 @!p0 s1  }
0xe3: {  	[bflag:$0x3] =	sbarrier.arrive $0xFFFF  }
0xe4: {  	_ =	shalt  }

// kernel: kernel.19.cloned.1.call-start
scs
__scs_entry_jumppad:
0x0: {  	(pc) =	sbr.rel $0x88, $3  }
0x1: {  	(tag) =	ssettag $0x0;
	lr =	simm.s32 $0x1  }
0x2: {  	[smem:$0x3F88] =	sst lr;
	_ =	strace $0xD0000000  }
0x3: {  	_ = 	snop  }
0x4: {  	_ = 	snop  }
0x5: {  	_ = 	snop  }
0x6: {  	_ = 	snop  }
0x7: {  	_ = 	snop  }
__scs_overlays_trampoline_lowered:
0x8: {  	[smem:$0x3F97] =	sst s0  }
0x9: {  	[smem:$0x3F98] =	sst s1  }
0xa: {  	[smem:$0x3F99] =	sst s2  }
0xb: {  	[smem:$0x3F9A] =	sst s3  }
0xc: {  	[smem:$0x3F9B] =	sst s4  }
0xd: {  	[smem:$0x3F9C] =	sst s5  }
0xe: {  	[smem:$0x3F9D] =	sst s6  }
0xf: {  	[smem:$0x3F9E] =	sst s7  }
0x10: {  	[smem:$0x3F9F] =	sst s8  }
0x11: {  	[smem:$0x3FA0] =	sst s9;
	s0 =	simm.s32 @!p0 $0x0  }
0x12: {  	s1 =	sld [smem:$0x3F86];
	s0 =	simm.s32 @p0 $0x1  }
0x13: {  	[smem:$0x3FA1] =	sst s0;
	s0 =	simm.s32 @!p1 $0x0  }
0x14: {  	s2 =	sld [smem:$0x3F85];
	s0 =	simm.s32 @p1 $0x1  }
0x15: {  	[smem:$0x3FA2] =	sst s0;
	s0 =	simm.s32 @!p2 $0x0  }
0x16: {  	s3 =	sld [smem:$0x3FDB];
	s0 =	simm.s32 @p2 $0x1  }
0x17: {  	s4 =	simm.s32 $0x1BF5;
	[smem:$0x3FA4] =	sst s0  }
0x18: {  	s0 =	sld [smem:$0x3F87];
	_ =	swait.ge [sflag:s4], $0x0  }
0x19: {  	s7 =	sld [smem:$0x3F88]  }
0x1a: {  	s8 =	sadd.s32 $0xFFFFE003, lr  }
0x1b: {  	s9 =	sadd.s32 $0xFFFFFEF7, lr;
	s5 =	simm.s32 $0xFFFFFFFF;
	p2 =	slt.u32 s8, $0xFFFFF086  }
0x1c: {  	p1 =	slt.u32 s9, $0xF7A;
	s5 =	simm.s32 @!p2 $0x0  }
0x1d: {  	s5 =	simm.s32 @p1 $0x1;
	p0 =	seq.s32 s7, s2  }
0x1e: {  	s7 =	smul.u32 @!p0 $0xF7A, s2;
	p2 =	seq.s32 @!p0 s5, $0x0  }
0x1f: {  	s9 =	smul.u32 $0xF7A, s1;
	s8 =	simm.s32 @!p0 $0x1BF5;
	p2 =	por !p2, p0  }
0x20: {  	[sflag:s8] =	ssyncset.s32 @!p0 $0xFFFFF086;
	s6 =	sadd.s32 @!p0 s3, s7;
	s7 =	simm.s32 @!p0 $0x108  }
0x21: {  	s3 =	sadd.s32 s3, s9;
	s6 =	sadd.s32 @!p0 $0x88, s6;
	s7 =	simm.s32 @p2 $0x1082  }
0x22: {  	[simem:s7], [sflag:s8] =	dma.local @!p0 [hbm:s6], $0xF7A  }
0x23: {  	s9 =	sor.u32 $0xD0000000, s2;
	s6 =	simm.s32 $0x108;
	_ =	swait.ge @!p0 [sflag:s8], $0x0  }
0x24: {  	s3 =	sadd.s32 $0x88, s3;
	s6 =	simm.s32 @!p1 $0x1082;
	[sflag:s4] =	ssyncset.s32 $0xFFFFF086  }
0x25: {  	[simem:s6], [sflag:s4] =	dma.local [hbm:s3], $0xF7A  }
0x26: {  	[smem:$0x3F88] =	sst s1;
	(tag) =	ssettag s2;
	_ =	strace s9  }
0x27: {  	s1 =	sld [smem:$0x3F98]  }
0x28: {  	s2 =	sld [smem:$0x3F99]  }
0x29: {  	s4 =	sld [smem:$0x3F9B]  }
0x2a: {  	p0 =	seq.s32 s5, $0x0;
	s5 =	sld [smem:$0x3F9C]  }
0x2b: {  	s6 =	sld [smem:$0x3F9D]  }
0x2c: {  	s7 =	sld [smem:$0x3F9E]  }
0x2d: {  	s3 =	simm.s32 $0x108;
	s8 =	sld [smem:$0x3F9F]  }
0x2e: {  	s3 =	simm.s32 @!p0 $0x1082;
	s9 =	sld [smem:$0x3FA0]  }
0x2f: {  	lr =	sadd.s32 s0, s3;
	s0 =	sld [smem:$0x3F97]  }
0x30: {  	s3 =	sld [smem:$0x3F9A]  }
0x31: {  	[smem:$0x3FA3] =	sst s10  }
0x32: {  	s10 =	sld [smem:$0x3FA1];
	_ =	sdelay $0x3  }
0x33: {  	p0 =	seq.s32 s10, $0x1;
	s10 =	sld [smem:$0x3FA3];
	_ =	sdelay $0x3  }
0x34: {  	[smem:$0x3FA3] =	sst s10  }
0x35: {  	s10 =	sld [smem:$0x3FA2];
	_ =	sdelay $0x3  }
0x36: {  	p1 =	seq.s32 s10, $0x1;
	s10 =	sld [smem:$0x3FA3];
	_ =	sdelay $0x3  }
0x37: {  	[smem:$0x3FA3] =	sst s10  }
0x38: {  	s10 =	sld [smem:$0x3FA4]  }
0x39: {  	_ = 	snop;
	(pc) =	sbr.ind lr, $3  }
0x3a: {  	_ = 	snop  }
0x3b: {  	_ = 	snop  }
0x3c: {  	p2 =	seq.s32 s10, $0x1;
	s10 =	sld [smem:$0x3FA3]  }
0x3d: {  	_ =	shalt  }
0x3e: {  	_ =	shalt  }
0x3f: {  	_ =	shalt  }
0x40: {  	_ =	shalt  }
0x41: {  	_ =	shalt  }
0x42: {  	_ =	shalt  }
0x43: {  	_ =	shalt  }
0x44: {  	_ =	shalt  }
0x45: {  	_ =	shalt  }
0x46: {  	_ =	shalt  }
0x47: {  	_ =	shalt  }
0x48: {  	_ =	shalt  }
0x49: {  	_ =	shalt  }
0x4a: {  	_ =	shalt  }
0x4b: {  	_ =	shalt  }
0x4c: {  	_ =	shalt  }
0x4d: {  	_ =	shalt  }
0x4e: {  	_ =	shalt  }
0x4f: {  	_ =	shalt  }
0x50: {  	_ =	shalt  }
0x51: {  	_ =	shalt  }
0x52: {  	_ =	shalt  }
0x53: {  	_ =	shalt  }
0x54: {  	_ =	shalt  }
0x55: {  	_ =	shalt  }
0x56: {  	_ =	shalt  }
0x57: {  	_ =	shalt  }
0x58: {  	_ =	shalt  }
0x59: {  	_ =	shalt  }
0x5a: {  	_ =	shalt  }
0x5b: {  	_ =	shalt  }
0x5c: {  	_ =	shalt  }
0x5d: {  	_ =	shalt  }
0x5e: {  	_ =	shalt  }
0x5f: {  	_ =	shalt  }
0x60: {  	_ =	shalt  }
0x61: {  	_ =	shalt  }
0x62: {  	_ =	shalt  }
0x63: {  	_ =	shalt  }
0x64: {  	_ =	shalt  }
0x65: {  	_ =	shalt  }
0x66: {  	_ =	shalt  }
0x67: {  	_ =	shalt  }
0x68: {  	_ =	shalt  }
0x69: {  	_ =	shalt  }
0x6a: {  	_ =	shalt  }
0x6b: {  	_ =	shalt  }
0x6c: {  	_ =	shalt  }
0x6d: {  	_ =	shalt  }
0x6e: {  	_ =	shalt  }
0x6f: {  	_ =	shalt  }
0x70: {  	_ =	shalt  }
0x71: {  	_ =	shalt  }
0x72: {  	_ =	shalt  }
0x73: {  	_ =	shalt  }
0x74: {  	_ =	shalt  }
0x75: {  	_ =	shalt  }
0x76: {  	_ =	shalt  }
0x77: {  	_ =	shalt  }
0x78: {  	_ =	shalt  }
0x79: {  	_ =	shalt  }
0x7a: {  	_ =	shalt  }
0x7b: {  	_ =	shalt  }
0x7c: {  	_ =	shalt  }
0x7d: {  	_ =	shalt  }
0x7e: {  	_ =	shalt  }
0x7f: {  	_ =	shalt  }
0x80: {  	_ =	shalt  }
0x81: {  	_ =	shalt  }
0x82: {  	_ =	shalt  }
0x83: {  	_ =	shalt  }
0x84: {  	_ =	shalt  }
0x85: {  	_ =	shalt  }
0x86: {  	_ =	shalt  }
0x87: {  	_ =	shalt  }
.Lfunc_end0:
.L_simem_size_0:
called_computation.3_lowered:
.L_overlay_start_0:
0x88: {  	s2 =	sld [smem:$0x3FD9]  }
0x89: {  	s3 =	sld [smem:$0x3FFE];
	_ =	sdelay $0x1  }
0x8a: {  	s1 =	srdreg.scid  }
0x8b: {  	s0 =	sand.u32 $0x1, s1  }
0x8c: {  	s16 =	sshll.u32 s0, $0xA;
	s2 =	sadd.s32 s3, s2  }
0x8d: {  	s2 =	sadd.s32 s2, s16  }
0x8e: {  	[smem:$0x3FAF] =	sst s2  }
0x8f: {  	_ = 	snop  }
0x90: {  	(tm) =	ssettm $0x1  }
0x91: {  	s17 =	sld [smem:$0x3FFB];
	_ =	sdelay $0x3  }
0x92: {  	_ =	strace s17  }
0x93: {  	s2 =	sld [smem:$0x3FFC];
	_ =	sdelay $0x3  }
0x94: {  	_ =	strace s2  }
0x95: {  	s2 =	sld [smem:$0x3FFD];
	_ =	sdelay $0x3  }
0x96: {  	_ =	strace s2  }
0x97: {  	_ =	strace $0x8FFFFFFF  }
0x98: {  	s18 =	sld [smem:$0x3FDB];
	_ =	sdelay $0x1  }
0x99: {  	s19 =	simm.s32 $_scs_section_size  }
0x9a: {  	s4 =	simm.s32 $_size__tile_overlayer_lowered;
	s5 =	simm.s32 $_tile_overlayer_lowered  }
0x9b: {  	s22 =	simm.s32 $0x1BFF;
	s21 =	sshll.u32 s5, $0x1;
	s2 =	sadd.s32 s19, s18  }
0x9c: {  	s6 =	simm.s32 $0x0;
	s20 =	sshll.u32 s4, $0x1;
	s4 =	sadd.s32 s21, s2  }
0x9d: {  	[timem:s6], [sflag:s22] =	dma.local [hbm:s4], s20  }
0x9e: {  	_ =	swait.ge [sflag:s22], s20  }
0x9f: {  	s3 =	ssub.s32 $0x0, s20;
	[sflag:s22] =	ssyncset.done $0x0  }
0xa0: {  	[sflag:s22] =	ssyncadd.s32 s3;
	_ =	sdelay $0x1  }
0xa1: {  	s23 =	simm.s32 $0x1B8B  }
0xa2: {  	_ =	swait.ge [sflag:s23], $0x1  }
0xa3: {  	[sflag:s23] =	ssyncset.done $0x0  }
0xa4: {  	s25 =	simm.s32 $0x1B8E;
	s24 =	sld [smem:$0x3FFE];
	[sflag:s23] =	ssyncadd.s32 $0xFFFFFFFF  }
0xa5: {  	s26 =	simm.s32 $execute0_lowered;
	[smem:$0x3FD2] =	sst s25  }
0xa6: {  	s4 =	sshll.u32 s26, $0x1;
	_ =	strace $0x8000004F;
	[dreg:$0x1] =	wrdreg $0xFFFFFFFF  }
0xa7: {  	s28 =	simm.s32 $_size_execute0_lowered;
	s2 =	sadd.s32 s2, s4;
	[dreg:$0x0] =	wrdreg $0x0  }
0xa8: {  	s4 =	sshll.u32 s28, $0x1;
	[dreg:$0x2] =	wrdreg s2  }
0xa9: {  	[dreg:$0x3] =	wrdreg s4  }
0xaa: {  	[dreg:$0x4] =	wrdreg $0xC0  }
0xab: {  	_ =	task [dreg:s6], $0x5FFFF  }
0xac: {  	[dreg:$0x1] =	wrdreg $0xFFFFFFFF  }
0xad: {  	[dreg:$0x0] =	wrdreg $0x60  }
0xae: {  	[dreg:$0x2] =	wrdreg s24  }
0xaf: {  	[dreg:$0x3] =	wrdreg $0x0  }
0xb0: {  	[dreg:$0x4] =	wrdreg $0x2400  }
0xb1: {  	[dreg:$0x5] =	wrdreg $0x4800  }
0xb2: {  	[dreg:$0x6] =	wrdreg $0x9  }
0xb3: {  	_ =	task.clear_ibuf [dreg:s6], $0x7FFFF;
	_ =	strace $0x9000004F  }
0xb4: {  	s29 =	simm.s32 $0x9;
	_ =	strace $0x80000051  }
0xb5: {  	_ =	swait.ge [sflag:s29], $0x1  }
0xb6: {  	[sflag:s29] =	ssyncadd.s32 $0xFFFFFFFF  }
0xb7: {  	_ =	strace $0x90000051  }
0xb8: {  	_ =	sfence  }
0xb9: {  	s30 =	sld [smem:$0x0];
	_ =	sdelay $0x2  }
0xba: {  	s31 =	sshll.u32 s1, $0xD;
	s1 =	sshrl.u32 s1, $0x2  }
0xbb: {  	s3 =	sand.u32 $0x4000, s31;
	s1 =	sadd.s32 s1, s30  }
0xbc: {  	s0 =	sor.u32 s3, s0;
	s1 =	sshll.u32 s1, $0x11  }
0xbd: {  	s0 =	sor.u32 s1, s0  }
0xbe: {  	s0 =	sadd.s32 $0x8F2B, s0  }
0xbf: {  	[sflag:s0] =	ssyncadd.remote.s32 $0x1  }
0xc0: {  	_ =	sfence.sel $0xFFFF  }
0xc1: {  	[dreg:$0x0] =	wrdreg $0xFFFFFFFF;
	(pc) =	sbr.abs _section_cstart, $3  }
0xc2: {  	[dreg:$0x1] =	wrdreg $0xFFFFFFFF  }
0xc3: {  	_ =	task.clear_ibuf [dreg:s6], $0x2FFFF;
	_ =	strace $0x9FFFFFFF  }
0xc4: {  	(tm) =	ssettm $0x7FFFFFFF  }
0xc5: {  	_ =	shalt  }
tec
execute0_lowered:
.L_overlay_start_1:
0x0: {  	(tag) =	ssettag $0x1  }
0x1: {  	s0 =	rddreg [dreg:$0x0]  }
0x2: {  	s1 =	rddreg [dreg:$0x1]  }
0x3: {  	s3 =	rddreg [dreg:$0x3]  }
0x4: {  	s2 =	simm.s32 $0x0;
	s11 =	srdreg.scid;
	s13 =	stileid.u32  }
0x5: {  	s30 =	simm.s32 $0x5;
	s31 =	simm.s32 $0x6C0;
	s29 =	simm.s32 $0x2FC0  }
0x6: {  	[smem:$0x7FF] =	sst s2;
	s5 =	sadd.s32 $0xDC00, s0;
	s6 =	sadd.s32 $0x3C00, s0  }
0x7: {  	s7 =	sadd.s32 $0x8C00, s0;
	s4 =	sadd.s32 $0xB0400, s0;
	s2 =	sand.u32 $0x1, s11  }
0x8: {  	s12 =	sadd.s32 $0x5DC00, s0;
	s8 =	smul.u32 $0x2800, s13;
	s9 =	sadd.s32 $0x5E400, s0  }
0x9: {  	s0 =	sadd.s32 $0x5EA00, s0;
	s18 =	smul.u32 $0x280, s13;
	p2 =	seq.s32 s13, $0x2  }
0xa: {  	_ =	strace $0x80000050;
	[dreg:$0x7] =	wrdreg s9;
	s9 =	smul.u32 $0x2800, s2  }
0xb: {  	p0 =	sne.s32 s13, $0x0;
	[dreg:$0x6] =	wrdreg s12;
	s12 =	smul.u32 $0xA00, s13  }
0xc: {  	p3 =	seq.s32 s13, $0x1;
	[dreg:$0x5] =	wrdreg s4;
	s19 =	smul.u32 $0x6000, s2  }
0xd: {  	s14 =	ssub.s32 $0x2, s2;
	s21 =	smul.u32 $0xC00, s2;
	p1 =	sne.s32 s2, $0x0  }
0xe: {  	s13 =	simm.s32 $0xB740;
	s15 =	sshrl.u32 s14, $0x1;
	s10 =	sshrl.u32 s8, $0x3  }
0xf: {  	s4 =	ssub.s32 s14, s15;
	s11 =	sadd.s32 s6, s10;
	s16 =	sor.u32 $0x20, s10  }
0x10: {  	s10 =	sadd.s32 s7, s10;
	s20 =	sadd.s32 s18, s9;
	s18 =	sshrl.u32 s12, $0x2  }
0x11: {  	s12 =	simm.s32 $0x31C0;
	s14 =	simm.s32 $0x1;
	[dreg:$0x8] =	wrdreg s11  }
0x12: {  	s15 =	simm.s32 $0x32C0;
	[dreg:$0x9] =	wrdreg s10;
	s17 =	sadd.s32 s6, s16  }
0x13: {  	s11 =	sadd.s32 s7, s16;
	s16 =	sor.u32 $0x200, s8;
	[dreg:$0xa] =	wrdreg s17  }
0x14: {  	s10 =	sadd.s32 s0, s21;
	s24 =	smax.u32 s4, $0x1;
	[dreg:$0xb] =	wrdreg s11  }
0x15: {  	s17 =	sor.u32 $0x300, s8;
	s8 =	sshll.u32 s20, $0x4;
	[dreg:$0xd] =	wrdreg s10  }
0x16: {  	s11 =	sshrl.u32 s19, $0x3;
	[dreg:$0x11] =	wrdreg s24;
	s8 =	sadd.s32 s5, s8  }
0x17: {  	s0 =	sadd.s32 s0, s11;
	s22 =	sadd.s32 $0x800, s8;
	[dreg:$0xc] =	wrdreg s8  }
0x18: {  	s21 =	simm.s32 $0x33C0;
	s23 =	sadd.s32 $0x400, s0;
	[dreg:$0xe] =	wrdreg s22  }
0x19: {  	s10 =	simm.s32 $0x30C0;
	s0 =	sadd.s32 $0x800, s0;
	[dreg:$0xf] =	wrdreg s23  }
0x1a: {  	s20 =	simm.s32 $0x2;
	s25 =	sadd.s32 $0x1000, s8;
	[dreg:$0x10] =	wrdreg s0  }
0x1b: {  	s11 =	simm.s32 $0x100;
	s26 =	sadd.s32 $0x1800, s8;
	[dreg:$0x12] =	wrdreg s25  }
0x1c: {  	s28 =	sadd.s32 $0x2000, s8;
	s8 =	simm.s32 $0x3740;
	[dreg:$0x13] =	wrdreg s26  }
0x1d: {  	[dreg:$0x14] =	wrdreg s28;
	s0 =	simm.s32 $0x2EC0;
	s22 =	simm.s32 $0x3  }
0x1e: {  	v0 =	vmov s9;
	s23 =	simm.s32 $0x4;
	s25 =	simm.s32 $0x0;
	s26 =	simm.s32 $0x0  }
.LBB2_1:
.Ltmp0:
0x1f: {  	(pc) =	sbr.rel @p2 .LBB2_6-.Ltmp0, $1  }
0x20: {  	_ =	sdelay $0x3  }
.Ltmp1:
0x21: {  	(pc) =	sbr.rel @p3 .LBB2_5-.Ltmp1, $1  }
0x22: {  	_ =	sdelay $0x3  }
.Ltmp2:
0x23: {  	(pc) =	sbr.rel @p0 .LBB2_8-.Ltmp2, $2  }
0x24: {  	_ =	sdelay $0x2  }
0x25: {  	p4 =	por $0x0, $0x0;
	p5 =	por $0x0, $0x0  }
.Ltmp3:
0x26: {  	(pc) =	sbr.rel .LBB2_7-.Ltmp3, $4  }
0x27: {  	_ = 	snop  }
0x28: {  	s2 =	sshrl.u32 s1, $0x3;
	s4 =	rddreg [dreg:$0x7]  }
0x29: {  	s9 =	simm.s32 $0x1C05;
	p4 =	por $0x0, $0x0;
	p5 =	por $0x0, $0x0  }
0x2a: {  	[spmem:s2], [sflag:s9] =	dma.local [hbm:s4], $0x480  }
.LBB2_5:
.Ltmp4:
0x2b: {  	(pc) =	sbr.rel .LBB2_7-.Ltmp4, $4  }
0x2c: {  	s2 =	rddreg [dreg:$0x2]  }
0x2d: {  	s4 =	rddreg [dreg:$0x7];
	s9 =	simm.s32 $0x1C45  }
0x2e: {  	p5 =	por $0x1, $0x1;
	p4 =	por $0x0, $0x0;
	s2 =	sshrl.u32 s2, $0x3  }
0x2f: {  	[spmem:s2], [sflag:s9] =	dma.local [hbm:s4], $0x480  }
.LBB2_6:
0x30: {  	s2 =	sshrl.u32 s3, $0x3;
	s4 =	rddreg [dreg:$0x7]  }
0x31: {  	s9 =	simm.s32 $0x1C85;
	p5 =	por $0x0, $0x0;
	p4 =	por $0x1, $0x1  }
0x32: {  	[spmem:s2], [sflag:s9] =	dma.local [hbm:s4], $0x480  }
.LBB2_7:
0x33: {  	_ =	swait.ge [sflag:s30], $0x480  }
0x34: {  	[sflag:s30] =	ssyncset.done $0x0  }
0x35: {  	[sflag:s30] =	ssyncadd.s32 $0xFFFFFB80  }
.LBB2_8:
0x36: {  	s2 =	simm.s32 $0x0;
	s4 =	rddreg [dreg:$0x5]  }
0x37: {  	[tilespmem:s31], [sflag:$0x5] =	stream.linear.gather [hbm4b:s4+s2], $0x2800, $0x38;
	[tilespmem:$0x13740] =	vst v63  }
0x38: {  	_ =	swait.ge [sflag:s30], $0x2800  }
0x39: {  	[sflag:s30] =	ssyncset.done $0x0  }
0x3a: {  	[sflag:s30] =	ssyncadd.s32 $0xFFFFD800  }
0x3b: {  	[bflag:$0x0] =	sbarrier.arrive $0xFFFF  }
0x3c: {  	s24 =	rddreg [dreg:$0x8]  }
0x3d: {  	[tilespmem:s0], [sflag:$0x5] =	stream.linear.gather [hbm4b:s24+s2], $0x100, $0x38;
	[tilespmem:$0x13740] =	vst v63  }
0x3e: {  	_ =	swait.ge [sflag:s30], $0x100  }
0x3f: {  	[sflag:s30] =	ssyncset.done $0x0  }
0x40: {  	s28 =	rddreg [dreg:$0x9];
	[sflag:s30] =	ssyncadd.s32 $0xFFFFFF00  }
0x41: {  	[tilespmem:s29], [sflag:$0x5] =	stream.linear.gather [hbm4b:s28+s2], $0x100, $0x38;
	[tilespmem:$0x13740] =	vst v63  }
0x42: {  	_ =	swait.ge [sflag:s30], $0x100  }
0x43: {  	[sflag:s30] =	ssyncset.done $0x0  }
0x44: {  	s9 =	simm.s32 $0x0;
	[sflag:s30] =	ssyncadd.s32 $0xFFFFFF00  }
0x45: {  	v1 =	vld [tilespmem:s9+$0x2FC0];
	_ =	sdelay $0x1  }
0x46: {  	v2 =	vld [tilespmem:s9+$0x2EC0];
	_ =	sdelay $0x4  }
0x47: {  	v3 =	vadd.s32 v0, v2  }
0x48: {  	s19 =	simm.s32 $0x10;
	v2 =	vld.idx.msk [tilespmem:v1+s31+$0x0], $0xffff;
	[tilespmem:s9+$0x2EC0] =	vst v3  }
0x49: {  	v1 =	vld [tilespmem:s19+$0x2FC0];
	_ =	sdelay $0x1  }
0x4a: {  	s4 =	simm.s32 $0x80;
	s24 =	simm.s32 $0xC0;
	v3 =	vld [tilespmem:s19+$0x2EC0]  }
.LBB2_9:
0x4b: {  	p6 =	sne.s32 s24, $0x3C0;
	_ =	sdelay $0x1  }
0x4c: {  	[tilespmem:s9+$0x32C0] =	vst v2;
	s9 =	smov.u32 s19;
	_ =	sdelay $0x1  }
.Ltmp5:
0x4d: {  	v3 =	vadd.s32 v0, v3;
	(pc) =	sbr.rel @p6 .LBB2_9-.Ltmp5, $3  }
0x4e: {  	s19 =	sshra.s32 s4, $0x2;
	s4 =	smov.u32 s24;
	v2 =	vld.idx.msk [tilespmem:v1+s31+$0x0], $0xffff;
	[tilespmem:s9+$0x2EC0] =	vst v3  }
0x4f: {  	v1 =	vld [tilespmem:s19+$0x2FC0];
	_ =	sdelay $0x1  }
0x50: {  	s24 =	sadd.s32 $0x40, s24;
	v3 =	vld [tilespmem:s19+$0x2EC0]  }
0x51: {  	_ =	sdelay $0x4  }
0x52: {  	[tilespmem:s9+$0x32C0] =	vst v2;
	v2 =	vadd.s32 v0, v3  }
0x53: {  	s2 =	sshra.s32 s4, $0x2;
	v1 =	vld.idx.msk [tilespmem:v1+s31+$0x0], $0xffff;
	[tilespmem:s19+$0x2EC0] =	vst v2  }
0x54: {  	v2 =	vld [tilespmem:s2+$0x2FC0];
	_ =	sdelay $0x5  }
0x55: {  	v3 =	vld [tilespmem:s2+$0x2EC0]  }
0x56: {  	[tilespmem:s19+$0x32C0] =	vst v1  }
0x57: {  	v1 =	vld.idx.msk [tilespmem:v2+s31+$0x0], $0xffff;
	_ =	sdelay $0x2  }
0x58: {  	v2 =	vadd.s32 v0, v3  }
0x59: {  	[tilespmem:s2+$0x2EC0] =	vst v2  }
0x5a: {  	[tilespmem:s2+$0x32C0] =	vst v1  }
0x5b: {  	[tilespmem:s8], [sflag:$0x1] =	stream.indirect.gather [hbm4b:s5+s11], $0x80, s0, s11, $0xb8;
	[tilespmem:$0x13740] =	vst v63  }
0x5c: {  	s24 =	rddreg [dreg:$0xa];
	s19 =	simm.s32 $0x0  }
0x5d: {  	[tilespmem:s10], [sflag:$0x5] =	stream.linear.gather [hbm4b:s24+s19], $0x100, $0x38;
	[tilespmem:$0x13740] =	vst v63  }
0x5e: {  	_ =	swait.ge [sflag:s30], $0x100  }
0x5f: {  	[sflag:s30] =	ssyncset.done $0x0  }
0x60: {  	s28 =	rddreg [dreg:$0xb];
	[sflag:s30] =	ssyncadd.s32 $0xFFFFFF00  }
0x61: {  	[tilespmem:s12], [sflag:$0x5] =	stream.linear.gather [hbm4b:s28+s19], $0x100, $0x38;
	[tilespmem:$0x13740] =	vst v63  }
0x62: {  	_ =	swait.ge [sflag:s30], $0x100  }
0x63: {  	[sflag:s30] =	ssyncset.done $0x0  }
0x64: {  	s9 =	simm.s32 $0x0;
	[sflag:s30] =	ssyncadd.s32 $0xFFFFFF00  }
0x65: {  	v1 =	vld [tilespmem:s9+$0x31C0];
	_ =	sdelay $0x1  }
0x66: {  	v2 =	vld [tilespmem:s9+$0x30C0];
	_ =	sdelay $0x4  }
0x67: {  	v3 =	vadd.s32 v0, v2  }
0x68: {  	s19 =	simm.s32 $0x10;
	v2 =	vld.idx.msk [tilespmem:v1+s31+$0x0], $0xffff;
	[tilespmem:s9+$0x30C0] =	vst v3  }
0x69: {  	v1 =	vld [tilespmem:s19+$0x31C0];
	_ =	sdelay $0x1  }
0x6a: {  	s4 =	simm.s32 $0x80;
	s24 =	simm.s32 $0xC0;
	v3 =	vld [tilespmem:s19+$0x30C0]  }
.LBB2_11:
0x6b: {  	p6 =	sne.s32 s24, $0x3C0;
	_ =	sdelay $0x1  }
0x6c: {  	[tilespmem:s9+$0x33C0] =	vst v2;
	s9 =	smov.u32 s19;
	_ =	sdelay $0x1  }
.Ltmp6:
0x6d: {  	v3 =	vadd.s32 v0, v3;
	(pc) =	sbr.rel @p6 .LBB2_11-.Ltmp6, $3  }
0x6e: {  	s19 =	sshra.s32 s4, $0x2;
	s4 =	smov.u32 s24;
	v2 =	vld.idx.msk [tilespmem:v1+s31+$0x0], $0xffff;
	[tilespmem:s9+$0x30C0] =	vst v3  }
0x6f: {  	v1 =	vld [tilespmem:s19+$0x31C0];
	_ =	sdelay $0x1  }
0x70: {  	s24 =	sadd.s32 $0x40, s24;
	v3 =	vld [tilespmem:s19+$0x30C0]  }
0x71: {  	_ =	sdelay $0x4  }
0x72: {  	[tilespmem:s9+$0x33C0] =	vst v2;
	v2 =	vadd.s32 v0, v3  }
0x73: {  	s2 =	sshra.s32 s4, $0x2;
	v1 =	vld.idx.msk [tilespmem:v1+s31+$0x0], $0xffff;
	[tilespmem:s19+$0x30C0] =	vst v2  }
0x74: {  	v2 =	vld [tilespmem:s2+$0x31C0];
	_ =	sdelay $0x5  }
0x75: {  	v3 =	vld [tilespmem:s2+$0x30C0]  }
0x76: {  	[tilespmem:s19+$0x33C0] =	vst v1  }
0x77: {  	v1 =	vld.idx.msk [tilespmem:v2+s31+$0x0], $0xffff;
	_ =	sdelay $0x2  }
0x78: {  	v2 =	vadd.s32 v0, v3  }
0x79: {  	[tilespmem:s2+$0x30C0] =	vst v2  }
0x7a: {  	[tilespmem:s2+$0x33C0] =	vst v1  }
0x7b: {  	[tilespmem:s13], [sflag:$0x2] =	stream.indirect.gather [hbm4b:s5+s11], $0x80, s10, s11, $0xb8;
	[tilespmem:$0x13740] =	vst v63  }
0x7c: {  	_ =	swait.ge [sflag:s14], $0x8000  }
0x7d: {  	[sflag:s14] =	ssyncset.done $0x0  }
0x7e: {  	[sflag:s14] =	ssyncadd.s32 $0xFFFF8000  }
0x7f: {  	[spmem:s1] =	stream.indirect.scatter.add.f32 [tilespmem:s8], [sflag:$0x3], $0x80, s15, s11, $0xb8;
	[tilespmem:$0x13740] =	vst v63  }
0x80: {  	_ =	swait.ge [sflag:s20], $0x8000  }
0x81: {  	[sflag:s20] =	ssyncset.done $0x0  }
0x82: {  	[sflag:s20] =	ssyncadd.s32 $0xFFFF8000  }
0x83: {  	[spmem:s1] =	stream.indirect.scatter.add.f32 [tilespmem:s13], [sflag:$0x4], $0x80, s21, s11, $0xb8;
	[tilespmem:$0x13740] =	vst v63  }
0x84: {  	_ =	swait.ge [sflag:s22], $0x8000  }
0x85: {  	[sflag:s22] =	ssyncset.done $0x0  }
0x86: {  	s28 =	simm.s32 $0x0;
	[sflag:s22] =	ssyncadd.s32 $0xFFFF8000  }
.LBB2_13:
0x87: {  	s9 =	sshll.u32 s28, $0x9  }
0x88: {  	s2 =	sadd.s32 s9, s16  }
0x89: {  	s2 =	sshrl.u32 s2, $0x3  }
0x8a: {  	s4 =	sadd.s32 s6, s2  }
0x8b: {  	[tilespmem:s0], [sflag:$0x5] =	stream.linear.gather [hbm4b:s4+s26], $0x100, $0x38;
	[tilespmem:$0x13740] =	vst v63  }
0x8c: {  	_ =	swait.ge [sflag:s30], $0x100  }
0x8d: {  	[sflag:s30] =	ssyncset.done $0x0  }
0x8e: {  	s2 =	sadd.s32 s7, s2;
	[sflag:s30] =	ssyncadd.s32 $0xFFFFFF00  }
0x8f: {  	[tilespmem:s29], [sflag:$0x5] =	stream.linear.gather [hbm4b:s2+s26], $0x100, $0x38;
	[tilespmem:$0x13740] =	vst v63  }
0x90: {  	_ =	swait.ge [sflag:s30], $0x100  }
0x91: {  	[sflag:s30] =	ssyncset.done $0x0  }
0x92: {  	s19 =	simm.s32 $0x0;
	[sflag:s30] =	ssyncadd.s32 $0xFFFFFF00  }
0x93: {  	v1 =	vld [tilespmem:s19+$0x2FC0];
	_ =	sdelay $0x1  }
0x94: {  	v2 =	vld [tilespmem:s19+$0x2EC0];
	_ =	sdelay $0x4  }
0x95: {  	v3 =	vadd.s32 v0, v2  }
0x96: {  	s4 =	simm.s32 $0x10;
	v2 =	vld.idx.msk [tilespmem:v1+s31+$0x0], $0xffff;
	[tilespmem:s19+$0x2EC0] =	vst v3  }
0x97: {  	v1 =	vld [tilespmem:s4+$0x2FC0];
	_ =	sdelay $0x1  }
0x98: {  	s24 =	simm.s32 $0x80;
	s2 =	simm.s32 $0xC0;
	v3 =	vld [tilespmem:s4+$0x2EC0]  }
.LBB2_14:
0x99: {  	p6 =	sne.s32 s2, $0x3C0;
	_ =	sdelay $0x1  }
0x9a: {  	[tilespmem:s19+$0x32C0] =	vst v2;
	s19 =	smov.u32 s4;
	_ =	sdelay $0x1  }
.Ltmp7:
0x9b: {  	v3 =	vadd.s32 v0, v3;
	(pc) =	sbr.rel @p6 .LBB2_14-.Ltmp7, $3  }
0x9c: {  	s4 =	sshra.s32 s24, $0x2;
	s24 =	smov.u32 s2;
	v2 =	vld.idx.msk [tilespmem:v1+s31+$0x0], $0xffff;
	[tilespmem:s19+$0x2EC0] =	vst v3  }
0x9d: {  	v1 =	vld [tilespmem:s4+$0x2FC0];
	_ =	sdelay $0x1  }
0x9e: {  	s2 =	sadd.s32 $0x40, s2;
	v3 =	vld [tilespmem:s4+$0x2EC0]  }
0x9f: {  	_ =	sdelay $0x4  }
0xa0: {  	[tilespmem:s19+$0x32C0] =	vst v2;
	v2 =	vadd.s32 v0, v3  }
0xa1: {  	s2 =	sshra.s32 s24, $0x2;
	v1 =	vld.idx.msk [tilespmem:v1+s31+$0x0], $0xffff;
	[tilespmem:s4+$0x2EC0] =	vst v2  }
0xa2: {  	v2 =	vld [tilespmem:s2+$0x2FC0];
	_ =	sdelay $0x5  }
0xa3: {  	v3 =	vld [tilespmem:s2+$0x2EC0]  }
0xa4: {  	[tilespmem:s4+$0x32C0] =	vst v1  }
0xa5: {  	v1 =	vld.idx.msk [tilespmem:v2+s31+$0x0], $0xffff;
	_ =	sdelay $0x2  }
0xa6: {  	v2 =	vadd.s32 v0, v3  }
0xa7: {  	[tilespmem:s2+$0x2EC0] =	vst v2  }
0xa8: {  	[tilespmem:s2+$0x32C0] =	vst v1  }
0xa9: {  	[tilespmem:s8], [sflag:$0x1] =	stream.indirect.gather [hbm4b:s5+s11], $0x80, s0, s11, $0xb8;
	[tilespmem:$0x13740] =	vst v63  }
0xaa: {  	s9 =	sadd.s32 s9, s17;
	_ =	swait.ge [sflag:s23], $0x8000  }
0xab: {  	s2 =	sshrl.u32 s9, $0x3;
	[sflag:s23] =	ssyncset.done $0x0  }
0xac: {  	s24 =	simm.s32 $0x0;
	s19 =	sadd.s32 s6, s2;
	[sflag:s23] =	ssyncadd.s32 $0xFFFF8000  }
0xad: {  	[tilespmem:s10], [sflag:$0x5] =	stream.linear.gather [hbm4b:s19+s24], $0x100, $0x38;
	[tilespmem:$0x13740] =	vst v63  }
0xae: {  	_ =	swait.ge [sflag:s30], $0x100  }
0xaf: {  	[sflag:s30] =	ssyncset.done $0x0  }
0xb0: {  	s2 =	sadd.s32 s7, s2;
	[sflag:s30] =	ssyncadd.s32 $0xFFFFFF00  }
0xb1: {  	[tilespmem:s12], [sflag:$0x5] =	stream.linear.gather [hbm4b:s2+s24], $0x100, $0x38;
	[tilespmem:$0x13740] =	vst v63  }
0xb2: {  	_ =	swait.ge [sflag:s30], $0x100  }
0xb3: {  	[sflag:s30] =	ssyncset.done $0x0  }
0xb4: {  	s9 =	simm.s32 $0x0;
	[sflag:s30] =	ssyncadd.s32 $0xFFFFFF00  }
0xb5: {  	v1 =	vld [tilespmem:s9+$0x31C0];
	_ =	sdelay $0x1  }
0xb6: {  	v2 =	vld [tilespmem:s9+$0x30C0];
	_ =	sdelay $0x4  }
0xb7: {  	v3 =	vadd.s32 v0, v2  }
0xb8: {  	s4 =	simm.s32 $0x10;
	v2 =	vld.idx.msk [tilespmem:v1+s31+$0x0], $0xffff;
	[tilespmem:s9+$0x30C0] =	vst v3  }
0xb9: {  	v1 =	vld [tilespmem:s4+$0x31C0];
	_ =	sdelay $0x1  }
0xba: {  	s19 =	simm.s32 $0x80;
	s2 =	simm.s32 $0xC0;
	v3 =	vld [tilespmem:s4+$0x30C0]  }
.LBB2_16:
0xbb: {  	p6 =	sne.s32 s2, $0x3C0;
	_ =	sdelay $0x1  }
0xbc: {  	[tilespmem:s9+$0x33C0] =	vst v2;
	s9 =	smov.u32 s4;
	_ =	sdelay $0x1  }
.Ltmp8:
0xbd: {  	v3 =	vadd.s32 v0, v3;
	(pc) =	sbr.rel @p6 .LBB2_16-.Ltmp8, $3  }
0xbe: {  	s4 =	sshra.s32 s19, $0x2;
	s19 =	smov.u32 s2;
	v2 =	vld.idx.msk [tilespmem:v1+s31+$0x0], $0xffff;
	[tilespmem:s9+$0x30C0] =	vst v3  }
0xbf: {  	v1 =	vld [tilespmem:s4+$0x31C0];
	_ =	sdelay $0x1  }
0xc0: {  	s2 =	sadd.s32 $0x40, s2;
	v3 =	vld [tilespmem:s4+$0x30C0]  }
0xc1: {  	_ =	sdelay $0x4  }
0xc2: {  	[tilespmem:s9+$0x33C0] =	vst v2;
	v2 =	vadd.s32 v0, v3  }
0xc3: {  	s2 =	sshra.s32 s19, $0x2;
	v1 =	vld.idx.msk [tilespmem:v1+s31+$0x0], $0xffff;
	[tilespmem:s4+$0x30C0] =	vst v2  }
0xc4: {  	v2 =	vld [tilespmem:s2+$0x31C0];
	_ =	sdelay $0x5  }
0xc5: {  	v3 =	vld [tilespmem:s2+$0x30C0]  }
0xc6: {  	[tilespmem:s4+$0x33C0] =	vst v1  }
0xc7: {  	v1 =	vld.idx.msk [tilespmem:v2+s31+$0x0], $0xffff;
	_ =	sdelay $0x2  }
0xc8: {  	v2 =	vadd.s32 v0, v3  }
0xc9: {  	[tilespmem:s2+$0x30C0] =	vst v2  }
0xca: {  	[tilespmem:s2+$0x33C0] =	vst v1  }
0xcb: {  	[tilespmem:s13], [sflag:$0x2] =	stream.indirect.gather [hbm4b:s5+s11], $0x80, s10, s11, $0xb8;
	[tilespmem:$0x13740] =	vst v63  }
0xcc: {  	_ =	swait.ge [sflag:s14], $0x8000  }
0xcd: {  	[sflag:s14] =	ssyncset.done $0x0  }
0xce: {  	[sflag:s14] =	ssyncadd.s32 $0xFFFF8000  }
0xcf: {  	[spmem:s1] =	stream.indirect.scatter.add.f32 [tilespmem:s8], [sflag:$0x3], $0x80, s15, s11, $0xb8;
	[tilespmem:$0x13740] =	vst v63  }
0xd0: {  	s28 =	sadd.s32 $0x1, s28;
	_ =	swait.ge [sflag:s20], $0x8000  }
0xd1: {  	p6 =	sne.s32 s28, $0x13;
	[sflag:s20] =	ssyncset.done $0x0  }
.Ltmp9:
0xd2: {  	[sflag:s20] =	ssyncadd.s32 $0xFFFF8000;
	(pc) =	sbr.rel @p6 .LBB2_13-.Ltmp9, $4  }
0xd3: {  	[spmem:s1] =	stream.indirect.scatter.add.f32 [tilespmem:s13], [sflag:$0x4], $0x80, s21, s11, $0xb8;
	[tilespmem:$0x13740] =	vst v63  }
0xd4: {  	_ =	swait.ge [sflag:s22], $0x8000  }
0xd5: {  	[sflag:s22] =	ssyncset.done $0x0  }
0xd6: {  	[sflag:s22] =	ssyncadd.s32 $0xFFFF8000  }
0xd7: {  	_ =	swait.ge [sflag:s23], $0x8000  }
0xd8: {  	[sflag:s23] =	ssyncset.done $0x0  }
0xd9: {  	[sflag:s23] =	ssyncadd.s32 $0xFFFF8000  }
0xda: {  	v1 =	vld [tilespmem:s18+$0x6C0];
	_ =	sdelay $0x4  }
0xdb: {  	[tilespmem:$0x34C0] =	vst v1  }
0xdc: {  	v1 =	vld [tilespmem:s18+$0x6D0];
	_ =	sdelay $0x4  }
0xdd: {  	[tilespmem:$0x34D0] =	vst v1  }
0xde: {  	v1 =	vld [tilespmem:s18+$0x6E0];
	_ =	sdelay $0x4  }
0xdf: {  	[tilespmem:$0x34E0] =	vst v1  }
0xe0: {  	v1 =	vld [tilespmem:s18+$0x6F0];
	_ =	sdelay $0x4  }
0xe1: {  	[tilespmem:$0x34F0] =	vst v1  }
0xe2: {  	v1 =	vld [tilespmem:s18+$0x700];
	_ =	sdelay $0x4  }
0xe3: {  	[tilespmem:$0x3500] =	vst v1  }
0xe4: {  	v1 =	vld [tilespmem:s18+$0x710];
	_ =	sdelay $0x4  }
0xe5: {  	[tilespmem:$0x3510] =	vst v1  }
0xe6: {  	v1 =	vld [tilespmem:s18+$0x720];
	_ =	sdelay $0x4  }
0xe7: {  	[tilespmem:$0x3520] =	vst v1  }
0xe8: {  	v1 =	vld [tilespmem:s18+$0x730];
	_ =	sdelay $0x4  }
0xe9: {  	[tilespmem:$0x3530] =	vst v1  }
0xea: {  	v1 =	vld [tilespmem:s18+$0x740];
	_ =	sdelay $0x4  }
0xeb: {  	[tilespmem:$0x3540] =	vst v1  }
0xec: {  	v1 =	vld [tilespmem:s18+$0x750];
	_ =	sdelay $0x4  }
0xed: {  	[tilespmem:$0x3550] =	vst v1  }
0xee: {  	v1 =	vld [tilespmem:s18+$0x760];
	_ =	sdelay $0x4  }
0xef: {  	[tilespmem:$0x3560] =	vst v1  }
0xf0: {  	v1 =	vld [tilespmem:s18+$0x770];
	_ =	sdelay $0x4  }
0xf1: {  	[tilespmem:$0x3570] =	vst v1  }
0xf2: {  	v1 =	vld [tilespmem:s18+$0x780];
	_ =	sdelay $0x4  }
0xf3: {  	[tilespmem:$0x3580] =	vst v1  }
0xf4: {  	v1 =	vld [tilespmem:s18+$0x790];
	_ =	sdelay $0x4  }
0xf5: {  	[tilespmem:$0x3590] =	vst v1  }
0xf6: {  	v1 =	vld [tilespmem:s18+$0x7A0];
	_ =	sdelay $0x4  }
0xf7: {  	[tilespmem:$0x35A0] =	vst v1  }
0xf8: {  	v1 =	vld [tilespmem:s18+$0x7B0];
	_ =	sdelay $0x4  }
0xf9: {  	[tilespmem:$0x35B0] =	vst v1  }
0xfa: {  	v1 =	vld [tilespmem:s18+$0x7C0];
	_ =	sdelay $0x4  }
0xfb: {  	[tilespmem:$0x35C0] =	vst v1  }
0xfc: {  	v1 =	vld [tilespmem:s18+$0x7D0];
	_ =	sdelay $0x4  }
0xfd: {  	[tilespmem:$0x35D0] =	vst v1  }
0xfe: {  	v1 =	vld [tilespmem:s18+$0x7E0];
	_ =	sdelay $0x4  }
0xff: {  	[tilespmem:$0x35E0] =	vst v1  }
0x100: {  	v1 =	vld [tilespmem:s18+$0x7F0];
	_ =	sdelay $0x4  }
0x101: {  	[tilespmem:$0x35F0] =	vst v1  }
0x102: {  	v1 =	vld [tilespmem:s18+$0x800];
	_ =	sdelay $0x4  }
0x103: {  	[tilespmem:$0x3600] =	vst v1  }
0x104: {  	v1 =	vld [tilespmem:s18+$0x810];
	_ =	sdelay $0x4  }
0x105: {  	[tilespmem:$0x3610] =	vst v1  }
0x106: {  	v1 =	vld [tilespmem:s18+$0x820];
	_ =	sdelay $0x4  }
0x107: {  	[tilespmem:$0x3620] =	vst v1  }
0x108: {  	v1 =	vld [tilespmem:s18+$0x830];
	_ =	sdelay $0x4  }
0x109: {  	[tilespmem:$0x3630] =	vst v1  }
0x10a: {  	v1 =	vld [tilespmem:s18+$0x840];
	_ =	sdelay $0x4  }
0x10b: {  	[tilespmem:$0x3640] =	vst v1  }
0x10c: {  	v1 =	vld [tilespmem:s18+$0x850];
	_ =	sdelay $0x4  }
0x10d: {  	[tilespmem:$0x3650] =	vst v1  }
0x10e: {  	v1 =	vld [tilespmem:s18+$0x860];
	_ =	sdelay $0x4  }
0x10f: {  	[tilespmem:$0x3660] =	vst v1  }
0x110: {  	v1 =	vld [tilespmem:s18+$0x870];
	_ =	sdelay $0x4  }
0x111: {  	[tilespmem:$0x3670] =	vst v1  }
0x112: {  	v1 =	vld [tilespmem:s18+$0x880];
	_ =	sdelay $0x4  }
0x113: {  	[tilespmem:$0x3680] =	vst v1  }
0x114: {  	v1 =	vld [tilespmem:s18+$0x890];
	_ =	sdelay $0x4  }
0x115: {  	[tilespmem:$0x3690] =	vst v1  }
0x116: {  	v1 =	vld [tilespmem:s18+$0x8A0];
	_ =	sdelay $0x4  }
0x117: {  	[tilespmem:$0x36A0] =	vst v1  }
0x118: {  	v1 =	vld [tilespmem:s18+$0x8B0];
	_ =	sdelay $0x4  }
0x119: {  	[tilespmem:$0x36B0] =	vst v1  }
0x11a: {  	v1 =	vld [tilespmem:s18+$0x8C0];
	_ =	sdelay $0x4  }
0x11b: {  	[tilespmem:$0x36C0] =	vst v1  }
0x11c: {  	v1 =	vld [tilespmem:s18+$0x8D0];
	_ =	sdelay $0x4  }
0x11d: {  	[tilespmem:$0x36D0] =	vst v1  }
0x11e: {  	v1 =	vld [tilespmem:s18+$0x8E0];
	_ =	sdelay $0x4  }
0x11f: {  	[tilespmem:$0x36E0] =	vst v1  }
0x120: {  	v1 =	vld [tilespmem:s18+$0x8F0];
	_ =	sdelay $0x4  }
0x121: {  	[tilespmem:$0x36F0] =	vst v1  }
0x122: {  	v1 =	vld [tilespmem:s18+$0x900];
	_ =	sdelay $0x4  }
0x123: {  	[tilespmem:$0x3700] =	vst v1  }
0x124: {  	v1 =	vld [tilespmem:s18+$0x910];
	_ =	sdelay $0x4  }
0x125: {  	[tilespmem:$0x3710] =	vst v1  }
0x126: {  	v1 =	vld [tilespmem:s18+$0x920];
	_ =	sdelay $0x4  }
0x127: {  	[tilespmem:$0x3720] =	vst v1  }
0x128: {  	v1 =	vld [tilespmem:s18+$0x930];
	_ =	sdelay $0x4  }
0x129: {  	s2 =	simm.s32 $0x0;
	s4 =	rddreg [dreg:$0xc];
	[tilespmem:$0x3730] =	vst v1  }
0x12a: {  	[tilespmem:s8], [sflag:$0x5] =	stream.linear.gather [hbm4b:s4+s2], $0x4000, $0x38;
	[tilespmem:$0x13740] =	vst v63  }
0x12b: {  	_ =	swait.ge [sflag:s30], $0x4000  }
0x12c: {  	[sflag:s30] =	ssyncset.done $0x0  }
0x12d: {  	[sflag:s30] =	ssyncadd.s32 $0xFFFFC000  }
0x12e: {  	s9 =	simm.s32 $0x80;
	s19 =	simm.s32 $0x34C0;
	s24 =	rddreg [dreg:$0x2]  }
0x12f: {  	[spmem:s24] =	stream.indirect.scatter.add.f32 [tilespmem:s8], [sflag:$0x5], $0x80, s19, s9, $0xb8;
	[tilespmem:$0x13740] =	vst v63  }
0x130: {  	_ =	swait.ge [sflag:s30], $0x4000  }
0x131: {  	[sflag:s30] =	ssyncset.done $0x0  }
0x132: {  	s28 =	rddreg [dreg:$0xe];
	[sflag:s30] =	ssyncadd.s32 $0xFFFFC000  }
0x133: {  	[tilespmem:s8], [sflag:$0x5] =	stream.linear.gather [hbm4b:s28+s2], $0x4000, $0x38;
	[tilespmem:$0x13740] =	vst v63  }
0x134: {  	_ =	swait.ge [sflag:s30], $0x4000  }
0x135: {  	[sflag:s30] =	ssyncset.done $0x0  }
0x136: {  	s19 =	simm.s32 $0x3540;
	[sflag:s30] =	ssyncadd.s32 $0xFFFFC000  }
0x137: {  	[spmem:s24] =	stream.indirect.scatter.add.f32 [tilespmem:s8], [sflag:$0x5], $0x80, s19, s9, $0xb8;
	[tilespmem:$0x13740] =	vst v63  }
0x138: {  	_ =	swait.ge [sflag:s30], $0x4000  }
0x139: {  	[sflag:s30] =	ssyncset.done $0x0  }
0x13a: {  	s28 =	rddreg [dreg:$0x12];
	[sflag:s30] =	ssyncadd.s32 $0xFFFFC000  }
0x13b: {  	[tilespmem:s8], [sflag:$0x5] =	stream.linear.gather [hbm4b:s28+s2], $0x4000, $0x38;
	[tilespmem:$0x13740] =	vst v63  }
0x13c: {  	_ =	swait.ge [sflag:s30], $0x4000  }
0x13d: {  	[sflag:s30] =	ssyncset.done $0x0  }
0x13e: {  	s19 =	simm.s32 $0x35C0;
	[sflag:s30] =	ssyncadd.s32 $0xFFFFC000  }
0x13f: {  	[spmem:s24] =	stream.indirect.scatter.add.f32 [tilespmem:s8], [sflag:$0x5], $0x80, s19, s9, $0xb8;
	[tilespmem:$0x13740] =	vst v63  }
0x140: {  	_ =	swait.ge [sflag:s30], $0x4000  }
0x141: {  	[sflag:s30] =	ssyncset.done $0x0  }
0x142: {  	s28 =	rddreg [dreg:$0x13];
	[sflag:s30] =	ssyncadd.s32 $0xFFFFC000  }
0x143: {  	[tilespmem:s8], [sflag:$0x5] =	stream.linear.gather [hbm4b:s28+s2], $0x4000, $0x38;
	[tilespmem:$0x13740] =	vst v63  }
0x144: {  	_ =	swait.ge [sflag:s30], $0x4000  }
0x145: {  	[sflag:s30] =	ssyncset.done $0x0  }
0x146: {  	s19 =	simm.s32 $0x3640;
	[sflag:s30] =	ssyncadd.s32 $0xFFFFC000  }
0x147: {  	[spmem:s24] =	stream.indirect.scatter.add.f32 [tilespmem:s8], [sflag:$0x5], $0x80, s19, s9, $0xb8;
	[tilespmem:$0x13740] =	vst v63  }
0x148: {  	_ =	swait.ge [sflag:s30], $0x4000  }
0x149: {  	[sflag:s30] =	ssyncset.done $0x0  }
0x14a: {  	s28 =	rddreg [dreg:$0x14];
	[sflag:s30] =	ssyncadd.s32 $0xFFFFC000  }
0x14b: {  	[tilespmem:s8], [sflag:$0x5] =	stream.linear.gather [hbm4b:s28+s2], $0x4000, $0x38;
	[tilespmem:$0x13740] =	vst v63  }
0x14c: {  	_ =	swait.ge [sflag:s30], $0x4000  }
0x14d: {  	[sflag:s30] =	ssyncset.done $0x0  }
0x14e: {  	s19 =	simm.s32 $0x36C0;
	[sflag:s30] =	ssyncadd.s32 $0xFFFFC000  }
0x14f: {  	[spmem:s24] =	stream.indirect.scatter.add.f32 [tilespmem:s8], [sflag:$0x5], $0x80, s19, s9, $0xb8;
	[tilespmem:$0x13740] =	vst v63  }
0x150: {  	_ =	swait.ge [sflag:s30], $0x4000  }
0x151: {  	s4 =	simm.s32 @!p1 $0x3740;
	[sflag:s30] =	ssyncset.done $0x0  }
0x152: {  	s2 =	simm.s32 @!p1 $0x0;
	s9 =	rddreg [dreg:$0x6];
	[sflag:s30] =	ssyncadd.s32 $0xFFFFC000  }
0x153: {  	[tilespmem:s4], [sflag:$0x5] =	stream.linear.gather @!p1 [hbm4b:s9+s2], $0x4000, $0x38;
	[tilespmem:$0x13740] =	vst v63  }
0x154: {  	s2 =	simm.s32 @!p1 $0x5  }
0x155: {  	_ =	swait.ge @!p1 [sflag:s2], $0x4000  }
0x156: {  	[sflag:s2] =	ssyncset.done @!p1 $0x0  }
0x157: {  	s19 =	simm.s32 @!p1 $0x34C0;
	s9 =	simm.s32 @!p1 $0x80;
	[sflag:s2] =	ssyncadd.s32 @!p1 $0xFFFFC000  }
0x158: {  	[spmem:s3] =	stream.indirect.scatter.add.f32 @!p1 [tilespmem:s4], [sflag:$0x5], $0x80, s19, s9, $0xb8;
	[tilespmem:$0x13740] =	vst v63  }
0x159: {  	_ =	swait.ge @!p1 [sflag:s2], $0x4000  }
0x15a: {  	[sflag:s2] =	ssyncset.done @!p1 $0x0  }
0x15b: {  	s19 =	simm.s32 @!p1 $0x3540;
	[sflag:s2] =	ssyncadd.s32 @!p1 $0xFFFFC000  }
0x15c: {  	[spmem:s3] =	stream.indirect.scatter.add.f32 @!p1 [tilespmem:s4], [sflag:$0x5], $0x80, s19, s9, $0xb8;
	[tilespmem:$0x13740] =	vst v63  }
0x15d: {  	_ =	swait.ge @!p1 [sflag:s2], $0x4000  }
0x15e: {  	[sflag:s2] =	ssyncset.done @!p1 $0x0  }
0x15f: {  	s19 =	simm.s32 @!p1 $0x35C0;
	[sflag:s2] =	ssyncadd.s32 @!p1 $0xFFFFC000  }
0x160: {  	[spmem:s3] =	stream.indirect.scatter.add.f32 @!p1 [tilespmem:s4], [sflag:$0x5], $0x80, s19, s9, $0xb8;
	[tilespmem:$0x13740] =	vst v63  }
0x161: {  	_ =	swait.ge @!p1 [sflag:s2], $0x4000  }
0x162: {  	[sflag:s2] =	ssyncset.done @!p1 $0x0  }
0x163: {  	s19 =	simm.s32 @!p1 $0x3640;
	[sflag:s2] =	ssyncadd.s32 @!p1 $0xFFFFC000  }
0x164: {  	[spmem:s3] =	stream.indirect.scatter.add.f32 @!p1 [tilespmem:s4], [sflag:$0x5], $0x80, s19, s9, $0xb8;
	[tilespmem:$0x13740] =	vst v63  }
0x165: {  	_ =	swait.ge @!p1 [sflag:s2], $0x4000  }
0x166: {  	[sflag:s2] =	ssyncset.done @!p1 $0x0  }
0x167: {  	s19 =	simm.s32 @!p1 $0x36C0;
	[sflag:s2] =	ssyncadd.s32 @!p1 $0xFFFFC000  }
0x168: {  	[spmem:s3] =	stream.indirect.scatter.add.f32 @!p1 [tilespmem:s4], [sflag:$0x5], $0x80, s19, s9, $0xb8;
	[tilespmem:$0x13740] =	vst v63  }
0x169: {  	_ =	swait.ge @!p1 [sflag:s2], $0x4000  }
0x16a: {  	[sflag:s2] =	ssyncset.done @!p1 $0x0  }
0x16b: {  	[sflag:s2] =	ssyncadd.s32 @!p1 $0xFFFFC000  }
0x16c: {  	[bflag:$0x0] =	sbarrier.arrive $0xFFFF  }
0x16d: {  	s4 =	simm.s32 @!p0 $0x1C05;
	s2 =	sshrl.u32 @!p0 s1, $0x3;
	s9 =	rddreg [dreg:$0xd]  }
0x16e: {  	[hbm:s9], [sflag:s4] =	dma.local @!p0 [spmem:s2], $0x400  }
0x16f: {  	s2 =	simm.s32 @!p0 $0x5  }
0x170: {  	s9 =	stileid.u32;
	_ =	swait.ge @!p0 [sflag:s2], $0x400  }
0x171: {  	s4 =	sshll.u32 @p5 s9, $0x6;
	[sflag:s2] =	ssyncset.done @!p0 $0x0;
	s19 =	rddreg [dreg:$0xf]  }
0x172: {  	[sflag:s2] =	ssyncadd.s32 @!p0 $0xFFFFFC00;
	s2 =	sor.u32 @p5 $0x1C05, s4;
	s4 =	sshrl.u32 @p5 s24, $0x3  }
0x173: {  	[hbm:s19], [sflag:s2] =	dma.local @p5 [spmem:s4], $0x400  }
0x174: {  	s2 =	simm.s32 @p5 $0x5  }
0x175: {  	_ =	swait.ge @p5 [sflag:s2], $0x400  }
0x176: {  	s4 =	sshll.u32 @p4 s9, $0x6;
	[sflag:s2] =	ssyncset.done @p5 $0x0;
	s9 =	rddreg [dreg:$0x10]  }
0x177: {  	[sflag:s2] =	ssyncadd.s32 @p5 $0xFFFFFC00;
	s2 =	sor.u32 @p4 $0x1C05, s4;
	s4 =	sshrl.u32 @p4 s3, $0x3  }
0x178: {  	[hbm:s9], [sflag:s2] =	dma.local @p4 [spmem:s4], $0x400  }
0x179: {  	s2 =	simm.s32 @p4 $0x5  }
0x17a: {  	_ =	swait.ge @p4 [sflag:s2], $0x400  }
0x17b: {  	s25 =	sadd.s32 $0x1, s25;
	s28 =	rddreg [dreg:$0x11]  }
0x17c: {  	p5 =	sne.s32 s25, s28  }
.Ltmp10:
0x17d: {  	_ = 	snop;
	(pc) =	sbr.rel @p5 .LBB2_1-.Ltmp10, $3  }
0x17e: {  	_ =	sdelay $0x1  }
0x17f: {  	[sflag:s2] =	ssyncset.done @p4 $0x0  }
0x180: {  	[sflag:s2] =	ssyncadd.s32 @p4 $0xFFFFFC00  }
0x181: {  	_ =	sfence.sel $0x180000  }
0x182: {  	[bflag:$0x0] =	sbarrier.arrive $0xFFFF  }
0x183: {  	_ =	strace $0x90000050  }
0x184: {  	[bflag:$0x2] =	sbarrier.arrive $0xFFFF  }
0x185: {  	s0 =	rddreg [dreg:$0x4]  }
0x186: {  	s0 =	sadd.s32 @!p0 $0x100000, s0  }
0x187: {  	[sflag:s0] =	ssyncadd.tile.s32 @!p0 $0x1;
	_ =	shalt  }
.Lfunc_end2:
_tile_overlayer_lowered:
.L_overlay_start_2:
0x188: {  	(tag) =	ssettag $0x2  }
0x189: {  	s0 =	rddreg [dreg:$0x0];
	s2 =	stileid.u32  }
0x18a: {  	s1 =	rddreg [dreg:$0x1];
	p0 =	sne.s32 s2, $0x0  }
0x18b: {  	s3 =	rddreg [dreg:$0x2];
	[bflag:$0x3] =	sbarrier.arrive $0xFFFF;
	s2 =	simm.s32 @!p0 $0x1C05  }
0x18c: {  	[timem:s3], [sflag:s2] =	dma.local @!p0 [hbm:s0], s1  }
0x18d: {  	s0 =	simm.s32 @!p0 $0x5  }
0x18e: {  	_ =	swait.ge @!p0 [sflag:s0], s1  }
0x18f: {  	s1 =	ssub.s32 @!p0 $0x0, s1;
	[sflag:s0] =	ssyncset.done @!p0 $0x0  }
0x190: {  	[sflag:s0] =	ssyncadd.s32 @!p0 s1  }
0x191: {  	[bflag:$0x3] =	sbarrier.arrive $0xFFFF  }
0x192: {  	_ =	shalt  }

</sc_bundles>
